<compile_context>
chip_gen: v7x
topology: tpu7x:2x2x1
jax: 0.10.2.dev20260603
libtpu: 0.0.44.dev20260713+nightly
codegen_flags: <defaults>
</compile_context>

<pallas_src>
import dataclasses
import functools

import jax
import jax.numpy as jnp
from jax import lax
from jax.experimental import pallas as pl
from jax.experimental.pallas import tpu as pltpu
from jax.experimental.pallas import tpu_sc as plsc

NP = 10240
NTILES = 32
B = 128
LANES = 16


def _make_sc_layer(HE, steps, n):
    mesh = plsc.VectorSubcoreMesh(core_axis_name="c", subcore_axis_name="s")
    rows_out = NP // 16
    rows_init = n // 16

    def body(h_hbm, av_hbm, si_hbm, src_hbm, dst_hbm, acc_out,
             av_v, src_v, dst_v, rows0, rows1, w_v, acc_sh, sem0, sem1):
        c = lax.axis_index("c")
        s = lax.axis_index("s")
        wid = c * 16 + s

        pltpu.sync_copy(src_hbm.at[wid], src_v)
        pltpu.sync_copy(dst_hbm.at[wid], dst_v)
        pltpu.sync_copy(av_hbm, av_v)
        pltpu.sync_copy(si_hbm.at[pl.ds(s * rows_init, rows_init)],
                        acc_sh.at[pl.ds(s * rows_init, rows_init)])
        plsc.subcore_barrier()

        def gather(step, buf, sem):
            return pltpu.make_async_copy(h_hbm.at[src_v.at[step]], buf, sem)

        def process(step, buf, sem):
            gather(step, buf, sem).wait()
            for j in range(B // LANES):
                sl = pl.ds(j * LANES, LANES)
                sv = src_v[step, sl]
                dv = jnp.minimum(dst_v[step, sl], n - 1)
                e = (plsc.load_gather(av_v, [sv * 2])
                     + plsc.load_gather(av_v, [dv * 2 + 1]))
                e = jnp.where(e >= 0.0, e, e * 0.2)
                w_v[sl] = jnp.exp(e)
            @pl.loop(0, B // LANES)
            def _grp(g):
                wvec = w_v[pl.ds(g * LANES, LANES)]
                for i in range(LANES):
                    wr = jnp.full((LANES,), wvec[i], jnp.float32)
                    r = g * LANES + i
                    for k in range(HE // LANES):
                        fl = pl.ds(k * LANES, LANES)
                        buf[r, fl] = buf[r, fl] * wr
            pltpu.sync_copy(buf, acc_sh.at[dst_v.at[step]], add=True)
            @pl.when(step + 2 < steps)
            def _():
                gather(step + 2, buf, sem).start()

        gather(0, rows0, sem0).start()
        gather(1, rows1, sem1).start()

        @pl.loop(0, steps // 2)
        def _it(it):
            process(it * 2, rows0, sem0)
            process(it * 2 + 1, rows1, sem1)

        plsc.subcore_barrier()
        pltpu.sync_copy(acc_sh.at[pl.ds(s * rows_out, rows_out)],
                        acc_out.at[c, pl.ds(s * rows_out, rows_out)])

    cp = pltpu.CompilerParams()
    if "needs_layout_passes" in pltpu.CompilerParams.__dataclass_fields__:
        cp = dataclasses.replace(cp, needs_layout_passes=False)
    if "use_tc_tiling_on_sc" in pltpu.CompilerParams.__dataclass_fields__:
        cp = dataclasses.replace(cp, use_tc_tiling_on_sc=False)

    return pl.kernel(
        body,
        out_type=jax.ShapeDtypeStruct((2, NP, HE), jnp.float32),
        mesh=mesh,
        compiler_params=cp,
        scratch_types=[
            pltpu.VMEM((2 * n,), jnp.float32),
            pltpu.VMEM((steps, B), jnp.int32),
            pltpu.VMEM((steps, B), jnp.int32),
            pltpu.VMEM((B, HE), jnp.float32),
            pltpu.VMEM((B, HE), jnp.float32),
            pltpu.VMEM((B,), jnp.float32),
            pltpu.VMEM_SHARED((NP, HE), jnp.float32),
            pltpu.SemaphoreType.DMA,
            pltpu.SemaphoreType.DMA,
        ],
    )


def _self_w(av):
    e = av[:, 0:1] + av[:, 1:2]
    return jnp.exp(jnp.where(e >= 0.0, e, e * 0.2))


def _tc_proj(x, W, A, HE):
    M, H = x.shape[0], W.shape[1]

    def body(x_ref, w_ref, a_ref, h_ref, av_ref, si_ref):
        h = jnp.dot(x_ref[...], w_ref[...], preferred_element_type=jnp.float32)
        hcat = jnp.concatenate(
            [h, jnp.ones((M, 1), jnp.float32),
             jnp.zeros((M, HE - H - 1), jnp.float32)], axis=1)
        h_ref[...] = hcat
        av = jnp.dot(h, a_ref[...], preferred_element_type=jnp.float32)
        av_ref[...] = av
        si_ref[...] = _self_w(av) * hcat

    return pl.pallas_call(
        body,
        out_shape=(jax.ShapeDtypeStruct((M, HE), jnp.float32),
                   jax.ShapeDtypeStruct((M, 2), jnp.float32),
                   jax.ShapeDtypeStruct((M, HE), jnp.float32)),
    )(x, W, A)


def _tc_mid(acc, b, W, A, H, HE2, n):
    H2 = W.shape[1]

    def body(acc_ref, b_ref, w_ref, a_ref, h_ref, av_ref, si_ref):
        accs = acc_ref[0, :n] + acc_ref[1, :n]
        o = accs[:, :H] / (accs[:, H:H + 1] + 1e-16) + b_ref[...]
        hmid = jnp.maximum(o, 0.0)
        h2 = jnp.dot(hmid, w_ref[...], preferred_element_type=jnp.float32)
        hcat = jnp.concatenate(
            [h2, jnp.ones((n, 1), jnp.float32),
             jnp.zeros((n, HE2 - H2 - 1), jnp.float32)], axis=1)
        h_ref[...] = hcat
        av = jnp.dot(h2, a_ref[...], preferred_element_type=jnp.float32)
        av_ref[...] = av
        si_ref[...] = _self_w(av) * hcat

    return pl.pallas_call(
        body,
        out_shape=(jax.ShapeDtypeStruct((n, HE2), jnp.float32),
                   jax.ShapeDtypeStruct((n, 2), jnp.float32),
                   jax.ShapeDtypeStruct((n, HE2), jnp.float32)),
    )(acc, b, W, A)


def _tc_fin(acc, b, fcW, fcb, H, n):

    def body(acc_ref, b_ref, w_ref, fb_ref, emb_ref, out_ref):
        accs = acc_ref[0, :n] + acc_ref[1, :n]
        o = accs[:, :H] / (accs[:, H:H + 1] + 1e-16) + b_ref[...]
        emb = jnp.maximum(o, 0.0)
        emb_ref[...] = emb
        out_ref[...] = jnp.dot(
            emb, w_ref[...], preferred_element_type=jnp.float32) + fb_ref[...]

    return pl.pallas_call(
        body,
        out_shape=(jax.ShapeDtypeStruct((n, H), jnp.float32),
                   jax.ShapeDtypeStruct((n, fcW.shape[1]), jnp.float32)),
    )(acc, b, fcW, fcb)


def kernel(x, edge_index, W1, a_src1, a_dst1, b1, W2, a_src2, a_dst2, b2,
           fcW, fcb):
    n = x.shape[0]
    E = edge_index.shape[1]
    H1, H2 = W1.shape[1], W2.shape[1]
    HE1, HE2 = H1 + 16, H2 + 16

    steps = -(-E // (NTILES * B))
    steps += steps % 2
    e_pad = steps * NTILES * B

    npad = e_pad - E
    pad_src = jnp.arange(npad, dtype=jnp.int32) % n
    pad_dst = n + jnp.arange(npad, dtype=jnp.int32) % (NP - n)
    src = jnp.concatenate([edge_index[0].astype(jnp.int32), pad_src]
                          ).reshape(steps, NTILES, B).transpose(1, 0, 2)
    dst = jnp.concatenate([edge_index[1].astype(jnp.int32), pad_dst]
                          ).reshape(steps, NTILES, B).transpose(1, 0, 2)

    A1 = jnp.concatenate([a_src1[:, None], a_dst1[:, None]], 1)
    A2 = jnp.concatenate([a_src2[:, None], a_dst2[:, None]], 1)

    sc1 = _make_sc_layer(HE1, steps, n)
    sc2 = _make_sc_layer(HE2, steps, n)

    h1e, av1, si1 = _tc_proj(x, W1, A1, HE1)
    acc1 = sc1(h1e, av1.reshape(-1), si1, src, dst)

    h2e, av2, si2 = _tc_mid(acc1, b1[None, :], W2, A2, H1, HE2, n)
    acc2 = sc2(h2e, av2.reshape(-1), si2, src, dst)

    return _tc_fin(acc2, b2[None, :], fcW, fcb[None, :], H2, n)

# --- scband reference (transcript-rebuilt; emitter-appended) ---
"""Pipeline reference for scband-gat-5686536700271 (READ-ONLY COPY).

The authoritative reference and input builder live on the scoring server;
editing this copy changes nothing except your own understanding.
"""

import jax, jax.numpy as jnp
import numpy as np

N = 10000
E = 320000
D = 128
H1 = 64
H2 = 32
OUT = 64


def _gat_conv(x, src, dst, W, a_src, a_dst, b, n_nodes):
    # PyG GATConv with heads=1, add_self_loops already applied to (src, dst)
    h = x @ W
    alpha_src = h @ a_src  # [N]
    alpha_dst = h @ a_dst  # [N]
    e = jax.nn.leaky_relu(alpha_src[src] + alpha_dst[dst], negative_slope=0.2)
    e_max = jax.ops.segment_max(e, dst, num_segments=n_nodes)
    e_max = jnp.where(jnp.isfinite(e_max), e_max, 0.0)
    ex = jnp.exp(e - e_max[dst])
    denom = jax.ops.segment_sum(ex, dst, num_segments=n_nodes)
    alpha = ex / (denom[dst] + 1e-16)
    out = jax.ops.segment_sum(alpha[:, None] * h[src], dst, num_segments=n_nodes)
    return out + b


def setup_inputs(seed: int = 0):
    key = jax.random.key(seed)
    ks = jax.random.split(key, 12)
    x = jax.random.normal(ks[0], (N, D), dtype=jnp.float32)
    edge_index = jax.random.randint(ks[1], (2, E), 0, N, dtype=jnp.int32)
    W1 = jax.random.normal(ks[2], (D, H1), dtype=jnp.float32) / np.sqrt(D)
    a_src1 = jax.random.normal(ks[3], (H1,), dtype=jnp.float32) / np.sqrt(H1)
    a_dst1 = jax.random.normal(ks[4], (H1,), dtype=jnp.float32) / np.sqrt(H1)
    b1 = jnp.zeros((H1,), dtype=jnp.float32)
    W2 = jax.random.normal(ks[5], (H1, H2), dtype=jnp.float32) / np.sqrt(H1)
    a_src2 = jax.random.normal(ks[6], (H2,), dtype=jnp.float32) / np.sqrt(H2)
    a_dst2 = jax.random.normal(ks[7], (H2,), dtype=jnp.float32) / np.sqrt(H2)
    b2 = jnp.zeros((H2,), dtype=jnp.float32)
    fcW = jax.random.normal(ks[8], (H2, OUT), dtype=jnp.float32) / np.sqrt(H2)
    fcb = jnp.zeros((OUT,), dtype=jnp.float32)
    return {
        "x": x, "edge_index": edge_index,
        "W1": W1, "a_src1": a_src1, "a_dst1": a_dst1, "b1": b1,
        "W2": W2, "a_src2": a_src2, "a_dst2": a_dst2, "b2": b2,
        "fcW": fcW, "fcb": fcb,
    }


def reference(x, edge_index, W1, a_src1, a_dst1, b1, W2, a_src2, a_dst2, b2, fcW, fcb):
    n = x.shape[0]
    loop = jnp.arange(n, dtype=edge_index.dtype)
    src = jnp.concatenate([edge_index[0], loop])
    dst = jnp.concatenate([edge_index[1], loop])
    h = jax.nn.relu(_gat_conv(x, src, dst, W1, a_src1, a_dst1, b1, n))
    h = jax.nn.relu(_gat_conv(h, src, dst, W2, a_src2, a_dst2, b2, n))
    embedding = h
    out = h @ fcW + fcb
    return (embedding, out)

if __name__ == "__main__":
    import jax
    _d = setup_inputs()
    print(jax.jit(kernel)(*tuple(_d.values())))

</pallas_src>

<mosaic_0001>
#map = affine_map<(d0, d1) -> (0, 0)>
#map1 = affine_map<(d0, d1) -> (0)>
#map2 = affine_map<(d0, d1) -> (0, 0, 0)>
module attributes {stable_mosaic.version = 14 : i64} {
  func.func @body(%arg0: i32, %arg1: i32, %arg2: memref<10000x48xf32, #tpu.memory_space<hbm>>, %arg3: memref<20000xf32, #tpu.memory_space<hbm>>, %arg4: memref<10000x48xf32, #tpu.memory_space<hbm>>, %arg5: memref<32x80x128xi32, #tpu.memory_space<hbm>>, %arg6: memref<32x80x128xi32, #tpu.memory_space<hbm>>, %arg7: memref<2x10240x48xf32, #tpu.memory_space<hbm>>, %arg8: memref<20000xf32, #tpu.memory_space<vmem>>, %arg9: memref<80x128xi32, #tpu.memory_space<vmem>>, %arg10: memref<80x128xi32, #tpu.memory_space<vmem>>, %arg11: memref<128x48xf32, #tpu.memory_space<vmem>>, %arg12: memref<128x48xf32, #tpu.memory_space<vmem>>, %arg13: memref<128xf32, #tpu.memory_space<vmem>>, %arg14: memref<10240x48xf32, #tpu.memory_space<vmem_shared>>, %arg15: memref<!tpu.dma_semaphore, #tpu.memory_space<semaphore_mem>>, %arg16: memref<!tpu.dma_semaphore, #tpu.memory_space<semaphore_mem>>) attributes {dimension_semantics = [#tpu.dimension_semantics<core_parallel>, #tpu.dimension_semantics<subcore_parallel>], iteration_bounds = array<i64: 2, 16>, scalar_prefetch = 0 : i64, scratch_operands = 9 : i64, tpu.core_type = #tpu.core_type<sc_vector_subcore>, window_params = [{transform_indices = #map}, {transform_indices = #map1}, {transform_indices = #map}, {transform_indices = #map2}, {transform_indices = #map2}, {transform_indices = #map2}]} {
    %mul3A = arith.constant 16 : i32
    %mul3A_0 = arith.muli %arg0, %mul3A : i32
    %add3A = arith.addi %mul3A_0, %arg1 : i32
    "tpu.region"() ({
      %run_scoped3A = tpu.sem_alloc : memref<!tpu.dma_semaphore, #tpu.memory_space<semaphore_mem>>
      %dma_start3A_27 = arith.constant 0 : i32
      %dma_start3A_28 = arith.constant 0 : i32
      %dma_start3A_29 = tpu.memref_slice %arg5[%add3A, %dma_start3A_27, %dma_start3A_28] : memref<32x80x128xi32, #tpu.memory_space<hbm>> -> memref<1x80x128xi32, #tpu.memory_space<hbm>>
      %dma_start3A_30 = tpu.memref_squeeze %dma_start3A_29 : memref<1x80x128xi32, #tpu.memory_space<hbm>> -> memref<80x128xi32, #tpu.memory_space<hbm>>
      %dma_start3A_31 = arith.constant 0 : i32
      %dma_start3A_32 = arith.constant 0 : i32
      %dma_start3A_33 = tpu.memref_slice %arg5[%add3A, %dma_start3A_31, %dma_start3A_32] : memref<32x80x128xi32, #tpu.memory_space<hbm>> -> memref<1x80x128xi32, #tpu.memory_space<hbm>>
      %dma_start3A_34 = tpu.memref_squeeze %dma_start3A_33 : memref<1x80x128xi32, #tpu.memory_space<hbm>> -> memref<80x128xi32, #tpu.memory_space<hbm>>
      tpu.enqueue_dma source(%dma_start3A_34 : memref<80x128xi32, #tpu.memory_space<hbm>>) target(%arg9 : memref<80x128xi32, #tpu.memory_space<vmem>>) target_semaphore(%run_scoped3A : memref<!tpu.dma_semaphore, #tpu.memory_space<semaphore_mem>>)
      %dma_wait3A = arith.constant 0 : i32
      %dma_wait3A_35 = arith.constant 0 : i32
      %dma_wait3A_36 = tpu.memref_slice %arg5[%add3A, %dma_wait3A, %dma_wait3A_35] : memref<32x80x128xi32, #tpu.memory_space<hbm>> -> memref<1x80x128xi32, #tpu.memory_space<hbm>>
      %dma_wait3A_37 = tpu.memref_squeeze %dma_wait3A_36 : memref<1x80x128xi32, #tpu.memory_space<hbm>> -> memref<80x128xi32, #tpu.memory_space<hbm>>
      %dma_wait3A_38 = arith.constant 0 : i32
      %dma_wait3A_39 = arith.constant 0 : i32
      %dma_wait3A_40 = tpu.memref_slice %arg5[%add3A, %dma_wait3A_38, %dma_wait3A_39] : memref<32x80x128xi32, #tpu.memory_space<hbm>> -> memref<1x80x128xi32, #tpu.memory_space<hbm>>
      %dma_wait3A_41 = tpu.memref_squeeze %dma_wait3A_40 : memref<1x80x128xi32, #tpu.memory_space<hbm>> -> memref<80x128xi32, #tpu.memory_space<hbm>>
      tpu.wait_dma2 semaphore(%run_scoped3A : memref<!tpu.dma_semaphore, #tpu.memory_space<semaphore_mem>>) src(%dma_wait3A_41 : memref<80x128xi32, #tpu.memory_space<hbm>>) dst(%arg9 : memref<80x128xi32, #tpu.memory_space<vmem>>)
      tpu.yield
    }) : () -> ()
    "tpu.region"() ({
      %run_scoped3A = tpu.sem_alloc : memref<!tpu.dma_semaphore, #tpu.memory_space<semaphore_mem>>
      %dma_start3A_27 = arith.constant 0 : i32
      %dma_start3A_28 = arith.constant 0 : i32
      %dma_start3A_29 = tpu.memref_slice %arg6[%add3A, %dma_start3A_27, %dma_start3A_28] : memref<32x80x128xi32, #tpu.memory_space<hbm>> -> memref<1x80x128xi32, #tpu.memory_space<hbm>>
      %dma_start3A_30 = tpu.memref_squeeze %dma_start3A_29 : memref<1x80x128xi32, #tpu.memory_space<hbm>> -> memref<80x128xi32, #tpu.memory_space<hbm>>
      %dma_start3A_31 = arith.constant 0 : i32
      %dma_start3A_32 = arith.constant 0 : i32
      %dma_start3A_33 = tpu.memref_slice %arg6[%add3A, %dma_start3A_31, %dma_start3A_32] : memref<32x80x128xi32, #tpu.memory_space<hbm>> -> memref<1x80x128xi32, #tpu.memory_space<hbm>>
      %dma_start3A_34 = tpu.memref_squeeze %dma_start3A_33 : memref<1x80x128xi32, #tpu.memory_space<hbm>> -> memref<80x128xi32, #tpu.memory_space<hbm>>
      tpu.enqueue_dma source(%dma_start3A_34 : memref<80x128xi32, #tpu.memory_space<hbm>>) target(%arg10 : memref<80x128xi32, #tpu.memory_space<vmem>>) target_semaphore(%run_scoped3A : memref<!tpu.dma_semaphore, #tpu.memory_space<semaphore_mem>>)
      %dma_wait3A = arith.constant 0 : i32
      %dma_wait3A_35 = arith.constant 0 : i32
      %dma_wait3A_36 = tpu.memref_slice %arg6[%add3A, %dma_wait3A, %dma_wait3A_35] : memref<32x80x128xi32, #tpu.memory_space<hbm>> -> memref<1x80x128xi32, #tpu.memory_space<hbm>>
      %dma_wait3A_37 = tpu.memref_squeeze %dma_wait3A_36 : memref<1x80x128xi32, #tpu.memory_space<hbm>> -> memref<80x128xi32, #tpu.memory_space<hbm>>
      %dma_wait3A_38 = arith.constant 0 : i32
      %dma_wait3A_39 = arith.constant 0 : i32
      %dma_wait3A_40 = tpu.memref_slice %arg6[%add3A, %dma_wait3A_38, %dma_wait3A_39] : memref<32x80x128xi32, #tpu.memory_space<hbm>> -> memref<1x80x128xi32, #tpu.memory_space<hbm>>
      %dma_wait3A_41 = tpu.memref_squeeze %dma_wait3A_40 : memref<1x80x128xi32, #tpu.memory_space<hbm>> -> memref<80x128xi32, #tpu.memory_space<hbm>>
      tpu.wait_dma2 semaphore(%run_scoped3A : memref<!tpu.dma_semaphore, #tpu.memory_space<semaphore_mem>>) src(%dma_wait3A_41 : memref<80x128xi32, #tpu.memory_space<hbm>>) dst(%arg10 : memref<80x128xi32, #tpu.memory_space<vmem>>)
      tpu.yield
    }) : () -> ()
    "tpu.region"() ({
      %run_scoped3A = tpu.sem_alloc : memref<!tpu.dma_semaphore, #tpu.memory_space<semaphore_mem>>
      tpu.enqueue_dma source(%arg3 : memref<20000xf32, #tpu.memory_space<hbm>>) target(%arg8 : memref<20000xf32, #tpu.memory_space<vmem>>) target_semaphore(%run_scoped3A : memref<!tpu.dma_semaphore, #tpu.memory_space<semaphore_mem>>)
      tpu.wait_dma2 semaphore(%run_scoped3A : memref<!tpu.dma_semaphore, #tpu.memory_space<semaphore_mem>>) src(%arg3 : memref<20000xf32, #tpu.memory_space<hbm>>) dst(%arg8 : memref<20000xf32, #tpu.memory_space<vmem>>)
      tpu.yield
    }) : () -> ()
    %mul3A_1 = arith.constant 625 : i32
    %mul3A_2 = arith.muli %arg1, %mul3A_1 : i32
    %mul3A_3 = arith.constant 625 : i32
    %mul3A_4 = arith.muli %arg1, %mul3A_3 : i32
    "tpu.region"() ({
      %run_scoped3A = tpu.sem_alloc : memref<!tpu.dma_semaphore, #tpu.memory_space<semaphore_mem>>
      %dma_start3A_27 = arith.constant 0 : i32
      %dma_start3A_28 = tpu.memref_slice %arg14[%mul3A_4, %dma_start3A_27] : memref<10240x48xf32, #tpu.memory_space<vmem_shared>> -> memref<625x48xf32, #tpu.memory_space<vmem_shared>>
      %dma_start3A_29 = arith.constant 0 : i32
      %dma_start3A_30 = tpu.memref_slice %arg4[%mul3A_2, %dma_start3A_29] : memref<10000x48xf32, #tpu.memory_space<hbm>> -> memref<625x48xf32, #tpu.memory_space<hbm>>
      tpu.enqueue_dma source(%dma_start3A_30 : memref<625x48xf32, #tpu.memory_space<hbm>>) target(%dma_start3A_28 : memref<625x48xf32, #tpu.memory_space<vmem_shared>>) target_semaphore(%run_scoped3A : memref<!tpu.dma_semaphore, #tpu.memory_space<semaphore_mem>>)
      %dma_wait3A = arith.constant 0 : i32
      %dma_wait3A_31 = tpu.memref_slice %arg14[%mul3A_4, %dma_wait3A] : memref<10240x48xf32, #tpu.memory_space<vmem_shared>> -> memref<625x48xf32, #tpu.memory_space<vmem_shared>>
      %dma_wait3A_32 = arith.constant 0 : i32
      %dma_wait3A_33 = tpu.memref_slice %arg4[%mul3A_2, %dma_wait3A_32] : memref<10000x48xf32, #tpu.memory_space<hbm>> -> memref<625x48xf32, #tpu.memory_space<hbm>>
      tpu.wait_dma2 semaphore(%run_scoped3A : memref<!tpu.dma_semaphore, #tpu.memory_space<semaphore_mem>>) src(%dma_wait3A_33 : memref<625x48xf32, #tpu.memory_space<hbm>>) dst(%dma_wait3A_31 : memref<625x48xf32, #tpu.memory_space<vmem_shared>>)
      tpu.yield
    }) : () -> ()
    %barrier3A = arith.constant 0 : index
    tpu.barrier barrier_id(%barrier3A)
    %dma_start3A = arith.constant 0 : i32
    %dma_start3A_5 = arith.constant 0 : i32
    %dma_start3A_6 = tpu.memref_slice %arg9[%dma_start3A, %dma_start3A_5] : memref<80x128xi32, #tpu.memory_space<vmem>> -> memref<1x128xi32, #tpu.memory_space<vmem>>
    %dma_start3A_7 = tpu.memref_squeeze %dma_start3A_6 : memref<1x128xi32, #tpu.memory_space<vmem>> -> memref<128xi32, #tpu.memory_space<vmem>>
    %dma_start3A_8 = arith.constant 0 : i32
    %dma_start3A_9 = arith.constant 0 : i32
    %dma_start3A_10 = tpu.memref_slice %arg2[%dma_start3A_8, %dma_start3A_9] : memref<10000x48xf32, #tpu.memory_space<hbm>> -> memref<10000x48xf32, #tpu.memory_space<hbm>>
    tpu.enqueue_indirect_dma source(%dma_start3A_10 : memref<10000x48xf32, #tpu.memory_space<hbm>>) target(%arg11 : memref<128x48xf32, #tpu.memory_space<vmem>>) offsets(%dma_start3A_7 : memref<128xi32, #tpu.memory_space<vmem>>) semaphore(%arg15 : memref<!tpu.dma_semaphore, #tpu.memory_space<semaphore_mem>>)
    %dma_start3A_11 = arith.constant 1 : i32
    %dma_start3A_12 = arith.constant 0 : i32
    %dma_start3A_13 = tpu.memref_slice %arg9[%dma_start3A_11, %dma_start3A_12] : memref<80x128xi32, #tpu.memory_space<vmem>> -> memref<1x128xi32, #tpu.memory_space<vmem>>
    %dma_start3A_14 = tpu.memref_squeeze %dma_start3A_13 : memref<1x128xi32, #tpu.memory_space<vmem>> -> memref<128xi32, #tpu.memory_space<vmem>>
    %dma_start3A_15 = arith.constant 0 : i32
    %dma_start3A_16 = arith.constant 0 : i32
    %dma_start3A_17 = tpu.memref_slice %arg2[%dma_start3A_15, %dma_start3A_16] : memref<10000x48xf32, #tpu.memory_space<hbm>> -> memref<10000x48xf32, #tpu.memory_space<hbm>>
    tpu.enqueue_indirect_dma source(%dma_start3A_17 : memref<10000x48xf32, #tpu.memory_space<hbm>>) target(%arg12 : memref<128x48xf32, #tpu.memory_space<vmem>>) offsets(%dma_start3A_14 : memref<128xi32, #tpu.memory_space<vmem>>) semaphore(%arg16 : memref<!tpu.dma_semaphore, #tpu.memory_space<semaphore_mem>>)
    %scan3A = arith.constant 0 : i32
    %scan3A_18 = arith.constant 40 : i32
    %scan3A_19 = arith.addi %scan3A, %scan3A_18 : i32
    %scan3A_20 = arith.constant 1 : i32
    scf.for %scan3A_27 = %scan3A to %scan3A_19 step %scan3A_20  : i32 {
      %mul3A_28 = arith.constant 1 : i32
      %mul3A_29 = arith.muli %scan3A_27, %mul3A_28 : i32
      %add3A_30 = arith.constant 0 : i32
      %add3A_31 = arith.addi %add3A_30, %mul3A_29 : i32
      %mul3A_32 = arith.constant 2 : i32
      %mul3A_33 = arith.muli %add3A_31, %mul3A_32 : i32
      %dma_wait3A = arith.constant 0 : i32
      %dma_wait3A_34 = tpu.memref_slice %arg9[%mul3A_33, %dma_wait3A] : memref<80x128xi32, #tpu.memory_space<vmem>> -> memref<1x128xi32, #tpu.memory_space<vmem>>
      %dma_wait3A_35 = tpu.memref_squeeze %dma_wait3A_34 : memref<1x128xi32, #tpu.memory_space<vmem>> -> memref<128xi32, #tpu.memory_space<vmem>>
      %dma_wait3A_36 = arith.constant 0 : i32
      %dma_wait3A_37 = arith.constant 0 : i32
      %dma_wait3A_38 = tpu.memref_slice %arg2[%dma_wait3A_36, %dma_wait3A_37] : memref<10000x48xf32, #tpu.memory_space<hbm>> -> memref<10000x48xf32, #tpu.memory_space<hbm>>
      tpu.wait_indirect_dma semaphore(%arg15 : memref<!tpu.dma_semaphore, #tpu.memory_space<semaphore_mem>>) src(%dma_wait3A_38 : memref<10000x48xf32, #tpu.memory_space<hbm>>) dst(%arg11 : memref<128x48xf32, #tpu.memory_space<vmem>>)
      %get3A = arith.index_cast %mul3A_33 : i32 to index
      %get3A_39 = arith.constant 0 : index
      %get3A_40 = tpu.vector_load %arg9[%get3A, %get3A_39] {strides = array<i32>} : memref<80x128xi32, #tpu.memory_space<vmem>>, vector<16xi32>,
      %get3A_41 = arith.index_cast %mul3A_33 : i32 to index
      %get3A_42 = arith.constant 0 : index
      %get3A_43 = tpu.vector_load %arg10[%get3A_41, %get3A_42] {strides = array<i32>} : memref<80x128xi32, #tpu.memory_space<vmem>>, vector<16xi32>,
      %min3A = arith.constant 9999 : i32
      %min3A_44 = vector.broadcast %min3A : i32 to vector<16xi32>
      %min3A_45 = arith.minsi %get3A_43, %min3A_44 : vector<16xi32>
      %mul3A_46 = arith.constant 2 : i32
      %mul3A_47 = vector.broadcast %mul3A_46 : i32 to vector<16xi32>
      %mul3A_48 = arith.muli %get3A_40, %mul3A_47 : vector<16xi32>
      %gather3A = tpu.vector_load_idx %arg8[%mul3A_48] : memref<20000xf32, #tpu.memory_space<vmem>>[vector<16xi32>], vector<16xf32>,
      %mul3A_49 = arith.constant 2 : i32
      %mul3A_50 = vector.broadcast %mul3A_49 : i32 to vector<16xi32>
      %mul3A_51 = arith.muli %min3A_45, %mul3A_50 : vector<16xi32>
      %add3A_52 = arith.constant 1 : i32
      %add3A_53 = vector.broadcast %add3A_52 : i32 to vector<16xi32>
      %add3A_54 = arith.addi %mul3A_51, %add3A_53 : vector<16xi32>
      %gather3A_55 = tpu.vector_load_idx %arg8[%add3A_54] : memref<20000xf32, #tpu.memory_space<vmem>>[vector<16xi32>], vector<16xf32>,
      %add3A_56 = arith.addf %gather3A, %gather3A_55 : vector<16xf32>
      %ge3A = arith.constant 0.000000e+00 : f32
      %ge3A_57 = vector.broadcast %ge3A : f32 to vector<16xf32>
      %ge3A_58 = arith.cmpf oge, %add3A_56, %ge3A_57 : vector<16xf32>
      %mul3A_59 = arith.constant 2.000000e-01 : f32
      %mul3A_60 = vector.broadcast %mul3A_59 : f32 to vector<16xf32>
      %mul3A_61 = arith.mulf %add3A_56, %mul3A_60 : vector<16xf32>
      %select_n3A = arith.select %ge3A_58, %add3A_56, %mul3A_61 : vector<16xi1>, vector<16xf32>
      %exp3A = math.exp %select_n3A : vector<16xf32>
      %swap3A = arith.constant 0 : index
      %swap3A_62 = tpu.vector_load %arg13[%swap3A] {strides = array<i32>} : memref<128xf32, #tpu.memory_space<vmem>>, vector<16xf32>,
      tpu.vector_store %arg13[%swap3A], %exp3A {strides = array<i32>} : memref<128xf32, #tpu.memory_space<vmem>>, vector<16xf32>,
      %get3A_63 = arith.index_cast %mul3A_33 : i32 to index
      %get3A_64 = arith.constant 16 : index
      %get3A_65 = tpu.vector_load %arg9[%get3A_63, %get3A_64] {strides = array<i32>} : memref<80x128xi32, #tpu.memory_space<vmem>>, vector<16xi32>,
      %get3A_66 = arith.index_cast %mul3A_33 : i32 to index
      %get3A_67 = arith.constant 16 : index
      %get3A_68 = tpu.vector_load %arg10[%get3A_66, %get3A_67] {strides = array<i32>} : memref<80x128xi32, #tpu.memory_space<vmem>>, vector<16xi32>,
      %min3A_69 = arith.constant 9999 : i32
      %min3A_70 = vector.broadcast %min3A_69 : i32 to vector<16xi32>
      %min3A_71 = arith.minsi %get3A_68, %min3A_70 : vector<16xi32>
      %mul3A_72 = arith.constant 2 : i32
      %mul3A_73 = vector.broadcast %mul3A_72 : i32 to vector<16xi32>
      %mul3A_74 = arith.muli %get3A_65, %mul3A_73 : vector<16xi32>
      %gather3A_75 = tpu.vector_load_idx %arg8[%mul3A_74] : memref<20000xf32, #tpu.memory_space<vmem>>[vector<16xi32>], vector<16xf32>,
      %mul3A_76 = arith.constant 2 : i32
      %mul3A_77 = vector.broadcast %mul3A_76 : i32 to vector<16xi32>
      %mul3A_78 = arith.muli %min3A_71, %mul3A_77 : vector<16xi32>
      %add3A_79 = arith.constant 1 : i32
      %add3A_80 = vector.broadcast %add3A_79 : i32 to vector<16xi32>
      %add3A_81 = arith.addi %mul3A_78, %add3A_80 : vector<16xi32>
      %gather3A_82 = tpu.vector_load_idx %arg8[%add3A_81] : memref<20000xf32, #tpu.memory_space<vmem>>[vector<16xi32>], vector<16xf32>,
      %add3A_83 = arith.addf %gather3A_75, %gather3A_82 : vector<16xf32>
      %ge3A_84 = arith.constant 0.000000e+00 : f32
      %ge3A_85 = vector.broadcast %ge3A_84 : f32 to vector<16xf32>
      %ge3A_86 = arith.cmpf oge, %add3A_83, %ge3A_85 : vector<16xf32>
      %mul3A_87 = arith.constant 2.000000e-01 : f32
      %mul3A_88 = vector.broadcast %mul3A_87 : f32 to vector<16xf32>
      %mul3A_89 = arith.mulf %add3A_83, %mul3A_88 : vector<16xf32>
      %select_n3A_90 = arith.select %ge3A_86, %add3A_83, %mul3A_89 : vector<16xi1>, vector<16xf32>
      %exp3A_91 = math.exp %select_n3A_90 : vector<16xf32>
      %swap3A_92 = arith.constant 16 : index
      %swap3A_93 = tpu.vector_load %arg13[%swap3A_92] {strides = array<i32>} : memref<128xf32, #tpu.memory_space<vmem>>, vector<16xf32>,
      tpu.vector_store %arg13[%swap3A_92], %exp3A_91 {strides = array<i32>} : memref<128xf32, #tpu.memory_space<vmem>>, vector<16xf32>,
      %get3A_94 = arith.index_cast %mul3A_33 : i32 to index
      %get3A_95 = arith.constant 32 : index
      %get3A_96 = tpu.vector_load %arg9[%get3A_94, %get3A_95] {strides = array<i32>} : memref<80x128xi32, #tpu.memory_space<vmem>>, vector<16xi32>,
      %get3A_97 = arith.index_cast %mul3A_33 : i32 to index
      %get3A_98 = arith.constant 32 : index
      %get3A_99 = tpu.vector_load %arg10[%get3A_97, %get3A_98] {strides = array<i32>} : memref<80x128xi32, #tpu.memory_space<vmem>>, vector<16xi32>,
      %min3A_100 = arith.constant 9999 : i32
      %min3A_101 = vector.broadcast %min3A_100 : i32 to vector<16xi32>
      %min3A_102 = arith.minsi %get3A_99, %min3A_101 : vector<16xi32>
      %mul3A_103 = arith.constant 2 : i32
      %mul3A_104 = vector.broadcast %mul3A_103 : i32 to vector<16xi32>
      %mul3A_105 = arith.muli %get3A_96, %mul3A_104 : vector<16xi32>
      %gather3A_106 = tpu.vector_load_idx %arg8[%mul3A_105] : memref<20000xf32, #tpu.memory_space<vmem>>[vector<16xi32>], vector<16xf32>,
      %mul3A_107 = arith.constant 2 : i32
      %mul3A_108 = vector.broadcast %mul3A_107 : i32 to vector<16xi32>
      %mul3A_109 = arith.muli %min3A_102, %mul3A_108 : vector<16xi32>
      %add3A_110 = arith.constant 1 : i32
      %add3A_111 = vector.broadcast %add3A_110 : i32 to vector<16xi32>
      %add3A_112 = arith.addi %mul3A_109, %add3A_111 : vector<16xi32>
      %gather3A_113 = tpu.vector_load_idx %arg8[%add3A_112] : memref<20000xf32, #tpu.memory_space<vmem>>[vector<16xi32>], vector<16xf32>,
      %add3A_114 = arith.addf %gather3A_106, %gather3A_113 : vector<16xf32>
      %ge3A_115 = arith.constant 0.000000e+00 : f32
      %ge3A_116 = vector.broadcast %ge3A_115 : f32 to vector<16xf32>
      %ge3A_117 = arith.cmpf oge, %add3A_114, %ge3A_116 : vector<16xf32>
      %mul3A_118 = arith.constant 2.000000e-01 : f32
      %mul3A_119 = vector.broadcast %mul3A_118 : f32 to vector<16xf32>
      %mul3A_120 = arith.mulf %add3A_114, %mul3A_119 : vector<16xf32>
      %select_n3A_121 = arith.select %ge3A_117, %add3A_114, %mul3A_120 : vector<16xi1>, vector<16xf32>
      %exp3A_122 = math.exp %select_n3A_121 : vector<16xf32>
      %swap3A_123 = arith.constant 32 : index
      %swap3A_124 = tpu.vector_load %arg13[%swap3A_123] {strides = array<i32>} : memref<128xf32, #tpu.memory_space<vmem>>, vector<16xf32>,
      tpu.vector_store %arg13[%swap3A_123], %exp3A_122 {strides = array<i32>} : memref<128xf32, #tpu.memory_space<vmem>>, vector<16xf32>,
      %get3A_125 = arith.index_cast %mul3A_33 : i32 to index
      %get3A_126 = arith.constant 48 : index
      %get3A_127 = tpu.vector_load %arg9[%get3A_125, %get3A_126] {strides = array<i32>} : memref<80x128xi32, #tpu.memory_space<vmem>>, vector<16xi32>,
      %get3A_128 = arith.index_cast %mul3A_33 : i32 to index
      %get3A_129 = arith.constant 48 : index
      %get3A_130 = tpu.vector_load %arg10[%get3A_128, %get3A_129] {strides = array<i32>} : memref<80x128xi32, #tpu.memory_space<vmem>>, vector<16xi32>,
      %min3A_131 = arith.constant 9999 : i32
      %min3A_132 = vector.broadcast %min3A_131 : i32 to vector<16xi32>
      %min3A_133 = arith.minsi %get3A_130, %min3A_132 : vector<16xi32>
      %mul3A_134 = arith.constant 2 : i32
      %mul3A_135 = vector.broadcast %mul3A_134 : i32 to vector<16xi32>
      %mul3A_136 = arith.muli %get3A_127, %mul3A_135 : vector<16xi32>
      %gather3A_137 = tpu.vector_load_idx %arg8[%mul3A_136] : memref<20000xf32, #tpu.memory_space<vmem>>[vector<16xi32>], vector<16xf32>,
      %mul3A_138 = arith.constant 2 : i32
      %mul3A_139 = vector.broadcast %mul3A_138 : i32 to vector<16xi32>
      %mul3A_140 = arith.muli %min3A_133, %mul3A_139 : vector<16xi32>
      %add3A_141 = arith.constant 1 : i32
      %add3A_142 = vector.broadcast %add3A_141 : i32 to vector<16xi32>
      %add3A_143 = arith.addi %mul3A_140, %add3A_142 : vector<16xi32>
      %gather3A_144 = tpu.vector_load_idx %arg8[%add3A_143] : memref<20000xf32, #tpu.memory_space<vmem>>[vector<16xi32>], vector<16xf32>,
      %add3A_145 = arith.addf %gather3A_137, %gather3A_144 : vector<16xf32>
      %ge3A_146 = arith.constant 0.000000e+00 : f32
      %ge3A_147 = vector.broadcast %ge3A_146 : f32 to vector<16xf32>
      %ge3A_148 = arith.cmpf oge, %add3A_145, %ge3A_147 : vector<16xf32>
      %mul3A_149 = arith.constant 2.000000e-01 : f32
      %mul3A_150 = vector.broadcast %mul3A_149 : f32 to vector<16xf32>
      %mul3A_151 = arith.mulf %add3A_145, %mul3A_150 : vector<16xf32>
      %select_n3A_152 = arith.select %ge3A_148, %add3A_145, %mul3A_151 : vector<16xi1>, vector<16xf32>
      %exp3A_153 = math.exp %select_n3A_152 : vector<16xf32>
      %swap3A_154 = arith.constant 48 : index
      %swap3A_155 = tpu.vector_load %arg13[%swap3A_154] {strides = array<i32>} : memref<128xf32, #tpu.memory_space<vmem>>, vector<16xf32>,
      tpu.vector_store %arg13[%swap3A_154], %exp3A_153 {strides = array<i32>} : memref<128xf32, #tpu.memory_space<vmem>>, vector<16xf32>,
      %get3A_156 = arith.index_cast %mul3A_33 : i32 to index
      %get3A_157 = arith.constant 64 : index
      %get3A_158 = tpu.vector_load %arg9[%get3A_156, %get3A_157] {strides = array<i32>} : memref<80x128xi32, #tpu.memory_space<vmem>>, vector<16xi32>,
      %get3A_159 = arith.index_cast %mul3A_33 : i32 to index
      %get3A_160 = arith.constant 64 : index
      %get3A_161 = tpu.vector_load %arg10[%get3A_159, %get3A_160] {strides = array<i32>} : memref<80x128xi32, #tpu.memory_space<vmem>>, vector<16xi32>,
      %min3A_162 = arith.constant 9999 : i32
      %min3A_163 = vector.broadcast %min3A_162 : i32 to vector<16xi32>
      %min3A_164 = arith.minsi %get3A_161, %min3A_163 : vector<16xi32>
      %mul3A_165 = arith.constant 2 : i32
      %mul3A_166 = vector.broadcast %mul3A_165 : i32 to vector<16xi32>
      %mul3A_167 = arith.muli %get3A_158, %mul3A_166 : vector<16xi32>
      %gather3A_168 = tpu.vector_load_idx %arg8[%mul3A_167] : memref<20000xf32, #tpu.memory_space<vmem>>[vector<16xi32>], vector<16xf32>,
      %mul3A_169 = arith.constant 2 : i32
      %mul3A_170 = vector.broadcast %mul3A_169 : i32 to vector<16xi32>
      %mul3A_171 = arith.muli %min3A_164, %mul3A_170 : vector<16xi32>
      %add3A_172 = arith.constant 1 : i32
      %add3A_173 = vector.broadcast %add3A_172 : i32 to vector<16xi32>
      %add3A_174 = arith.addi %mul3A_171, %add3A_173 : vector<16xi32>
      %gather3A_175 = tpu.vector_load_idx %arg8[%add3A_174] : memref<20000xf32, #tpu.memory_space<vmem>>[vector<16xi32>], vector<16xf32>,
      %add3A_176 = arith.addf %gather3A_168, %gather3A_175 : vector<16xf32>
      %ge3A_177 = arith.constant 0.000000e+00 : f32
      %ge3A_178 = vector.broadcast %ge3A_177 : f32 to vector<16xf32>
      %ge3A_179 = arith.cmpf oge, %add3A_176, %ge3A_178 : vector<16xf32>
      %mul3A_180 = arith.constant 2.000000e-01 : f32
      %mul3A_181 = vector.broadcast %mul3A_180 : f32 to vector<16xf32>
      %mul3A_182 = arith.mulf %add3A_176, %mul3A_181 : vector<16xf32>
      %select_n3A_183 = arith.select %ge3A_179, %add3A_176, %mul3A_182 : vector<16xi1>, vector<16xf32>
      %exp3A_184 = math.exp %select_n3A_183 : vector<16xf32>
      %swap3A_185 = arith.constant 64 : index
      %swap3A_186 = tpu.vector_load %arg13[%swap3A_185] {strides = array<i32>} : memref<128xf32, #tpu.memory_space<vmem>>, vector<16xf32>,
      tpu.vector_store %arg13[%swap3A_185], %exp3A_184 {strides = array<i32>} : memref<128xf32, #tpu.memory_space<vmem>>, vector<16xf32>,
      %get3A_187 = arith.index_cast %mul3A_33 : i32 to index
      %get3A_188 = arith.constant 80 : index
      %get3A_189 = tpu.vector_load %arg9[%get3A_187, %get3A_188] {strides = array<i32>} : memref<80x128xi32, #tpu.memory_space<vmem>>, vector<16xi32>,
      %get3A_190 = arith.index_cast %mul3A_33 : i32 to index
      %get3A_191 = arith.constant 80 : index
      %get3A_192 = tpu.vector_load %arg10[%get3A_190, %get3A_191] {strides = array<i32>} : memref<80x128xi32, #tpu.memory_space<vmem>>, vector<16xi32>,
      %min3A_193 = arith.constant 9999 : i32
      %min3A_194 = vector.broadcast %min3A_193 : i32 to vector<16xi32>
      %min3A_195 = arith.minsi %get3A_192, %min3A_194 : vector<16xi32>
      %mul3A_196 = arith.constant 2 : i32
      %mul3A_197 = vector.broadcast %mul3A_196 : i32 to vector<16xi32>
      %mul3A_198 = arith.muli %get3A_189, %mul3A_197 : vector<16xi32>
      %gather3A_199 = tpu.vector_load_idx %arg8[%mul3A_198] : memref<20000xf32, #tpu.memory_space<vmem>>[vector<16xi32>], vector<16xf32>,
      %mul3A_200 = arith.constant 2 : i32
      %mul3A_201 = vector.broadcast %mul3A_200 : i32 to vector<16xi32>
      %mul3A_202 = arith.muli %min3A_195, %mul3A_201 : vector<16xi32>
      %add3A_203 = arith.constant 1 : i32
      %add3A_204 = vector.broadcast %add3A_203 : i32 to vector<16xi32>
      %add3A_205 = arith.addi %mul3A_202, %add3A_204 : vector<16xi32>
      %gather3A_206 = tpu.vector_load_idx %arg8[%add3A_205] : memref<20000xf32, #tpu.memory_space<vmem>>[vector<16xi32>], vector<16xf32>,
      %add3A_207 = arith.addf %gather3A_199, %gather3A_206 : vector<16xf32>
      %ge3A_208 = arith.constant 0.000000e+00 : f32
      %ge3A_209 = vector.broadcast %ge3A_208 : f32 to vector<16xf32>
      %ge3A_210 = arith.cmpf oge, %add3A_207, %ge3A_209 : vector<16xf32>
      %mul3A_211 = arith.constant 2.000000e-01 : f32
      %mul3A_212 = vector.broadcast %mul3A_211 : f32 to vector<16xf32>
      %mul3A_213 = arith.mulf %add3A_207, %mul3A_212 : vector<16xf32>
      %select_n3A_214 = arith.select %ge3A_210, %add3A_207, %mul3A_213 : vector<16xi1>, vector<16xf32>
      %exp3A_215 = math.exp %select_n3A_214 : vector<16xf32>
      %swap3A_216 = arith.constant 80 : index
      %swap3A_217 = tpu.vector_load %arg13[%swap3A_216] {strides = array<i32>} : memref<128xf32, #tpu.memory_space<vmem>>, vector<16xf32>,
      tpu.vector_store %arg13[%swap3A_216], %exp3A_215 {strides = array<i32>} : memref<128xf32, #tpu.memory_space<vmem>>, vector<16xf32>,
      %get3A_218 = arith.index_cast %mul3A_33 : i32 to index
      %get3A_219 = arith.constant 96 : index
      %get3A_220 = tpu.vector_load %arg9[%get3A_218, %get3A_219] {strides = array<i32>} : memref<80x128xi32, #tpu.memory_space<vmem>>, vector<16xi32>,
      %get3A_221 = arith.index_cast %mul3A_33 : i32 to index
      %get3A_222 = arith.constant 96 : index
      %get3A_223 = tpu.vector_load %arg10[%get3A_221, %get3A_222] {strides = array<i32>} : memref<80x128xi32, #tpu.memory_space<vmem>>, vector<16xi32>,
      %min3A_224 = arith.constant 9999 : i32
      %min3A_225 = vector.broadcast %min3A_224 : i32 to vector<16xi32>
      %min3A_226 = arith.minsi %get3A_223, %min3A_225 : vector<16xi32>
      %mul3A_227 = arith.constant 2 : i32
      %mul3A_228 = vector.broadcast %mul3A_227 : i32 to vector<16xi32>
      %mul3A_229 = arith.muli %get3A_220, %mul3A_228 : vector<16xi32>
      %gather3A_230 = tpu.vector_load_idx %arg8[%mul3A_229] : memref<20000xf32, #tpu.memory_space<vmem>>[vector<16xi32>], vector<16xf32>,
      %mul3A_231 = arith.constant 2 : i32
      %mul3A_232 = vector.broadcast %mul3A_231 : i32 to vector<16xi32>
      %mul3A_233 = arith.muli %min3A_226, %mul3A_232 : vector<16xi32>
      %add3A_234 = arith.constant 1 : i32
      %add3A_235 = vector.broadcast %add3A_234 : i32 to vector<16xi32>
      %add3A_236 = arith.addi %mul3A_233, %add3A_235 : vector<16xi32>
      %gather3A_237 = tpu.vector_load_idx %arg8[%add3A_236] : memref<20000xf32, #tpu.memory_space<vmem>>[vector<16xi32>], vector<16xf32>,
      %add3A_238 = arith.addf %gather3A_230, %gather3A_237 : vector<16xf32>
      %ge3A_239 = arith.constant 0.000000e+00 : f32
      %ge3A_240 = vector.broadcast %ge3A_239 : f32 to vector<16xf32>
      %ge3A_241 = arith.cmpf oge, %add3A_238, %ge3A_240 : vector<16xf32>
      %mul3A_242 = arith.constant 2.000000e-01 : f32
      %mul3A_243 = vector.broadcast %mul3A_242 : f32 to vector<16xf32>
      %mul3A_244 = arith.mulf %add3A_238, %mul3A_243 : vector<16xf32>
      %select_n3A_245 = arith.select %ge3A_241, %add3A_238, %mul3A_244 : vector<16xi1>, vector<16xf32>
      %exp3A_246 = math.exp %select_n3A_245 : vector<16xf32>
      %swap3A_247 = arith.constant 96 : index
      %swap3A_248 = tpu.vector_load %arg13[%swap3A_247] {strides = array<i32>} : memref<128xf32, #tpu.memory_space<vmem>>, vector<16xf32>,
      tpu.vector_store %arg13[%swap3A_247], %exp3A_246 {strides = array<i32>} : memref<128xf32, #tpu.memory_space<vmem>>, vector<16xf32>,
      %get3A_249 = arith.index_cast %mul3A_33 : i32 to index
      %get3A_250 = arith.constant 112 : index
      %get3A_251 = tpu.vector_load %arg9[%get3A_249, %get3A_250] {strides = array<i32>} : memref<80x128xi32, #tpu.memory_space<vmem>>, vector<16xi32>,
      %get3A_252 = arith.index_cast %mul3A_33 : i32 to index
      %get3A_253 = arith.constant 112 : index
      %get3A_254 = tpu.vector_load %arg10[%get3A_252, %get3A_253] {strides = array<i32>} : memref<80x128xi32, #tpu.memory_space<vmem>>, vector<16xi32>,
      %min3A_255 = arith.constant 9999 : i32
      %min3A_256 = vector.broadcast %min3A_255 : i32 to vector<16xi32>
      %min3A_257 = arith.minsi %get3A_254, %min3A_256 : vector<16xi32>
      %mul3A_258 = arith.constant 2 : i32
      %mul3A_259 = vector.broadcast %mul3A_258 : i32 to vector<16xi32>
      %mul3A_260 = arith.muli %get3A_251, %mul3A_259 : vector<16xi32>
      %gather3A_261 = tpu.vector_load_idx %arg8[%mul3A_260] : memref<20000xf32, #tpu.memory_space<vmem>>[vector<16xi32>], vector<16xf32>,
      %mul3A_262 = arith.constant 2 : i32
      %mul3A_263 = vector.broadcast %mul3A_262 : i32 to vector<16xi32>
      %mul3A_264 = arith.muli %min3A_257, %mul3A_263 : vector<16xi32>
      %add3A_265 = arith.constant 1 : i32
      %add3A_266 = vector.broadcast %add3A_265 : i32 to vector<16xi32>
      %add3A_267 = arith.addi %mul3A_264, %add3A_266 : vector<16xi32>
      %gather3A_268 = tpu.vector_load_idx %arg8[%add3A_267] : memref<20000xf32, #tpu.memory_space<vmem>>[vector<16xi32>], vector<16xf32>,
      %add3A_269 = arith.addf %gather3A_261, %gather3A_268 : vector<16xf32>
      %ge3A_270 = arith.constant 0.000000e+00 : f32
      %ge3A_271 = vector.broadcast %ge3A_270 : f32 to vector<16xf32>
      %ge3A_272 = arith.cmpf oge, %add3A_269, %ge3A_271 : vector<16xf32>
      %mul3A_273 = arith.constant 2.000000e-01 : f32
      %mul3A_274 = vector.broadcast %mul3A_273 : f32 to vector<16xf32>
      %mul3A_275 = arith.mulf %add3A_269, %mul3A_274 : vector<16xf32>
      %select_n3A_276 = arith.select %ge3A_272, %add3A_269, %mul3A_275 : vector<16xi1>, vector<16xf32>
      %exp3A_277 = math.exp %select_n3A_276 : vector<16xf32>
      %swap3A_278 = arith.constant 112 : index
      %swap3A_279 = tpu.vector_load %arg13[%swap3A_278] {strides = array<i32>} : memref<128xf32, #tpu.memory_space<vmem>>, vector<16xf32>,
      tpu.vector_store %arg13[%swap3A_278], %exp3A_277 {strides = array<i32>} : memref<128xf32, #tpu.memory_space<vmem>>, vector<16xf32>,
      %scan3A_280 = arith.constant 0 : i32
      %scan3A_281 = arith.constant 8 : i32
      %scan3A_282 = arith.addi %scan3A_280, %scan3A_281 : i32
      %scan3A_283 = arith.constant 1 : i32
      scf.for %scan3A_559 = %scan3A_280 to %scan3A_282 step %scan3A_283  : i32 {
        %mul3A_560 = arith.constant 1 : i32
        %mul3A_561 = arith.muli %scan3A_559, %mul3A_560 : i32
        %add3A_562 = arith.constant 0 : i32
        %add3A_563 = arith.addi %add3A_562, %mul3A_561 : i32
        %mul3A_564 = arith.constant 16 : i32
        %mul3A_565 = arith.muli %add3A_563, %mul3A_564 : i32
        %get3A_566 = arith.index_cast %mul3A_565 : i32 to index
        %get3A_567 = tpu.vector_load %arg13[%get3A_566] {strides = array<i32>} : memref<128xf32, #tpu.memory_space<vmem>>, vector<16xf32>,
        %slice3A = vector.extract_strided_slice %get3A_567 {offsets = [0], sizes = [1], strides = [1]} : vector<16xf32> to vector<1xf32>
        %squeeze3A = vector.extract %slice3A[0] : f32 from vector<1xf32>
        %broadcast_in_dim3A = vector.broadcast %squeeze3A : f32 to vector<16xf32>
        %mul3A_568 = arith.constant 16 : i32
        %mul3A_569 = arith.muli %add3A_563, %mul3A_568 : i32
        %add3A_570 = arith.constant 0 : i32
        %add3A_571 = arith.addi %mul3A_569, %add3A_570 : i32
        %get3A_572 = arith.index_cast %add3A_571 : i32 to index
        %get3A_573 = arith.constant 0 : index
        %get3A_574 = tpu.vector_load %arg11[%get3A_572, %get3A_573] {strides = array<i32>} : memref<128x48xf32, #tpu.memory_space<vmem>>, vector<16xf32>,
        %mul3A_575 = arith.mulf %get3A_574, %broadcast_in_dim3A : vector<16xf32>
        %swap3A_576 = arith.index_cast %add3A_571 : i32 to index
        %swap3A_577 = arith.constant 0 : index
        %swap3A_578 = tpu.vector_load %arg11[%swap3A_576, %swap3A_577] {strides = array<i32>} : memref<128x48xf32, #tpu.memory_space<vmem>>, vector<16xf32>,
        tpu.vector_store %arg11[%swap3A_576, %swap3A_577], %mul3A_575 {strides = array<i32>} : memref<128x48xf32, #tpu.memory_space<vmem>>, vector<16xf32>,
        %get3A_579 = arith.index_cast %add3A_571 : i32 to index
        %get3A_580 = arith.constant 16 : index
        %get3A_581 = tpu.vector_load %arg11[%get3A_579, %get3A_580] {strides = array<i32>} : memref<128x48xf32, #tpu.memory_space<vmem>>, vector<16xf32>,
        %mul3A_582 = arith.mulf %get3A_581, %broadcast_in_dim3A : vector<16xf32>
        %swap3A_583 = arith.index_cast %add3A_571 : i32 to index
        %swap3A_584 = arith.constant 16 : index
        %swap3A_585 = tpu.vector_load %arg11[%swap3A_583, %swap3A_584] {strides = array<i32>} : memref<128x48xf32, #tpu.memory_space<vmem>>, vector<16xf32>,
        tpu.vector_store %arg11[%swap3A_583, %swap3A_584], %mul3A_582 {strides = array<i32>} : memref<128x48xf32, #tpu.memory_space<vmem>>, vector<16xf32>,
        %get3A_586 = arith.index_cast %add3A_571 : i32 to index
        %get3A_587 = arith.constant 32 : index
        %get3A_588 = tpu.vector_load %arg11[%get3A_586, %get3A_587] {strides = array<i32>} : memref<128x48xf32, #tpu.memory_space<vmem>>, vector<16xf32>,
        %mul3A_589 = arith.mulf %get3A_588, %broadcast_in_dim3A : vector<16xf32>
        %swap3A_590 = arith.index_cast %add3A_571 : i32 to index
        %swap3A_591 = arith.constant 32 : index
        %swap3A_592 = tpu.vector_load %arg11[%swap3A_590, %swap3A_591] {strides = array<i32>} : memref<128x48xf32, #tpu.memory_space<vmem>>, vector<16xf32>,
        tpu.vector_store %arg11[%swap3A_590, %swap3A_591], %mul3A_589 {strides = array<i32>} : memref<128x48xf32, #tpu.memory_space<vmem>>, vector<16xf32>,
        %slice3A_593 = vector.extract_strided_slice %get3A_567 {offsets = [1], sizes = [1], strides = [1]} : vector<16xf32> to vector<1xf32>
        %squeeze3A_594 = vector.extract %slice3A_593[0] : f32 from vector<1xf32>
        %broadcast_in_dim3A_595 = vector.broadcast %squeeze3A_594 : f32 to vector<16xf32>
        %mul3A_596 = arith.constant 16 : i32
        %mul3A_597 = arith.muli %add3A_563, %mul3A_596 : i32
        %add3A_598 = arith.constant 1 : i32
        %add3A_599 = arith.addi %mul3A_597, %add3A_598 : i32
        %get3A_600 = arith.index_cast %add3A_599 : i32 to index
        %get3A_601 = arith.constant 0 : index
        %get3A_602 = tpu.vector_load %arg11[%get3A_600, %get3A_601] {strides = array<i32>} : memref<128x48xf32, #tpu.memory_space<vmem>>, vector<16xf32>,
        %mul3A_603 = arith.mulf %get3A_602, %broadcast_in_dim3A_595 : vector<16xf32>
        %swap3A_604 = arith.index_cast %add3A_599 : i32 to index
        %swap3A_605 = arith.constant 0 : index
        %swap3A_606 = tpu.vector_load %arg11[%swap3A_604, %swap3A_605] {strides = array<i32>} : memref<128x48xf32, #tpu.memory_space<vmem>>, vector<16xf32>,
        tpu.vector_store %arg11[%swap3A_604, %swap3A_605], %mul3A_603 {strides = array<i32>} : memref<128x48xf32, #tpu.memory_space<vmem>>, vector<16xf32>,
        %get3A_607 = arith.index_cast %add3A_599 : i32 to index
        %get3A_608 = arith.constant 16 : index
        %get3A_609 = tpu.vector_load %arg11[%get3A_607, %get3A_608] {strides = array<i32>} : memref<128x48xf32, #tpu.memory_space<vmem>>, vector<16xf32>,
        %mul3A_610 = arith.mulf %get3A_609, %broadcast_in_dim3A_595 : vector<16xf32>
        %swap3A_611 = arith.index_cast %add3A_599 : i32 to index
        %swap3A_612 = arith.constant 16 : index
        %swap3A_613 = tpu.vector_load %arg11[%swap3A_611, %swap3A_612] {strides = array<i32>} : memref<128x48xf32, #tpu.memory_space<vmem>>, vector<16xf32>,
        tpu.vector_store %arg11[%swap3A_611, %swap3A_612], %mul3A_610 {strides = array<i32>} : memref<128x48xf32, #tpu.memory_space<vmem>>, vector<16xf32>,
        %get3A_614 = arith.index_cast %add3A_599 : i32 to index
        %get3A_615 = arith.constant 32 : index
        %get3A_616 = tpu.vector_load %arg11[%get3A_614, %get3A_615] {strides = array<i32>} : memref<128x48xf32, #tpu.memory_space<vmem>>, vector<16xf32>,
        %mul3A_617 = arith.mulf %get3A_616, %broadcast_in_dim3A_595 : vector<16xf32>
        %swap3A_618 = arith.index_cast %add3A_599 : i32 to index
        %swap3A_619 = arith.constant 32 : index
        %swap3A_620 = tpu.vector_load %arg11[%swap3A_618, %swap3A_619] {strides = array<i32>} : memref<128x48xf32, #tpu.memory_space<vmem>>, vector<16xf32>,
        tpu.vector_store %arg11[%swap3A_618, %swap3A_619], %mul3A_617 {strides = array<i32>} : memref<128x48xf32, #tpu.memory_space<vmem>>, vector<16xf32>,
        %slice3A_621 = vector.extract_strided_slice %get3A_567 {offsets = [2], sizes = [1], strides = [1]} : vector<16xf32> to vector<1xf32>
        %squeeze3A_622 = vector.extract %slice3A_621[0] : f32 from vector<1xf32>
        %broadcast_in_dim3A_623 = vector.broadcast %squeeze3A_622 : f32 to vector<16xf32>
        %mul3A_624 = arith.constant 16 : i32
        %mul3A_625 = arith.muli %add3A_563, %mul3A_624 : i32
        %add3A_626 = arith.constant 2 : i32
        %add3A_627 = arith.addi %mul3A_625, %add3A_626 : i32
        %get3A_628 = arith.index_cast %add3A_627 : i32 to index
        %get3A_629 = arith.constant 0 : index
        %get3A_630 = tpu.vector_load %arg11[%get3A_628, %get3A_629] {strides = array<i32>} : memref<128x48xf32, #tpu.memory_space<vmem>>, vector<16xf32>,
        %mul3A_631 = arith.mulf %get3A_630, %broadcast_in_dim3A_623 : vector<16xf32>
        %swap3A_632 = arith.index_cast %add3A_627 : i32 to index
        %swap3A_633 = arith.constant 0 : index
        %swap3A_634 = tpu.vector_load %arg11[%swap3A_632, %swap3A_633] {strides = array<i32>} : memref<128x48xf32, #tpu.memory_space<vmem>>, vector<16xf32>,
        tpu.vector_store %arg11[%swap3A_632, %swap3A_633], %mul3A_631 {strides = array<i32>} : memref<128x48xf32, #tpu.memory_space<vmem>>, vector<16xf32>,
        %get3A_635 = arith.index_cast %add3A_627 : i32 to index
        %get3A_636 = arith.constant 16 : index
        %get3A_637 = tpu.vector_load %arg11[%get3A_635, %get3A_636] {strides = array<i32>} : memref<128x48xf32, #tpu.memory_space<vmem>>, vector<16xf32>,
        %mul3A_638 = arith.mulf %get3A_637, %broadcast_in_dim3A_623 : vector<16xf32>
        %swap3A_639 = arith.index_cast %add3A_627 : i32 to index
        %swap3A_640 = arith.constant 16 : index
        %swap3A_641 = tpu.vector_load %arg11[%swap3A_639, %swap3A_640] {strides = array<i32>} : memref<128x48xf32, #tpu.memory_space<vmem>>, vector<16xf32>,
        tpu.vector_store %arg11[%swap3A_639, %swap3A_640], %mul3A_638 {strides = array<i32>} : memref<128x48xf32, #tpu.memory_space<vmem>>, vector<16xf32>,
        %get3A_642 = arith.index_cast %add3A_627 : i32 to index
        %get3A_643 = arith.constant 32 : index
        %get3A_644 = tpu.vector_load %arg11[%get3A_642, %get3A_643] {strides = array<i32>} : memref<128x48xf32, #tpu.memory_space<vmem>>, vector<16xf32>,
        %mul3A_645 = arith.mulf %get3A_644, %broadcast_in_dim3A_623 : vector<16xf32>
        %swap3A_646 = arith.index_cast %add3A_627 : i32 to index
        %swap3A_647 = arith.constant 32 : index
        %swap3A_648 = tpu.vector_load %arg11[%swap3A_646, %swap3A_647] {strides = array<i32>} : memref<128x48xf32, #tpu.memory_space<vmem>>, vector<16xf32>,
        tpu.vector_store %arg11[%swap3A_646, %swap3A_647], %mul3A_645 {strides = array<i32>} : memref<128x48xf32, #tpu.memory_space<vmem>>, vector<16xf32>,
        %slice3A_649 = vector.extract_strided_slice %get3A_567 {offsets = [3], sizes = [1], strides = [1]} : vector<16xf32> to vector<1xf32>
        %squeeze3A_650 = vector.extract %slice3A_649[0] : f32 from vector<1xf32>
        %broadcast_in_dim3A_651 = vector.broadcast %squeeze3A_650 : f32 to vector<16xf32>
        %mul3A_652 = arith.constant 16 : i32
        %mul3A_653 = arith.muli %add3A_563, %mul3A_652 : i32
        %add3A_654 = arith.constant 3 : i32
        %add3A_655 = arith.addi %mul3A_653, %add3A_654 : i32
        %get3A_656 = arith.index_cast %add3A_655 : i32 to index
        %get3A_657 = arith.constant 0 : index
        %get3A_658 = tpu.vector_load %arg11[%get3A_656, %get3A_657] {strides = array<i32>} : memref<128x48xf32, #tpu.memory_space<vmem>>, vector<16xf32>,
        %mul3A_659 = arith.mulf %get3A_658, %broadcast_in_dim3A_651 : vector<16xf32>
        %swap3A_660 = arith.index_cast %add3A_655 : i32 to index
        %swap3A_661 = arith.constant 0 : index
        %swap3A_662 = tpu.vector_load %arg11[%swap3A_660, %swap3A_661] {strides = array<i32>} : memref<128x48xf32, #tpu.memory_space<vmem>>, vector<16xf32>,
        tpu.vector_store %arg11[%swap3A_660, %swap3A_661], %mul3A_659 {strides = array<i32>} : memref<128x48xf32, #tpu.memory_space<vmem>>, vector<16xf32>,
        %get3A_663 = arith.index_cast %add3A_655 : i32 to index
        %get3A_664 = arith.constant 16 : index
        %get3A_665 = tpu.vector_load %arg11[%get3A_663, %get3A_664] {strides = array<i32>} : memref<128x48xf32, #tpu.memory_space<vmem>>, vector<16xf32>,
        %mul3A_666 = arith.mulf %get3A_665, %broadcast_in_dim3A_651 : vector<16xf32>
        %swap3A_667 = arith.index_cast %add3A_655 : i32 to index
        %swap3A_668 = arith.constant 16 : index
        %swap3A_669 = tpu.vector_load %arg11[%swap3A_667, %swap3A_668] {strides = array<i32>} : memref<128x48xf32, #tpu.memory_space<vmem>>, vector<16xf32>,
        tpu.vector_store %arg11[%swap3A_667, %swap3A_668], %mul3A_666 {strides = array<i32>} : memref<128x48xf32, #tpu.memory_space<vmem>>, vector<16xf32>,
        %get3A_670 = arith.index_cast %add3A_655 : i32 to index
        %get3A_671 = arith.constant 32 : index
        %get3A_672 = tpu.vector_load %arg11[%get3A_670, %get3A_671] {strides = array<i32>} : memref<128x48xf32, #tpu.memory_space<vmem>>, vector<16xf32>,
        %mul3A_673 = arith.mulf %get3A_672, %broadcast_in_dim3A_651 : vector<16xf32>
        %swap3A_674 = arith.index_cast %add3A_655 : i32 to index
        %swap3A_675 = arith.constant 32 : index
        %swap3A_676 = tpu.vector_load %arg11[%swap3A_674, %swap3A_675] {strides = array<i32>} : memref<128x48xf32, #tpu.memory_space<vmem>>, vector<16xf32>,
        tpu.vector_store %arg11[%swap3A_674, %swap3A_675], %mul3A_673 {strides = array<i32>} : memref<128x48xf32, #tpu.memory_space<vmem>>, vector<16xf32>,
        %slice3A_677 = vector.extract_strided_slice %get3A_567 {offsets = [4], sizes = [1], strides = [1]} : vector<16xf32> to vector<1xf32>
        %squeeze3A_678 = vector.extract %slice3A_677[0] : f32 from vector<1xf32>
        %broadcast_in_dim3A_679 = vector.broadcast %squeeze3A_678 : f32 to vector<16xf32>
        %mul3A_680 = arith.constant 16 : i32
        %mul3A_681 = arith.muli %add3A_563, %mul3A_680 : i32
        %add3A_682 = arith.constant 4 : i32
        %add3A_683 = arith.addi %mul3A_681, %add3A_682 : i32
        %get3A_684 = arith.index_cast %add3A_683 : i32 to index
        %get3A_685 = arith.constant 0 : index
        %get3A_686 = tpu.vector_load %arg11[%get3A_684, %get3A_685] {strides = array<i32>} : memref<128x48xf32, #tpu.memory_space<vmem>>, vector<16xf32>,
        %mul3A_687 = arith.mulf %get3A_686, %broadcast_in_dim3A_679 : vector<16xf32>
        %swap3A_688 = arith.index_cast %add3A_683 : i32 to index
        %swap3A_689 = arith.constant 0 : index
        %swap3A_690 = tpu.vector_load %arg11[%swap3A_688, %swap3A_689] {strides = array<i32>} : memref<128x48xf32, #tpu.memory_space<vmem>>, vector<16xf32>,
        tpu.vector_store %arg11[%swap3A_688, %swap3A_689], %mul3A_687 {strides = array<i32>} : memref<128x48xf32, #tpu.memory_space<vmem>>, vector<16xf32>,
        %get3A_691 = arith.index_cast %add3A_683 : i32 to index
        %get3A_692 = arith.constant 16 : index
        %get3A_693 = tpu.vector_load %arg11[%get3A_691, %get3A_692] {strides = array<i32>} : memref<128x48xf32, #tpu.memory_space<vmem>>, vector<16xf32>,
        %mul3A_694 = arith.mulf %get3A_693, %broadcast_in_dim3A_679 : vector<16xf32>
        %swap3A_695 = arith.index_cast %add3A_683 : i32 to index
        %swap3A_696 = arith.constant 16 : index
        %swap3A_697 = tpu.vector_load %arg11[%swap3A_695, %swap3A_696] {strides = array<i32>} : memref<128x48xf32, #tpu.memory_space<vmem>>, vector<16xf32>,
        tpu.vector_store %arg11[%swap3A_695, %swap3A_696], %mul3A_694 {strides = array<i32>} : memref<128x48xf32, #tpu.memory_space<vmem>>, vector<16xf32>,
        %get3A_698 = arith.index_cast %add3A_683 : i32 to index
        %get3A_699 = arith.constant 32 : index
        %get3A_700 = tpu.vector_load %arg11[%get3A_698, %get3A_699] {strides = array<i32>} : memref<128x48xf32, #tpu.memory_space<vmem>>, vector<16xf32>,
        %mul3A_701 = arith.mulf %get3A_700, %broadcast_in_dim3A_679 : vector<16xf32>
        %swap3A_702 = arith.index_cast %add3A_683 : i32 to index
        %swap3A_703 = arith.constant 32 : index
        %swap3A_704 = tpu.vector_load %arg11[%swap3A_702, %swap3A_703] {strides = array<i32>} : memref<128x48xf32, #tpu.memory_space<vmem>>, vector<16xf32>,
        tpu.vector_store %arg11[%swap3A_702, %swap3A_703], %mul3A_701 {strides = array<i32>} : memref<128x48xf32, #tpu.memory_space<vmem>>, vector<16xf32>,
        %slice3A_705 = vector.extract_strided_slice %get3A_567 {offsets = [5], sizes = [1], strides = [1]} : vector<16xf32> to vector<1xf32>
        %squeeze3A_706 = vector.extract %slice3A_705[0] : f32 from vector<1xf32>
        %broadcast_in_dim3A_707 = vector.broadcast %squeeze3A_706 : f32 to vector<16xf32>
        %mul3A_708 = arith.constant 16 : i32
        %mul3A_709 = arith.muli %add3A_563, %mul3A_708 : i32
        %add3A_710 = arith.constant 5 : i32
        %add3A_711 = arith.addi %mul3A_709, %add3A_710 : i32
        %get3A_712 = arith.index_cast %add3A_711 : i32 to index
        %get3A_713 = arith.constant 0 : index
        %get3A_714 = tpu.vector_load %arg11[%get3A_712, %get3A_713] {strides = array<i32>} : memref<128x48xf32, #tpu.memory_space<vmem>>, vector<16xf32>,
        %mul3A_715 = arith.mulf %get3A_714, %broadcast_in_dim3A_707 : vector<16xf32>
        %swap3A_716 = arith.index_cast %add3A_711 : i32 to index
        %swap3A_717 = arith.constant 0 : index
        %swap3A_718 = tpu.vector_load %arg11[%swap3A_716, %swap3A_717] {strides = array<i32>} : memref<128x48xf32, #tpu.memory_space<vmem>>, vector<16xf32>,
        tpu.vector_store %arg11[%swap3A_716, %swap3A_717], %mul3A_715 {strides = array<i32>} : memref<128x48xf32, #tpu.memory_space<vmem>>, vector<16xf32>,
        %get3A_719 = arith.index_cast %add3A_711 : i32 to index
        %get3A_720 = arith.constant 16 : index
        %get3A_721 = tpu.vector_load %arg11[%get3A_719, %get3A_720] {strides = array<i32>} : memref<128x48xf32, #tpu.memory_space<vmem>>, vector<16xf32>,
        %mul3A_722 = arith.mulf %get3A_721, %broadcast_in_dim3A_707 : vector<16xf32>
        %swap3A_723 = arith.index_cast %add3A_711 : i32 to index
        %swap3A_724 = arith.constant 16 : index
        %swap3A_725 = tpu.vector_load %arg11[%swap3A_723, %swap3A_724] {strides = array<i32>} : memref<128x48xf32, #tpu.memory_space<vmem>>, vector<16xf32>,
        tpu.vector_store %arg11[%swap3A_723, %swap3A_724], %mul3A_722 {strides = array<i32>} : memref<128x48xf32, #tpu.memory_space<vmem>>, vector<16xf32>,
        %get3A_726 = arith.index_cast %add3A_711 : i32 to index
        %get3A_727 = arith.constant 32 : index
        %get3A_728 = tpu.vector_load %arg11[%get3A_726, %get3A_727] {strides = array<i32>} : memref<128x48xf32, #tpu.memory_space<vmem>>, vector<16xf32>,
        %mul3A_729 = arith.mulf %get3A_728, %broadcast_in_dim3A_707 : vector<16xf32>
        %swap3A_730 = arith.index_cast %add3A_711 : i32 to index
        %swap3A_731 = arith.constant 32 : index
        %swap3A_732 = tpu.vector_load %arg11[%swap3A_730, %swap3A_731] {strides = array<i32>} : memref<128x48xf32, #tpu.memory_space<vmem>>, vector<16xf32>,
        tpu.vector_store %arg11[%swap3A_730, %swap3A_731], %mul3A_729 {strides = array<i32>} : memref<128x48xf32, #tpu.memory_space<vmem>>, vector<16xf32>,
        %slice3A_733 = vector.extract_strided_slice %get3A_567 {offsets = [6], sizes = [1], strides = [1]} : vector<16xf32> to vector<1xf32>
        %squeeze3A_734 = vector.extract %slice3A_733[0] : f32 from vector<1xf32>
        %broadcast_in_dim3A_735 = vector.broadcast %squeeze3A_734 : f32 to vector<16xf32>
        %mul3A_736 = arith.constant 16 : i32
        %mul3A_737 = arith.muli %add3A_563, %mul3A_736 : i32
        %add3A_738 = arith.constant 6 : i32
        %add3A_739 = arith.addi %mul3A_737, %add3A_738 : i32
        %get3A_740 = arith.index_cast %add3A_739 : i32 to index
        %get3A_741 = arith.constant 0 : index
        %get3A_742 = tpu.vector_load %arg11[%get3A_740, %get3A_741] {strides = array<i32>} : memref<128x48xf32, #tpu.memory_space<vmem>>, vector<16xf32>,
        %mul3A_743 = arith.mulf %get3A_742, %broadcast_in_dim3A_735 : vector<16xf32>
        %swap3A_744 = arith.index_cast %add3A_739 : i32 to index
        %swap3A_745 = arith.constant 0 : index
        %swap3A_746 = tpu.vector_load %arg11[%swap3A_744, %swap3A_745] {strides = array<i32>} : memref<128x48xf32, #tpu.memory_space<vmem>>, vector<16xf32>,
        tpu.vector_store %arg11[%swap3A_744, %swap3A_745], %mul3A_743 {strides = array<i32>} : memref<128x48xf32, #tpu.memory_space<vmem>>, vector<16xf32>,
        %get3A_747 = arith.index_cast %add3A_739 : i32 to index
        %get3A_748 = arith.constant 16 : index
        %get3A_749 = tpu.vector_load %arg11[%get3A_747, %get3A_748] {strides = array<i32>} : memref<128x48xf32, #tpu.memory_space<vmem>>, vector<16xf32>,
        %mul3A_750 = arith.mulf %get3A_749, %broadcast_in_dim3A_735 : vector<16xf32>
        %swap3A_751 = arith.index_cast %add3A_739 : i32 to index
        %swap3A_752 = arith.constant 16 : index
        %swap3A_753 = tpu.vector_load %arg11[%swap3A_751, %swap3A_752] {strides = array<i32>} : memref<128x48xf32, #tpu.memory_space<vmem>>, vector<16xf32>,
        tpu.vector_store %arg11[%swap3A_751, %swap3A_752], %mul3A_750 {strides = array<i32>} : memref<128x48xf32, #tpu.memory_space<vmem>>, vector<16xf32>,
        %get3A_754 = arith.index_cast %add3A_739 : i32 to index
        %get3A_755 = arith.constant 32 : index
        %get3A_756 = tpu.vector_load %arg11[%get3A_754, %get3A_755] {strides = array<i32>} : memref<128x48xf32, #tpu.memory_space<vmem>>, vector<16xf32>,
        %mul3A_757 = arith.mulf %get3A_756, %broadcast_in_dim3A_735 : vector<16xf32>
        %swap3A_758 = arith.index_cast %add3A_739 : i32 to index
        %swap3A_759 = arith.constant 32 : index
        %swap3A_760 = tpu.vector_load %arg11[%swap3A_758, %swap3A_759] {strides = array<i32>} : memref<128x48xf32, #tpu.memory_space<vmem>>, vector<16xf32>,
        tpu.vector_store %arg11[%swap3A_758, %swap3A_759], %mul3A_757 {strides = array<i32>} : memref<128x48xf32, #tpu.memory_space<vmem>>, vector<16xf32>,
        %slice3A_761 = vector.extract_strided_slice %get3A_567 {offsets = [7], sizes = [1], strides = [1]} : vector<16xf32> to vector<1xf32>
        %squeeze3A_762 = vector.extract %slice3A_761[0] : f32 from vector<1xf32>
        %broadcast_in_dim3A_763 = vector.broadcast %squeeze3A_762 : f32 to vector<16xf32>
        %mul3A_764 = arith.constant 16 : i32
        %mul3A_765 = arith.muli %add3A_563, %mul3A_764 : i32
        %add3A_766 = arith.constant 7 : i32
        %add3A_767 = arith.addi %mul3A_765, %add3A_766 : i32
        %get3A_768 = arith.index_cast %add3A_767 : i32 to index
        %get3A_769 = arith.constant 0 : index
        %get3A_770 = tpu.vector_load %arg11[%get3A_768, %get3A_769] {strides = array<i32>} : memref<128x48xf32, #tpu.memory_space<vmem>>, vector<16xf32>,
        %mul3A_771 = arith.mulf %get3A_770, %broadcast_in_dim3A_763 : vector<16xf32>
        %swap3A_772 = arith.index_cast %add3A_767 : i32 to index
        %swap3A_773 = arith.constant 0 : index
        %swap3A_774 = tpu.vector_load %arg11[%swap3A_772, %swap3A_773] {strides = array<i32>} : memref<128x48xf32, #tpu.memory_space<vmem>>, vector<16xf32>,
        tpu.vector_store %arg11[%swap3A_772, %swap3A_773], %mul3A_771 {strides = array<i32>} : memref<128x48xf32, #tpu.memory_space<vmem>>, vector<16xf32>,
        %get3A_775 = arith.index_cast %add3A_767 : i32 to index
        %get3A_776 = arith.constant 16 : index
        %get3A_777 = tpu.vector_load %arg11[%get3A_775, %get3A_776] {strides = array<i32>} : memref<128x48xf32, #tpu.memory_space<vmem>>, vector<16xf32>,
        %mul3A_778 = arith.mulf %get3A_777, %broadcast_in_dim3A_763 : vector<16xf32>
        %swap3A_779 = arith.index_cast %add3A_767 : i32 to index
        %swap3A_780 = arith.constant 16 : index
        %swap3A_781 = tpu.vector_load %arg11[%swap3A_779, %swap3A_780] {strides = array<i32>} : memref<128x48xf32, #tpu.memory_space<vmem>>, vector<16xf32>,
        tpu.vector_store %arg11[%swap3A_779, %swap3A_780], %mul3A_778 {strides = array<i32>} : memref<128x48xf32, #tpu.memory_space<vmem>>, vector<16xf32>,
        %get3A_782 = arith.index_cast %add3A_767 : i32 to index
        %get3A_783 = arith.constant 32 : index
        %get3A_784 = tpu.vector_load %arg11[%get3A_782, %get3A_783] {strides = array<i32>} : memref<128x48xf32, #tpu.memory_space<vmem>>, vector<16xf32>,
        %mul3A_785 = arith.mulf %get3A_784, %broadcast_in_dim3A_763 : vector<16xf32>
        %swap3A_786 = arith.index_cast %add3A_767 : i32 to index
        %swap3A_787 = arith.constant 32 : index
        %swap3A_788 = tpu.vector_load %arg11[%swap3A_786, %swap3A_787] {strides = array<i32>} : memref<128x48xf32, #tpu.memory_space<vmem>>, vector<16xf32>,
        tpu.vector_store %arg11[%swap3A_786, %swap3A_787], %mul3A_785 {strides = array<i32>} : memref<128x48xf32, #tpu.memory_space<vmem>>, vector<16xf32>,
        %slice3A_789 = vector.extract_strided_slice %get3A_567 {offsets = [8], sizes = [1], strides = [1]} : vector<16xf32> to vector<1xf32>
        %squeeze3A_790 = vector.extract %slice3A_789[0] : f32 from vector<1xf32>
        %broadcast_in_dim3A_791 = vector.broadcast %squeeze3A_790 : f32 to vector<16xf32>
        %mul3A_792 = arith.constant 16 : i32
        %mul3A_793 = arith.muli %add3A_563, %mul3A_792 : i32
        %add3A_794 = arith.constant 8 : i32
        %add3A_795 = arith.addi %mul3A_793, %add3A_794 : i32
        %get3A_796 = arith.index_cast %add3A_795 : i32 to index
        %get3A_797 = arith.constant 0 : index
        %get3A_798 = tpu.vector_load %arg11[%get3A_796, %get3A_797] {strides = array<i32>} : memref<128x48xf32, #tpu.memory_space<vmem>>, vector<16xf32>,
        %mul3A_799 = arith.mulf %get3A_798, %broadcast_in_dim3A_791 : vector<16xf32>
        %swap3A_800 = arith.index_cast %add3A_795 : i32 to index
        %swap3A_801 = arith.constant 0 : index
        %swap3A_802 = tpu.vector_load %arg11[%swap3A_800, %swap3A_801] {strides = array<i32>} : memref<128x48xf32, #tpu.memory_space<vmem>>, vector<16xf32>,
        tpu.vector_store %arg11[%swap3A_800, %swap3A_801], %mul3A_799 {strides = array<i32>} : memref<128x48xf32, #tpu.memory_space<vmem>>, vector<16xf32>,
        %get3A_803 = arith.index_cast %add3A_795 : i32 to index
        %get3A_804 = arith.constant 16 : index
        %get3A_805 = tpu.vector_load %arg11[%get3A_803, %get3A_804] {strides = array<i32>} : memref<128x48xf32, #tpu.memory_space<vmem>>, vector<16xf32>,
        %mul3A_806 = arith.mulf %get3A_805, %broadcast_in_dim3A_791 : vector<16xf32>
        %swap3A_807 = arith.index_cast %add3A_795 : i32 to index
        %swap3A_808 = arith.constant 16 : index
        %swap3A_809 = tpu.vector_load %arg11[%swap3A_807, %swap3A_808] {strides = array<i32>} : memref<128x48xf32, #tpu.memory_space<vmem>>, vector<16xf32>,
        tpu.vector_store %arg11[%swap3A_807, %swap3A_808], %mul3A_806 {strides = array<i32>} : memref<128x48xf32, #tpu.memory_space<vmem>>, vector<16xf32>,
        %get3A_810 = arith.index_cast %add3A_795 : i32 to index
        %get3A_811 = arith.constant 32 : index
        %get3A_812 = tpu.vector_load %arg11[%get3A_810, %get3A_811] {strides = array<i32>} : memref<128x48xf32, #tpu.memory_space<vmem>>, vector<16xf32>,
        %mul3A_813 = arith.mulf %get3A_812, %broadcast_in_dim3A_791 : vector<16xf32>
        %swap3A_814 = arith.index_cast %add3A_795 : i32 to index
        %swap3A_815 = arith.constant 32 : index
        %swap3A_816 = tpu.vector_load %arg11[%swap3A_814, %swap3A_815] {strides = array<i32>} : memref<128x48xf32, #tpu.memory_space<vmem>>, vector<16xf32>,
        tpu.vector_store %arg11[%swap3A_814, %swap3A_815], %mul3A_813 {strides = array<i32>} : memref<128x48xf32, #tpu.memory_space<vmem>>, vector<16xf32>,
        %slice3A_817 = vector.extract_strided_slice %get3A_567 {offsets = [9], sizes = [1], strides = [1]} : vector<16xf32> to vector<1xf32>
        %squeeze3A_818 = vector.extract %slice3A_817[0] : f32 from vector<1xf32>
        %broadcast_in_dim3A_819 = vector.broadcast %squeeze3A_818 : f32 to vector<16xf32>
        %mul3A_820 = arith.constant 16 : i32
        %mul3A_821 = arith.muli %add3A_563, %mul3A_820 : i32
        %add3A_822 = arith.constant 9 : i32
        %add3A_823 = arith.addi %mul3A_821, %add3A_822 : i32
        %get3A_824 = arith.index_cast %add3A_823 : i32 to index
        %get3A_825 = arith.constant 0 : index
        %get3A_826 = tpu.vector_load %arg11[%get3A_824, %get3A_825] {strides = array<i32>} : memref<128x48xf32, #tpu.memory_space<vmem>>, vector<16xf32>,
        %mul3A_827 = arith.mulf %get3A_826, %broadcast_in_dim3A_819 : vector<16xf32>
        %swap3A_828 = arith.index_cast %add3A_823 : i32 to index
        %swap3A_829 = arith.constant 0 : index
        %swap3A_830 = tpu.vector_load %arg11[%swap3A_828, %swap3A_829] {strides = array<i32>} : memref<128x48xf32, #tpu.memory_space<vmem>>, vector<16xf32>,
        tpu.vector_store %arg11[%swap3A_828, %swap3A_829], %mul3A_827 {strides = array<i32>} : memref<128x48xf32, #tpu.memory_space<vmem>>, vector<16xf32>,
        %get3A_831 = arith.index_cast %add3A_823 : i32 to index
        %get3A_832 = arith.constant 16 : index
        %get3A_833 = tpu.vector_load %arg11[%get3A_831, %get3A_832] {strides = array<i32>} : memref<128x48xf32, #tpu.memory_space<vmem>>, vector<16xf32>,
        %mul3A_834 = arith.mulf %get3A_833, %broadcast_in_dim3A_819 : vector<16xf32>
        %swap3A_835 = arith.index_cast %add3A_823 : i32 to index
        %swap3A_836 = arith.constant 16 : index
        %swap3A_837 = tpu.vector_load %arg11[%swap3A_835, %swap3A_836] {strides = array<i32>} : memref<128x48xf32, #tpu.memory_space<vmem>>, vector<16xf32>,
        tpu.vector_store %arg11[%swap3A_835, %swap3A_836], %mul3A_834 {strides = array<i32>} : memref<128x48xf32, #tpu.memory_space<vmem>>, vector<16xf32>,
        %get3A_838 = arith.index_cast %add3A_823 : i32 to index
        %get3A_839 = arith.constant 32 : index
        %get3A_840 = tpu.vector_load %arg11[%get3A_838, %get3A_839] {strides = array<i32>} : memref<128x48xf32, #tpu.memory_space<vmem>>, vector<16xf32>,
        %mul3A_841 = arith.mulf %get3A_840, %broadcast_in_dim3A_819 : vector<16xf32>
        %swap3A_842 = arith.index_cast %add3A_823 : i32 to index
        %swap3A_843 = arith.constant 32 : index
        %swap3A_844 = tpu.vector_load %arg11[%swap3A_842, %swap3A_843] {strides = array<i32>} : memref<128x48xf32, #tpu.memory_space<vmem>>, vector<16xf32>,
        tpu.vector_store %arg11[%swap3A_842, %swap3A_843], %mul3A_841 {strides = array<i32>} : memref<128x48xf32, #tpu.memory_space<vmem>>, vector<16xf32>,
        %slice3A_845 = vector.extract_strided_slice %get3A_567 {offsets = [10], sizes = [1], strides = [1]} : vector<16xf32> to vector<1xf32>
        %squeeze3A_846 = vector.extract %slice3A_845[0] : f32 from vector<1xf32>
        %broadcast_in_dim3A_847 = vector.broadcast %squeeze3A_846 : f32 to vector<16xf32>
        %mul3A_848 = arith.constant 16 : i32
        %mul3A_849 = arith.muli %add3A_563, %mul3A_848 : i32
        %add3A_850 = arith.constant 10 : i32
        %add3A_851 = arith.addi %mul3A_849, %add3A_850 : i32
        %get3A_852 = arith.index_cast %add3A_851 : i32 to index
        %get3A_853 = arith.constant 0 : index
        %get3A_854 = tpu.vector_load %arg11[%get3A_852, %get3A_853] {strides = array<i32>} : memref<128x48xf32, #tpu.memory_space<vmem>>, vector<16xf32>,
        %mul3A_855 = arith.mulf %get3A_854, %broadcast_in_dim3A_847 : vector<16xf32>
        %swap3A_856 = arith.index_cast %add3A_851 : i32 to index
        %swap3A_857 = arith.constant 0 : index
        %swap3A_858 = tpu.vector_load %arg11[%swap3A_856, %swap3A_857] {strides = array<i32>} : memref<128x48xf32, #tpu.memory_space<vmem>>, vector<16xf32>,
        tpu.vector_store %arg11[%swap3A_856, %swap3A_857], %mul3A_855 {strides = array<i32>} : memref<128x48xf32, #tpu.memory_space<vmem>>, vector<16xf32>,
        %get3A_859 = arith.index_cast %add3A_851 : i32 to index
        %get3A_860 = arith.constant 16 : index
        %get3A_861 = tpu.vector_load %arg11[%get3A_859, %get3A_860] {strides = array<i32>} : memref<128x48xf32, #tpu.memory_space<vmem>>, vector<16xf32>,
        %mul3A_862 = arith.mulf %get3A_861, %broadcast_in_dim3A_847 : vector<16xf32>
        %swap3A_863 = arith.index_cast %add3A_851 : i32 to index
        %swap3A_864 = arith.constant 16 : index
        %swap3A_865 = tpu.vector_load %arg11[%swap3A_863, %swap3A_864] {strides = array<i32>} : memref<128x48xf32, #tpu.memory_space<vmem>>, vector<16xf32>,
        tpu.vector_store %arg11[%swap3A_863, %swap3A_864], %mul3A_862 {strides = array<i32>} : memref<128x48xf32, #tpu.memory_space<vmem>>, vector<16xf32>,
        %get3A_866 = arith.index_cast %add3A_851 : i32 to index
        %get3A_867 = arith.constant 32 : index
        %get3A_868 = tpu.vector_load %arg11[%get3A_866, %get3A_867] {strides = array<i32>} : memref<128x48xf32, #tpu.memory_space<vmem>>, vector<16xf32>,
        %mul3A_869 = arith.mulf %get3A_868, %broadcast_in_dim3A_847 : vector<16xf32>
        %swap3A_870 = arith.index_cast %add3A_851 : i32 to index
        %swap3A_871 = arith.constant 32 : index
        %swap3A_872 = tpu.vector_load %arg11[%swap3A_870, %swap3A_871] {strides = array<i32>} : memref<128x48xf32, #tpu.memory_space<vmem>>, vector<16xf32>,
        tpu.vector_store %arg11[%swap3A_870, %swap3A_871], %mul3A_869 {strides = array<i32>} : memref<128x48xf32, #tpu.memory_space<vmem>>, vector<16xf32>,
        %slice3A_873 = vector.extract_strided_slice %get3A_567 {offsets = [11], sizes = [1], strides = [1]} : vector<16xf32> to vector<1xf32>
        %squeeze3A_874 = vector.extract %slice3A_873[0] : f32 from vector<1xf32>
        %broadcast_in_dim3A_875 = vector.broadcast %squeeze3A_874 : f32 to vector<16xf32>
        %mul3A_876 = arith.constant 16 : i32
        %mul3A_877 = arith.muli %add3A_563, %mul3A_876 : i32
        %add3A_878 = arith.constant 11 : i32
        %add3A_879 = arith.addi %mul3A_877, %add3A_878 : i32
        %get3A_880 = arith.index_cast %add3A_879 : i32 to index
        %get3A_881 = arith.constant 0 : index
        %get3A_882 = tpu.vector_load %arg11[%get3A_880, %get3A_881] {strides = array<i32>} : memref<128x48xf32, #tpu.memory_space<vmem>>, vector<16xf32>,
        %mul3A_883 = arith.mulf %get3A_882, %broadcast_in_dim3A_875 : vector<16xf32>
        %swap3A_884 = arith.index_cast %add3A_879 : i32 to index
        %swap3A_885 = arith.constant 0 : index
        %swap3A_886 = tpu.vector_load %arg11[%swap3A_884, %swap3A_885] {strides = array<i32>} : memref<128x48xf32, #tpu.memory_space<vmem>>, vector<16xf32>,
        tpu.vector_store %arg11[%swap3A_884, %swap3A_885], %mul3A_883 {strides = array<i32>} : memref<128x48xf32, #tpu.memory_space<vmem>>, vector<16xf32>,
        %get3A_887 = arith.index_cast %add3A_879 : i32 to index
        %get3A_888 = arith.constant 16 : index
        %get3A_889 = tpu.vector_load %arg11[%get3A_887, %get3A_888] {strides = array<i32>} : memref<128x48xf32, #tpu.memory_space<vmem>>, vector<16xf32>,
        %mul3A_890 = arith.mulf %get3A_889, %broadcast_in_dim3A_875 : vector<16xf32>
        %swap3A_891 = arith.index_cast %add3A_879 : i32 to index
        %swap3A_892 = arith.constant 16 : index
        %swap3A_893 = tpu.vector_load %arg11[%swap3A_891, %swap3A_892] {strides = array<i32>} : memref<128x48xf32, #tpu.memory_space<vmem>>, vector<16xf32>,
        tpu.vector_store %arg11[%swap3A_891, %swap3A_892], %mul3A_890 {strides = array<i32>} : memref<128x48xf32, #tpu.memory_space<vmem>>, vector<16xf32>,
        %get3A_894 = arith.index_cast %add3A_879 : i32 to index
        %get3A_895 = arith.constant 32 : index
        %get3A_896 = tpu.vector_load %arg11[%get3A_894, %get3A_895] {strides = array<i32>} : memref<128x48xf32, #tpu.memory_space<vmem>>, vector<16xf32>,
        %mul3A_897 = arith.mulf %get3A_896, %broadcast_in_dim3A_875 : vector<16xf32>
        %swap3A_898 = arith.index_cast %add3A_879 : i32 to index
        %swap3A_899 = arith.constant 32 : index
        %swap3A_900 = tpu.vector_load %arg11[%swap3A_898, %swap3A_899] {strides = array<i32>} : memref<128x48xf32, #tpu.memory_space<vmem>>, vector<16xf32>,
        tpu.vector_store %arg11[%swap3A_898, %swap3A_899], %mul3A_897 {strides = array<i32>} : memref<128x48xf32, #tpu.memory_space<vmem>>, vector<16xf32>,
        %slice3A_901 = vector.extract_strided_slice %get3A_567 {offsets = [12], sizes = [1], strides = [1]} : vector<16xf32> to vector<1xf32>
        %squeeze3A_902 = vector.extract %slice3A_901[0] : f32 from vector<1xf32>
        %broadcast_in_dim3A_903 = vector.broadcast %squeeze3A_902 : f32 to vector<16xf32>
        %mul3A_904 = arith.constant 16 : i32
        %mul3A_905 = arith.muli %add3A_563, %mul3A_904 : i32
        %add3A_906 = arith.constant 12 : i32
        %add3A_907 = arith.addi %mul3A_905, %add3A_906 : i32
        %get3A_908 = arith.index_cast %add3A_907 : i32 to index
        %get3A_909 = arith.constant 0 : index
        %get3A_910 = tpu.vector_load %arg11[%get3A_908, %get3A_909] {strides = array<i32>} : memref<128x48xf32, #tpu.memory_space<vmem>>, vector<16xf32>,
        %mul3A_911 = arith.mulf %get3A_910, %broadcast_in_dim3A_903 : vector<16xf32>
        %swap3A_912 = arith.index_cast %add3A_907 : i32 to index
        %swap3A_913 = arith.constant 0 : index
        %swap3A_914 = tpu.vector_load %arg11[%swap3A_912, %swap3A_913] {strides = array<i32>} : memref<128x48xf32, #tpu.memory_space<vmem>>, vector<16xf32>,
        tpu.vector_store %arg11[%swap3A_912, %swap3A_913], %mul3A_911 {strides = array<i32>} : memref<128x48xf32, #tpu.memory_space<vmem>>, vector<16xf32>,
        %get3A_915 = arith.index_cast %add3A_907 : i32 to index
        %get3A_916 = arith.constant 16 : index
        %get3A_917 = tpu.vector_load %arg11[%get3A_915, %get3A_916] {strides = array<i32>} : memref<128x48xf32, #tpu.memory_space<vmem>>, vector<16xf32>,
        %mul3A_918 = arith.mulf %get3A_917, %broadcast_in_dim3A_903 : vector<16xf32>
        %swap3A_919 = arith.index_cast %add3A_907 : i32 to index
        %swap3A_920 = arith.constant 16 : index
        %swap3A_921 = tpu.vector_load %arg11[%swap3A_919, %swap3A_920] {strides = array<i32>} : memref<128x48xf32, #tpu.memory_space<vmem>>, vector<16xf32>,
        tpu.vector_store %arg11[%swap3A_919, %swap3A_920], %mul3A_918 {strides = array<i32>} : memref<128x48xf32, #tpu.memory_space<vmem>>, vector<16xf32>,
        %get3A_922 = arith.index_cast %add3A_907 : i32 to index
        %get3A_923 = arith.constant 32 : index
        %get3A_924 = tpu.vector_load %arg11[%get3A_922, %get3A_923] {strides = array<i32>} : memref<128x48xf32, #tpu.memory_space<vmem>>, vector<16xf32>,
        %mul3A_925 = arith.mulf %get3A_924, %broadcast_in_dim3A_903 : vector<16xf32>
        %swap3A_926 = arith.index_cast %add3A_907 : i32 to index
        %swap3A_927 = arith.constant 32 : index
        %swap3A_928 = tpu.vector_load %arg11[%swap3A_926, %swap3A_927] {strides = array<i32>} : memref<128x48xf32, #tpu.memory_space<vmem>>, vector<16xf32>,
        tpu.vector_store %arg11[%swap3A_926, %swap3A_927], %mul3A_925 {strides = array<i32>} : memref<128x48xf32, #tpu.memory_space<vmem>>, vector<16xf32>,
        %slice3A_929 = vector.extract_strided_slice %get3A_567 {offsets = [13], sizes = [1], strides = [1]} : vector<16xf32> to vector<1xf32>
        %squeeze3A_930 = vector.extract %slice3A_929[0] : f32 from vector<1xf32>
        %broadcast_in_dim3A_931 = vector.broadcast %squeeze3A_930 : f32 to vector<16xf32>
        %mul3A_932 = arith.constant 16 : i32
        %mul3A_933 = arith.muli %add3A_563, %mul3A_932 : i32
        %add3A_934 = arith.constant 13 : i32
        %add3A_935 = arith.addi %mul3A_933, %add3A_934 : i32
        %get3A_936 = arith.index_cast %add3A_935 : i32 to index
        %get3A_937 = arith.constant 0 : index
        %get3A_938 = tpu.vector_load %arg11[%get3A_936, %get3A_937] {strides = array<i32>} : memref<128x48xf32, #tpu.memory_space<vmem>>, vector<16xf32>,
        %mul3A_939 = arith.mulf %get3A_938, %broadcast_in_dim3A_931 : vector<16xf32>
        %swap3A_940 = arith.index_cast %add3A_935 : i32 to index
        %swap3A_941 = arith.constant 0 : index
        %swap3A_942 = tpu.vector_load %arg11[%swap3A_940, %swap3A_941] {strides = array<i32>} : memref<128x48xf32, #tpu.memory_space<vmem>>, vector<16xf32>,
        tpu.vector_store %arg11[%swap3A_940, %swap3A_941], %mul3A_939 {strides = array<i32>} : memref<128x48xf32, #tpu.memory_space<vmem>>, vector<16xf32>,
        %get3A_943 = arith.index_cast %add3A_935 : i32 to index
        %get3A_944 = arith.constant 16 : index
        %get3A_945 = tpu.vector_load %arg11[%get3A_943, %get3A_944] {strides = array<i32>} : memref<128x48xf32, #tpu.memory_space<vmem>>, vector<16xf32>,
        %mul3A_946 = arith.mulf %get3A_945, %broadcast_in_dim3A_931 : vector<16xf32>
        %swap3A_947 = arith.index_cast %add3A_935 : i32 to index
        %swap3A_948 = arith.constant 16 : index
        %swap3A_949 = tpu.vector_load %arg11[%swap3A_947, %swap3A_948] {strides = array<i32>} : memref<128x48xf32, #tpu.memory_space<vmem>>, vector<16xf32>,
        tpu.vector_store %arg11[%swap3A_947, %swap3A_948], %mul3A_946 {strides = array<i32>} : memref<128x48xf32, #tpu.memory_space<vmem>>, vector<16xf32>,
        %get3A_950 = arith.index_cast %add3A_935 : i32 to index
        %get3A_951 = arith.constant 32 : index
        %get3A_952 = tpu.vector_load %arg11[%get3A_950, %get3A_951] {strides = array<i32>} : memref<128x48xf32, #tpu.memory_space<vmem>>, vector<16xf32>,
        %mul3A_953 = arith.mulf %get3A_952, %broadcast_in_dim3A_931 : vector<16xf32>
        %swap3A_954 = arith.index_cast %add3A_935 : i32 to index
        %swap3A_955 = arith.constant 32 : index
        %swap3A_956 = tpu.vector_load %arg11[%swap3A_954, %swap3A_955] {strides = array<i32>} : memref<128x48xf32, #tpu.memory_space<vmem>>, vector<16xf32>,
        tpu.vector_store %arg11[%swap3A_954, %swap3A_955], %mul3A_953 {strides = array<i32>} : memref<128x48xf32, #tpu.memory_space<vmem>>, vector<16xf32>,
        %slice3A_957 = vector.extract_strided_slice %get3A_567 {offsets = [14], sizes = [1], strides = [1]} : vector<16xf32> to vector<1xf32>
        %squeeze3A_958 = vector.extract %slice3A_957[0] : f32 from vector<1xf32>
        %broadcast_in_dim3A_959 = vector.broadcast %squeeze3A_958 : f32 to vector<16xf32>
        %mul3A_960 = arith.constant 16 : i32
        %mul3A_961 = arith.muli %add3A_563, %mul3A_960 : i32
        %add3A_962 = arith.constant 14 : i32
        %add3A_963 = arith.addi %mul3A_961, %add3A_962 : i32
        %get3A_964 = arith.index_cast %add3A_963 : i32 to index
        %get3A_965 = arith.constant 0 : index
        %get3A_966 = tpu.vector_load %arg11[%get3A_964, %get3A_965] {strides = array<i32>} : memref<128x48xf32, #tpu.memory_space<vmem>>, vector<16xf32>,
        %mul3A_967 = arith.mulf %get3A_966, %broadcast_in_dim3A_959 : vector<16xf32>
        %swap3A_968 = arith.index_cast %add3A_963 : i32 to index
        %swap3A_969 = arith.constant 0 : index
        %swap3A_970 = tpu.vector_load %arg11[%swap3A_968, %swap3A_969] {strides = array<i32>} : memref<128x48xf32, #tpu.memory_space<vmem>>, vector<16xf32>,
        tpu.vector_store %arg11[%swap3A_968, %swap3A_969], %mul3A_967 {strides = array<i32>} : memref<128x48xf32, #tpu.memory_space<vmem>>, vector<16xf32>,
        %get3A_971 = arith.index_cast %add3A_963 : i32 to index
        %get3A_972 = arith.constant 16 : index
        %get3A_973 = tpu.vector_load %arg11[%get3A_971, %get3A_972] {strides = array<i32>} : memref<128x48xf32, #tpu.memory_space<vmem>>, vector<16xf32>,
        %mul3A_974 = arith.mulf %get3A_973, %broadcast_in_dim3A_959 : vector<16xf32>
        %swap3A_975 = arith.index_cast %add3A_963 : i32 to index
        %swap3A_976 = arith.constant 16 : index
        %swap3A_977 = tpu.vector_load %arg11[%swap3A_975, %swap3A_976] {strides = array<i32>} : memref<128x48xf32, #tpu.memory_space<vmem>>, vector<16xf32>,
        tpu.vector_store %arg11[%swap3A_975, %swap3A_976], %mul3A_974 {strides = array<i32>} : memref<128x48xf32, #tpu.memory_space<vmem>>, vector<16xf32>,
        %get3A_978 = arith.index_cast %add3A_963 : i32 to index
        %get3A_979 = arith.constant 32 : index
        %get3A_980 = tpu.vector_load %arg11[%get3A_978, %get3A_979] {strides = array<i32>} : memref<128x48xf32, #tpu.memory_space<vmem>>, vector<16xf32>,
        %mul3A_981 = arith.mulf %get3A_980, %broadcast_in_dim3A_959 : vector<16xf32>
        %swap3A_982 = arith.index_cast %add3A_963 : i32 to index
        %swap3A_983 = arith.constant 32 : index
        %swap3A_984 = tpu.vector_load %arg11[%swap3A_982, %swap3A_983] {strides = array<i32>} : memref<128x48xf32, #tpu.memory_space<vmem>>, vector<16xf32>,
        tpu.vector_store %arg11[%swap3A_982, %swap3A_983], %mul3A_981 {strides = array<i32>} : memref<128x48xf32, #tpu.memory_space<vmem>>, vector<16xf32>,
        %slice3A_985 = vector.extract_strided_slice %get3A_567 {offsets = [15], sizes = [1], strides = [1]} : vector<16xf32> to vector<1xf32>
        %squeeze3A_986 = vector.extract %slice3A_985[0] : f32 from vector<1xf32>
        %broadcast_in_dim3A_987 = vector.broadcast %squeeze3A_986 : f32 to vector<16xf32>
        %mul3A_988 = arith.constant 16 : i32
        %mul3A_989 = arith.muli %add3A_563, %mul3A_988 : i32
        %add3A_990 = arith.constant 15 : i32
        %add3A_991 = arith.addi %mul3A_989, %add3A_990 : i32
        %get3A_992 = arith.index_cast %add3A_991 : i32 to index
        %get3A_993 = arith.constant 0 : index
        %get3A_994 = tpu.vector_load %arg11[%get3A_992, %get3A_993] {strides = array<i32>} : memref<128x48xf32, #tpu.memory_space<vmem>>, vector<16xf32>,
        %mul3A_995 = arith.mulf %get3A_994, %broadcast_in_dim3A_987 : vector<16xf32>
        %swap3A_996 = arith.index_cast %add3A_991 : i32 to index
        %swap3A_997 = arith.constant 0 : index
        %swap3A_998 = tpu.vector_load %arg11[%swap3A_996, %swap3A_997] {strides = array<i32>} : memref<128x48xf32, #tpu.memory_space<vmem>>, vector<16xf32>,
        tpu.vector_store %arg11[%swap3A_996, %swap3A_997], %mul3A_995 {strides = array<i32>} : memref<128x48xf32, #tpu.memory_space<vmem>>, vector<16xf32>,
        %get3A_999 = arith.index_cast %add3A_991 : i32 to index
        %get3A_1000 = arith.constant 16 : index
        %get3A_1001 = tpu.vector_load %arg11[%get3A_999, %get3A_1000] {strides = array<i32>} : memref<128x48xf32, #tpu.memory_space<vmem>>, vector<16xf32>,
        %mul3A_1002 = arith.mulf %get3A_1001, %broadcast_in_dim3A_987 : vector<16xf32>
        %swap3A_1003 = arith.index_cast %add3A_991 : i32 to index
        %swap3A_1004 = arith.constant 16 : index
        %swap3A_1005 = tpu.vector_load %arg11[%swap3A_1003, %swap3A_1004] {strides = array<i32>} : memref<128x48xf32, #tpu.memory_space<vmem>>, vector<16xf32>,
        tpu.vector_store %arg11[%swap3A_1003, %swap3A_1004], %mul3A_1002 {strides = array<i32>} : memref<128x48xf32, #tpu.memory_space<vmem>>, vector<16xf32>,
        %get3A_1006 = arith.index_cast %add3A_991 : i32 to index
        %get3A_1007 = arith.constant 32 : index
        %get3A_1008 = tpu.vector_load %arg11[%get3A_1006, %get3A_1007] {strides = array<i32>} : memref<128x48xf32, #tpu.memory_space<vmem>>, vector<16xf32>,
        %mul3A_1009 = arith.mulf %get3A_1008, %broadcast_in_dim3A_987 : vector<16xf32>
        %swap3A_1010 = arith.index_cast %add3A_991 : i32 to index
        %swap3A_1011 = arith.constant 32 : index
        %swap3A_1012 = tpu.vector_load %arg11[%swap3A_1010, %swap3A_1011] {strides = array<i32>} : memref<128x48xf32, #tpu.memory_space<vmem>>, vector<16xf32>,
        tpu.vector_store %arg11[%swap3A_1010, %swap3A_1011], %mul3A_1009 {strides = array<i32>} : memref<128x48xf32, #tpu.memory_space<vmem>>, vector<16xf32>,
      }
      %scan3A_284 = arith.constant 8 : i32
      "tpu.region"() ({
        %run_scoped3A = tpu.sem_alloc : memref<!tpu.dma_semaphore, #tpu.memory_space<semaphore_mem>>
        %dma_start3A_559 = arith.constant 0 : i32
        %dma_start3A_560 = tpu.memref_slice %arg10[%mul3A_33, %dma_start3A_559] : memref<80x128xi32, #tpu.memory_space<vmem>> -> memref<1x128xi32, #tpu.memory_space<vmem>>
        %dma_start3A_561 = tpu.memref_squeeze %dma_start3A_560 : memref<1x128xi32, #tpu.memory_space<vmem>> -> memref<128xi32, #tpu.memory_space<vmem>>
        %dma_start3A_562 = arith.constant 0 : i32
        %dma_start3A_563 = arith.constant 0 : i32
        %dma_start3A_564 = tpu.memref_slice %arg14[%dma_start3A_562, %dma_start3A_563] : memref<10240x48xf32, #tpu.memory_space<vmem_shared>> -> memref<10240x48xf32, #tpu.memory_space<vmem_shared>>
        tpu.enqueue_indirect_dma source(%arg11 : memref<128x48xf32, #tpu.memory_space<vmem>>) target(%dma_start3A_564 : memref<10240x48xf32, #tpu.memory_space<vmem_shared>>) offsets(%dma_start3A_561 : memref<128xi32, #tpu.memory_space<vmem>>) semaphore(%run_scoped3A : memref<!tpu.dma_semaphore, #tpu.memory_space<semaphore_mem>>) {add = true}
        %dma_wait3A_565 = arith.constant 0 : i32
        %dma_wait3A_566 = tpu.memref_slice %arg10[%mul3A_33, %dma_wait3A_565] : memref<80x128xi32, #tpu.memory_space<vmem>> -> memref<1x128xi32, #tpu.memory_space<vmem>>
        %dma_wait3A_567 = tpu.memref_squeeze %dma_wait3A_566 : memref<1x128xi32, #tpu.memory_space<vmem>> -> memref<128xi32, #tpu.memory_space<vmem>>
        %dma_wait3A_568 = arith.constant 0 : i32
        %dma_wait3A_569 = arith.constant 0 : i32
        %dma_wait3A_570 = tpu.memref_slice %arg14[%dma_wait3A_568, %dma_wait3A_569] : memref<10240x48xf32, #tpu.memory_space<vmem_shared>> -> memref<10240x48xf32, #tpu.memory_space<vmem_shared>>
        tpu.wait_indirect_dma semaphore(%run_scoped3A : memref<!tpu.dma_semaphore, #tpu.memory_space<semaphore_mem>>) src(%arg11 : memref<128x48xf32, #tpu.memory_space<vmem>>) dst(%dma_wait3A_570 : memref<10240x48xf32, #tpu.memory_space<vmem_shared>>)
        tpu.yield
      }) : () -> ()
      %add3A_285 = arith.constant 2 : i32
      %add3A_286 = arith.addi %mul3A_33, %add3A_285 : i32
      %lt3A = arith.constant 80 : i32
      %lt3A_287 = arith.cmpi slt, %add3A_286, %lt3A : i32
      %convert_element_type3A = arith.extui %lt3A_287 : i1 to i32
      %cond3A = arith.constant 0 : i32
      %cond3A_288 = arith.cmpi ne, %convert_element_type3A, %cond3A : i32
      scf.if %cond3A_288 {
        %add3A_559 = arith.constant 2 : i32
        %add3A_560 = arith.addi %mul3A_33, %add3A_559 : i32
        %dma_start3A_561 = arith.constant 0 : i32
        %dma_start3A_562 = tpu.memref_slice %arg9[%add3A_560, %dma_start3A_561] : memref<80x128xi32, #tpu.memory_space<vmem>> -> memref<1x128xi32, #tpu.memory_space<vmem>>
        %dma_start3A_563 = tpu.memref_squeeze %dma_start3A_562 : memref<1x128xi32, #tpu.memory_space<vmem>> -> memref<128xi32, #tpu.memory_space<vmem>>
        %dma_start3A_564 = arith.constant 0 : i32
        %dma_start3A_565 = arith.constant 0 : i32
        %dma_start3A_566 = tpu.memref_slice %arg2[%dma_start3A_564, %dma_start3A_565] : memref<10000x48xf32, #tpu.memory_space<hbm>> -> memref<10000x48xf32, #tpu.memory_space<hbm>>
        tpu.enqueue_indirect_dma source(%dma_start3A_566 : memref<10000x48xf32, #tpu.memory_space<hbm>>) target(%arg11 : memref<128x48xf32, #tpu.memory_space<vmem>>) offsets(%dma_start3A_563 : memref<128xi32, #tpu.memory_space<vmem>>) semaphore(%arg15 : memref<!tpu.dma_semaphore, #tpu.memory_space<semaphore_mem>>)
      } else {
      }
      %mul3A_289 = arith.constant 2 : i32
      %mul3A_290 = arith.muli %add3A_31, %mul3A_289 : i32
      %add3A_291 = arith.constant 1 : i32
      %add3A_292 = arith.addi %mul3A_290, %add3A_291 : i32
      %dma_wait3A_293 = arith.constant 0 : i32
      %dma_wait3A_294 = tpu.memref_slice %arg9[%add3A_292, %dma_wait3A_293] : memref<80x128xi32, #tpu.memory_space<vmem>> -> memref<1x128xi32, #tpu.memory_space<vmem>>
      %dma_wait3A_295 = tpu.memref_squeeze %dma_wait3A_294 : memref<1x128xi32, #tpu.memory_space<vmem>> -> memref<128xi32, #tpu.memory_space<vmem>>
      %dma_wait3A_296 = arith.constant 0 : i32
      %dma_wait3A_297 = arith.constant 0 : i32
      %dma_wait3A_298 = tpu.memref_slice %arg2[%dma_wait3A_296, %dma_wait3A_297] : memref<10000x48xf32, #tpu.memory_space<hbm>> -> memref<10000x48xf32, #tpu.memory_space<hbm>>
      tpu.wait_indirect_dma semaphore(%arg16 : memref<!tpu.dma_semaphore, #tpu.memory_space<semaphore_mem>>) src(%dma_wait3A_298 : memref<10000x48xf32, #tpu.memory_space<hbm>>) dst(%arg12 : memref<128x48xf32, #tpu.memory_space<vmem>>)
      %get3A_299 = arith.index_cast %add3A_292 : i32 to index
      %get3A_300 = arith.constant 0 : index
      %get3A_301 = tpu.vector_load %arg9[%get3A_299, %get3A_300] {strides = array<i32>} : memref<80x128xi32, #tpu.memory_space<vmem>>, vector<16xi32>,
      %get3A_302 = arith.index_cast %add3A_292 : i32 to index
      %get3A_303 = arith.constant 0 : index
      %get3A_304 = tpu.vector_load %arg10[%get3A_302, %get3A_303] {strides = array<i32>} : memref<80x128xi32, #tpu.memory_space<vmem>>, vector<16xi32>,
      %min3A_305 = arith.constant 9999 : i32
      %min3A_306 = vector.broadcast %min3A_305 : i32 to vector<16xi32>
      %min3A_307 = arith.minsi %get3A_304, %min3A_306 : vector<16xi32>
      %mul3A_308 = arith.constant 2 : i32
      %mul3A_309 = vector.broadcast %mul3A_308 : i32 to vector<16xi32>
      %mul3A_310 = arith.muli %get3A_301, %mul3A_309 : vector<16xi32>
      %gather3A_311 = tpu.vector_load_idx %arg8[%mul3A_310] : memref<20000xf32, #tpu.memory_space<vmem>>[vector<16xi32>], vector<16xf32>,
      %mul3A_312 = arith.constant 2 : i32
      %mul3A_313 = vector.broadcast %mul3A_312 : i32 to vector<16xi32>
      %mul3A_314 = arith.muli %min3A_307, %mul3A_313 : vector<16xi32>
      %add3A_315 = arith.constant 1 : i32
      %add3A_316 = vector.broadcast %add3A_315 : i32 to vector<16xi32>
      %add3A_317 = arith.addi %mul3A_314, %add3A_316 : vector<16xi32>
      %gather3A_318 = tpu.vector_load_idx %arg8[%add3A_317] : memref<20000xf32, #tpu.memory_space<vmem>>[vector<16xi32>], vector<16xf32>,
      %add3A_319 = arith.addf %gather3A_311, %gather3A_318 : vector<16xf32>
      %ge3A_320 = arith.constant 0.000000e+00 : f32
      %ge3A_321 = vector.broadcast %ge3A_320 : f32 to vector<16xf32>
      %ge3A_322 = arith.cmpf oge, %add3A_319, %ge3A_321 : vector<16xf32>
      %mul3A_323 = arith.constant 2.000000e-01 : f32
      %mul3A_324 = vector.broadcast %mul3A_323 : f32 to vector<16xf32>
      %mul3A_325 = arith.mulf %add3A_319, %mul3A_324 : vector<16xf32>
      %select_n3A_326 = arith.select %ge3A_322, %add3A_319, %mul3A_325 : vector<16xi1>, vector<16xf32>
      %exp3A_327 = math.exp %select_n3A_326 : vector<16xf32>
      %swap3A_328 = arith.constant 0 : index
      %swap3A_329 = tpu.vector_load %arg13[%swap3A_328] {strides = array<i32>} : memref<128xf32, #tpu.memory_space<vmem>>, vector<16xf32>,
      tpu.vector_store %arg13[%swap3A_328], %exp3A_327 {strides = array<i32>} : memref<128xf32, #tpu.memory_space<vmem>>, vector<16xf32>,
      %get3A_330 = arith.index_cast %add3A_292 : i32 to index
      %get3A_331 = arith.constant 16 : index
      %get3A_332 = tpu.vector_load %arg9[%get3A_330, %get3A_331] {strides = array<i32>} : memref<80x128xi32, #tpu.memory_space<vmem>>, vector<16xi32>,
      %get3A_333 = arith.index_cast %add3A_292 : i32 to index
      %get3A_334 = arith.constant 16 : index
      %get3A_335 = tpu.vector_load %arg10[%get3A_333, %get3A_334] {strides = array<i32>} : memref<80x128xi32, #tpu.memory_space<vmem>>, vector<16xi32>,
      %min3A_336 = arith.constant 9999 : i32
      %min3A_337 = vector.broadcast %min3A_336 : i32 to vector<16xi32>
      %min3A_338 = arith.minsi %get3A_335, %min3A_337 : vector<16xi32>
      %mul3A_339 = arith.constant 2 : i32
      %mul3A_340 = vector.broadcast %mul3A_339 : i32 to vector<16xi32>
      %mul3A_341 = arith.muli %get3A_332, %mul3A_340 : vector<16xi32>
      %gather3A_342 = tpu.vector_load_idx %arg8[%mul3A_341] : memref<20000xf32, #tpu.memory_space<vmem>>[vector<16xi32>], vector<16xf32>,
      %mul3A_343 = arith.constant 2 : i32
      %mul3A_344 = vector.broadcast %mul3A_343 : i32 to vector<16xi32>
      %mul3A_345 = arith.muli %min3A_338, %mul3A_344 : vector<16xi32>
      %add3A_346 = arith.constant 1 : i32
      %add3A_347 = vector.broadcast %add3A_346 : i32 to vector<16xi32>
      %add3A_348 = arith.addi %mul3A_345, %add3A_347 : vector<16xi32>
      %gather3A_349 = tpu.vector_load_idx %arg8[%add3A_348] : memref<20000xf32, #tpu.memory_space<vmem>>[vector<16xi32>], vector<16xf32>,
      %add3A_350 = arith.addf %gather3A_342, %gather3A_349 : vector<16xf32>
      %ge3A_351 = arith.constant 0.000000e+00 : f32
      %ge3A_352 = vector.broadcast %ge3A_351 : f32 to vector<16xf32>
      %ge3A_353 = arith.cmpf oge, %add3A_350, %ge3A_352 : vector<16xf32>
      %mul3A_354 = arith.constant 2.000000e-01 : f32
      %mul3A_355 = vector.broadcast %mul3A_354 : f32 to vector<16xf32>
      %mul3A_356 = arith.mulf %add3A_350, %mul3A_355 : vector<16xf32>
      %select_n3A_357 = arith.select %ge3A_353, %add3A_350, %mul3A_356 : vector<16xi1>, vector<16xf32>
      %exp3A_358 = math.exp %select_n3A_357 : vector<16xf32>
      %swap3A_359 = arith.constant 16 : index
      %swap3A_360 = tpu.vector_load %arg13[%swap3A_359] {strides = array<i32>} : memref<128xf32, #tpu.memory_space<vmem>>, vector<16xf32>,
      tpu.vector_store %arg13[%swap3A_359], %exp3A_358 {strides = array<i32>} : memref<128xf32, #tpu.memory_space<vmem>>, vector<16xf32>,
      %get3A_361 = arith.index_cast %add3A_292 : i32 to index
      %get3A_362 = arith.constant 32 : index
      %get3A_363 = tpu.vector_load %arg9[%get3A_361, %get3A_362] {strides = array<i32>} : memref<80x128xi32, #tpu.memory_space<vmem>>, vector<16xi32>,
      %get3A_364 = arith.index_cast %add3A_292 : i32 to index
      %get3A_365 = arith.constant 32 : index
      %get3A_366 = tpu.vector_load %arg10[%get3A_364, %get3A_365] {strides = array<i32>} : memref<80x128xi32, #tpu.memory_space<vmem>>, vector<16xi32>,
      %min3A_367 = arith.constant 9999 : i32
      %min3A_368 = vector.broadcast %min3A_367 : i32 to vector<16xi32>
      %min3A_369 = arith.minsi %get3A_366, %min3A_368 : vector<16xi32>
      %mul3A_370 = arith.constant 2 : i32
      %mul3A_371 = vector.broadcast %mul3A_370 : i32 to vector<16xi32>
      %mul3A_372 = arith.muli %get3A_363, %mul3A_371 : vector<16xi32>
      %gather3A_373 = tpu.vector_load_idx %arg8[%mul3A_372] : memref<20000xf32, #tpu.memory_space<vmem>>[vector<16xi32>], vector<16xf32>,
      %mul3A_374 = arith.constant 2 : i32
      %mul3A_375 = vector.broadcast %mul3A_374 : i32 to vector<16xi32>
      %mul3A_376 = arith.muli %min3A_369, %mul3A_375 : vector<16xi32>
      %add3A_377 = arith.constant 1 : i32
      %add3A_378 = vector.broadcast %add3A_377 : i32 to vector<16xi32>
      %add3A_379 = arith.addi %mul3A_376, %add3A_378 : vector<16xi32>
      %gather3A_380 = tpu.vector_load_idx %arg8[%add3A_379] : memref<20000xf32, #tpu.memory_space<vmem>>[vector<16xi32>], vector<16xf32>,
      %add3A_381 = arith.addf %gather3A_373, %gather3A_380 : vector<16xf32>
      %ge3A_382 = arith.constant 0.000000e+00 : f32
      %ge3A_383 = vector.broadcast %ge3A_382 : f32 to vector<16xf32>
      %ge3A_384 = arith.cmpf oge, %add3A_381, %ge3A_383 : vector<16xf32>
      %mul3A_385 = arith.constant 2.000000e-01 : f32
      %mul3A_386 = vector.broadcast %mul3A_385 : f32 to vector<16xf32>
      %mul3A_387 = arith.mulf %add3A_381, %mul3A_386 : vector<16xf32>
      %select_n3A_388 = arith.select %ge3A_384, %add3A_381, %mul3A_387 : vector<16xi1>, vector<16xf32>
      %exp3A_389 = math.exp %select_n3A_388 : vector<16xf32>
      %swap3A_390 = arith.constant 32 : index
      %swap3A_391 = tpu.vector_load %arg13[%swap3A_390] {strides = array<i32>} : memref<128xf32, #tpu.memory_space<vmem>>, vector<16xf32>,
      tpu.vector_store %arg13[%swap3A_390], %exp3A_389 {strides = array<i32>} : memref<128xf32, #tpu.memory_space<vmem>>, vector<16xf32>,
      %get3A_392 = arith.index_cast %add3A_292 : i32 to index
      %get3A_393 = arith.constant 48 : index
      %get3A_394 = tpu.vector_load %arg9[%get3A_392, %get3A_393] {strides = array<i32>} : memref<80x128xi32, #tpu.memory_space<vmem>>, vector<16xi32>,
      %get3A_395 = arith.index_cast %add3A_292 : i32 to index
      %get3A_396 = arith.constant 48 : index
      %get3A_397 = tpu.vector_load %arg10[%get3A_395, %get3A_396] {strides = array<i32>} : memref<80x128xi32, #tpu.memory_space<vmem>>, vector<16xi32>,
      %min3A_398 = arith.constant 9999 : i32
      %min3A_399 = vector.broadcast %min3A_398 : i32 to vector<16xi32>
      %min3A_400 = arith.minsi %get3A_397, %min3A_399 : vector<16xi32>
      %mul3A_401 = arith.constant 2 : i32
      %mul3A_402 = vector.broadcast %mul3A_401 : i32 to vector<16xi32>
      %mul3A_403 = arith.muli %get3A_394, %mul3A_402 : vector<16xi32>
      %gather3A_404 = tpu.vector_load_idx %arg8[%mul3A_403] : memref<20000xf32, #tpu.memory_space<vmem>>[vector<16xi32>], vector<16xf32>,
      %mul3A_405 = arith.constant 2 : i32
      %mul3A_406 = vector.broadcast %mul3A_405 : i32 to vector<16xi32>
      %mul3A_407 = arith.muli %min3A_400, %mul3A_406 : vector<16xi32>
      %add3A_408 = arith.constant 1 : i32
      %add3A_409 = vector.broadcast %add3A_408 : i32 to vector<16xi32>
      %add3A_410 = arith.addi %mul3A_407, %add3A_409 : vector<16xi32>
      %gather3A_411 = tpu.vector_load_idx %arg8[%add3A_410] : memref<20000xf32, #tpu.memory_space<vmem>>[vector<16xi32>], vector<16xf32>,
      %add3A_412 = arith.addf %gather3A_404, %gather3A_411 : vector<16xf32>
      %ge3A_413 = arith.constant 0.000000e+00 : f32
      %ge3A_414 = vector.broadcast %ge3A_413 : f32 to vector<16xf32>
      %ge3A_415 = arith.cmpf oge, %add3A_412, %ge3A_414 : vector<16xf32>
      %mul3A_416 = arith.constant 2.000000e-01 : f32
      %mul3A_417 = vector.broadcast %mul3A_416 : f32 to vector<16xf32>
      %mul3A_418 = arith.mulf %add3A_412, %mul3A_417 : vector<16xf32>
      %select_n3A_419 = arith.select %ge3A_415, %add3A_412, %mul3A_418 : vector<16xi1>, vector<16xf32>
      %exp3A_420 = math.exp %select_n3A_419 : vector<16xf32>
      %swap3A_421 = arith.constant 48 : index
      %swap3A_422 = tpu.vector_load %arg13[%swap3A_421] {strides = array<i32>} : memref<128xf32, #tpu.memory_space<vmem>>, vector<16xf32>,
      tpu.vector_store %arg13[%swap3A_421], %exp3A_420 {strides = array<i32>} : memref<128xf32, #tpu.memory_space<vmem>>, vector<16xf32>,
      %get3A_423 = arith.index_cast %add3A_292 : i32 to index
      %get3A_424 = arith.constant 64 : index
      %get3A_425 = tpu.vector_load %arg9[%get3A_423, %get3A_424] {strides = array<i32>} : memref<80x128xi32, #tpu.memory_space<vmem>>, vector<16xi32>,
      %get3A_426 = arith.index_cast %add3A_292 : i32 to index
      %get3A_427 = arith.constant 64 : index
      %get3A_428 = tpu.vector_load %arg10[%get3A_426, %get3A_427] {strides = array<i32>} : memref<80x128xi32, #tpu.memory_space<vmem>>, vector<16xi32>,
      %min3A_429 = arith.constant 9999 : i32
      %min3A_430 = vector.broadcast %min3A_429 : i32 to vector<16xi32>
      %min3A_431 = arith.minsi %get3A_428, %min3A_430 : vector<16xi32>
      %mul3A_432 = arith.constant 2 : i32
      %mul3A_433 = vector.broadcast %mul3A_432 : i32 to vector<16xi32>
      %mul3A_434 = arith.muli %get3A_425, %mul3A_433 : vector<16xi32>
      %gather3A_435 = tpu.vector_load_idx %arg8[%mul3A_434] : memref<20000xf32, #tpu.memory_space<vmem>>[vector<16xi32>], vector<16xf32>,
      %mul3A_436 = arith.constant 2 : i32
      %mul3A_437 = vector.broadcast %mul3A_436 : i32 to vector<16xi32>
      %mul3A_438 = arith.muli %min3A_431, %mul3A_437 : vector<16xi32>
      %add3A_439 = arith.constant 1 : i32
      %add3A_440 = vector.broadcast %add3A_439 : i32 to vector<16xi32>
      %add3A_441 = arith.addi %mul3A_438, %add3A_440 : vector<16xi32>
      %gather3A_442 = tpu.vector_load_idx %arg8[%add3A_441] : memref<20000xf32, #tpu.memory_space<vmem>>[vector<16xi32>], vector<16xf32>,
      %add3A_443 = arith.addf %gather3A_435, %gather3A_442 : vector<16xf32>
      %ge3A_444 = arith.constant 0.000000e+00 : f32
      %ge3A_445 = vector.broadcast %ge3A_444 : f32 to vector<16xf32>
      %ge3A_446 = arith.cmpf oge, %add3A_443, %ge3A_445 : vector<16xf32>
      %mul3A_447 = arith.constant 2.000000e-01 : f32
      %mul3A_448 = vector.broadcast %mul3A_447 : f32 to vector<16xf32>
      %mul3A_449 = arith.mulf %add3A_443, %mul3A_448 : vector<16xf32>
      %select_n3A_450 = arith.select %ge3A_446, %add3A_443, %mul3A_449 : vector<16xi1>, vector<16xf32>
      %exp3A_451 = math.exp %select_n3A_450 : vector<16xf32>
      %swap3A_452 = arith.constant 64 : index
      %swap3A_453 = tpu.vector_load %arg13[%swap3A_452] {strides = array<i32>} : memref<128xf32, #tpu.memory_space<vmem>>, vector<16xf32>,
      tpu.vector_store %arg13[%swap3A_452], %exp3A_451 {strides = array<i32>} : memref<128xf32, #tpu.memory_space<vmem>>, vector<16xf32>,
      %get3A_454 = arith.index_cast %add3A_292 : i32 to index
      %get3A_455 = arith.constant 80 : index
      %get3A_456 = tpu.vector_load %arg9[%get3A_454, %get3A_455] {strides = array<i32>} : memref<80x128xi32, #tpu.memory_space<vmem>>, vector<16xi32>,
      %get3A_457 = arith.index_cast %add3A_292 : i32 to index
      %get3A_458 = arith.constant 80 : index
      %get3A_459 = tpu.vector_load %arg10[%get3A_457, %get3A_458] {strides = array<i32>} : memref<80x128xi32, #tpu.memory_space<vmem>>, vector<16xi32>,
      %min3A_460 = arith.constant 9999 : i32
      %min3A_461 = vector.broadcast %min3A_460 : i32 to vector<16xi32>
      %min3A_462 = arith.minsi %get3A_459, %min3A_461 : vector<16xi32>
      %mul3A_463 = arith.constant 2 : i32
      %mul3A_464 = vector.broadcast %mul3A_463 : i32 to vector<16xi32>
      %mul3A_465 = arith.muli %get3A_456, %mul3A_464 : vector<16xi32>
      %gather3A_466 = tpu.vector_load_idx %arg8[%mul3A_465] : memref<20000xf32, #tpu.memory_space<vmem>>[vector<16xi32>], vector<16xf32>,
      %mul3A_467 = arith.constant 2 : i32
      %mul3A_468 = vector.broadcast %mul3A_467 : i32 to vector<16xi32>
      %mul3A_469 = arith.muli %min3A_462, %mul3A_468 : vector<16xi32>
      %add3A_470 = arith.constant 1 : i32
      %add3A_471 = vector.broadcast %add3A_470 : i32 to vector<16xi32>
      %add3A_472 = arith.addi %mul3A_469, %add3A_471 : vector<16xi32>
      %gather3A_473 = tpu.vector_load_idx %arg8[%add3A_472] : memref<20000xf32, #tpu.memory_space<vmem>>[vector<16xi32>], vector<16xf32>,
      %add3A_474 = arith.addf %gather3A_466, %gather3A_473 : vector<16xf32>
      %ge3A_475 = arith.constant 0.000000e+00 : f32
      %ge3A_476 = vector.broadcast %ge3A_475 : f32 to vector<16xf32>
      %ge3A_477 = arith.cmpf oge, %add3A_474, %ge3A_476 : vector<16xf32>
      %mul3A_478 = arith.constant 2.000000e-01 : f32
      %mul3A_479 = vector.broadcast %mul3A_478 : f32 to vector<16xf32>
      %mul3A_480 = arith.mulf %add3A_474, %mul3A_479 : vector<16xf32>
      %select_n3A_481 = arith.select %ge3A_477, %add3A_474, %mul3A_480 : vector<16xi1>, vector<16xf32>
      %exp3A_482 = math.exp %select_n3A_481 : vector<16xf32>
      %swap3A_483 = arith.constant 80 : index
      %swap3A_484 = tpu.vector_load %arg13[%swap3A_483] {strides = array<i32>} : memref<128xf32, #tpu.memory_space<vmem>>, vector<16xf32>,
      tpu.vector_store %arg13[%swap3A_483], %exp3A_482 {strides = array<i32>} : memref<128xf32, #tpu.memory_space<vmem>>, vector<16xf32>,
      %get3A_485 = arith.index_cast %add3A_292 : i32 to index
      %get3A_486 = arith.constant 96 : index
      %get3A_487 = tpu.vector_load %arg9[%get3A_485, %get3A_486] {strides = array<i32>} : memref<80x128xi32, #tpu.memory_space<vmem>>, vector<16xi32>,
      %get3A_488 = arith.index_cast %add3A_292 : i32 to index
      %get3A_489 = arith.constant 96 : index
      %get3A_490 = tpu.vector_load %arg10[%get3A_488, %get3A_489] {strides = array<i32>} : memref<80x128xi32, #tpu.memory_space<vmem>>, vector<16xi32>,
      %min3A_491 = arith.constant 9999 : i32
      %min3A_492 = vector.broadcast %min3A_491 : i32 to vector<16xi32>
      %min3A_493 = arith.minsi %get3A_490, %min3A_492 : vector<16xi32>
      %mul3A_494 = arith.constant 2 : i32
      %mul3A_495 = vector.broadcast %mul3A_494 : i32 to vector<16xi32>
      %mul3A_496 = arith.muli %get3A_487, %mul3A_495 : vector<16xi32>
      %gather3A_497 = tpu.vector_load_idx %arg8[%mul3A_496] : memref<20000xf32, #tpu.memory_space<vmem>>[vector<16xi32>], vector<16xf32>,
      %mul3A_498 = arith.constant 2 : i32
      %mul3A_499 = vector.broadcast %mul3A_498 : i32 to vector<16xi32>
      %mul3A_500 = arith.muli %min3A_493, %mul3A_499 : vector<16xi32>
      %add3A_501 = arith.constant 1 : i32
      %add3A_502 = vector.broadcast %add3A_501 : i32 to vector<16xi32>
      %add3A_503 = arith.addi %mul3A_500, %add3A_502 : vector<16xi32>
      %gather3A_504 = tpu.vector_load_idx %arg8[%add3A_503] : memref<20000xf32, #tpu.memory_space<vmem>>[vector<16xi32>], vector<16xf32>,
      %add3A_505 = arith.addf %gather3A_497, %gather3A_504 : vector<16xf32>
      %ge3A_506 = arith.constant 0.000000e+00 : f32
      %ge3A_507 = vector.broadcast %ge3A_506 : f32 to vector<16xf32>
      %ge3A_508 = arith.cmpf oge, %add3A_505, %ge3A_507 : vector<16xf32>
      %mul3A_509 = arith.constant 2.000000e-01 : f32
      %mul3A_510 = vector.broadcast %mul3A_509 : f32 to vector<16xf32>
      %mul3A_511 = arith.mulf %add3A_505, %mul3A_510 : vector<16xf32>
      %select_n3A_512 = arith.select %ge3A_508, %add3A_505, %mul3A_511 : vector<16xi1>, vector<16xf32>
      %exp3A_513 = math.exp %select_n3A_512 : vector<16xf32>
      %swap3A_514 = arith.constant 96 : index
      %swap3A_515 = tpu.vector_load %arg13[%swap3A_514] {strides = array<i32>} : memref<128xf32, #tpu.memory_space<vmem>>, vector<16xf32>,
      tpu.vector_store %arg13[%swap3A_514], %exp3A_513 {strides = array<i32>} : memref<128xf32, #tpu.memory_space<vmem>>, vector<16xf32>,
      %get3A_516 = arith.index_cast %add3A_292 : i32 to index
      %get3A_517 = arith.constant 112 : index
      %get3A_518 = tpu.vector_load %arg9[%get3A_516, %get3A_517] {strides = array<i32>} : memref<80x128xi32, #tpu.memory_space<vmem>>, vector<16xi32>,
      %get3A_519 = arith.index_cast %add3A_292 : i32 to index
      %get3A_520 = arith.constant 112 : index
      %get3A_521 = tpu.vector_load %arg10[%get3A_519, %get3A_520] {strides = array<i32>} : memref<80x128xi32, #tpu.memory_space<vmem>>, vector<16xi32>,
      %min3A_522 = arith.constant 9999 : i32
      %min3A_523 = vector.broadcast %min3A_522 : i32 to vector<16xi32>
      %min3A_524 = arith.minsi %get3A_521, %min3A_523 : vector<16xi32>
      %mul3A_525 = arith.constant 2 : i32
      %mul3A_526 = vector.broadcast %mul3A_525 : i32 to vector<16xi32>
      %mul3A_527 = arith.muli %get3A_518, %mul3A_526 : vector<16xi32>
      %gather3A_528 = tpu.vector_load_idx %arg8[%mul3A_527] : memref<20000xf32, #tpu.memory_space<vmem>>[vector<16xi32>], vector<16xf32>,
      %mul3A_529 = arith.constant 2 : i32
      %mul3A_530 = vector.broadcast %mul3A_529 : i32 to vector<16xi32>
      %mul3A_531 = arith.muli %min3A_524, %mul3A_530 : vector<16xi32>
      %add3A_532 = arith.constant 1 : i32
      %add3A_533 = vector.broadcast %add3A_532 : i32 to vector<16xi32>
      %add3A_534 = arith.addi %mul3A_531, %add3A_533 : vector<16xi32>
      %gather3A_535 = tpu.vector_load_idx %arg8[%add3A_534] : memref<20000xf32, #tpu.memory_space<vmem>>[vector<16xi32>], vector<16xf32>,
      %add3A_536 = arith.addf %gather3A_528, %gather3A_535 : vector<16xf32>
      %ge3A_537 = arith.constant 0.000000e+00 : f32
      %ge3A_538 = vector.broadcast %ge3A_537 : f32 to vector<16xf32>
      %ge3A_539 = arith.cmpf oge, %add3A_536, %ge3A_538 : vector<16xf32>
      %mul3A_540 = arith.constant 2.000000e-01 : f32
      %mul3A_541 = vector.broadcast %mul3A_540 : f32 to vector<16xf32>
      %mul3A_542 = arith.mulf %add3A_536, %mul3A_541 : vector<16xf32>
      %select_n3A_543 = arith.select %ge3A_539, %add3A_536, %mul3A_542 : vector<16xi1>, vector<16xf32>
      %exp3A_544 = math.exp %select_n3A_543 : vector<16xf32>
      %swap3A_545 = arith.constant 112 : index
      %swap3A_546 = tpu.vector_load %arg13[%swap3A_545] {strides = array<i32>} : memref<128xf32, #tpu.memory_space<vmem>>, vector<16xf32>,
      tpu.vector_store %arg13[%swap3A_545], %exp3A_544 {strides = array<i32>} : memref<128xf32, #tpu.memory_space<vmem>>, vector<16xf32>,
      %scan3A_547 = arith.constant 0 : i32
      %scan3A_548 = arith.constant 8 : i32
      %scan3A_549 = arith.addi %scan3A_547, %scan3A_548 : i32
      %scan3A_550 = arith.constant 1 : i32
      scf.for %scan3A_559 = %scan3A_547 to %scan3A_549 step %scan3A_550  : i32 {
        %mul3A_560 = arith.constant 1 : i32
        %mul3A_561 = arith.muli %scan3A_559, %mul3A_560 : i32
        %add3A_562 = arith.constant 0 : i32
        %add3A_563 = arith.addi %add3A_562, %mul3A_561 : i32
        %mul3A_564 = arith.constant 16 : i32
        %mul3A_565 = arith.muli %add3A_563, %mul3A_564 : i32
        %get3A_566 = arith.index_cast %mul3A_565 : i32 to index
        %get3A_567 = tpu.vector_load %arg13[%get3A_566] {strides = array<i32>} : memref<128xf32, #tpu.memory_space<vmem>>, vector<16xf32>,
        %slice3A = vector.extract_strided_slice %get3A_567 {offsets = [0], sizes = [1], strides = [1]} : vector<16xf32> to vector<1xf32>
        %squeeze3A = vector.extract %slice3A[0] : f32 from vector<1xf32>
        %broadcast_in_dim3A = vector.broadcast %squeeze3A : f32 to vector<16xf32>
        %mul3A_568 = arith.constant 16 : i32
        %mul3A_569 = arith.muli %add3A_563, %mul3A_568 : i32
        %add3A_570 = arith.constant 0 : i32
        %add3A_571 = arith.addi %mul3A_569, %add3A_570 : i32
        %get3A_572 = arith.index_cast %add3A_571 : i32 to index
        %get3A_573 = arith.constant 0 : index
        %get3A_574 = tpu.vector_load %arg12[%get3A_572, %get3A_573] {strides = array<i32>} : memref<128x48xf32, #tpu.memory_space<vmem>>, vector<16xf32>,
        %mul3A_575 = arith.mulf %get3A_574, %broadcast_in_dim3A : vector<16xf32>
        %swap3A_576 = arith.index_cast %add3A_571 : i32 to index
        %swap3A_577 = arith.constant 0 : index
        %swap3A_578 = tpu.vector_load %arg12[%swap3A_576, %swap3A_577] {strides = array<i32>} : memref<128x48xf32, #tpu.memory_space<vmem>>, vector<16xf32>,
        tpu.vector_store %arg12[%swap3A_576, %swap3A_577], %mul3A_575 {strides = array<i32>} : memref<128x48xf32, #tpu.memory_space<vmem>>, vector<16xf32>,
        %get3A_579 = arith.index_cast %add3A_571 : i32 to index
        %get3A_580 = arith.constant 16 : index
        %get3A_581 = tpu.vector_load %arg12[%get3A_579, %get3A_580] {strides = array<i32>} : memref<128x48xf32, #tpu.memory_space<vmem>>, vector<16xf32>,
        %mul3A_582 = arith.mulf %get3A_581, %broadcast_in_dim3A : vector<16xf32>
        %swap3A_583 = arith.index_cast %add3A_571 : i32 to index
        %swap3A_584 = arith.constant 16 : index
        %swap3A_585 = tpu.vector_load %arg12[%swap3A_583, %swap3A_584] {strides = array<i32>} : memref<128x48xf32, #tpu.memory_space<vmem>>, vector<16xf32>,
        tpu.vector_store %arg12[%swap3A_583, %swap3A_584], %mul3A_582 {strides = array<i32>} : memref<128x48xf32, #tpu.memory_space<vmem>>, vector<16xf32>,
        %get3A_586 = arith.index_cast %add3A_571 : i32 to index
        %get3A_587 = arith.constant 32 : index
        %get3A_588 = tpu.vector_load %arg12[%get3A_586, %get3A_587] {strides = array<i32>} : memref<128x48xf32, #tpu.memory_space<vmem>>, vector<16xf32>,
        %mul3A_589 = arith.mulf %get3A_588, %broadcast_in_dim3A : vector<16xf32>
        %swap3A_590 = arith.index_cast %add3A_571 : i32 to index
        %swap3A_591 = arith.constant 32 : index
        %swap3A_592 = tpu.vector_load %arg12[%swap3A_590, %swap3A_591] {strides = array<i32>} : memref<128x48xf32, #tpu.memory_space<vmem>>, vector<16xf32>,
        tpu.vector_store %arg12[%swap3A_590, %swap3A_591], %mul3A_589 {strides = array<i32>} : memref<128x48xf32, #tpu.memory_space<vmem>>, vector<16xf32>,
        %slice3A_593 = vector.extract_strided_slice %get3A_567 {offsets = [1], sizes = [1], strides = [1]} : vector<16xf32> to vector<1xf32>
        %squeeze3A_594 = vector.extract %slice3A_593[0] : f32 from vector<1xf32>
        %broadcast_in_dim3A_595 = vector.broadcast %squeeze3A_594 : f32 to vector<16xf32>
        %mul3A_596 = arith.constant 16 : i32
        %mul3A_597 = arith.muli %add3A_563, %mul3A_596 : i32
        %add3A_598 = arith.constant 1 : i32
        %add3A_599 = arith.addi %mul3A_597, %add3A_598 : i32
        %get3A_600 = arith.index_cast %add3A_599 : i32 to index
        %get3A_601 = arith.constant 0 : index
        %get3A_602 = tpu.vector_load %arg12[%get3A_600, %get3A_601] {strides = array<i32>} : memref<128x48xf32, #tpu.memory_space<vmem>>, vector<16xf32>,
        %mul3A_603 = arith.mulf %get3A_602, %broadcast_in_dim3A_595 : vector<16xf32>
        %swap3A_604 = arith.index_cast %add3A_599 : i32 to index
        %swap3A_605 = arith.constant 0 : index
        %swap3A_606 = tpu.vector_load %arg12[%swap3A_604, %swap3A_605] {strides = array<i32>} : memref<128x48xf32, #tpu.memory_space<vmem>>, vector<16xf32>,
        tpu.vector_store %arg12[%swap3A_604, %swap3A_605], %mul3A_603 {strides = array<i32>} : memref<128x48xf32, #tpu.memory_space<vmem>>, vector<16xf32>,
        %get3A_607 = arith.index_cast %add3A_599 : i32 to index
        %get3A_608 = arith.constant 16 : index
        %get3A_609 = tpu.vector_load %arg12[%get3A_607, %get3A_608] {strides = array<i32>} : memref<128x48xf32, #tpu.memory_space<vmem>>, vector<16xf32>,
        %mul3A_610 = arith.mulf %get3A_609, %broadcast_in_dim3A_595 : vector<16xf32>
        %swap3A_611 = arith.index_cast %add3A_599 : i32 to index
        %swap3A_612 = arith.constant 16 : index
        %swap3A_613 = tpu.vector_load %arg12[%swap3A_611, %swap3A_612] {strides = array<i32>} : memref<128x48xf32, #tpu.memory_space<vmem>>, vector<16xf32>,
        tpu.vector_store %arg12[%swap3A_611, %swap3A_612], %mul3A_610 {strides = array<i32>} : memref<128x48xf32, #tpu.memory_space<vmem>>, vector<16xf32>,
        %get3A_614 = arith.index_cast %add3A_599 : i32 to index
        %get3A_615 = arith.constant 32 : index
        %get3A_616 = tpu.vector_load %arg12[%get3A_614, %get3A_615] {strides = array<i32>} : memref<128x48xf32, #tpu.memory_space<vmem>>, vector<16xf32>,
        %mul3A_617 = arith.mulf %get3A_616, %broadcast_in_dim3A_595 : vector<16xf32>
        %swap3A_618 = arith.index_cast %add3A_599 : i32 to index
        %swap3A_619 = arith.constant 32 : index
        %swap3A_620 = tpu.vector_load %arg12[%swap3A_618, %swap3A_619] {strides = array<i32>} : memref<128x48xf32, #tpu.memory_space<vmem>>, vector<16xf32>,
        tpu.vector_store %arg12[%swap3A_618, %swap3A_619], %mul3A_617 {strides = array<i32>} : memref<128x48xf32, #tpu.memory_space<vmem>>, vector<16xf32>,
        %slice3A_621 = vector.extract_strided_slice %get3A_567 {offsets = [2], sizes = [1], strides = [1]} : vector<16xf32> to vector<1xf32>
        %squeeze3A_622 = vector.extract %slice3A_621[0] : f32 from vector<1xf32>
        %broadcast_in_dim3A_623 = vector.broadcast %squeeze3A_622 : f32 to vector<16xf32>
        %mul3A_624 = arith.constant 16 : i32
        %mul3A_625 = arith.muli %add3A_563, %mul3A_624 : i32
        %add3A_626 = arith.constant 2 : i32
        %add3A_627 = arith.addi %mul3A_625, %add3A_626 : i32
        %get3A_628 = arith.index_cast %add3A_627 : i32 to index
        %get3A_629 = arith.constant 0 : index
        %get3A_630 = tpu.vector_load %arg12[%get3A_628, %get3A_629] {strides = array<i32>} : memref<128x48xf32, #tpu.memory_space<vmem>>, vector<16xf32>,
        %mul3A_631 = arith.mulf %get3A_630, %broadcast_in_dim3A_623 : vector<16xf32>
        %swap3A_632 = arith.index_cast %add3A_627 : i32 to index
        %swap3A_633 = arith.constant 0 : index
        %swap3A_634 = tpu.vector_load %arg12[%swap3A_632, %swap3A_633] {strides = array<i32>} : memref<128x48xf32, #tpu.memory_space<vmem>>, vector<16xf32>,
        tpu.vector_store %arg12[%swap3A_632, %swap3A_633], %mul3A_631 {strides = array<i32>} : memref<128x48xf32, #tpu.memory_space<vmem>>, vector<16xf32>,
        %get3A_635 = arith.index_cast %add3A_627 : i32 to index
        %get3A_636 = arith.constant 16 : index
        %get3A_637 = tpu.vector_load %arg12[%get3A_635, %get3A_636] {strides = array<i32>} : memref<128x48xf32, #tpu.memory_space<vmem>>, vector<16xf32>,
        %mul3A_638 = arith.mulf %get3A_637, %broadcast_in_dim3A_623 : vector<16xf32>
        %swap3A_639 = arith.index_cast %add3A_627 : i32 to index
        %swap3A_640 = arith.constant 16 : index
        %swap3A_641 = tpu.vector_load %arg12[%swap3A_639, %swap3A_640] {strides = array<i32>} : memref<128x48xf32, #tpu.memory_space<vmem>>, vector<16xf32>,
        tpu.vector_store %arg12[%swap3A_639, %swap3A_640], %mul3A_638 {strides = array<i32>} : memref<128x48xf32, #tpu.memory_space<vmem>>, vector<16xf32>,
        %get3A_642 = arith.index_cast %add3A_627 : i32 to index
        %get3A_643 = arith.constant 32 : index
        %get3A_644 = tpu.vector_load %arg12[%get3A_642, %get3A_643] {strides = array<i32>} : memref<128x48xf32, #tpu.memory_space<vmem>>, vector<16xf32>,
        %mul3A_645 = arith.mulf %get3A_644, %broadcast_in_dim3A_623 : vector<16xf32>
        %swap3A_646 = arith.index_cast %add3A_627 : i32 to index
        %swap3A_647 = arith.constant 32 : index
        %swap3A_648 = tpu.vector_load %arg12[%swap3A_646, %swap3A_647] {strides = array<i32>} : memref<128x48xf32, #tpu.memory_space<vmem>>, vector<16xf32>,
        tpu.vector_store %arg12[%swap3A_646, %swap3A_647], %mul3A_645 {strides = array<i32>} : memref<128x48xf32, #tpu.memory_space<vmem>>, vector<16xf32>,
        %slice3A_649 = vector.extract_strided_slice %get3A_567 {offsets = [3], sizes = [1], strides = [1]} : vector<16xf32> to vector<1xf32>
        %squeeze3A_650 = vector.extract %slice3A_649[0] : f32 from vector<1xf32>
        %broadcast_in_dim3A_651 = vector.broadcast %squeeze3A_650 : f32 to vector<16xf32>
        %mul3A_652 = arith.constant 16 : i32
        %mul3A_653 = arith.muli %add3A_563, %mul3A_652 : i32
        %add3A_654 = arith.constant 3 : i32
        %add3A_655 = arith.addi %mul3A_653, %add3A_654 : i32
        %get3A_656 = arith.index_cast %add3A_655 : i32 to index
        %get3A_657 = arith.constant 0 : index
        %get3A_658 = tpu.vector_load %arg12[%get3A_656, %get3A_657] {strides = array<i32>} : memref<128x48xf32, #tpu.memory_space<vmem>>, vector<16xf32>,
        %mul3A_659 = arith.mulf %get3A_658, %broadcast_in_dim3A_651 : vector<16xf32>
        %swap3A_660 = arith.index_cast %add3A_655 : i32 to index
        %swap3A_661 = arith.constant 0 : index
        %swap3A_662 = tpu.vector_load %arg12[%swap3A_660, %swap3A_661] {strides = array<i32>} : memref<128x48xf32, #tpu.memory_space<vmem>>, vector<16xf32>,
        tpu.vector_store %arg12[%swap3A_660, %swap3A_661], %mul3A_659 {strides = array<i32>} : memref<128x48xf32, #tpu.memory_space<vmem>>, vector<16xf32>,
        %get3A_663 = arith.index_cast %add3A_655 : i32 to index
        %get3A_664 = arith.constant 16 : index
        %get3A_665 = tpu.vector_load %arg12[%get3A_663, %get3A_664] {strides = array<i32>} : memref<128x48xf32, #tpu.memory_space<vmem>>, vector<16xf32>,
        %mul3A_666 = arith.mulf %get3A_665, %broadcast_in_dim3A_651 : vector<16xf32>
        %swap3A_667 = arith.index_cast %add3A_655 : i32 to index
        %swap3A_668 = arith.constant 16 : index
        %swap3A_669 = tpu.vector_load %arg12[%swap3A_667, %swap3A_668] {strides = array<i32>} : memref<128x48xf32, #tpu.memory_space<vmem>>, vector<16xf32>,
        tpu.vector_store %arg12[%swap3A_667, %swap3A_668], %mul3A_666 {strides = array<i32>} : memref<128x48xf32, #tpu.memory_space<vmem>>, vector<16xf32>,
        %get3A_670 = arith.index_cast %add3A_655 : i32 to index
        %get3A_671 = arith.constant 32 : index
        %get3A_672 = tpu.vector_load %arg12[%get3A_670, %get3A_671] {strides = array<i32>} : memref<128x48xf32, #tpu.memory_space<vmem>>, vector<16xf32>,
        %mul3A_673 = arith.mulf %get3A_672, %broadcast_in_dim3A_651 : vector<16xf32>
        %swap3A_674 = arith.index_cast %add3A_655 : i32 to index
        %swap3A_675 = arith.constant 32 : index
        %swap3A_676 = tpu.vector_load %arg12[%swap3A_674, %swap3A_675] {strides = array<i32>} : memref<128x48xf32, #tpu.memory_space<vmem>>, vector<16xf32>,
        tpu.vector_store %arg12[%swap3A_674, %swap3A_675], %mul3A_673 {strides = array<i32>} : memref<128x48xf32, #tpu.memory_space<vmem>>, vector<16xf32>,
        %slice3A_677 = vector.extract_strided_slice %get3A_567 {offsets = [4], sizes = [1], strides = [1]} : vector<16xf32> to vector<1xf32>
        %squeeze3A_678 = vector.extract %slice3A_677[0] : f32 from vector<1xf32>
        %broadcast_in_dim3A_679 = vector.broadcast %squeeze3A_678 : f32 to vector<16xf32>
        %mul3A_680 = arith.constant 16 : i32
        %mul3A_681 = arith.muli %add3A_563, %mul3A_680 : i32
        %add3A_682 = arith.constant 4 : i32
        %add3A_683 = arith.addi %mul3A_681, %add3A_682 : i32
        %get3A_684 = arith.index_cast %add3A_683 : i32 to index
        %get3A_685 = arith.constant 0 : index
        %get3A_686 = tpu.vector_load %arg12[%get3A_684, %get3A_685] {strides = array<i32>} : memref<128x48xf32, #tpu.memory_space<vmem>>, vector<16xf32>,
        %mul3A_687 = arith.mulf %get3A_686, %broadcast_in_dim3A_679 : vector<16xf32>
        %swap3A_688 = arith.index_cast %add3A_683 : i32 to index
        %swap3A_689 = arith.constant 0 : index
        %swap3A_690 = tpu.vector_load %arg12[%swap3A_688, %swap3A_689] {strides = array<i32>} : memref<128x48xf32, #tpu.memory_space<vmem>>, vector<16xf32>,
        tpu.vector_store %arg12[%swap3A_688, %swap3A_689], %mul3A_687 {strides = array<i32>} : memref<128x48xf32, #tpu.memory_space<vmem>>, vector<16xf32>,
        %get3A_691 = arith.index_cast %add3A_683 : i32 to index
        %get3A_692 = arith.constant 16 : index
        %get3A_693 = tpu.vector_load %arg12[%get3A_691, %get3A_692] {strides = array<i32>} : memref<128x48xf32, #tpu.memory_space<vmem>>, vector<16xf32>,
        %mul3A_694 = arith.mulf %get3A_693, %broadcast_in_dim3A_679 : vector<16xf32>
        %swap3A_695 = arith.index_cast %add3A_683 : i32 to index
        %swap3A_696 = arith.constant 16 : index
        %swap3A_697 = tpu.vector_load %arg12[%swap3A_695, %swap3A_696] {strides = array<i32>} : memref<128x48xf32, #tpu.memory_space<vmem>>, vector<16xf32>,
        tpu.vector_store %arg12[%swap3A_695, %swap3A_696], %mul3A_694 {strides = array<i32>} : memref<128x48xf32, #tpu.memory_space<vmem>>, vector<16xf32>,
        %get3A_698 = arith.index_cast %add3A_683 : i32 to index
        %get3A_699 = arith.constant 32 : index
        %get3A_700 = tpu.vector_load %arg12[%get3A_698, %get3A_699] {strides = array<i32>} : memref<128x48xf32, #tpu.memory_space<vmem>>, vector<16xf32>,
        %mul3A_701 = arith.mulf %get3A_700, %broadcast_in_dim3A_679 : vector<16xf32>
        %swap3A_702 = arith.index_cast %add3A_683 : i32 to index
        %swap3A_703 = arith.constant 32 : index
        %swap3A_704 = tpu.vector_load %arg12[%swap3A_702, %swap3A_703] {strides = array<i32>} : memref<128x48xf32, #tpu.memory_space<vmem>>, vector<16xf32>,
        tpu.vector_store %arg12[%swap3A_702, %swap3A_703], %mul3A_701 {strides = array<i32>} : memref<128x48xf32, #tpu.memory_space<vmem>>, vector<16xf32>,
        %slice3A_705 = vector.extract_strided_slice %get3A_567 {offsets = [5], sizes = [1], strides = [1]} : vector<16xf32> to vector<1xf32>
        %squeeze3A_706 = vector.extract %slice3A_705[0] : f32 from vector<1xf32>
        %broadcast_in_dim3A_707 = vector.broadcast %squeeze3A_706 : f32 to vector<16xf32>
        %mul3A_708 = arith.constant 16 : i32
        %mul3A_709 = arith.muli %add3A_563, %mul3A_708 : i32
        %add3A_710 = arith.constant 5 : i32
        %add3A_711 = arith.addi %mul3A_709, %add3A_710 : i32
        %get3A_712 = arith.index_cast %add3A_711 : i32 to index
        %get3A_713 = arith.constant 0 : index
        %get3A_714 = tpu.vector_load %arg12[%get3A_712, %get3A_713] {strides = array<i32>} : memref<128x48xf32, #tpu.memory_space<vmem>>, vector<16xf32>,
        %mul3A_715 = arith.mulf %get3A_714, %broadcast_in_dim3A_707 : vector<16xf32>
        %swap3A_716 = arith.index_cast %add3A_711 : i32 to index
        %swap3A_717 = arith.constant 0 : index
        %swap3A_718 = tpu.vector_load %arg12[%swap3A_716, %swap3A_717] {strides = array<i32>} : memref<128x48xf32, #tpu.memory_space<vmem>>, vector<16xf32>,
        tpu.vector_store %arg12[%swap3A_716, %swap3A_717], %mul3A_715 {strides = array<i32>} : memref<128x48xf32, #tpu.memory_space<vmem>>, vector<16xf32>,
        %get3A_719 = arith.index_cast %add3A_711 : i32 to index
        %get3A_720 = arith.constant 16 : index
        %get3A_721 = tpu.vector_load %arg12[%get3A_719, %get3A_720] {strides = array<i32>} : memref<128x48xf32, #tpu.memory_space<vmem>>, vector<16xf32>,
        %mul3A_722 = arith.mulf %get3A_721, %broadcast_in_dim3A_707 : vector<16xf32>
        %swap3A_723 = arith.index_cast %add3A_711 : i32 to index
        %swap3A_724 = arith.constant 16 : index
        %swap3A_725 = tpu.vector_load %arg12[%swap3A_723, %swap3A_724] {strides = array<i32>} : memref<128x48xf32, #tpu.memory_space<vmem>>, vector<16xf32>,
        tpu.vector_store %arg12[%swap3A_723, %swap3A_724], %mul3A_722 {strides = array<i32>} : memref<128x48xf32, #tpu.memory_space<vmem>>, vector<16xf32>,
        %get3A_726 = arith.index_cast %add3A_711 : i32 to index
        %get3A_727 = arith.constant 32 : index
        %get3A_728 = tpu.vector_load %arg12[%get3A_726, %get3A_727] {strides = array<i32>} : memref<128x48xf32, #tpu.memory_space<vmem>>, vector<16xf32>,
        %mul3A_729 = arith.mulf %get3A_728, %broadcast_in_dim3A_707 : vector<16xf32>
        %swap3A_730 = arith.index_cast %add3A_711 : i32 to index
        %swap3A_731 = arith.constant 32 : index
        %swap3A_732 = tpu.vector_load %arg12[%swap3A_730, %swap3A_731] {strides = array<i32>} : memref<128x48xf32, #tpu.memory_space<vmem>>, vector<16xf32>,
        tpu.vector_store %arg12[%swap3A_730, %swap3A_731], %mul3A_729 {strides = array<i32>} : memref<128x48xf32, #tpu.memory_space<vmem>>, vector<16xf32>,
        %slice3A_733 = vector.extract_strided_slice %get3A_567 {offsets = [6], sizes = [1], strides = [1]} : vector<16xf32> to vector<1xf32>
        %squeeze3A_734 = vector.extract %slice3A_733[0] : f32 from vector<1xf32>
        %broadcast_in_dim3A_735 = vector.broadcast %squeeze3A_734 : f32 to vector<16xf32>
        %mul3A_736 = arith.constant 16 : i32
        %mul3A_737 = arith.muli %add3A_563, %mul3A_736 : i32
        %add3A_738 = arith.constant 6 : i32
        %add3A_739 = arith.addi %mul3A_737, %add3A_738 : i32
        %get3A_740 = arith.index_cast %add3A_739 : i32 to index
        %get3A_741 = arith.constant 0 : index
        %get3A_742 = tpu.vector_load %arg12[%get3A_740, %get3A_741] {strides = array<i32>} : memref<128x48xf32, #tpu.memory_space<vmem>>, vector<16xf32>,
        %mul3A_743 = arith.mulf %get3A_742, %broadcast_in_dim3A_735 : vector<16xf32>
        %swap3A_744 = arith.index_cast %add3A_739 : i32 to index
        %swap3A_745 = arith.constant 0 : index
        %swap3A_746 = tpu.vector_load %arg12[%swap3A_744, %swap3A_745] {strides = array<i32>} : memref<128x48xf32, #tpu.memory_space<vmem>>, vector<16xf32>,
        tpu.vector_store %arg12[%swap3A_744, %swap3A_745], %mul3A_743 {strides = array<i32>} : memref<128x48xf32, #tpu.memory_space<vmem>>, vector<16xf32>,
        %get3A_747 = arith.index_cast %add3A_739 : i32 to index
        %get3A_748 = arith.constant 16 : index
        %get3A_749 = tpu.vector_load %arg12[%get3A_747, %get3A_748] {strides = array<i32>} : memref<128x48xf32, #tpu.memory_space<vmem>>, vector<16xf32>,
        %mul3A_750 = arith.mulf %get3A_749, %broadcast_in_dim3A_735 : vector<16xf32>
        %swap3A_751 = arith.index_cast %add3A_739 : i32 to index
        %swap3A_752 = arith.constant 16 : index
        %swap3A_753 = tpu.vector_load %arg12[%swap3A_751, %swap3A_752] {strides = array<i32>} : memref<128x48xf32, #tpu.memory_space<vmem>>, vector<16xf32>,
        tpu.vector_store %arg12[%swap3A_751, %swap3A_752], %mul3A_750 {strides = array<i32>} : memref<128x48xf32, #tpu.memory_space<vmem>>, vector<16xf32>,
        %get3A_754 = arith.index_cast %add3A_739 : i32 to index
        %get3A_755 = arith.constant 32 : index
        %get3A_756 = tpu.vector_load %arg12[%get3A_754, %get3A_755] {strides = array<i32>} : memref<128x48xf32, #tpu.memory_space<vmem>>, vector<16xf32>,
        %mul3A_757 = arith.mulf %get3A_756, %broadcast_in_dim3A_735 : vector<16xf32>
        %swap3A_758 = arith.index_cast %add3A_739 : i32 to index
        %swap3A_759 = arith.constant 32 : index
        %swap3A_760 = tpu.vector_load %arg12[%swap3A_758, %swap3A_759] {strides = array<i32>} : memref<128x48xf32, #tpu.memory_space<vmem>>, vector<16xf32>,
        tpu.vector_store %arg12[%swap3A_758, %swap3A_759], %mul3A_757 {strides = array<i32>} : memref<128x48xf32, #tpu.memory_space<vmem>>, vector<16xf32>,
        %slice3A_761 = vector.extract_strided_slice %get3A_567 {offsets = [7], sizes = [1], strides = [1]} : vector<16xf32> to vector<1xf32>
        %squeeze3A_762 = vector.extract %slice3A_761[0] : f32 from vector<1xf32>
        %broadcast_in_dim3A_763 = vector.broadcast %squeeze3A_762 : f32 to vector<16xf32>
        %mul3A_764 = arith.constant 16 : i32
        %mul3A_765 = arith.muli %add3A_563, %mul3A_764 : i32
        %add3A_766 = arith.constant 7 : i32
        %add3A_767 = arith.addi %mul3A_765, %add3A_766 : i32
        %get3A_768 = arith.index_cast %add3A_767 : i32 to index
        %get3A_769 = arith.constant 0 : index
        %get3A_770 = tpu.vector_load %arg12[%get3A_768, %get3A_769] {strides = array<i32>} : memref<128x48xf32, #tpu.memory_space<vmem>>, vector<16xf32>,
        %mul3A_771 = arith.mulf %get3A_770, %broadcast_in_dim3A_763 : vector<16xf32>
        %swap3A_772 = arith.index_cast %add3A_767 : i32 to index
        %swap3A_773 = arith.constant 0 : index
        %swap3A_774 = tpu.vector_load %arg12[%swap3A_772, %swap3A_773] {strides = array<i32>} : memref<128x48xf32, #tpu.memory_space<vmem>>, vector<16xf32>,
        tpu.vector_store %arg12[%swap3A_772, %swap3A_773], %mul3A_771 {strides = array<i32>} : memref<128x48xf32, #tpu.memory_space<vmem>>, vector<16xf32>,
        %get3A_775 = arith.index_cast %add3A_767 : i32 to index
        %get3A_776 = arith.constant 16 : index
        %get3A_777 = tpu.vector_load %arg12[%get3A_775, %get3A_776] {strides = array<i32>} : memref<128x48xf32, #tpu.memory_space<vmem>>, vector<16xf32>,
        %mul3A_778 = arith.mulf %get3A_777, %broadcast_in_dim3A_763 : vector<16xf32>
        %swap3A_779 = arith.index_cast %add3A_767 : i32 to index
        %swap3A_780 = arith.constant 16 : index
        %swap3A_781 = tpu.vector_load %arg12[%swap3A_779, %swap3A_780] {strides = array<i32>} : memref<128x48xf32, #tpu.memory_space<vmem>>, vector<16xf32>,
        tpu.vector_store %arg12[%swap3A_779, %swap3A_780], %mul3A_778 {strides = array<i32>} : memref<128x48xf32, #tpu.memory_space<vmem>>, vector<16xf32>,
        %get3A_782 = arith.index_cast %add3A_767 : i32 to index
        %get3A_783 = arith.constant 32 : index
        %get3A_784 = tpu.vector_load %arg12[%get3A_782, %get3A_783] {strides = array<i32>} : memref<128x48xf32, #tpu.memory_space<vmem>>, vector<16xf32>,
        %mul3A_785 = arith.mulf %get3A_784, %broadcast_in_dim3A_763 : vector<16xf32>
        %swap3A_786 = arith.index_cast %add3A_767 : i32 to index
        %swap3A_787 = arith.constant 32 : index
        %swap3A_788 = tpu.vector_load %arg12[%swap3A_786, %swap3A_787] {strides = array<i32>} : memref<128x48xf32, #tpu.memory_space<vmem>>, vector<16xf32>,
        tpu.vector_store %arg12[%swap3A_786, %swap3A_787], %mul3A_785 {strides = array<i32>} : memref<128x48xf32, #tpu.memory_space<vmem>>, vector<16xf32>,
        %slice3A_789 = vector.extract_strided_slice %get3A_567 {offsets = [8], sizes = [1], strides = [1]} : vector<16xf32> to vector<1xf32>
        %squeeze3A_790 = vector.extract %slice3A_789[0] : f32 from vector<1xf32>
        %broadcast_in_dim3A_791 = vector.broadcast %squeeze3A_790 : f32 to vector<16xf32>
        %mul3A_792 = arith.constant 16 : i32
        %mul3A_793 = arith.muli %add3A_563, %mul3A_792 : i32
        %add3A_794 = arith.constant 8 : i32
        %add3A_795 = arith.addi %mul3A_793, %add3A_794 : i32
        %get3A_796 = arith.index_cast %add3A_795 : i32 to index
        %get3A_797 = arith.constant 0 : index
        %get3A_798 = tpu.vector_load %arg12[%get3A_796, %get3A_797] {strides = array<i32>} : memref<128x48xf32, #tpu.memory_space<vmem>>, vector<16xf32>,
        %mul3A_799 = arith.mulf %get3A_798, %broadcast_in_dim3A_791 : vector<16xf32>
        %swap3A_800 = arith.index_cast %add3A_795 : i32 to index
        %swap3A_801 = arith.constant 0 : index
        %swap3A_802 = tpu.vector_load %arg12[%swap3A_800, %swap3A_801] {strides = array<i32>} : memref<128x48xf32, #tpu.memory_space<vmem>>, vector<16xf32>,
        tpu.vector_store %arg12[%swap3A_800, %swap3A_801], %mul3A_799 {strides = array<i32>} : memref<128x48xf32, #tpu.memory_space<vmem>>, vector<16xf32>,
        %get3A_803 = arith.index_cast %add3A_795 : i32 to index
        %get3A_804 = arith.constant 16 : index
        %get3A_805 = tpu.vector_load %arg12[%get3A_803, %get3A_804] {strides = array<i32>} : memref<128x48xf32, #tpu.memory_space<vmem>>, vector<16xf32>,
        %mul3A_806 = arith.mulf %get3A_805, %broadcast_in_dim3A_791 : vector<16xf32>
        %swap3A_807 = arith.index_cast %add3A_795 : i32 to index
        %swap3A_808 = arith.constant 16 : index
        %swap3A_809 = tpu.vector_load %arg12[%swap3A_807, %swap3A_808] {strides = array<i32>} : memref<128x48xf32, #tpu.memory_space<vmem>>, vector<16xf32>,
        tpu.vector_store %arg12[%swap3A_807, %swap3A_808], %mul3A_806 {strides = array<i32>} : memref<128x48xf32, #tpu.memory_space<vmem>>, vector<16xf32>,
        %get3A_810 = arith.index_cast %add3A_795 : i32 to index
        %get3A_811 = arith.constant 32 : index
        %get3A_812 = tpu.vector_load %arg12[%get3A_810, %get3A_811] {strides = array<i32>} : memref<128x48xf32, #tpu.memory_space<vmem>>, vector<16xf32>,
        %mul3A_813 = arith.mulf %get3A_812, %broadcast_in_dim3A_791 : vector<16xf32>
        %swap3A_814 = arith.index_cast %add3A_795 : i32 to index
        %swap3A_815 = arith.constant 32 : index
        %swap3A_816 = tpu.vector_load %arg12[%swap3A_814, %swap3A_815] {strides = array<i32>} : memref<128x48xf32, #tpu.memory_space<vmem>>, vector<16xf32>,
        tpu.vector_store %arg12[%swap3A_814, %swap3A_815], %mul3A_813 {strides = array<i32>} : memref<128x48xf32, #tpu.memory_space<vmem>>, vector<16xf32>,
        %slice3A_817 = vector.extract_strided_slice %get3A_567 {offsets = [9], sizes = [1], strides = [1]} : vector<16xf32> to vector<1xf32>
        %squeeze3A_818 = vector.extract %slice3A_817[0] : f32 from vector<1xf32>
        %broadcast_in_dim3A_819 = vector.broadcast %squeeze3A_818 : f32 to vector<16xf32>
        %mul3A_820 = arith.constant 16 : i32
        %mul3A_821 = arith.muli %add3A_563, %mul3A_820 : i32
        %add3A_822 = arith.constant 9 : i32
        %add3A_823 = arith.addi %mul3A_821, %add3A_822 : i32
        %get3A_824 = arith.index_cast %add3A_823 : i32 to index
        %get3A_825 = arith.constant 0 : index
        %get3A_826 = tpu.vector_load %arg12[%get3A_824, %get3A_825] {strides = array<i32>} : memref<128x48xf32, #tpu.memory_space<vmem>>, vector<16xf32>,
        %mul3A_827 = arith.mulf %get3A_826, %broadcast_in_dim3A_819 : vector<16xf32>
        %swap3A_828 = arith.index_cast %add3A_823 : i32 to index
        %swap3A_829 = arith.constant 0 : index
        %swap3A_830 = tpu.vector_load %arg12[%swap3A_828, %swap3A_829] {strides = array<i32>} : memref<128x48xf32, #tpu.memory_space<vmem>>, vector<16xf32>,
        tpu.vector_store %arg12[%swap3A_828, %swap3A_829], %mul3A_827 {strides = array<i32>} : memref<128x48xf32, #tpu.memory_space<vmem>>, vector<16xf32>,
        %get3A_831 = arith.index_cast %add3A_823 : i32 to index
        %get3A_832 = arith.constant 16 : index
        %get3A_833 = tpu.vector_load %arg12[%get3A_831, %get3A_832] {strides = array<i32>} : memref<128x48xf32, #tpu.memory_space<vmem>>, vector<16xf32>,
        %mul3A_834 = arith.mulf %get3A_833, %broadcast_in_dim3A_819 : vector<16xf32>
        %swap3A_835 = arith.index_cast %add3A_823 : i32 to index
        %swap3A_836 = arith.constant 16 : index
        %swap3A_837 = tpu.vector_load %arg12[%swap3A_835, %swap3A_836] {strides = array<i32>} : memref<128x48xf32, #tpu.memory_space<vmem>>, vector<16xf32>,
        tpu.vector_store %arg12[%swap3A_835, %swap3A_836], %mul3A_834 {strides = array<i32>} : memref<128x48xf32, #tpu.memory_space<vmem>>, vector<16xf32>,
        %get3A_838 = arith.index_cast %add3A_823 : i32 to index
        %get3A_839 = arith.constant 32 : index
        %get3A_840 = tpu.vector_load %arg12[%get3A_838, %get3A_839] {strides = array<i32>} : memref<128x48xf32, #tpu.memory_space<vmem>>, vector<16xf32>,
        %mul3A_841 = arith.mulf %get3A_840, %broadcast_in_dim3A_819 : vector<16xf32>
        %swap3A_842 = arith.index_cast %add3A_823 : i32 to index
        %swap3A_843 = arith.constant 32 : index
        %swap3A_844 = tpu.vector_load %arg12[%swap3A_842, %swap3A_843] {strides = array<i32>} : memref<128x48xf32, #tpu.memory_space<vmem>>, vector<16xf32>,
        tpu.vector_store %arg12[%swap3A_842, %swap3A_843], %mul3A_841 {strides = array<i32>} : memref<128x48xf32, #tpu.memory_space<vmem>>, vector<16xf32>,
        %slice3A_845 = vector.extract_strided_slice %get3A_567 {offsets = [10], sizes = [1], strides = [1]} : vector<16xf32> to vector<1xf32>
        %squeeze3A_846 = vector.extract %slice3A_845[0] : f32 from vector<1xf32>
        %broadcast_in_dim3A_847 = vector.broadcast %squeeze3A_846 : f32 to vector<16xf32>
        %mul3A_848 = arith.constant 16 : i32
        %mul3A_849 = arith.muli %add3A_563, %mul3A_848 : i32
        %add3A_850 = arith.constant 10 : i32
        %add3A_851 = arith.addi %mul3A_849, %add3A_850 : i32
        %get3A_852 = arith.index_cast %add3A_851 : i32 to index
        %get3A_853 = arith.constant 0 : index
        %get3A_854 = tpu.vector_load %arg12[%get3A_852, %get3A_853] {strides = array<i32>} : memref<128x48xf32, #tpu.memory_space<vmem>>, vector<16xf32>,
        %mul3A_855 = arith.mulf %get3A_854, %broadcast_in_dim3A_847 : vector<16xf32>
        %swap3A_856 = arith.index_cast %add3A_851 : i32 to index
        %swap3A_857 = arith.constant 0 : index
        %swap3A_858 = tpu.vector_load %arg12[%swap3A_856, %swap3A_857] {strides = array<i32>} : memref<128x48xf32, #tpu.memory_space<vmem>>, vector<16xf32>,
        tpu.vector_store %arg12[%swap3A_856, %swap3A_857], %mul3A_855 {strides = array<i32>} : memref<128x48xf32, #tpu.memory_space<vmem>>, vector<16xf32>,
        %get3A_859 = arith.index_cast %add3A_851 : i32 to index
        %get3A_860 = arith.constant 16 : index
        %get3A_861 = tpu.vector_load %arg12[%get3A_859, %get3A_860] {strides = array<i32>} : memref<128x48xf32, #tpu.memory_space<vmem>>, vector<16xf32>,
        %mul3A_862 = arith.mulf %get3A_861, %broadcast_in_dim3A_847 : vector<16xf32>
        %swap3A_863 = arith.index_cast %add3A_851 : i32 to index
        %swap3A_864 = arith.constant 16 : index
        %swap3A_865 = tpu.vector_load %arg12[%swap3A_863, %swap3A_864] {strides = array<i32>} : memref<128x48xf32, #tpu.memory_space<vmem>>, vector<16xf32>,
        tpu.vector_store %arg12[%swap3A_863, %swap3A_864], %mul3A_862 {strides = array<i32>} : memref<128x48xf32, #tpu.memory_space<vmem>>, vector<16xf32>,
        %get3A_866 = arith.index_cast %add3A_851 : i32 to index
        %get3A_867 = arith.constant 32 : index
        %get3A_868 = tpu.vector_load %arg12[%get3A_866, %get3A_867] {strides = array<i32>} : memref<128x48xf32, #tpu.memory_space<vmem>>, vector<16xf32>,
        %mul3A_869 = arith.mulf %get3A_868, %broadcast_in_dim3A_847 : vector<16xf32>
        %swap3A_870 = arith.index_cast %add3A_851 : i32 to index
        %swap3A_871 = arith.constant 32 : index
        %swap3A_872 = tpu.vector_load %arg12[%swap3A_870, %swap3A_871] {strides = array<i32>} : memref<128x48xf32, #tpu.memory_space<vmem>>, vector<16xf32>,
        tpu.vector_store %arg12[%swap3A_870, %swap3A_871], %mul3A_869 {strides = array<i32>} : memref<128x48xf32, #tpu.memory_space<vmem>>, vector<16xf32>,
        %slice3A_873 = vector.extract_strided_slice %get3A_567 {offsets = [11], sizes = [1], strides = [1]} : vector<16xf32> to vector<1xf32>
        %squeeze3A_874 = vector.extract %slice3A_873[0] : f32 from vector<1xf32>
        %broadcast_in_dim3A_875 = vector.broadcast %squeeze3A_874 : f32 to vector<16xf32>
        %mul3A_876 = arith.constant 16 : i32
        %mul3A_877 = arith.muli %add3A_563, %mul3A_876 : i32
        %add3A_878 = arith.constant 11 : i32
        %add3A_879 = arith.addi %mul3A_877, %add3A_878 : i32
        %get3A_880 = arith.index_cast %add3A_879 : i32 to index
        %get3A_881 = arith.constant 0 : index
        %get3A_882 = tpu.vector_load %arg12[%get3A_880, %get3A_881] {strides = array<i32>} : memref<128x48xf32, #tpu.memory_space<vmem>>, vector<16xf32>,
        %mul3A_883 = arith.mulf %get3A_882, %broadcast_in_dim3A_875 : vector<16xf32>
        %swap3A_884 = arith.index_cast %add3A_879 : i32 to index
        %swap3A_885 = arith.constant 0 : index
        %swap3A_886 = tpu.vector_load %arg12[%swap3A_884, %swap3A_885] {strides = array<i32>} : memref<128x48xf32, #tpu.memory_space<vmem>>, vector<16xf32>,
        tpu.vector_store %arg12[%swap3A_884, %swap3A_885], %mul3A_883 {strides = array<i32>} : memref<128x48xf32, #tpu.memory_space<vmem>>, vector<16xf32>,
        %get3A_887 = arith.index_cast %add3A_879 : i32 to index
        %get3A_888 = arith.constant 16 : index
        %get3A_889 = tpu.vector_load %arg12[%get3A_887, %get3A_888] {strides = array<i32>} : memref<128x48xf32, #tpu.memory_space<vmem>>, vector<16xf32>,
        %mul3A_890 = arith.mulf %get3A_889, %broadcast_in_dim3A_875 : vector<16xf32>
        %swap3A_891 = arith.index_cast %add3A_879 : i32 to index
        %swap3A_892 = arith.constant 16 : index
        %swap3A_893 = tpu.vector_load %arg12[%swap3A_891, %swap3A_892] {strides = array<i32>} : memref<128x48xf32, #tpu.memory_space<vmem>>, vector<16xf32>,
        tpu.vector_store %arg12[%swap3A_891, %swap3A_892], %mul3A_890 {strides = array<i32>} : memref<128x48xf32, #tpu.memory_space<vmem>>, vector<16xf32>,
        %get3A_894 = arith.index_cast %add3A_879 : i32 to index
        %get3A_895 = arith.constant 32 : index
        %get3A_896 = tpu.vector_load %arg12[%get3A_894, %get3A_895] {strides = array<i32>} : memref<128x48xf32, #tpu.memory_space<vmem>>, vector<16xf32>,
        %mul3A_897 = arith.mulf %get3A_896, %broadcast_in_dim3A_875 : vector<16xf32>
        %swap3A_898 = arith.index_cast %add3A_879 : i32 to index
        %swap3A_899 = arith.constant 32 : index
        %swap3A_900 = tpu.vector_load %arg12[%swap3A_898, %swap3A_899] {strides = array<i32>} : memref<128x48xf32, #tpu.memory_space<vmem>>, vector<16xf32>,
        tpu.vector_store %arg12[%swap3A_898, %swap3A_899], %mul3A_897 {strides = array<i32>} : memref<128x48xf32, #tpu.memory_space<vmem>>, vector<16xf32>,
        %slice3A_901 = vector.extract_strided_slice %get3A_567 {offsets = [12], sizes = [1], strides = [1]} : vector<16xf32> to vector<1xf32>
        %squeeze3A_902 = vector.extract %slice3A_901[0] : f32 from vector<1xf32>
        %broadcast_in_dim3A_903 = vector.broadcast %squeeze3A_902 : f32 to vector<16xf32>
        %mul3A_904 = arith.constant 16 : i32
        %mul3A_905 = arith.muli %add3A_563, %mul3A_904 : i32
        %add3A_906 = arith.constant 12 : i32
        %add3A_907 = arith.addi %mul3A_905, %add3A_906 : i32
        %get3A_908 = arith.index_cast %add3A_907 : i32 to index
        %get3A_909 = arith.constant 0 : index
        %get3A_910 = tpu.vector_load %arg12[%get3A_908, %get3A_909] {strides = array<i32>} : memref<128x48xf32, #tpu.memory_space<vmem>>, vector<16xf32>,
        %mul3A_911 = arith.mulf %get3A_910, %broadcast_in_dim3A_903 : vector<16xf32>
        %swap3A_912 = arith.index_cast %add3A_907 : i32 to index
        %swap3A_913 = arith.constant 0 : index
        %swap3A_914 = tpu.vector_load %arg12[%swap3A_912, %swap3A_913] {strides = array<i32>} : memref<128x48xf32, #tpu.memory_space<vmem>>, vector<16xf32>,
        tpu.vector_store %arg12[%swap3A_912, %swap3A_913], %mul3A_911 {strides = array<i32>} : memref<128x48xf32, #tpu.memory_space<vmem>>, vector<16xf32>,
        %get3A_915 = arith.index_cast %add3A_907 : i32 to index
        %get3A_916 = arith.constant 16 : index
        %get3A_917 = tpu.vector_load %arg12[%get3A_915, %get3A_916] {strides = array<i32>} : memref<128x48xf32, #tpu.memory_space<vmem>>, vector<16xf32>,
        %mul3A_918 = arith.mulf %get3A_917, %broadcast_in_dim3A_903 : vector<16xf32>
        %swap3A_919 = arith.index_cast %add3A_907 : i32 to index
        %swap3A_920 = arith.constant 16 : index
        %swap3A_921 = tpu.vector_load %arg12[%swap3A_919, %swap3A_920] {strides = array<i32>} : memref<128x48xf32, #tpu.memory_space<vmem>>, vector<16xf32>,
        tpu.vector_store %arg12[%swap3A_919, %swap3A_920], %mul3A_918 {strides = array<i32>} : memref<128x48xf32, #tpu.memory_space<vmem>>, vector<16xf32>,
        %get3A_922 = arith.index_cast %add3A_907 : i32 to index
        %get3A_923 = arith.constant 32 : index
        %get3A_924 = tpu.vector_load %arg12[%get3A_922, %get3A_923] {strides = array<i32>} : memref<128x48xf32, #tpu.memory_space<vmem>>, vector<16xf32>,
        %mul3A_925 = arith.mulf %get3A_924, %broadcast_in_dim3A_903 : vector<16xf32>
        %swap3A_926 = arith.index_cast %add3A_907 : i32 to index
        %swap3A_927 = arith.constant 32 : index
        %swap3A_928 = tpu.vector_load %arg12[%swap3A_926, %swap3A_927] {strides = array<i32>} : memref<128x48xf32, #tpu.memory_space<vmem>>, vector<16xf32>,
        tpu.vector_store %arg12[%swap3A_926, %swap3A_927], %mul3A_925 {strides = array<i32>} : memref<128x48xf32, #tpu.memory_space<vmem>>, vector<16xf32>,
        %slice3A_929 = vector.extract_strided_slice %get3A_567 {offsets = [13], sizes = [1], strides = [1]} : vector<16xf32> to vector<1xf32>
        %squeeze3A_930 = vector.extract %slice3A_929[0] : f32 from vector<1xf32>
        %broadcast_in_dim3A_931 = vector.broadcast %squeeze3A_930 : f32 to vector<16xf32>
        %mul3A_932 = arith.constant 16 : i32
        %mul3A_933 = arith.muli %add3A_563, %mul3A_932 : i32
        %add3A_934 = arith.constant 13 : i32
        %add3A_935 = arith.addi %mul3A_933, %add3A_934 : i32
        %get3A_936 = arith.index_cast %add3A_935 : i32 to index
        %get3A_937 = arith.constant 0 : index
        %get3A_938 = tpu.vector_load %arg12[%get3A_936, %get3A_937] {strides = array<i32>} : memref<128x48xf32, #tpu.memory_space<vmem>>, vector<16xf32>,
        %mul3A_939 = arith.mulf %get3A_938, %broadcast_in_dim3A_931 : vector<16xf32>
        %swap3A_940 = arith.index_cast %add3A_935 : i32 to index
        %swap3A_941 = arith.constant 0 : index
        %swap3A_942 = tpu.vector_load %arg12[%swap3A_940, %swap3A_941] {strides = array<i32>} : memref<128x48xf32, #tpu.memory_space<vmem>>, vector<16xf32>,
        tpu.vector_store %arg12[%swap3A_940, %swap3A_941], %mul3A_939 {strides = array<i32>} : memref<128x48xf32, #tpu.memory_space<vmem>>, vector<16xf32>,
        %get3A_943 = arith.index_cast %add3A_935 : i32 to index
        %get3A_944 = arith.constant 16 : index
        %get3A_945 = tpu.vector_load %arg12[%get3A_943, %get3A_944] {strides = array<i32>} : memref<128x48xf32, #tpu.memory_space<vmem>>, vector<16xf32>,
        %mul3A_946 = arith.mulf %get3A_945, %broadcast_in_dim3A_931 : vector<16xf32>
        %swap3A_947 = arith.index_cast %add3A_935 : i32 to index
        %swap3A_948 = arith.constant 16 : index
        %swap3A_949 = tpu.vector_load %arg12[%swap3A_947, %swap3A_948] {strides = array<i32>} : memref<128x48xf32, #tpu.memory_space<vmem>>, vector<16xf32>,
        tpu.vector_store %arg12[%swap3A_947, %swap3A_948], %mul3A_946 {strides = array<i32>} : memref<128x48xf32, #tpu.memory_space<vmem>>, vector<16xf32>,
        %get3A_950 = arith.index_cast %add3A_935 : i32 to index
        %get3A_951 = arith.constant 32 : index
        %get3A_952 = tpu.vector_load %arg12[%get3A_950, %get3A_951] {strides = array<i32>} : memref<128x48xf32, #tpu.memory_space<vmem>>, vector<16xf32>,
        %mul3A_953 = arith.mulf %get3A_952, %broadcast_in_dim3A_931 : vector<16xf32>
        %swap3A_954 = arith.index_cast %add3A_935 : i32 to index
        %swap3A_955 = arith.constant 32 : index
        %swap3A_956 = tpu.vector_load %arg12[%swap3A_954, %swap3A_955] {strides = array<i32>} : memref<128x48xf32, #tpu.memory_space<vmem>>, vector<16xf32>,
        tpu.vector_store %arg12[%swap3A_954, %swap3A_955], %mul3A_953 {strides = array<i32>} : memref<128x48xf32, #tpu.memory_space<vmem>>, vector<16xf32>,
        %slice3A_957 = vector.extract_strided_slice %get3A_567 {offsets = [14], sizes = [1], strides = [1]} : vector<16xf32> to vector<1xf32>
        %squeeze3A_958 = vector.extract %slice3A_957[0] : f32 from vector<1xf32>
        %broadcast_in_dim3A_959 = vector.broadcast %squeeze3A_958 : f32 to vector<16xf32>
        %mul3A_960 = arith.constant 16 : i32
        %mul3A_961 = arith.muli %add3A_563, %mul3A_960 : i32
        %add3A_962 = arith.constant 14 : i32
        %add3A_963 = arith.addi %mul3A_961, %add3A_962 : i32
        %get3A_964 = arith.index_cast %add3A_963 : i32 to index
        %get3A_965 = arith.constant 0 : index
        %get3A_966 = tpu.vector_load %arg12[%get3A_964, %get3A_965] {strides = array<i32>} : memref<128x48xf32, #tpu.memory_space<vmem>>, vector<16xf32>,
        %mul3A_967 = arith.mulf %get3A_966, %broadcast_in_dim3A_959 : vector<16xf32>
        %swap3A_968 = arith.index_cast %add3A_963 : i32 to index
        %swap3A_969 = arith.constant 0 : index
        %swap3A_970 = tpu.vector_load %arg12[%swap3A_968, %swap3A_969] {strides = array<i32>} : memref<128x48xf32, #tpu.memory_space<vmem>>, vector<16xf32>,
        tpu.vector_store %arg12[%swap3A_968, %swap3A_969], %mul3A_967 {strides = array<i32>} : memref<128x48xf32, #tpu.memory_space<vmem>>, vector<16xf32>,
        %get3A_971 = arith.index_cast %add3A_963 : i32 to index
        %get3A_972 = arith.constant 16 : index
        %get3A_973 = tpu.vector_load %arg12[%get3A_971, %get3A_972] {strides = array<i32>} : memref<128x48xf32, #tpu.memory_space<vmem>>, vector<16xf32>,
        %mul3A_974 = arith.mulf %get3A_973, %broadcast_in_dim3A_959 : vector<16xf32>
        %swap3A_975 = arith.index_cast %add3A_963 : i32 to index
        %swap3A_976 = arith.constant 16 : index
        %swap3A_977 = tpu.vector_load %arg12[%swap3A_975, %swap3A_976] {strides = array<i32>} : memref<128x48xf32, #tpu.memory_space<vmem>>, vector<16xf32>,
        tpu.vector_store %arg12[%swap3A_975, %swap3A_976], %mul3A_974 {strides = array<i32>} : memref<128x48xf32, #tpu.memory_space<vmem>>, vector<16xf32>,
        %get3A_978 = arith.index_cast %add3A_963 : i32 to index
        %get3A_979 = arith.constant 32 : index
        %get3A_980 = tpu.vector_load %arg12[%get3A_978, %get3A_979] {strides = array<i32>} : memref<128x48xf32, #tpu.memory_space<vmem>>, vector<16xf32>,
        %mul3A_981 = arith.mulf %get3A_980, %broadcast_in_dim3A_959 : vector<16xf32>
        %swap3A_982 = arith.index_cast %add3A_963 : i32 to index
        %swap3A_983 = arith.constant 32 : index
        %swap3A_984 = tpu.vector_load %arg12[%swap3A_982, %swap3A_983] {strides = array<i32>} : memref<128x48xf32, #tpu.memory_space<vmem>>, vector<16xf32>,
        tpu.vector_store %arg12[%swap3A_982, %swap3A_983], %mul3A_981 {strides = array<i32>} : memref<128x48xf32, #tpu.memory_space<vmem>>, vector<16xf32>,
        %slice3A_985 = vector.extract_strided_slice %get3A_567 {offsets = [15], sizes = [1], strides = [1]} : vector<16xf32> to vector<1xf32>
        %squeeze3A_986 = vector.extract %slice3A_985[0] : f32 from vector<1xf32>
        %broadcast_in_dim3A_987 = vector.broadcast %squeeze3A_986 : f32 to vector<16xf32>
        %mul3A_988 = arith.constant 16 : i32
        %mul3A_989 = arith.muli %add3A_563, %mul3A_988 : i32
        %add3A_990 = arith.constant 15 : i32
        %add3A_991 = arith.addi %mul3A_989, %add3A_990 : i32
        %get3A_992 = arith.index_cast %add3A_991 : i32 to index
        %get3A_993 = arith.constant 0 : index
        %get3A_994 = tpu.vector_load %arg12[%get3A_992, %get3A_993] {strides = array<i32>} : memref<128x48xf32, #tpu.memory_space<vmem>>, vector<16xf32>,
        %mul3A_995 = arith.mulf %get3A_994, %broadcast_in_dim3A_987 : vector<16xf32>
        %swap3A_996 = arith.index_cast %add3A_991 : i32 to index
        %swap3A_997 = arith.constant 0 : index
        %swap3A_998 = tpu.vector_load %arg12[%swap3A_996, %swap3A_997] {strides = array<i32>} : memref<128x48xf32, #tpu.memory_space<vmem>>, vector<16xf32>,
        tpu.vector_store %arg12[%swap3A_996, %swap3A_997], %mul3A_995 {strides = array<i32>} : memref<128x48xf32, #tpu.memory_space<vmem>>, vector<16xf32>,
        %get3A_999 = arith.index_cast %add3A_991 : i32 to index
        %get3A_1000 = arith.constant 16 : index
        %get3A_1001 = tpu.vector_load %arg12[%get3A_999, %get3A_1000] {strides = array<i32>} : memref<128x48xf32, #tpu.memory_space<vmem>>, vector<16xf32>,
        %mul3A_1002 = arith.mulf %get3A_1001, %broadcast_in_dim3A_987 : vector<16xf32>
        %swap3A_1003 = arith.index_cast %add3A_991 : i32 to index
        %swap3A_1004 = arith.constant 16 : index
        %swap3A_1005 = tpu.vector_load %arg12[%swap3A_1003, %swap3A_1004] {strides = array<i32>} : memref<128x48xf32, #tpu.memory_space<vmem>>, vector<16xf32>,
        tpu.vector_store %arg12[%swap3A_1003, %swap3A_1004], %mul3A_1002 {strides = array<i32>} : memref<128x48xf32, #tpu.memory_space<vmem>>, vector<16xf32>,
        %get3A_1006 = arith.index_cast %add3A_991 : i32 to index
        %get3A_1007 = arith.constant 32 : index
        %get3A_1008 = tpu.vector_load %arg12[%get3A_1006, %get3A_1007] {strides = array<i32>} : memref<128x48xf32, #tpu.memory_space<vmem>>, vector<16xf32>,
        %mul3A_1009 = arith.mulf %get3A_1008, %broadcast_in_dim3A_987 : vector<16xf32>
        %swap3A_1010 = arith.index_cast %add3A_991 : i32 to index
        %swap3A_1011 = arith.constant 32 : index
        %swap3A_1012 = tpu.vector_load %arg12[%swap3A_1010, %swap3A_1011] {strides = array<i32>} : memref<128x48xf32, #tpu.memory_space<vmem>>, vector<16xf32>,
        tpu.vector_store %arg12[%swap3A_1010, %swap3A_1011], %mul3A_1009 {strides = array<i32>} : memref<128x48xf32, #tpu.memory_space<vmem>>, vector<16xf32>,
      }
      %scan3A_551 = arith.constant 8 : i32
      "tpu.region"() ({
        %run_scoped3A = tpu.sem_alloc : memref<!tpu.dma_semaphore, #tpu.memory_space<semaphore_mem>>
        %dma_start3A_559 = arith.constant 0 : i32
        %dma_start3A_560 = tpu.memref_slice %arg10[%add3A_292, %dma_start3A_559] : memref<80x128xi32, #tpu.memory_space<vmem>> -> memref<1x128xi32, #tpu.memory_space<vmem>>
        %dma_start3A_561 = tpu.memref_squeeze %dma_start3A_560 : memref<1x128xi32, #tpu.memory_space<vmem>> -> memref<128xi32, #tpu.memory_space<vmem>>
        %dma_start3A_562 = arith.constant 0 : i32
        %dma_start3A_563 = arith.constant 0 : i32
        %dma_start3A_564 = tpu.memref_slice %arg14[%dma_start3A_562, %dma_start3A_563] : memref<10240x48xf32, #tpu.memory_space<vmem_shared>> -> memref<10240x48xf32, #tpu.memory_space<vmem_shared>>
        tpu.enqueue_indirect_dma source(%arg12 : memref<128x48xf32, #tpu.memory_space<vmem>>) target(%dma_start3A_564 : memref<10240x48xf32, #tpu.memory_space<vmem_shared>>) offsets(%dma_start3A_561 : memref<128xi32, #tpu.memory_space<vmem>>) semaphore(%run_scoped3A : memref<!tpu.dma_semaphore, #tpu.memory_space<semaphore_mem>>) {add = true}
        %dma_wait3A_565 = arith.constant 0 : i32
        %dma_wait3A_566 = tpu.memref_slice %arg10[%add3A_292, %dma_wait3A_565] : memref<80x128xi32, #tpu.memory_space<vmem>> -> memref<1x128xi32, #tpu.memory_space<vmem>>
        %dma_wait3A_567 = tpu.memref_squeeze %dma_wait3A_566 : memref<1x128xi32, #tpu.memory_space<vmem>> -> memref<128xi32, #tpu.memory_space<vmem>>
        %dma_wait3A_568 = arith.constant 0 : i32
        %dma_wait3A_569 = arith.constant 0 : i32
        %dma_wait3A_570 = tpu.memref_slice %arg14[%dma_wait3A_568, %dma_wait3A_569] : memref<10240x48xf32, #tpu.memory_space<vmem_shared>> -> memref<10240x48xf32, #tpu.memory_space<vmem_shared>>
        tpu.wait_indirect_dma semaphore(%run_scoped3A : memref<!tpu.dma_semaphore, #tpu.memory_space<semaphore_mem>>) src(%arg12 : memref<128x48xf32, #tpu.memory_space<vmem>>) dst(%dma_wait3A_570 : memref<10240x48xf32, #tpu.memory_space<vmem_shared>>)
        tpu.yield
      }) : () -> ()
      %add3A_552 = arith.constant 2 : i32
      %add3A_553 = arith.addi %add3A_292, %add3A_552 : i32
      %lt3A_554 = arith.constant 80 : i32
      %lt3A_555 = arith.cmpi slt, %add3A_553, %lt3A_554 : i32
      %convert_element_type3A_556 = arith.extui %lt3A_555 : i1 to i32
      %cond3A_557 = arith.constant 0 : i32
      %cond3A_558 = arith.cmpi ne, %convert_element_type3A_556, %cond3A_557 : i32
      scf.if %cond3A_558 {
        %add3A_559 = arith.constant 2 : i32
        %add3A_560 = arith.addi %add3A_292, %add3A_559 : i32
        %dma_start3A_561 = arith.constant 0 : i32
        %dma_start3A_562 = tpu.memref_slice %arg9[%add3A_560, %dma_start3A_561] : memref<80x128xi32, #tpu.memory_space<vmem>> -> memref<1x128xi32, #tpu.memory_space<vmem>>
        %dma_start3A_563 = tpu.memref_squeeze %dma_start3A_562 : memref<1x128xi32, #tpu.memory_space<vmem>> -> memref<128xi32, #tpu.memory_space<vmem>>
        %dma_start3A_564 = arith.constant 0 : i32
        %dma_start3A_565 = arith.constant 0 : i32
        %dma_start3A_566 = tpu.memref_slice %arg2[%dma_start3A_564, %dma_start3A_565] : memref<10000x48xf32, #tpu.memory_space<hbm>> -> memref<10000x48xf32, #tpu.memory_space<hbm>>
        tpu.enqueue_indirect_dma source(%dma_start3A_566 : memref<10000x48xf32, #tpu.memory_space<hbm>>) target(%arg12 : memref<128x48xf32, #tpu.memory_space<vmem>>) offsets(%dma_start3A_563 : memref<128xi32, #tpu.memory_space<vmem>>) semaphore(%arg16 : memref<!tpu.dma_semaphore, #tpu.memory_space<semaphore_mem>>)
      } else {
      }
    }
    %scan3A_21 = arith.constant 40 : i32
    %barrier3A_22 = arith.constant 0 : index
    tpu.barrier barrier_id(%barrier3A_22)
    %mul3A_23 = arith.constant 640 : i32
    %mul3A_24 = arith.muli %arg1, %mul3A_23 : i32
    %mul3A_25 = arith.constant 640 : i32
    %mul3A_26 = arith.muli %arg1, %mul3A_25 : i32
    "tpu.region"() ({
      %run_scoped3A = tpu.sem_alloc : memref<!tpu.dma_semaphore, #tpu.memory_space<semaphore_mem>>
      %dma_start3A_27 = arith.constant 0 : i32
      %dma_start3A_28 = tpu.memref_slice %arg7[%arg0, %mul3A_26, %dma_start3A_27] : memref<2x10240x48xf32, #tpu.memory_space<hbm>> -> memref<1x640x48xf32, #tpu.memory_space<hbm>>
      %dma_start3A_29 = tpu.memref_squeeze %dma_start3A_28 : memref<1x640x48xf32, #tpu.memory_space<hbm>> -> memref<640x48xf32, #tpu.memory_space<hbm>>
      %dma_start3A_30 = arith.constant 0 : i32
      %dma_start3A_31 = tpu.memref_slice %arg14[%mul3A_24, %dma_start3A_30] : memref<10240x48xf32, #tpu.memory_space<vmem_shared>> -> memref<640x48xf32, #tpu.memory_space<vmem_shared>>
      tpu.enqueue_dma source(%dma_start3A_31 : memref<640x48xf32, #tpu.memory_space<vmem_shared>>) target(%dma_start3A_29 : memref<640x48xf32, #tpu.memory_space<hbm>>) target_semaphore(%run_scoped3A : memref<!tpu.dma_semaphore, #tpu.memory_space<semaphore_mem>>)
      %dma_wait3A = arith.constant 0 : i32
      %dma_wait3A_32 = tpu.memref_slice %arg7[%arg0, %mul3A_26, %dma_wait3A] : memref<2x10240x48xf32, #tpu.memory_space<hbm>> -> memref<1x640x48xf32, #tpu.memory_space<hbm>>
      %dma_wait3A_33 = tpu.memref_squeeze %dma_wait3A_32 : memref<1x640x48xf32, #tpu.memory_space<hbm>> -> memref<640x48xf32, #tpu.memory_space<hbm>>
      %dma_wait3A_34 = arith.constant 0 : i32
      %dma_wait3A_35 = tpu.memref_slice %arg14[%mul3A_24, %dma_wait3A_34] : memref<10240x48xf32, #tpu.memory_space<vmem_shared>> -> memref<640x48xf32, #tpu.memory_space<vmem_shared>>
      tpu.wait_dma2 semaphore(%run_scoped3A : memref<!tpu.dma_semaphore, #tpu.memory_space<semaphore_mem>>) src(%dma_wait3A_35 : memref<640x48xf32, #tpu.memory_space<vmem_shared>>) dst(%dma_wait3A_33 : memref<640x48xf32, #tpu.memory_space<hbm>>)
      tpu.yield
    }) : () -> ()
    return
  }
}

#map = affine_map<(d0, d1) -> (0, 0)>
#map1 = affine_map<(d0, d1) -> (0)>
#map2 = affine_map<(d0, d1) -> (0, 0, 0)>
module attributes {stable_mosaic.version = 14 : i64} {
  func.func @body(%arg0: i32, %arg1: i32, %arg2: memref<10000x80xf32, #tpu.memory_space<hbm>>, %arg3: memref<20000xf32, #tpu.memory_space<hbm>>, %arg4: memref<10000x80xf32, #tpu.memory_space<hbm>>, %arg5: memref<32x80x128xi32, #tpu.memory_space<hbm>>, %arg6: memref<32x80x128xi32, #tpu.memory_space<hbm>>, %arg7: memref<2x10240x80xf32, #tpu.memory_space<hbm>>, %arg8: memref<20000xf32, #tpu.memory_space<vmem>>, %arg9: memref<80x128xi32, #tpu.memory_space<vmem>>, %arg10: memref<80x128xi32, #tpu.memory_space<vmem>>, %arg11: memref<128x80xf32, #tpu.memory_space<vmem>>, %arg12: memref<128x80xf32, #tpu.memory_space<vmem>>, %arg13: memref<128xf32, #tpu.memory_space<vmem>>, %arg14: memref<10240x80xf32, #tpu.memory_space<vmem_shared>>, %arg15: memref<!tpu.dma_semaphore, #tpu.memory_space<semaphore_mem>>, %arg16: memref<!tpu.dma_semaphore, #tpu.memory_space<semaphore_mem>>) attributes {dimension_semantics = [#tpu.dimension_semantics<core_parallel>, #tpu.dimension_semantics<subcore_parallel>], iteration_bounds = array<i64: 2, 16>, scalar_prefetch = 0 : i64, scratch_operands = 9 : i64, tpu.core_type = #tpu.core_type<sc_vector_subcore>, window_params = [{transform_indices = #map}, {transform_indices = #map1}, {transform_indices = #map}, {transform_indices = #map2}, {transform_indices = #map2}, {transform_indices = #map2}]} {
    %mul3A = arith.constant 16 : i32
    %mul3A_0 = arith.muli %arg0, %mul3A : i32
    %add3A = arith.addi %mul3A_0, %arg1 : i32
    "tpu.region"() ({
      %run_scoped3A = tpu.sem_alloc : memref<!tpu.dma_semaphore, #tpu.memory_space<semaphore_mem>>
      %dma_start3A_27 = arith.constant 0 : i32
      %dma_start3A_28 = arith.constant 0 : i32
      %dma_start3A_29 = tpu.memref_slice %arg5[%add3A, %dma_start3A_27, %dma_start3A_28] : memref<32x80x128xi32, #tpu.memory_space<hbm>> -> memref<1x80x128xi32, #tpu.memory_space<hbm>>
      %dma_start3A_30 = tpu.memref_squeeze %dma_start3A_29 : memref<1x80x128xi32, #tpu.memory_space<hbm>> -> memref<80x128xi32, #tpu.memory_space<hbm>>
      %dma_start3A_31 = arith.constant 0 : i32
      %dma_start3A_32 = arith.constant 0 : i32
      %dma_start3A_33 = tpu.memref_slice %arg5[%add3A, %dma_start3A_31, %dma_start3A_32] : memref<32x80x128xi32, #tpu.memory_space<hbm>> -> memref<1x80x128xi32, #tpu.memory_space<hbm>>
      %dma_start3A_34 = tpu.memref_squeeze %dma_start3A_33 : memref<1x80x128xi32, #tpu.memory_space<hbm>> -> memref<80x128xi32, #tpu.memory_space<hbm>>
      tpu.enqueue_dma source(%dma_start3A_34 : memref<80x128xi32, #tpu.memory_space<hbm>>) target(%arg9 : memref<80x128xi32, #tpu.memory_space<vmem>>) target_semaphore(%run_scoped3A : memref<!tpu.dma_semaphore, #tpu.memory_space<semaphore_mem>>)
      %dma_wait3A = arith.constant 0 : i32
      %dma_wait3A_35 = arith.constant 0 : i32
      %dma_wait3A_36 = tpu.memref_slice %arg5[%add3A, %dma_wait3A, %dma_wait3A_35] : memref<32x80x128xi32, #tpu.memory_space<hbm>> -> memref<1x80x128xi32, #tpu.memory_space<hbm>>
      %dma_wait3A_37 = tpu.memref_squeeze %dma_wait3A_36 : memref<1x80x128xi32, #tpu.memory_space<hbm>> -> memref<80x128xi32, #tpu.memory_space<hbm>>
      %dma_wait3A_38 = arith.constant 0 : i32
      %dma_wait3A_39 = arith.constant 0 : i32
      %dma_wait3A_40 = tpu.memref_slice %arg5[%add3A, %dma_wait3A_38, %dma_wait3A_39] : memref<32x80x128xi32, #tpu.memory_space<hbm>> -> memref<1x80x128xi32, #tpu.memory_space<hbm>>
      %dma_wait3A_41 = tpu.memref_squeeze %dma_wait3A_40 : memref<1x80x128xi32, #tpu.memory_space<hbm>> -> memref<80x128xi32, #tpu.memory_space<hbm>>
      tpu.wait_dma2 semaphore(%run_scoped3A : memref<!tpu.dma_semaphore, #tpu.memory_space<semaphore_mem>>) src(%dma_wait3A_41 : memref<80x128xi32, #tpu.memory_space<hbm>>) dst(%arg9 : memref<80x128xi32, #tpu.memory_space<vmem>>)
      tpu.yield
    }) : () -> ()
    "tpu.region"() ({
      %run_scoped3A = tpu.sem_alloc : memref<!tpu.dma_semaphore, #tpu.memory_space<semaphore_mem>>
      %dma_start3A_27 = arith.constant 0 : i32
      %dma_start3A_28 = arith.constant 0 : i32
      %dma_start3A_29 = tpu.memref_slice %arg6[%add3A, %dma_start3A_27, %dma_start3A_28] : memref<32x80x128xi32, #tpu.memory_space<hbm>> -> memref<1x80x128xi32, #tpu.memory_space<hbm>>
      %dma_start3A_30 = tpu.memref_squeeze %dma_start3A_29 : memref<1x80x128xi32, #tpu.memory_space<hbm>> -> memref<80x128xi32, #tpu.memory_space<hbm>>
      %dma_start3A_31 = arith.constant 0 : i32
      %dma_start3A_32 = arith.constant 0 : i32
      %dma_start3A_33 = tpu.memref_slice %arg6[%add3A, %dma_start3A_31, %dma_start3A_32] : memref<32x80x128xi32, #tpu.memory_space<hbm>> -> memref<1x80x128xi32, #tpu.memory_space<hbm>>
      %dma_start3A_34 = tpu.memref_squeeze %dma_start3A_33 : memref<1x80x128xi32, #tpu.memory_space<hbm>> -> memref<80x128xi32, #tpu.memory_space<hbm>>
      tpu.enqueue_dma source(%dma_start3A_34 : memref<80x128xi32, #tpu.memory_space<hbm>>) target(%arg10 : memref<80x128xi32, #tpu.memory_space<vmem>>) target_semaphore(%run_scoped3A : memref<!tpu.dma_semaphore, #tpu.memory_space<semaphore_mem>>)
      %dma_wait3A = arith.constant 0 : i32
      %dma_wait3A_35 = arith.constant 0 : i32
      %dma_wait3A_36 = tpu.memref_slice %arg6[%add3A, %dma_wait3A, %dma_wait3A_35] : memref<32x80x128xi32, #tpu.memory_space<hbm>> -> memref<1x80x128xi32, #tpu.memory_space<hbm>>
      %dma_wait3A_37 = tpu.memref_squeeze %dma_wait3A_36 : memref<1x80x128xi32, #tpu.memory_space<hbm>> -> memref<80x128xi32, #tpu.memory_space<hbm>>
      %dma_wait3A_38 = arith.constant 0 : i32
      %dma_wait3A_39 = arith.constant 0 : i32
      %dma_wait3A_40 = tpu.memref_slice %arg6[%add3A, %dma_wait3A_38, %dma_wait3A_39] : memref<32x80x128xi32, #tpu.memory_space<hbm>> -> memref<1x80x128xi32, #tpu.memory_space<hbm>>
      %dma_wait3A_41 = tpu.memref_squeeze %dma_wait3A_40 : memref<1x80x128xi32, #tpu.memory_space<hbm>> -> memref<80x128xi32, #tpu.memory_space<hbm>>
      tpu.wait_dma2 semaphore(%run_scoped3A : memref<!tpu.dma_semaphore, #tpu.memory_space<semaphore_mem>>) src(%dma_wait3A_41 : memref<80x128xi32, #tpu.memory_space<hbm>>) dst(%arg10 : memref<80x128xi32, #tpu.memory_space<vmem>>)
      tpu.yield
    }) : () -> ()
    "tpu.region"() ({
      %run_scoped3A = tpu.sem_alloc : memref<!tpu.dma_semaphore, #tpu.memory_space<semaphore_mem>>
      tpu.enqueue_dma source(%arg3 : memref<20000xf32, #tpu.memory_space<hbm>>) target(%arg8 : memref<20000xf32, #tpu.memory_space<vmem>>) target_semaphore(%run_scoped3A : memref<!tpu.dma_semaphore, #tpu.memory_space<semaphore_mem>>)
      tpu.wait_dma2 semaphore(%run_scoped3A : memref<!tpu.dma_semaphore, #tpu.memory_space<semaphore_mem>>) src(%arg3 : memref<20000xf32, #tpu.memory_space<hbm>>) dst(%arg8 : memref<20000xf32, #tpu.memory_space<vmem>>)
      tpu.yield
    }) : () -> ()
    %mul3A_1 = arith.constant 625 : i32
    %mul3A_2 = arith.muli %arg1, %mul3A_1 : i32
    %mul3A_3 = arith.constant 625 : i32
    %mul3A_4 = arith.muli %arg1, %mul3A_3 : i32
    "tpu.region"() ({
      %run_scoped3A = tpu.sem_alloc : memref<!tpu.dma_semaphore, #tpu.memory_space<semaphore_mem>>
      %dma_start3A_27 = arith.constant 0 : i32
      %dma_start3A_28 = tpu.memref_slice %arg14[%mul3A_4, %dma_start3A_27] : memref<10240x80xf32, #tpu.memory_space<vmem_shared>> -> memref<625x80xf32, #tpu.memory_space<vmem_shared>>
      %dma_start3A_29 = arith.constant 0 : i32
      %dma_start3A_30 = tpu.memref_slice %arg4[%mul3A_2, %dma_start3A_29] : memref<10000x80xf32, #tpu.memory_space<hbm>> -> memref<625x80xf32, #tpu.memory_space<hbm>>
      tpu.enqueue_dma source(%dma_start3A_30 : memref<625x80xf32, #tpu.memory_space<hbm>>) target(%dma_start3A_28 : memref<625x80xf32, #tpu.memory_space<vmem_shared>>) target_semaphore(%run_scoped3A : memref<!tpu.dma_semaphore, #tpu.memory_space<semaphore_mem>>)
      %dma_wait3A = arith.constant 0 : i32
      %dma_wait3A_31 = tpu.memref_slice %arg14[%mul3A_4, %dma_wait3A] : memref<10240x80xf32, #tpu.memory_space<vmem_shared>> -> memref<625x80xf32, #tpu.memory_space<vmem_shared>>
      %dma_wait3A_32 = arith.constant 0 : i32
      %dma_wait3A_33 = tpu.memref_slice %arg4[%mul3A_2, %dma_wait3A_32] : memref<10000x80xf32, #tpu.memory_space<hbm>> -> memref<625x80xf32, #tpu.memory_space<hbm>>
      tpu.wait_dma2 semaphore(%run_scoped3A : memref<!tpu.dma_semaphore, #tpu.memory_space<semaphore_mem>>) src(%dma_wait3A_33 : memref<625x80xf32, #tpu.memory_space<hbm>>) dst(%dma_wait3A_31 : memref<625x80xf32, #tpu.memory_space<vmem_shared>>)
      tpu.yield
    }) : () -> ()
    %barrier3A = arith.constant 0 : index
    tpu.barrier barrier_id(%barrier3A)
    %dma_start3A = arith.constant 0 : i32
    %dma_start3A_5 = arith.constant 0 : i32
    %dma_start3A_6 = tpu.memref_slice %arg9[%dma_start3A, %dma_start3A_5] : memref<80x128xi32, #tpu.memory_space<vmem>> -> memref<1x128xi32, #tpu.memory_space<vmem>>
    %dma_start3A_7 = tpu.memref_squeeze %dma_start3A_6 : memref<1x128xi32, #tpu.memory_space<vmem>> -> memref<128xi32, #tpu.memory_space<vmem>>
    %dma_start3A_8 = arith.constant 0 : i32
    %dma_start3A_9 = arith.constant 0 : i32
    %dma_start3A_10 = tpu.memref_slice %arg2[%dma_start3A_8, %dma_start3A_9] : memref<10000x80xf32, #tpu.memory_space<hbm>> -> memref<10000x80xf32, #tpu.memory_space<hbm>>
    tpu.enqueue_indirect_dma source(%dma_start3A_10 : memref<10000x80xf32, #tpu.memory_space<hbm>>) target(%arg11 : memref<128x80xf32, #tpu.memory_space<vmem>>) offsets(%dma_start3A_7 : memref<128xi32, #tpu.memory_space<vmem>>) semaphore(%arg15 : memref<!tpu.dma_semaphore, #tpu.memory_space<semaphore_mem>>)
    %dma_start3A_11 = arith.constant 1 : i32
    %dma_start3A_12 = arith.constant 0 : i32
    %dma_start3A_13 = tpu.memref_slice %arg9[%dma_start3A_11, %dma_start3A_12] : memref<80x128xi32, #tpu.memory_space<vmem>> -> memref<1x128xi32, #tpu.memory_space<vmem>>
    %dma_start3A_14 = tpu.memref_squeeze %dma_start3A_13 : memref<1x128xi32, #tpu.memory_space<vmem>> -> memref<128xi32, #tpu.memory_space<vmem>>
    %dma_start3A_15 = arith.constant 0 : i32
    %dma_start3A_16 = arith.constant 0 : i32
    %dma_start3A_17 = tpu.memref_slice %arg2[%dma_start3A_15, %dma_start3A_16] : memref<10000x80xf32, #tpu.memory_space<hbm>> -> memref<10000x80xf32, #tpu.memory_space<hbm>>
    tpu.enqueue_indirect_dma source(%dma_start3A_17 : memref<10000x80xf32, #tpu.memory_space<hbm>>) target(%arg12 : memref<128x80xf32, #tpu.memory_space<vmem>>) offsets(%dma_start3A_14 : memref<128xi32, #tpu.memory_space<vmem>>) semaphore(%arg16 : memref<!tpu.dma_semaphore, #tpu.memory_space<semaphore_mem>>)
    %scan3A = arith.constant 0 : i32
    %scan3A_18 = arith.constant 40 : i32
    %scan3A_19 = arith.addi %scan3A, %scan3A_18 : i32
    %scan3A_20 = arith.constant 1 : i32
    scf.for %scan3A_27 = %scan3A to %scan3A_19 step %scan3A_20  : i32 {
      %mul3A_28 = arith.constant 1 : i32
      %mul3A_29 = arith.muli %scan3A_27, %mul3A_28 : i32
      %add3A_30 = arith.constant 0 : i32
      %add3A_31 = arith.addi %add3A_30, %mul3A_29 : i32
      %mul3A_32 = arith.constant 2 : i32
      %mul3A_33 = arith.muli %add3A_31, %mul3A_32 : i32
      %dma_wait3A = arith.constant 0 : i32
      %dma_wait3A_34 = tpu.memref_slice %arg9[%mul3A_33, %dma_wait3A] : memref<80x128xi32, #tpu.memory_space<vmem>> -> memref<1x128xi32, #tpu.memory_space<vmem>>
      %dma_wait3A_35 = tpu.memref_squeeze %dma_wait3A_34 : memref<1x128xi32, #tpu.memory_space<vmem>> -> memref<128xi32, #tpu.memory_space<vmem>>
      %dma_wait3A_36 = arith.constant 0 : i32
      %dma_wait3A_37 = arith.constant 0 : i32
      %dma_wait3A_38 = tpu.memref_slice %arg2[%dma_wait3A_36, %dma_wait3A_37] : memref<10000x80xf32, #tpu.memory_space<hbm>> -> memref<10000x80xf32, #tpu.memory_space<hbm>>
      tpu.wait_indirect_dma semaphore(%arg15 : memref<!tpu.dma_semaphore, #tpu.memory_space<semaphore_mem>>) src(%dma_wait3A_38 : memref<10000x80xf32, #tpu.memory_space<hbm>>) dst(%arg11 : memref<128x80xf32, #tpu.memory_space<vmem>>)
      %get3A = arith.index_cast %mul3A_33 : i32 to index
      %get3A_39 = arith.constant 0 : index
      %get3A_40 = tpu.vector_load %arg9[%get3A, %get3A_39] {strides = array<i32>} : memref<80x128xi32, #tpu.memory_space<vmem>>, vector<16xi32>,
      %get3A_41 = arith.index_cast %mul3A_33 : i32 to index
      %get3A_42 = arith.constant 0 : index
      %get3A_43 = tpu.vector_load %arg10[%get3A_41, %get3A_42] {strides = array<i32>} : memref<80x128xi32, #tpu.memory_space<vmem>>, vector<16xi32>,
      %min3A = arith.constant 9999 : i32
      %min3A_44 = vector.broadcast %min3A : i32 to vector<16xi32>
      %min3A_45 = arith.minsi %get3A_43, %min3A_44 : vector<16xi32>
      %mul3A_46 = arith.constant 2 : i32
      %mul3A_47 = vector.broadcast %mul3A_46 : i32 to vector<16xi32>
      %mul3A_48 = arith.muli %get3A_40, %mul3A_47 : vector<16xi32>
      %gather3A = tpu.vector_load_idx %arg8[%mul3A_48] : memref<20000xf32, #tpu.memory_space<vmem>>[vector<16xi32>], vector<16xf32>,
      %mul3A_49 = arith.constant 2 : i32
      %mul3A_50 = vector.broadcast %mul3A_49 : i32 to vector<16xi32>
      %mul3A_51 = arith.muli %min3A_45, %mul3A_50 : vector<16xi32>
      %add3A_52 = arith.constant 1 : i32
      %add3A_53 = vector.broadcast %add3A_52 : i32 to vector<16xi32>
      %add3A_54 = arith.addi %mul3A_51, %add3A_53 : vector<16xi32>
      %gather3A_55 = tpu.vector_load_idx %arg8[%add3A_54] : memref<20000xf32, #tpu.memory_space<vmem>>[vector<16xi32>], vector<16xf32>,
      %add3A_56 = arith.addf %gather3A, %gather3A_55 : vector<16xf32>
      %ge3A = arith.constant 0.000000e+00 : f32
      %ge3A_57 = vector.broadcast %ge3A : f32 to vector<16xf32>
      %ge3A_58 = arith.cmpf oge, %add3A_56, %ge3A_57 : vector<16xf32>
      %mul3A_59 = arith.constant 2.000000e-01 : f32
      %mul3A_60 = vector.broadcast %mul3A_59 : f32 to vector<16xf32>
      %mul3A_61 = arith.mulf %add3A_56, %mul3A_60 : vector<16xf32>
      %select_n3A = arith.select %ge3A_58, %add3A_56, %mul3A_61 : vector<16xi1>, vector<16xf32>
      %exp3A = math.exp %select_n3A : vector<16xf32>
      %swap3A = arith.constant 0 : index
      %swap3A_62 = tpu.vector_load %arg13[%swap3A] {strides = array<i32>} : memref<128xf32, #tpu.memory_space<vmem>>, vector<16xf32>,
      tpu.vector_store %arg13[%swap3A], %exp3A {strides = array<i32>} : memref<128xf32, #tpu.memory_space<vmem>>, vector<16xf32>,
      %get3A_63 = arith.index_cast %mul3A_33 : i32 to index
      %get3A_64 = arith.constant 16 : index
      %get3A_65 = tpu.vector_load %arg9[%get3A_63, %get3A_64] {strides = array<i32>} : memref<80x128xi32, #tpu.memory_space<vmem>>, vector<16xi32>,
      %get3A_66 = arith.index_cast %mul3A_33 : i32 to index
      %get3A_67 = arith.constant 16 : index
      %get3A_68 = tpu.vector_load %arg10[%get3A_66, %get3A_67] {strides = array<i32>} : memref<80x128xi32, #tpu.memory_space<vmem>>, vector<16xi32>,
      %min3A_69 = arith.constant 9999 : i32
      %min3A_70 = vector.broadcast %min3A_69 : i32 to vector<16xi32>
      %min3A_71 = arith.minsi %get3A_68, %min3A_70 : vector<16xi32>
      %mul3A_72 = arith.constant 2 : i32
      %mul3A_73 = vector.broadcast %mul3A_72 : i32 to vector<16xi32>
      %mul3A_74 = arith.muli %get3A_65, %mul3A_73 : vector<16xi32>
      %gather3A_75 = tpu.vector_load_idx %arg8[%mul3A_74] : memref<20000xf32, #tpu.memory_space<vmem>>[vector<16xi32>], vector<16xf32>,
      %mul3A_76 = arith.constant 2 : i32
      %mul3A_77 = vector.broadcast %mul3A_76 : i32 to vector<16xi32>
      %mul3A_78 = arith.muli %min3A_71, %mul3A_77 : vector<16xi32>
      %add3A_79 = arith.constant 1 : i32
      %add3A_80 = vector.broadcast %add3A_79 : i32 to vector<16xi32>
      %add3A_81 = arith.addi %mul3A_78, %add3A_80 : vector<16xi32>
      %gather3A_82 = tpu.vector_load_idx %arg8[%add3A_81] : memref<20000xf32, #tpu.memory_space<vmem>>[vector<16xi32>], vector<16xf32>,
      %add3A_83 = arith.addf %gather3A_75, %gather3A_82 : vector<16xf32>
      %ge3A_84 = arith.constant 0.000000e+00 : f32
      %ge3A_85 = vector.broadcast %ge3A_84 : f32 to vector<16xf32>
      %ge3A_86 = arith.cmpf oge, %add3A_83, %ge3A_85 : vector<16xf32>
      %mul3A_87 = arith.constant 2.000000e-01 : f32
      %mul3A_88 = vector.broadcast %mul3A_87 : f32 to vector<16xf32>
      %mul3A_89 = arith.mulf %add3A_83, %mul3A_88 : vector<16xf32>
      %select_n3A_90 = arith.select %ge3A_86, %add3A_83, %mul3A_89 : vector<16xi1>, vector<16xf32>
      %exp3A_91 = math.exp %select_n3A_90 : vector<16xf32>
      %swap3A_92 = arith.constant 16 : index
      %swap3A_93 = tpu.vector_load %arg13[%swap3A_92] {strides = array<i32>} : memref<128xf32, #tpu.memory_space<vmem>>, vector<16xf32>,
      tpu.vector_store %arg13[%swap3A_92], %exp3A_91 {strides = array<i32>} : memref<128xf32, #tpu.memory_space<vmem>>, vector<16xf32>,
      %get3A_94 = arith.index_cast %mul3A_33 : i32 to index
      %get3A_95 = arith.constant 32 : index
      %get3A_96 = tpu.vector_load %arg9[%get3A_94, %get3A_95] {strides = array<i32>} : memref<80x128xi32, #tpu.memory_space<vmem>>, vector<16xi32>,
      %get3A_97 = arith.index_cast %mul3A_33 : i32 to index
      %get3A_98 = arith.constant 32 : index
      %get3A_99 = tpu.vector_load %arg10[%get3A_97, %get3A_98] {strides = array<i32>} : memref<80x128xi32, #tpu.memory_space<vmem>>, vector<16xi32>,
      %min3A_100 = arith.constant 9999 : i32
      %min3A_101 = vector.broadcast %min3A_100 : i32 to vector<16xi32>
      %min3A_102 = arith.minsi %get3A_99, %min3A_101 : vector<16xi32>
      %mul3A_103 = arith.constant 2 : i32
      %mul3A_104 = vector.broadcast %mul3A_103 : i32 to vector<16xi32>
      %mul3A_105 = arith.muli %get3A_96, %mul3A_104 : vector<16xi32>
      %gather3A_106 = tpu.vector_load_idx %arg8[%mul3A_105] : memref<20000xf32, #tpu.memory_space<vmem>>[vector<16xi32>], vector<16xf32>,
      %mul3A_107 = arith.constant 2 : i32
      %mul3A_108 = vector.broadcast %mul3A_107 : i32 to vector<16xi32>
      %mul3A_109 = arith.muli %min3A_102, %mul3A_108 : vector<16xi32>
      %add3A_110 = arith.constant 1 : i32
      %add3A_111 = vector.broadcast %add3A_110 : i32 to vector<16xi32>
      %add3A_112 = arith.addi %mul3A_109, %add3A_111 : vector<16xi32>
      %gather3A_113 = tpu.vector_load_idx %arg8[%add3A_112] : memref<20000xf32, #tpu.memory_space<vmem>>[vector<16xi32>], vector<16xf32>,
      %add3A_114 = arith.addf %gather3A_106, %gather3A_113 : vector<16xf32>
      %ge3A_115 = arith.constant 0.000000e+00 : f32
      %ge3A_116 = vector.broadcast %ge3A_115 : f32 to vector<16xf32>
      %ge3A_117 = arith.cmpf oge, %add3A_114, %ge3A_116 : vector<16xf32>
      %mul3A_118 = arith.constant 2.000000e-01 : f32
      %mul3A_119 = vector.broadcast %mul3A_118 : f32 to vector<16xf32>
      %mul3A_120 = arith.mulf %add3A_114, %mul3A_119 : vector<16xf32>
      %select_n3A_121 = arith.select %ge3A_117, %add3A_114, %mul3A_120 : vector<16xi1>, vector<16xf32>
      %exp3A_122 = math.exp %select_n3A_121 : vector<16xf32>
      %swap3A_123 = arith.constant 32 : index
      %swap3A_124 = tpu.vector_load %arg13[%swap3A_123] {strides = array<i32>} : memref<128xf32, #tpu.memory_space<vmem>>, vector<16xf32>,
      tpu.vector_store %arg13[%swap3A_123], %exp3A_122 {strides = array<i32>} : memref<128xf32, #tpu.memory_space<vmem>>, vector<16xf32>,
      %get3A_125 = arith.index_cast %mul3A_33 : i32 to index
      %get3A_126 = arith.constant 48 : index
      %get3A_127 = tpu.vector_load %arg9[%get3A_125, %get3A_126] {strides = array<i32>} : memref<80x128xi32, #tpu.memory_space<vmem>>, vector<16xi32>,
      %get3A_128 = arith.index_cast %mul3A_33 : i32 to index
      %get3A_129 = arith.constant 48 : index
      %get3A_130 = tpu.vector_load %arg10[%get3A_128, %get3A_129] {strides = array<i32>} : memref<80x128xi32, #tpu.memory_space<vmem>>, vector<16xi32>,
      %min3A_131 = arith.constant 9999 : i32
      %min3A_132 = vector.broadcast %min3A_131 : i32 to vector<16xi32>
      %min3A_133 = arith.minsi %get3A_130, %min3A_132 : vector<16xi32>
      %mul3A_134 = arith.constant 2 : i32
      %mul3A_135 = vector.broadcast %mul3A_134 : i32 to vector<16xi32>
      %mul3A_136 = arith.muli %get3A_127, %mul3A_135 : vector<16xi32>
      %gather3A_137 = tpu.vector_load_idx %arg8[%mul3A_136] : memref<20000xf32, #tpu.memory_space<vmem>>[vector<16xi32>], vector<16xf32>,
      %mul3A_138 = arith.constant 2 : i32
      %mul3A_139 = vector.broadcast %mul3A_138 : i32 to vector<16xi32>
      %mul3A_140 = arith.muli %min3A_133, %mul3A_139 : vector<16xi32>
      %add3A_141 = arith.constant 1 : i32
      %add3A_142 = vector.broadcast %add3A_141 : i32 to vector<16xi32>
      %add3A_143 = arith.addi %mul3A_140, %add3A_142 : vector<16xi32>
      %gather3A_144 = tpu.vector_load_idx %arg8[%add3A_143] : memref<20000xf32, #tpu.memory_space<vmem>>[vector<16xi32>], vector<16xf32>,
      %add3A_145 = arith.addf %gather3A_137, %gather3A_144 : vector<16xf32>
      %ge3A_146 = arith.constant 0.000000e+00 : f32
      %ge3A_147 = vector.broadcast %ge3A_146 : f32 to vector<16xf32>
      %ge3A_148 = arith.cmpf oge, %add3A_145, %ge3A_147 : vector<16xf32>
      %mul3A_149 = arith.constant 2.000000e-01 : f32
      %mul3A_150 = vector.broadcast %mul3A_149 : f32 to vector<16xf32>
      %mul3A_151 = arith.mulf %add3A_145, %mul3A_150 : vector<16xf32>
      %select_n3A_152 = arith.select %ge3A_148, %add3A_145, %mul3A_151 : vector<16xi1>, vector<16xf32>
      %exp3A_153 = math.exp %select_n3A_152 : vector<16xf32>
      %swap3A_154 = arith.constant 48 : index
      %swap3A_155 = tpu.vector_load %arg13[%swap3A_154] {strides = array<i32>} : memref<128xf32, #tpu.memory_space<vmem>>, vector<16xf32>,
      tpu.vector_store %arg13[%swap3A_154], %exp3A_153 {strides = array<i32>} : memref<128xf32, #tpu.memory_space<vmem>>, vector<16xf32>,
      %get3A_156 = arith.index_cast %mul3A_33 : i32 to index
      %get3A_157 = arith.constant 64 : index
      %get3A_158 = tpu.vector_load %arg9[%get3A_156, %get3A_157] {strides = array<i32>} : memref<80x128xi32, #tpu.memory_space<vmem>>, vector<16xi32>,
      %get3A_159 = arith.index_cast %mul3A_33 : i32 to index
      %get3A_160 = arith.constant 64 : index
      %get3A_161 = tpu.vector_load %arg10[%get3A_159, %get3A_160] {strides = array<i32>} : memref<80x128xi32, #tpu.memory_space<vmem>>, vector<16xi32>,
      %min3A_162 = arith.constant 9999 : i32
      %min3A_163 = vector.broadcast %min3A_162 : i32 to vector<16xi32>
      %min3A_164 = arith.minsi %get3A_161, %min3A_163 : vector<16xi32>
      %mul3A_165 = arith.constant 2 : i32
      %mul3A_166 = vector.broadcast %mul3A_165 : i32 to vector<16xi32>
      %mul3A_167 = arith.muli %get3A_158, %mul3A_166 : vector<16xi32>
      %gather3A_168 = tpu.vector_load_idx %arg8[%mul3A_167] : memref<20000xf32, #tpu.memory_space<vmem>>[vector<16xi32>], vector<16xf32>,
      %mul3A_169 = arith.constant 2 : i32
      %mul3A_170 = vector.broadcast %mul3A_169 : i32 to vector<16xi32>
      %mul3A_171 = arith.muli %min3A_164, %mul3A_170 : vector<16xi32>
      %add3A_172 = arith.constant 1 : i32
      %add3A_173 = vector.broadcast %add3A_172 : i32 to vector<16xi32>
      %add3A_174 = arith.addi %mul3A_171, %add3A_173 : vector<16xi32>
      %gather3A_175 = tpu.vector_load_idx %arg8[%add3A_174] : memref<20000xf32, #tpu.memory_space<vmem>>[vector<16xi32>], vector<16xf32>,
      %add3A_176 = arith.addf %gather3A_168, %gather3A_175 : vector<16xf32>
      %ge3A_177 = arith.constant 0.000000e+00 : f32
      %ge3A_178 = vector.broadcast %ge3A_177 : f32 to vector<16xf32>
      %ge3A_179 = arith.cmpf oge, %add3A_176, %ge3A_178 : vector<16xf32>
      %mul3A_180 = arith.constant 2.000000e-01 : f32
      %mul3A_181 = vector.broadcast %mul3A_180 : f32 to vector<16xf32>
      %mul3A_182 = arith.mulf %add3A_176, %mul3A_181 : vector<16xf32>
      %select_n3A_183 = arith.select %ge3A_179, %add3A_176, %mul3A_182 : vector<16xi1>, vector<16xf32>
      %exp3A_184 = math.exp %select_n3A_183 : vector<16xf32>
      %swap3A_185 = arith.constant 64 : index
      %swap3A_186 = tpu.vector_load %arg13[%swap3A_185] {strides = array<i32>} : memref<128xf32, #tpu.memory_space<vmem>>, vector<16xf32>,
      tpu.vector_store %arg13[%swap3A_185], %exp3A_184 {strides = array<i32>} : memref<128xf32, #tpu.memory_space<vmem>>, vector<16xf32>,
      %get3A_187 = arith.index_cast %mul3A_33 : i32 to index
      %get3A_188 = arith.constant 80 : index
      %get3A_189 = tpu.vector_load %arg9[%get3A_187, %get3A_188] {strides = array<i32>} : memref<80x128xi32, #tpu.memory_space<vmem>>, vector<16xi32>,
      %get3A_190 = arith.index_cast %mul3A_33 : i32 to index
      %get3A_191 = arith.constant 80 : index
      %get3A_192 = tpu.vector_load %arg10[%get3A_190, %get3A_191] {strides = array<i32>} : memref<80x128xi32, #tpu.memory_space<vmem>>, vector<16xi32>,
      %min3A_193 = arith.constant 9999 : i32
      %min3A_194 = vector.broadcast %min3A_193 : i32 to vector<16xi32>
      %min3A_195 = arith.minsi %get3A_192, %min3A_194 : vector<16xi32>
      %mul3A_196 = arith.constant 2 : i32
      %mul3A_197 = vector.broadcast %mul3A_196 : i32 to vector<16xi32>
      %mul3A_198 = arith.muli %get3A_189, %mul3A_197 : vector<16xi32>
      %gather3A_199 = tpu.vector_load_idx %arg8[%mul3A_198] : memref<20000xf32, #tpu.memory_space<vmem>>[vector<16xi32>], vector<16xf32>,
      %mul3A_200 = arith.constant 2 : i32
      %mul3A_201 = vector.broadcast %mul3A_200 : i32 to vector<16xi32>
      %mul3A_202 = arith.muli %min3A_195, %mul3A_201 : vector<16xi32>
      %add3A_203 = arith.constant 1 : i32
      %add3A_204 = vector.broadcast %add3A_203 : i32 to vector<16xi32>
      %add3A_205 = arith.addi %mul3A_202, %add3A_204 : vector<16xi32>
      %gather3A_206 = tpu.vector_load_idx %arg8[%add3A_205] : memref<20000xf32, #tpu.memory_space<vmem>>[vector<16xi32>], vector<16xf32>,
      %add3A_207 = arith.addf %gather3A_199, %gather3A_206 : vector<16xf32>
      %ge3A_208 = arith.constant 0.000000e+00 : f32
      %ge3A_209 = vector.broadcast %ge3A_208 : f32 to vector<16xf32>
      %ge3A_210 = arith.cmpf oge, %add3A_207, %ge3A_209 : vector<16xf32>
      %mul3A_211 = arith.constant 2.000000e-01 : f32
      %mul3A_212 = vector.broadcast %mul3A_211 : f32 to vector<16xf32>
      %mul3A_213 = arith.mulf %add3A_207, %mul3A_212 : vector<16xf32>
      %select_n3A_214 = arith.select %ge3A_210, %add3A_207, %mul3A_213 : vector<16xi1>, vector<16xf32>
      %exp3A_215 = math.exp %select_n3A_214 : vector<16xf32>
      %swap3A_216 = arith.constant 80 : index
      %swap3A_217 = tpu.vector_load %arg13[%swap3A_216] {strides = array<i32>} : memref<128xf32, #tpu.memory_space<vmem>>, vector<16xf32>,
      tpu.vector_store %arg13[%swap3A_216], %exp3A_215 {strides = array<i32>} : memref<128xf32, #tpu.memory_space<vmem>>, vector<16xf32>,
      %get3A_218 = arith.index_cast %mul3A_33 : i32 to index
      %get3A_219 = arith.constant 96 : index
      %get3A_220 = tpu.vector_load %arg9[%get3A_218, %get3A_219] {strides = array<i32>} : memref<80x128xi32, #tpu.memory_space<vmem>>, vector<16xi32>,
      %get3A_221 = arith.index_cast %mul3A_33 : i32 to index
      %get3A_222 = arith.constant 96 : index
      %get3A_223 = tpu.vector_load %arg10[%get3A_221, %get3A_222] {strides = array<i32>} : memref<80x128xi32, #tpu.memory_space<vmem>>, vector<16xi32>,
      %min3A_224 = arith.constant 9999 : i32
      %min3A_225 = vector.broadcast %min3A_224 : i32 to vector<16xi32>
      %min3A_226 = arith.minsi %get3A_223, %min3A_225 : vector<16xi32>
      %mul3A_227 = arith.constant 2 : i32
      %mul3A_228 = vector.broadcast %mul3A_227 : i32 to vector<16xi32>
      %mul3A_229 = arith.muli %get3A_220, %mul3A_228 : vector<16xi32>
      %gather3A_230 = tpu.vector_load_idx %arg8[%mul3A_229] : memref<20000xf32, #tpu.memory_space<vmem>>[vector<16xi32>], vector<16xf32>,
      %mul3A_231 = arith.constant 2 : i32
      %mul3A_232 = vector.broadcast %mul3A_231 : i32 to vector<16xi32>
      %mul3A_233 = arith.muli %min3A_226, %mul3A_232 : vector<16xi32>
      %add3A_234 = arith.constant 1 : i32
      %add3A_235 = vector.broadcast %add3A_234 : i32 to vector<16xi32>
      %add3A_236 = arith.addi %mul3A_233, %add3A_235 : vector<16xi32>
      %gather3A_237 = tpu.vector_load_idx %arg8[%add3A_236] : memref<20000xf32, #tpu.memory_space<vmem>>[vector<16xi32>], vector<16xf32>,
      %add3A_238 = arith.addf %gather3A_230, %gather3A_237 : vector<16xf32>
      %ge3A_239 = arith.constant 0.000000e+00 : f32
      %ge3A_240 = vector.broadcast %ge3A_239 : f32 to vector<16xf32>
      %ge3A_241 = arith.cmpf oge, %add3A_238, %ge3A_240 : vector<16xf32>
      %mul3A_242 = arith.constant 2.000000e-01 : f32
      %mul3A_243 = vector.broadcast %mul3A_242 : f32 to vector<16xf32>
      %mul3A_244 = arith.mulf %add3A_238, %mul3A_243 : vector<16xf32>
      %select_n3A_245 = arith.select %ge3A_241, %add3A_238, %mul3A_244 : vector<16xi1>, vector<16xf32>
      %exp3A_246 = math.exp %select_n3A_245 : vector<16xf32>
      %swap3A_247 = arith.constant 96 : index
      %swap3A_248 = tpu.vector_load %arg13[%swap3A_247] {strides = array<i32>} : memref<128xf32, #tpu.memory_space<vmem>>, vector<16xf32>,
      tpu.vector_store %arg13[%swap3A_247], %exp3A_246 {strides = array<i32>} : memref<128xf32, #tpu.memory_space<vmem>>, vector<16xf32>,
      %get3A_249 = arith.index_cast %mul3A_33 : i32 to index
      %get3A_250 = arith.constant 112 : index
      %get3A_251 = tpu.vector_load %arg9[%get3A_249, %get3A_250] {strides = array<i32>} : memref<80x128xi32, #tpu.memory_space<vmem>>, vector<16xi32>,
      %get3A_252 = arith.index_cast %mul3A_33 : i32 to index
      %get3A_253 = arith.constant 112 : index
      %get3A_254 = tpu.vector_load %arg10[%get3A_252, %get3A_253] {strides = array<i32>} : memref<80x128xi32, #tpu.memory_space<vmem>>, vector<16xi32>,
      %min3A_255 = arith.constant 9999 : i32
      %min3A_256 = vector.broadcast %min3A_255 : i32 to vector<16xi32>
      %min3A_257 = arith.minsi %get3A_254, %min3A_256 : vector<16xi32>
      %mul3A_258 = arith.constant 2 : i32
      %mul3A_259 = vector.broadcast %mul3A_258 : i32 to vector<16xi32>
      %mul3A_260 = arith.muli %get3A_251, %mul3A_259 : vector<16xi32>
      %gather3A_261 = tpu.vector_load_idx %arg8[%mul3A_260] : memref<20000xf32, #tpu.memory_space<vmem>>[vector<16xi32>], vector<16xf32>,
      %mul3A_262 = arith.constant 2 : i32
      %mul3A_263 = vector.broadcast %mul3A_262 : i32 to vector<16xi32>
      %mul3A_264 = arith.muli %min3A_257, %mul3A_263 : vector<16xi32>
      %add3A_265 = arith.constant 1 : i32
      %add3A_266 = vector.broadcast %add3A_265 : i32 to vector<16xi32>
      %add3A_267 = arith.addi %mul3A_264, %add3A_266 : vector<16xi32>
      %gather3A_268 = tpu.vector_load_idx %arg8[%add3A_267] : memref<20000xf32, #tpu.memory_space<vmem>>[vector<16xi32>], vector<16xf32>,
      %add3A_269 = arith.addf %gather3A_261, %gather3A_268 : vector<16xf32>
      %ge3A_270 = arith.constant 0.000000e+00 : f32
      %ge3A_271 = vector.broadcast %ge3A_270 : f32 to vector<16xf32>
      %ge3A_272 = arith.cmpf oge, %add3A_269, %ge3A_271 : vector<16xf32>
      %mul3A_273 = arith.constant 2.000000e-01 : f32
      %mul3A_274 = vector.broadcast %mul3A_273 : f32 to vector<16xf32>
      %mul3A_275 = arith.mulf %add3A_269, %mul3A_274 : vector<16xf32>
      %select_n3A_276 = arith.select %ge3A_272, %add3A_269, %mul3A_275 : vector<16xi1>, vector<16xf32>
      %exp3A_277 = math.exp %select_n3A_276 : vector<16xf32>
      %swap3A_278 = arith.constant 112 : index
      %swap3A_279 = tpu.vector_load %arg13[%swap3A_278] {strides = array<i32>} : memref<128xf32, #tpu.memory_space<vmem>>, vector<16xf32>,
      tpu.vector_store %arg13[%swap3A_278], %exp3A_277 {strides = array<i32>} : memref<128xf32, #tpu.memory_space<vmem>>, vector<16xf32>,
      %scan3A_280 = arith.constant 0 : i32
      %scan3A_281 = arith.constant 8 : i32
      %scan3A_282 = arith.addi %scan3A_280, %scan3A_281 : i32
      %scan3A_283 = arith.constant 1 : i32
      scf.for %scan3A_559 = %scan3A_280 to %scan3A_282 step %scan3A_283  : i32 {
        %mul3A_560 = arith.constant 1 : i32
        %mul3A_561 = arith.muli %scan3A_559, %mul3A_560 : i32
        %add3A_562 = arith.constant 0 : i32
        %add3A_563 = arith.addi %add3A_562, %mul3A_561 : i32
        %mul3A_564 = arith.constant 16 : i32
        %mul3A_565 = arith.muli %add3A_563, %mul3A_564 : i32
        %get3A_566 = arith.index_cast %mul3A_565 : i32 to index
        %get3A_567 = tpu.vector_load %arg13[%get3A_566] {strides = array<i32>} : memref<128xf32, #tpu.memory_space<vmem>>, vector<16xf32>,
        %slice3A = vector.extract_strided_slice %get3A_567 {offsets = [0], sizes = [1], strides = [1]} : vector<16xf32> to vector<1xf32>
        %squeeze3A = vector.extract %slice3A[0] : f32 from vector<1xf32>
        %broadcast_in_dim3A = vector.broadcast %squeeze3A : f32 to vector<16xf32>
        %mul3A_568 = arith.constant 16 : i32
        %mul3A_569 = arith.muli %add3A_563, %mul3A_568 : i32
        %add3A_570 = arith.constant 0 : i32
        %add3A_571 = arith.addi %mul3A_569, %add3A_570 : i32
        %get3A_572 = arith.index_cast %add3A_571 : i32 to index
        %get3A_573 = arith.constant 0 : index
        %get3A_574 = tpu.vector_load %arg11[%get3A_572, %get3A_573] {strides = array<i32>} : memref<128x80xf32, #tpu.memory_space<vmem>>, vector<16xf32>,
        %mul3A_575 = arith.mulf %get3A_574, %broadcast_in_dim3A : vector<16xf32>
        %swap3A_576 = arith.index_cast %add3A_571 : i32 to index
        %swap3A_577 = arith.constant 0 : index
        %swap3A_578 = tpu.vector_load %arg11[%swap3A_576, %swap3A_577] {strides = array<i32>} : memref<128x80xf32, #tpu.memory_space<vmem>>, vector<16xf32>,
        tpu.vector_store %arg11[%swap3A_576, %swap3A_577], %mul3A_575 {strides = array<i32>} : memref<128x80xf32, #tpu.memory_space<vmem>>, vector<16xf32>,
        %get3A_579 = arith.index_cast %add3A_571 : i32 to index
        %get3A_580 = arith.constant 16 : index
        %get3A_581 = tpu.vector_load %arg11[%get3A_579, %get3A_580] {strides = array<i32>} : memref<128x80xf32, #tpu.memory_space<vmem>>, vector<16xf32>,
        %mul3A_582 = arith.mulf %get3A_581, %broadcast_in_dim3A : vector<16xf32>
        %swap3A_583 = arith.index_cast %add3A_571 : i32 to index
        %swap3A_584 = arith.constant 16 : index
        %swap3A_585 = tpu.vector_load %arg11[%swap3A_583, %swap3A_584] {strides = array<i32>} : memref<128x80xf32, #tpu.memory_space<vmem>>, vector<16xf32>,
        tpu.vector_store %arg11[%swap3A_583, %swap3A_584], %mul3A_582 {strides = array<i32>} : memref<128x80xf32, #tpu.memory_space<vmem>>, vector<16xf32>,
        %get3A_586 = arith.index_cast %add3A_571 : i32 to index
        %get3A_587 = arith.constant 32 : index
        %get3A_588 = tpu.vector_load %arg11[%get3A_586, %get3A_587] {strides = array<i32>} : memref<128x80xf32, #tpu.memory_space<vmem>>, vector<16xf32>,
        %mul3A_589 = arith.mulf %get3A_588, %broadcast_in_dim3A : vector<16xf32>
        %swap3A_590 = arith.index_cast %add3A_571 : i32 to index
        %swap3A_591 = arith.constant 32 : index
        %swap3A_592 = tpu.vector_load %arg11[%swap3A_590, %swap3A_591] {strides = array<i32>} : memref<128x80xf32, #tpu.memory_space<vmem>>, vector<16xf32>,
        tpu.vector_store %arg11[%swap3A_590, %swap3A_591], %mul3A_589 {strides = array<i32>} : memref<128x80xf32, #tpu.memory_space<vmem>>, vector<16xf32>,
        %get3A_593 = arith.index_cast %add3A_571 : i32 to index
        %get3A_594 = arith.constant 48 : index
        %get3A_595 = tpu.vector_load %arg11[%get3A_593, %get3A_594] {strides = array<i32>} : memref<128x80xf32, #tpu.memory_space<vmem>>, vector<16xf32>,
        %mul3A_596 = arith.mulf %get3A_595, %broadcast_in_dim3A : vector<16xf32>
        %swap3A_597 = arith.index_cast %add3A_571 : i32 to index
        %swap3A_598 = arith.constant 48 : index
        %swap3A_599 = tpu.vector_load %arg11[%swap3A_597, %swap3A_598] {strides = array<i32>} : memref<128x80xf32, #tpu.memory_space<vmem>>, vector<16xf32>,
        tpu.vector_store %arg11[%swap3A_597, %swap3A_598], %mul3A_596 {strides = array<i32>} : memref<128x80xf32, #tpu.memory_space<vmem>>, vector<16xf32>,
        %get3A_600 = arith.index_cast %add3A_571 : i32 to index
        %get3A_601 = arith.constant 64 : index
        %get3A_602 = tpu.vector_load %arg11[%get3A_600, %get3A_601] {strides = array<i32>} : memref<128x80xf32, #tpu.memory_space<vmem>>, vector<16xf32>,
        %mul3A_603 = arith.mulf %get3A_602, %broadcast_in_dim3A : vector<16xf32>
        %swap3A_604 = arith.index_cast %add3A_571 : i32 to index
        %swap3A_605 = arith.constant 64 : index
        %swap3A_606 = tpu.vector_load %arg11[%swap3A_604, %swap3A_605] {strides = array<i32>} : memref<128x80xf32, #tpu.memory_space<vmem>>, vector<16xf32>,
        tpu.vector_store %arg11[%swap3A_604, %swap3A_605], %mul3A_603 {strides = array<i32>} : memref<128x80xf32, #tpu.memory_space<vmem>>, vector<16xf32>,
        %slice3A_607 = vector.extract_strided_slice %get3A_567 {offsets = [1], sizes = [1], strides = [1]} : vector<16xf32> to vector<1xf32>
        %squeeze3A_608 = vector.extract %slice3A_607[0] : f32 from vector<1xf32>
        %broadcast_in_dim3A_609 = vector.broadcast %squeeze3A_608 : f32 to vector<16xf32>
        %mul3A_610 = arith.constant 16 : i32
        %mul3A_611 = arith.muli %add3A_563, %mul3A_610 : i32
        %add3A_612 = arith.constant 1 : i32
        %add3A_613 = arith.addi %mul3A_611, %add3A_612 : i32
        %get3A_614 = arith.index_cast %add3A_613 : i32 to index
        %get3A_615 = arith.constant 0 : index
        %get3A_616 = tpu.vector_load %arg11[%get3A_614, %get3A_615] {strides = array<i32>} : memref<128x80xf32, #tpu.memory_space<vmem>>, vector<16xf32>,
        %mul3A_617 = arith.mulf %get3A_616, %broadcast_in_dim3A_609 : vector<16xf32>
        %swap3A_618 = arith.index_cast %add3A_613 : i32 to index
        %swap3A_619 = arith.constant 0 : index
        %swap3A_620 = tpu.vector_load %arg11[%swap3A_618, %swap3A_619] {strides = array<i32>} : memref<128x80xf32, #tpu.memory_space<vmem>>, vector<16xf32>,
        tpu.vector_store %arg11[%swap3A_618, %swap3A_619], %mul3A_617 {strides = array<i32>} : memref<128x80xf32, #tpu.memory_space<vmem>>, vector<16xf32>,
        %get3A_621 = arith.index_cast %add3A_613 : i32 to index
        %get3A_622 = arith.constant 16 : index
        %get3A_623 = tpu.vector_load %arg11[%get3A_621, %get3A_622] {strides = array<i32>} : memref<128x80xf32, #tpu.memory_space<vmem>>, vector<16xf32>,
        %mul3A_624 = arith.mulf %get3A_623, %broadcast_in_dim3A_609 : vector<16xf32>
        %swap3A_625 = arith.index_cast %add3A_613 : i32 to index
        %swap3A_626 = arith.constant 16 : index
        %swap3A_627 = tpu.vector_load %arg11[%swap3A_625, %swap3A_626] {strides = array<i32>} : memref<128x80xf32, #tpu.memory_space<vmem>>, vector<16xf32>,
        tpu.vector_store %arg11[%swap3A_625, %swap3A_626], %mul3A_624 {strides = array<i32>} : memref<128x80xf32, #tpu.memory_space<vmem>>, vector<16xf32>,
        %get3A_628 = arith.index_cast %add3A_613 : i32 to index
        %get3A_629 = arith.constant 32 : index
        %get3A_630 = tpu.vector_load %arg11[%get3A_628, %get3A_629] {strides = array<i32>} : memref<128x80xf32, #tpu.memory_space<vmem>>, vector<16xf32>,
        %mul3A_631 = arith.mulf %get3A_630, %broadcast_in_dim3A_609 : vector<16xf32>
        %swap3A_632 = arith.index_cast %add3A_613 : i32 to index
        %swap3A_633 = arith.constant 32 : index
        %swap3A_634 = tpu.vector_load %arg11[%swap3A_632, %swap3A_633] {strides = array<i32>} : memref<128x80xf32, #tpu.memory_space<vmem>>, vector<16xf32>,
        tpu.vector_store %arg11[%swap3A_632, %swap3A_633], %mul3A_631 {strides = array<i32>} : memref<128x80xf32, #tpu.memory_space<vmem>>, vector<16xf32>,
        %get3A_635 = arith.index_cast %add3A_613 : i32 to index
        %get3A_636 = arith.constant 48 : index
        %get3A_637 = tpu.vector_load %arg11[%get3A_635, %get3A_636] {strides = array<i32>} : memref<128x80xf32, #tpu.memory_space<vmem>>, vector<16xf32>,
        %mul3A_638 = arith.mulf %get3A_637, %broadcast_in_dim3A_609 : vector<16xf32>
        %swap3A_639 = arith.index_cast %add3A_613 : i32 to index
        %swap3A_640 = arith.constant 48 : index
        %swap3A_641 = tpu.vector_load %arg11[%swap3A_639, %swap3A_640] {strides = array<i32>} : memref<128x80xf32, #tpu.memory_space<vmem>>, vector<16xf32>,
        tpu.vector_store %arg11[%swap3A_639, %swap3A_640], %mul3A_638 {strides = array<i32>} : memref<128x80xf32, #tpu.memory_space<vmem>>, vector<16xf32>,
        %get3A_642 = arith.index_cast %add3A_613 : i32 to index
        %get3A_643 = arith.constant 64 : index
        %get3A_644 = tpu.vector_load %arg11[%get3A_642, %get3A_643] {strides = array<i32>} : memref<128x80xf32, #tpu.memory_space<vmem>>, vector<16xf32>,
        %mul3A_645 = arith.mulf %get3A_644, %broadcast_in_dim3A_609 : vector<16xf32>
        %swap3A_646 = arith.index_cast %add3A_613 : i32 to index
        %swap3A_647 = arith.constant 64 : index
        %swap3A_648 = tpu.vector_load %arg11[%swap3A_646, %swap3A_647] {strides = array<i32>} : memref<128x80xf32, #tpu.memory_space<vmem>>, vector<16xf32>,
        tpu.vector_store %arg11[%swap3A_646, %swap3A_647], %mul3A_645 {strides = array<i32>} : memref<128x80xf32, #tpu.memory_space<vmem>>, vector<16xf32>,
        %slice3A_649 = vector.extract_strided_slice %get3A_567 {offsets = [2], sizes = [1], strides = [1]} : vector<16xf32> to vector<1xf32>
        %squeeze3A_650 = vector.extract %slice3A_649[0] : f32 from vector<1xf32>
        %broadcast_in_dim3A_651 = vector.broadcast %squeeze3A_650 : f32 to vector<16xf32>
        %mul3A_652 = arith.constant 16 : i32
        %mul3A_653 = arith.muli %add3A_563, %mul3A_652 : i32
        %add3A_654 = arith.constant 2 : i32
        %add3A_655 = arith.addi %mul3A_653, %add3A_654 : i32
        %get3A_656 = arith.index_cast %add3A_655 : i32 to index
        %get3A_657 = arith.constant 0 : index
        %get3A_658 = tpu.vector_load %arg11[%get3A_656, %get3A_657] {strides = array<i32>} : memref<128x80xf32, #tpu.memory_space<vmem>>, vector<16xf32>,
        %mul3A_659 = arith.mulf %get3A_658, %broadcast_in_dim3A_651 : vector<16xf32>
        %swap3A_660 = arith.index_cast %add3A_655 : i32 to index
        %swap3A_661 = arith.constant 0 : index
        %swap3A_662 = tpu.vector_load %arg11[%swap3A_660, %swap3A_661] {strides = array<i32>} : memref<128x80xf32, #tpu.memory_space<vmem>>, vector<16xf32>,
        tpu.vector_store %arg11[%swap3A_660, %swap3A_661], %mul3A_659 {strides = array<i32>} : memref<128x80xf32, #tpu.memory_space<vmem>>, vector<16xf32>,
        %get3A_663 = arith.index_cast %add3A_655 : i32 to index
        %get3A_664 = arith.constant 16 : index
        %get3A_665 = tpu.vector_load %arg11[%get3A_663, %get3A_664] {strides = array<i32>} : memref<128x80xf32, #tpu.memory_space<vmem>>, vector<16xf32>,
        %mul3A_666 = arith.mulf %get3A_665, %broadcast_in_dim3A_651 : vector<16xf32>
        %swap3A_667 = arith.index_cast %add3A_655 : i32 to index
        %swap3A_668 = arith.constant 16 : index
        %swap3A_669 = tpu.vector_load %arg11[%swap3A_667, %swap3A_668] {strides = array<i32>} : memref<128x80xf32, #tpu.memory_space<vmem>>, vector<16xf32>,
        tpu.vector_store %arg11[%swap3A_667, %swap3A_668], %mul3A_666 {strides = array<i32>} : memref<128x80xf32, #tpu.memory_space<vmem>>, vector<16xf32>,
        %get3A_670 = arith.index_cast %add3A_655 : i32 to index
        %get3A_671 = arith.constant 32 : index
        %get3A_672 = tpu.vector_load %arg11[%get3A_670, %get3A_671] {strides = array<i32>} : memref<128x80xf32, #tpu.memory_space<vmem>>, vector<16xf32>,
        %mul3A_673 = arith.mulf %get3A_672, %broadcast_in_dim3A_651 : vector<16xf32>
        %swap3A_674 = arith.index_cast %add3A_655 : i32 to index
        %swap3A_675 = arith.constant 32 : index
        %swap3A_676 = tpu.vector_load %arg11[%swap3A_674, %swap3A_675] {strides = array<i32>} : memref<128x80xf32, #tpu.memory_space<vmem>>, vector<16xf32>,
        tpu.vector_store %arg11[%swap3A_674, %swap3A_675], %mul3A_673 {strides = array<i32>} : memref<128x80xf32, #tpu.memory_space<vmem>>, vector<16xf32>,
        %get3A_677 = arith.index_cast %add3A_655 : i32 to index
        %get3A_678 = arith.constant 48 : index
        %get3A_679 = tpu.vector_load %arg11[%get3A_677, %get3A_678] {strides = array<i32>} : memref<128x80xf32, #tpu.memory_space<vmem>>, vector<16xf32>,
        %mul3A_680 = arith.mulf %get3A_679, %broadcast_in_dim3A_651 : vector<16xf32>
        %swap3A_681 = arith.index_cast %add3A_655 : i32 to index
        %swap3A_682 = arith.constant 48 : index
        %swap3A_683 = tpu.vector_load %arg11[%swap3A_681, %swap3A_682] {strides = array<i32>} : memref<128x80xf32, #tpu.memory_space<vmem>>, vector<16xf32>,
        tpu.vector_store %arg11[%swap3A_681, %swap3A_682], %mul3A_680 {strides = array<i32>} : memref<128x80xf32, #tpu.memory_space<vmem>>, vector<16xf32>,
        %get3A_684 = arith.index_cast %add3A_655 : i32 to index
        %get3A_685 = arith.constant 64 : index
        %get3A_686 = tpu.vector_load %arg11[%get3A_684, %get3A_685] {strides = array<i32>} : memref<128x80xf32, #tpu.memory_space<vmem>>, vector<16xf32>,
        %mul3A_687 = arith.mulf %get3A_686, %broadcast_in_dim3A_651 : vector<16xf32>
        %swap3A_688 = arith.index_cast %add3A_655 : i32 to index
        %swap3A_689 = arith.constant 64 : index
        %swap3A_690 = tpu.vector_load %arg11[%swap3A_688, %swap3A_689] {strides = array<i32>} : memref<128x80xf32, #tpu.memory_space<vmem>>, vector<16xf32>,
        tpu.vector_store %arg11[%swap3A_688, %swap3A_689], %mul3A_687 {strides = array<i32>} : memref<128x80xf32, #tpu.memory_space<vmem>>, vector<16xf32>,
        %slice3A_691 = vector.extract_strided_slice %get3A_567 {offsets = [3], sizes = [1], strides = [1]} : vector<16xf32> to vector<1xf32>
        %squeeze3A_692 = vector.extract %slice3A_691[0] : f32 from vector<1xf32>
        %broadcast_in_dim3A_693 = vector.broadcast %squeeze3A_692 : f32 to vector<16xf32>
        %mul3A_694 = arith.constant 16 : i32
        %mul3A_695 = arith.muli %add3A_563, %mul3A_694 : i32
        %add3A_696 = arith.constant 3 : i32
        %add3A_697 = arith.addi %mul3A_695, %add3A_696 : i32
        %get3A_698 = arith.index_cast %add3A_697 : i32 to index
        %get3A_699 = arith.constant 0 : index
        %get3A_700 = tpu.vector_load %arg11[%get3A_698, %get3A_699] {strides = array<i32>} : memref<128x80xf32, #tpu.memory_space<vmem>>, vector<16xf32>,
        %mul3A_701 = arith.mulf %get3A_700, %broadcast_in_dim3A_693 : vector<16xf32>
        %swap3A_702 = arith.index_cast %add3A_697 : i32 to index
        %swap3A_703 = arith.constant 0 : index
        %swap3A_704 = tpu.vector_load %arg11[%swap3A_702, %swap3A_703] {strides = array<i32>} : memref<128x80xf32, #tpu.memory_space<vmem>>, vector<16xf32>,
        tpu.vector_store %arg11[%swap3A_702, %swap3A_703], %mul3A_701 {strides = array<i32>} : memref<128x80xf32, #tpu.memory_space<vmem>>, vector<16xf32>,
        %get3A_705 = arith.index_cast %add3A_697 : i32 to index
        %get3A_706 = arith.constant 16 : index
        %get3A_707 = tpu.vector_load %arg11[%get3A_705, %get3A_706] {strides = array<i32>} : memref<128x80xf32, #tpu.memory_space<vmem>>, vector<16xf32>,
        %mul3A_708 = arith.mulf %get3A_707, %broadcast_in_dim3A_693 : vector<16xf32>
        %swap3A_709 = arith.index_cast %add3A_697 : i32 to index
        %swap3A_710 = arith.constant 16 : index
        %swap3A_711 = tpu.vector_load %arg11[%swap3A_709, %swap3A_710] {strides = array<i32>} : memref<128x80xf32, #tpu.memory_space<vmem>>, vector<16xf32>,
        tpu.vector_store %arg11[%swap3A_709, %swap3A_710], %mul3A_708 {strides = array<i32>} : memref<128x80xf32, #tpu.memory_space<vmem>>, vector<16xf32>,
        %get3A_712 = arith.index_cast %add3A_697 : i32 to index
        %get3A_713 = arith.constant 32 : index
        %get3A_714 = tpu.vector_load %arg11[%get3A_712, %get3A_713] {strides = array<i32>} : memref<128x80xf32, #tpu.memory_space<vmem>>, vector<16xf32>,
        %mul3A_715 = arith.mulf %get3A_714, %broadcast_in_dim3A_693 : vector<16xf32>
        %swap3A_716 = arith.index_cast %add3A_697 : i32 to index
        %swap3A_717 = arith.constant 32 : index
        %swap3A_718 = tpu.vector_load %arg11[%swap3A_716, %swap3A_717] {strides = array<i32>} : memref<128x80xf32, #tpu.memory_space<vmem>>, vector<16xf32>,
        tpu.vector_store %arg11[%swap3A_716, %swap3A_717], %mul3A_715 {strides = array<i32>} : memref<128x80xf32, #tpu.memory_space<vmem>>, vector<16xf32>,
        %get3A_719 = arith.index_cast %add3A_697 : i32 to index
        %get3A_720 = arith.constant 48 : index
        %get3A_721 = tpu.vector_load %arg11[%get3A_719, %get3A_720] {strides = array<i32>} : memref<128x80xf32, #tpu.memory_space<vmem>>, vector<16xf32>,
        %mul3A_722 = arith.mulf %get3A_721, %broadcast_in_dim3A_693 : vector<16xf32>
        %swap3A_723 = arith.index_cast %add3A_697 : i32 to index
        %swap3A_724 = arith.constant 48 : index
        %swap3A_725 = tpu.vector_load %arg11[%swap3A_723, %swap3A_724] {strides = array<i32>} : memref<128x80xf32, #tpu.memory_space<vmem>>, vector<16xf32>,
        tpu.vector_store %arg11[%swap3A_723, %swap3A_724], %mul3A_722 {strides = array<i32>} : memref<128x80xf32, #tpu.memory_space<vmem>>, vector<16xf32>,
        %get3A_726 = arith.index_cast %add3A_697 : i32 to index
        %get3A_727 = arith.constant 64 : index
        %get3A_728 = tpu.vector_load %arg11[%get3A_726, %get3A_727] {strides = array<i32>} : memref<128x80xf32, #tpu.memory_space<vmem>>, vector<16xf32>,
        %mul3A_729 = arith.mulf %get3A_728, %broadcast_in_dim3A_693 : vector<16xf32>
        %swap3A_730 = arith.index_cast %add3A_697 : i32 to index
        %swap3A_731 = arith.constant 64 : index
        %swap3A_732 = tpu.vector_load %arg11[%swap3A_730, %swap3A_731] {strides = array<i32>} : memref<128x80xf32, #tpu.memory_space<vmem>>, vector<16xf32>,
        tpu.vector_store %arg11[%swap3A_730, %swap3A_731], %mul3A_729 {strides = array<i32>} : memref<128x80xf32, #tpu.memory_space<vmem>>, vector<16xf32>,
        %slice3A_733 = vector.extract_strided_slice %get3A_567 {offsets = [4], sizes = [1], strides = [1]} : vector<16xf32> to vector<1xf32>
        %squeeze3A_734 = vector.extract %slice3A_733[0] : f32 from vector<1xf32>
        %broadcast_in_dim3A_735 = vector.broadcast %squeeze3A_734 : f32 to vector<16xf32>
        %mul3A_736 = arith.constant 16 : i32
        %mul3A_737 = arith.muli %add3A_563, %mul3A_736 : i32
        %add3A_738 = arith.constant 4 : i32
        %add3A_739 = arith.addi %mul3A_737, %add3A_738 : i32
        %get3A_740 = arith.index_cast %add3A_739 : i32 to index
        %get3A_741 = arith.constant 0 : index
        %get3A_742 = tpu.vector_load %arg11[%get3A_740, %get3A_741] {strides = array<i32>} : memref<128x80xf32, #tpu.memory_space<vmem>>, vector<16xf32>,
        %mul3A_743 = arith.mulf %get3A_742, %broadcast_in_dim3A_735 : vector<16xf32>
        %swap3A_744 = arith.index_cast %add3A_739 : i32 to index
        %swap3A_745 = arith.constant 0 : index
        %swap3A_746 = tpu.vector_load %arg11[%swap3A_744, %swap3A_745] {strides = array<i32>} : memref<128x80xf32, #tpu.memory_space<vmem>>, vector<16xf32>,
        tpu.vector_store %arg11[%swap3A_744, %swap3A_745], %mul3A_743 {strides = array<i32>} : memref<128x80xf32, #tpu.memory_space<vmem>>, vector<16xf32>,
        %get3A_747 = arith.index_cast %add3A_739 : i32 to index
        %get3A_748 = arith.constant 16 : index
        %get3A_749 = tpu.vector_load %arg11[%get3A_747, %get3A_748] {strides = array<i32>} : memref<128x80xf32, #tpu.memory_space<vmem>>, vector<16xf32>,
        %mul3A_750 = arith.mulf %get3A_749, %broadcast_in_dim3A_735 : vector<16xf32>
        %swap3A_751 = arith.index_cast %add3A_739 : i32 to index
        %swap3A_752 = arith.constant 16 : index
        %swap3A_753 = tpu.vector_load %arg11[%swap3A_751, %swap3A_752] {strides = array<i32>} : memref<128x80xf32, #tpu.memory_space<vmem>>, vector<16xf32>,
        tpu.vector_store %arg11[%swap3A_751, %swap3A_752], %mul3A_750 {strides = array<i32>} : memref<128x80xf32, #tpu.memory_space<vmem>>, vector<16xf32>,
        %get3A_754 = arith.index_cast %add3A_739 : i32 to index
        %get3A_755 = arith.constant 32 : index
        %get3A_756 = tpu.vector_load %arg11[%get3A_754, %get3A_755] {strides = array<i32>} : memref<128x80xf32, #tpu.memory_space<vmem>>, vector<16xf32>,
        %mul3A_757 = arith.mulf %get3A_756, %broadcast_in_dim3A_735 : vector<16xf32>
        %swap3A_758 = arith.index_cast %add3A_739 : i32 to index
        %swap3A_759 = arith.constant 32 : index
        %swap3A_760 = tpu.vector_load %arg11[%swap3A_758, %swap3A_759] {strides = array<i32>} : memref<128x80xf32, #tpu.memory_space<vmem>>, vector<16xf32>,
        tpu.vector_store %arg11[%swap3A_758, %swap3A_759], %mul3A_757 {strides = array<i32>} : memref<128x80xf32, #tpu.memory_space<vmem>>, vector<16xf32>,
        %get3A_761 = arith.index_cast %add3A_739 : i32 to index
        %get3A_762 = arith.constant 48 : index
        %get3A_763 = tpu.vector_load %arg11[%get3A_761, %get3A_762] {strides = array<i32>} : memref<128x80xf32, #tpu.memory_space<vmem>>, vector<16xf32>,
        %mul3A_764 = arith.mulf %get3A_763, %broadcast_in_dim3A_735 : vector<16xf32>
        %swap3A_765 = arith.index_cast %add3A_739 : i32 to index
        %swap3A_766 = arith.constant 48 : index
        %swap3A_767 = tpu.vector_load %arg11[%swap3A_765, %swap3A_766] {strides = array<i32>} : memref<128x80xf32, #tpu.memory_space<vmem>>, vector<16xf32>,
        tpu.vector_store %arg11[%swap3A_765, %swap3A_766], %mul3A_764 {strides = array<i32>} : memref<128x80xf32, #tpu.memory_space<vmem>>, vector<16xf32>,
        %get3A_768 = arith.index_cast %add3A_739 : i32 to index
        %get3A_769 = arith.constant 64 : index
        %get3A_770 = tpu.vector_load %arg11[%get3A_768, %get3A_769] {strides = array<i32>} : memref<128x80xf32, #tpu.memory_space<vmem>>, vector<16xf32>,
        %mul3A_771 = arith.mulf %get3A_770, %broadcast_in_dim3A_735 : vector<16xf32>
        %swap3A_772 = arith.index_cast %add3A_739 : i32 to index
        %swap3A_773 = arith.constant 64 : index
        %swap3A_774 = tpu.vector_load %arg11[%swap3A_772, %swap3A_773] {strides = array<i32>} : memref<128x80xf32, #tpu.memory_space<vmem>>, vector<16xf32>,
        tpu.vector_store %arg11[%swap3A_772, %swap3A_773], %mul3A_771 {strides = array<i32>} : memref<128x80xf32, #tpu.memory_space<vmem>>, vector<16xf32>,
        %slice3A_775 = vector.extract_strided_slice %get3A_567 {offsets = [5], sizes = [1], strides = [1]} : vector<16xf32> to vector<1xf32>
        %squeeze3A_776 = vector.extract %slice3A_775[0] : f32 from vector<1xf32>
        %broadcast_in_dim3A_777 = vector.broadcast %squeeze3A_776 : f32 to vector<16xf32>
        %mul3A_778 = arith.constant 16 : i32
        %mul3A_779 = arith.muli %add3A_563, %mul3A_778 : i32
        %add3A_780 = arith.constant 5 : i32
        %add3A_781 = arith.addi %mul3A_779, %add3A_780 : i32
        %get3A_782 = arith.index_cast %add3A_781 : i32 to index
        %get3A_783 = arith.constant 0 : index
        %get3A_784 = tpu.vector_load %arg11[%get3A_782, %get3A_783] {strides = array<i32>} : memref<128x80xf32, #tpu.memory_space<vmem>>, vector<16xf32>,
        %mul3A_785 = arith.mulf %get3A_784, %broadcast_in_dim3A_777 : vector<16xf32>
        %swap3A_786 = arith.index_cast %add3A_781 : i32 to index
        %swap3A_787 = arith.constant 0 : index
        %swap3A_788 = tpu.vector_load %arg11[%swap3A_786, %swap3A_787] {strides = array<i32>} : memref<128x80xf32, #tpu.memory_space<vmem>>, vector<16xf32>,
        tpu.vector_store %arg11[%swap3A_786, %swap3A_787], %mul3A_785 {strides = array<i32>} : memref<128x80xf32, #tpu.memory_space<vmem>>, vector<16xf32>,
        %get3A_789 = arith.index_cast %add3A_781 : i32 to index
        %get3A_790 = arith.constant 16 : index
        %get3A_791 = tpu.vector_load %arg11[%get3A_789, %get3A_790] {strides = array<i32>} : memref<128x80xf32, #tpu.memory_space<vmem>>, vector<16xf32>,
        %mul3A_792 = arith.mulf %get3A_791, %broadcast_in_dim3A_777 : vector<16xf32>
        %swap3A_793 = arith.index_cast %add3A_781 : i32 to index
        %swap3A_794 = arith.constant 16 : index
        %swap3A_795 = tpu.vector_load %arg11[%swap3A_793, %swap3A_794] {strides = array<i32>} : memref<128x80xf32, #tpu.memory_space<vmem>>, vector<16xf32>,
        tpu.vector_store %arg11[%swap3A_793, %swap3A_794], %mul3A_792 {strides = array<i32>} : memref<128x80xf32, #tpu.memory_space<vmem>>, vector<16xf32>,
        %get3A_796 = arith.index_cast %add3A_781 : i32 to index
        %get3A_797 = arith.constant 32 : index
        %get3A_798 = tpu.vector_load %arg11[%get3A_796, %get3A_797] {strides = array<i32>} : memref<128x80xf32, #tpu.memory_space<vmem>>, vector<16xf32>,
        %mul3A_799 = arith.mulf %get3A_798, %broadcast_in_dim3A_777 : vector<16xf32>
        %swap3A_800 = arith.index_cast %add3A_781 : i32 to index
        %swap3A_801 = arith.constant 32 : index
        %swap3A_802 = tpu.vector_load %arg11[%swap3A_800, %swap3A_801] {strides = array<i32>} : memref<128x80xf32, #tpu.memory_space<vmem>>, vector<16xf32>,
        tpu.vector_store %arg11[%swap3A_800, %swap3A_801], %mul3A_799 {strides = array<i32>} : memref<128x80xf32, #tpu.memory_space<vmem>>, vector<16xf32>,
        %get3A_803 = arith.index_cast %add3A_781 : i32 to index
        %get3A_804 = arith.constant 48 : index
        %get3A_805 = tpu.vector_load %arg11[%get3A_803, %get3A_804] {strides = array<i32>} : memref<128x80xf32, #tpu.memory_space<vmem>>, vector<16xf32>,
        %mul3A_806 = arith.mulf %get3A_805, %broadcast_in_dim3A_777 : vector<16xf32>
        %swap3A_807 = arith.index_cast %add3A_781 : i32 to index
        %swap3A_808 = arith.constant 48 : index
        %swap3A_809 = tpu.vector_load %arg11[%swap3A_807, %swap3A_808] {strides = array<i32>} : memref<128x80xf32, #tpu.memory_space<vmem>>, vector<16xf32>,
        tpu.vector_store %arg11[%swap3A_807, %swap3A_808], %mul3A_806 {strides = array<i32>} : memref<128x80xf32, #tpu.memory_space<vmem>>, vector<16xf32>,
        %get3A_810 = arith.index_cast %add3A_781 : i32 to index
        %get3A_811 = arith.constant 64 : index
        %get3A_812 = tpu.vector_load %arg11[%get3A_810, %get3A_811] {strides = array<i32>} : memref<128x80xf32, #tpu.memory_space<vmem>>, vector<16xf32>,
        %mul3A_813 = arith.mulf %get3A_812, %broadcast_in_dim3A_777 : vector<16xf32>
        %swap3A_814 = arith.index_cast %add3A_781 : i32 to index
        %swap3A_815 = arith.constant 64 : index
        %swap3A_816 = tpu.vector_load %arg11[%swap3A_814, %swap3A_815] {strides = array<i32>} : memref<128x80xf32, #tpu.memory_space<vmem>>, vector<16xf32>,
        tpu.vector_store %arg11[%swap3A_814, %swap3A_815], %mul3A_813 {strides = array<i32>} : memref<128x80xf32, #tpu.memory_space<vmem>>, vector<16xf32>,
        %slice3A_817 = vector.extract_strided_slice %get3A_567 {offsets = [6], sizes = [1], strides = [1]} : vector<16xf32> to vector<1xf32>
        %squeeze3A_818 = vector.extract %slice3A_817[0] : f32 from vector<1xf32>
        %broadcast_in_dim3A_819 = vector.broadcast %squeeze3A_818 : f32 to vector<16xf32>
        %mul3A_820 = arith.constant 16 : i32
        %mul3A_821 = arith.muli %add3A_563, %mul3A_820 : i32
        %add3A_822 = arith.constant 6 : i32
        %add3A_823 = arith.addi %mul3A_821, %add3A_822 : i32
        %get3A_824 = arith.index_cast %add3A_823 : i32 to index
        %get3A_825 = arith.constant 0 : index
        %get3A_826 = tpu.vector_load %arg11[%get3A_824, %get3A_825] {strides = array<i32>} : memref<128x80xf32, #tpu.memory_space<vmem>>, vector<16xf32>,
        %mul3A_827 = arith.mulf %get3A_826, %broadcast_in_dim3A_819 : vector<16xf32>
        %swap3A_828 = arith.index_cast %add3A_823 : i32 to index
        %swap3A_829 = arith.constant 0 : index
        %swap3A_830 = tpu.vector_load %arg11[%swap3A_828, %swap3A_829] {strides = array<i32>} : memref<128x80xf32, #tpu.memory_space<vmem>>, vector<16xf32>,
        tpu.vector_store %arg11[%swap3A_828, %swap3A_829], %mul3A_827 {strides = array<i32>} : memref<128x80xf32, #tpu.memory_space<vmem>>, vector<16xf32>,
        %get3A_831 = arith.index_cast %add3A_823 : i32 to index
        %get3A_832 = arith.constant 16 : index
        %get3A_833 = tpu.vector_load %arg11[%get3A_831, %get3A_832] {strides = array<i32>} : memref<128x80xf32, #tpu.memory_space<vmem>>, vector<16xf32>,
        %mul3A_834 = arith.mulf %get3A_833, %broadcast_in_dim3A_819 : vector<16xf32>
        %swap3A_835 = arith.index_cast %add3A_823 : i32 to index
        %swap3A_836 = arith.constant 16 : index
        %swap3A_837 = tpu.vector_load %arg11[%swap3A_835, %swap3A_836] {strides = array<i32>} : memref<128x80xf32, #tpu.memory_space<vmem>>, vector<16xf32>,
        tpu.vector_store %arg11[%swap3A_835, %swap3A_836], %mul3A_834 {strides = array<i32>} : memref<128x80xf32, #tpu.memory_space<vmem>>, vector<16xf32>,
        %get3A_838 = arith.index_cast %add3A_823 : i32 to index
        %get3A_839 = arith.constant 32 : index
        %get3A_840 = tpu.vector_load %arg11[%get3A_838, %get3A_839] {strides = array<i32>} : memref<128x80xf32, #tpu.memory_space<vmem>>, vector<16xf32>,
        %mul3A_841 = arith.mulf %get3A_840, %broadcast_in_dim3A_819 : vector<16xf32>
        %swap3A_842 = arith.index_cast %add3A_823 : i32 to index
        %swap3A_843 = arith.constant 32 : index
        %swap3A_844 = tpu.vector_load %arg11[%swap3A_842, %swap3A_843] {strides = array<i32>} : memref<128x80xf32, #tpu.memory_space<vmem>>, vector<16xf32>,
        tpu.vector_store %arg11[%swap3A_842, %swap3A_843], %mul3A_841 {strides = array<i32>} : memref<128x80xf32, #tpu.memory_space<vmem>>, vector<16xf32>,
        %get3A_845 = arith.index_cast %add3A_823 : i32 to index
        %get3A_846 = arith.constant 48 : index
        %get3A_847 = tpu.vector_load %arg11[%get3A_845, %get3A_846] {strides = array<i32>} : memref<128x80xf32, #tpu.memory_space<vmem>>, vector<16xf32>,
        %mul3A_848 = arith.mulf %get3A_847, %broadcast_in_dim3A_819 : vector<16xf32>
        %swap3A_849 = arith.index_cast %add3A_823 : i32 to index
        %swap3A_850 = arith.constant 48 : index
        %swap3A_851 = tpu.vector_load %arg11[%swap3A_849, %swap3A_850] {strides = array<i32>} : memref<128x80xf32, #tpu.memory_space<vmem>>, vector<16xf32>,
        tpu.vector_store %arg11[%swap3A_849, %swap3A_850], %mul3A_848 {strides = array<i32>} : memref<128x80xf32, #tpu.memory_space<vmem>>, vector<16xf32>,
        %get3A_852 = arith.index_cast %add3A_823 : i32 to index
        %get3A_853 = arith.constant 64 : index
        %get3A_854 = tpu.vector_load %arg11[%get3A_852, %get3A_853] {strides = array<i32>} : memref<128x80xf32, #tpu.memory_space<vmem>>, vector<16xf32>,
        %mul3A_855 = arith.mulf %get3A_854, %broadcast_in_dim3A_819 : vector<16xf32>
        %swap3A_856 = arith.index_cast %add3A_823 : i32 to index
        %swap3A_857 = arith.constant 64 : index
        %swap3A_858 = tpu.vector_load %arg11[%swap3A_856, %swap3A_857] {strides = array<i32>} : memref<128x80xf32, #tpu.memory_space<vmem>>, vector<16xf32>,
        tpu.vector_store %arg11[%swap3A_856, %swap3A_857], %mul3A_855 {strides = array<i32>} : memref<128x80xf32, #tpu.memory_space<vmem>>, vector<16xf32>,
        %slice3A_859 = vector.extract_strided_slice %get3A_567 {offsets = [7], sizes = [1], strides = [1]} : vector<16xf32> to vector<1xf32>
        %squeeze3A_860 = vector.extract %slice3A_859[0] : f32 from vector<1xf32>
        %broadcast_in_dim3A_861 = vector.broadcast %squeeze3A_860 : f32 to vector<16xf32>
        %mul3A_862 = arith.constant 16 : i32
        %mul3A_863 = arith.muli %add3A_563, %mul3A_862 : i32
        %add3A_864 = arith.constant 7 : i32
        %add3A_865 = arith.addi %mul3A_863, %add3A_864 : i32
        %get3A_866 = arith.index_cast %add3A_865 : i32 to index
        %get3A_867 = arith.constant 0 : index
        %get3A_868 = tpu.vector_load %arg11[%get3A_866, %get3A_867] {strides = array<i32>} : memref<128x80xf32, #tpu.memory_space<vmem>>, vector<16xf32>,
        %mul3A_869 = arith.mulf %get3A_868, %broadcast_in_dim3A_861 : vector<16xf32>
        %swap3A_870 = arith.index_cast %add3A_865 : i32 to index
        %swap3A_871 = arith.constant 0 : index
        %swap3A_872 = tpu.vector_load %arg11[%swap3A_870, %swap3A_871] {strides = array<i32>} : memref<128x80xf32, #tpu.memory_space<vmem>>, vector<16xf32>,
        tpu.vector_store %arg11[%swap3A_870, %swap3A_871], %mul3A_869 {strides = array<i32>} : memref<128x80xf32, #tpu.memory_space<vmem>>, vector<16xf32>,
        %get3A_873 = arith.index_cast %add3A_865 : i32 to index
        %get3A_874 = arith.constant 16 : index
        %get3A_875 = tpu.vector_load %arg11[%get3A_873, %get3A_874] {strides = array<i32>} : memref<128x80xf32, #tpu.memory_space<vmem>>, vector<16xf32>,
        %mul3A_876 = arith.mulf %get3A_875, %broadcast_in_dim3A_861 : vector<16xf32>
        %swap3A_877 = arith.index_cast %add3A_865 : i32 to index
        %swap3A_878 = arith.constant 16 : index
        %swap3A_879 = tpu.vector_load %arg11[%swap3A_877, %swap3A_878] {strides = array<i32>} : memref<128x80xf32, #tpu.memory_space<vmem>>, vector<16xf32>,
        tpu.vector_store %arg11[%swap3A_877, %swap3A_878], %mul3A_876 {strides = array<i32>} : memref<128x80xf32, #tpu.memory_space<vmem>>, vector<16xf32>,
        %get3A_880 = arith.index_cast %add3A_865 : i32 to index
        %get3A_881 = arith.constant 32 : index
        %get3A_882 = tpu.vector_load %arg11[%get3A_880, %get3A_881] {strides = array<i32>} : memref<128x80xf32, #tpu.memory_space<vmem>>, vector<16xf32>,
        %mul3A_883 = arith.mulf %get3A_882, %broadcast_in_dim3A_861 : vector<16xf32>
        %swap3A_884 = arith.index_cast %add3A_865 : i32 to index
        %swap3A_885 = arith.constant 32 : index
        %swap3A_886 = tpu.vector_load %arg11[%swap3A_884, %swap3A_885] {strides = array<i32>} : memref<128x80xf32, #tpu.memory_space<vmem>>, vector<16xf32>,
        tpu.vector_store %arg11[%swap3A_884, %swap3A_885], %mul3A_883 {strides = array<i32>} : memref<128x80xf32, #tpu.memory_space<vmem>>, vector<16xf32>,
        %get3A_887 = arith.index_cast %add3A_865 : i32 to index
        %get3A_888 = arith.constant 48 : index
        %get3A_889 = tpu.vector_load %arg11[%get3A_887, %get3A_888] {strides = array<i32>} : memref<128x80xf32, #tpu.memory_space<vmem>>, vector<16xf32>,
        %mul3A_890 = arith.mulf %get3A_889, %broadcast_in_dim3A_861 : vector<16xf32>
        %swap3A_891 = arith.index_cast %add3A_865 : i32 to index
        %swap3A_892 = arith.constant 48 : index
        %swap3A_893 = tpu.vector_load %arg11[%swap3A_891, %swap3A_892] {strides = array<i32>} : memref<128x80xf32, #tpu.memory_space<vmem>>, vector<16xf32>,
        tpu.vector_store %arg11[%swap3A_891, %swap3A_892], %mul3A_890 {strides = array<i32>} : memref<128x80xf32, #tpu.memory_space<vmem>>, vector<16xf32>,
        %get3A_894 = arith.index_cast %add3A_865 : i32 to index
        %get3A_895 = arith.constant 64 : index
        %get3A_896 = tpu.vector_load %arg11[%get3A_894, %get3A_895] {strides = array<i32>} : memref<128x80xf32, #tpu.memory_space<vmem>>, vector<16xf32>,
        %mul3A_897 = arith.mulf %get3A_896, %broadcast_in_dim3A_861 : vector<16xf32>
        %swap3A_898 = arith.index_cast %add3A_865 : i32 to index
        %swap3A_899 = arith.constant 64 : index
        %swap3A_900 = tpu.vector_load %arg11[%swap3A_898, %swap3A_899] {strides = array<i32>} : memref<128x80xf32, #tpu.memory_space<vmem>>, vector<16xf32>,
        tpu.vector_store %arg11[%swap3A_898, %swap3A_899], %mul3A_897 {strides = array<i32>} : memref<128x80xf32, #tpu.memory_space<vmem>>, vector<16xf32>,
        %slice3A_901 = vector.extract_strided_slice %get3A_567 {offsets = [8], sizes = [1], strides = [1]} : vector<16xf32> to vector<1xf32>
        %squeeze3A_902 = vector.extract %slice3A_901[0] : f32 from vector<1xf32>
        %broadcast_in_dim3A_903 = vector.broadcast %squeeze3A_902 : f32 to vector<16xf32>
        %mul3A_904 = arith.constant 16 : i32
        %mul3A_905 = arith.muli %add3A_563, %mul3A_904 : i32
        %add3A_906 = arith.constant 8 : i32
        %add3A_907 = arith.addi %mul3A_905, %add3A_906 : i32
        %get3A_908 = arith.index_cast %add3A_907 : i32 to index
        %get3A_909 = arith.constant 0 : index
        %get3A_910 = tpu.vector_load %arg11[%get3A_908, %get3A_909] {strides = array<i32>} : memref<128x80xf32, #tpu.memory_space<vmem>>, vector<16xf32>,
        %mul3A_911 = arith.mulf %get3A_910, %broadcast_in_dim3A_903 : vector<16xf32>
        %swap3A_912 = arith.index_cast %add3A_907 : i32 to index
        %swap3A_913 = arith.constant 0 : index
        %swap3A_914 = tpu.vector_load %arg11[%swap3A_912, %swap3A_913] {strides = array<i32>} : memref<128x80xf32, #tpu.memory_space<vmem>>, vector<16xf32>,
        tpu.vector_store %arg11[%swap3A_912, %swap3A_913], %mul3A_911 {strides = array<i32>} : memref<128x80xf32, #tpu.memory_space<vmem>>, vector<16xf32>,
        %get3A_915 = arith.index_cast %add3A_907 : i32 to index
        %get3A_916 = arith.constant 16 : index
        %get3A_917 = tpu.vector_load %arg11[%get3A_915, %get3A_916] {strides = array<i32>} : memref<128x80xf32, #tpu.memory_space<vmem>>, vector<16xf32>,
        %mul3A_918 = arith.mulf %get3A_917, %broadcast_in_dim3A_903 : vector<16xf32>
        %swap3A_919 = arith.index_cast %add3A_907 : i32 to index
        %swap3A_920 = arith.constant 16 : index
        %swap3A_921 = tpu.vector_load %arg11[%swap3A_919, %swap3A_920] {strides = array<i32>} : memref<128x80xf32, #tpu.memory_space<vmem>>, vector<16xf32>,
        tpu.vector_store %arg11[%swap3A_919, %swap3A_920], %mul3A_918 {strides = array<i32>} : memref<128x80xf32, #tpu.memory_space<vmem>>, vector<16xf32>,
        %get3A_922 = arith.index_cast %add3A_907 : i32 to index
        %get3A_923 = arith.constant 32 : index
        %get3A_924 = tpu.vector_load %arg11[%get3A_922, %get3A_923] {strides = array<i32>} : memref<128x80xf32, #tpu.memory_space<vmem>>, vector<16xf32>,
        %mul3A_925 = arith.mulf %get3A_924, %broadcast_in_dim3A_903 : vector<16xf32>
        %swap3A_926 = arith.index_cast %add3A_907 : i32 to index
        %swap3A_927 = arith.constant 32 : index
        %swap3A_928 = tpu.vector_load %arg11[%swap3A_926, %swap3A_927] {strides = array<i32>} : memref<128x80xf32, #tpu.memory_space<vmem>>, vector<16xf32>,
        tpu.vector_store %arg11[%swap3A_926, %swap3A_927], %mul3A_925 {strides = array<i32>} : memref<128x80xf32, #tpu.memory_space<vmem>>, vector<16xf32>,
        %get3A_929 = arith.index_cast %add3A_907 : i32 to index
        %get3A_930 = arith.constant 48 : index
        %get3A_931 = tpu.vector_load %arg11[%get3A_929, %get3A_930] {strides = array<i32>} : memref<128x80xf32, #tpu.memory_space<vmem>>, vector<16xf32>,
        %mul3A_932 = arith.mulf %get3A_931, %broadcast_in_dim3A_903 : vector<16xf32>
        %swap3A_933 = arith.index_cast %add3A_907 : i32 to index
        %swap3A_934 = arith.constant 48 : index
        %swap3A_935 = tpu.vector_load %arg11[%swap3A_933, %swap3A_934] {strides = array<i32>} : memref<128x80xf32, #tpu.memory_space<vmem>>, vector<16xf32>,
        tpu.vector_store %arg11[%swap3A_933, %swap3A_934], %mul3A_932 {strides = array<i32>} : memref<128x80xf32, #tpu.memory_space<vmem>>, vector<16xf32>,
        %get3A_936 = arith.index_cast %add3A_907 : i32 to index
        %get3A_937 = arith.constant 64 : index
        %get3A_938 = tpu.vector_load %arg11[%get3A_936, %get3A_937] {strides = array<i32>} : memref<128x80xf32, #tpu.memory_space<vmem>>, vector<16xf32>,
        %mul3A_939 = arith.mulf %get3A_938, %broadcast_in_dim3A_903 : vector<16xf32>
        %swap3A_940 = arith.index_cast %add3A_907 : i32 to index
        %swap3A_941 = arith.constant 64 : index
        %swap3A_942 = tpu.vector_load %arg11[%swap3A_940, %swap3A_941] {strides = array<i32>} : memref<128x80xf32, #tpu.memory_space<vmem>>, vector<16xf32>,
        tpu.vector_store %arg11[%swap3A_940, %swap3A_941], %mul3A_939 {strides = array<i32>} : memref<128x80xf32, #tpu.memory_space<vmem>>, vector<16xf32>,
        %slice3A_943 = vector.extract_strided_slice %get3A_567 {offsets = [9], sizes = [1], strides = [1]} : vector<16xf32> to vector<1xf32>
        %squeeze3A_944 = vector.extract %slice3A_943[0] : f32 from vector<1xf32>
        %broadcast_in_dim3A_945 = vector.broadcast %squeeze3A_944 : f32 to vector<16xf32>
        %mul3A_946 = arith.constant 16 : i32
        %mul3A_947 = arith.muli %add3A_563, %mul3A_946 : i32
        %add3A_948 = arith.constant 9 : i32
        %add3A_949 = arith.addi %mul3A_947, %add3A_948 : i32
        %get3A_950 = arith.index_cast %add3A_949 : i32 to index
        %get3A_951 = arith.constant 0 : index
        %get3A_952 = tpu.vector_load %arg11[%get3A_950, %get3A_951] {strides = array<i32>} : memref<128x80xf32, #tpu.memory_space<vmem>>, vector<16xf32>,
        %mul3A_953 = arith.mulf %get3A_952, %broadcast_in_dim3A_945 : vector<16xf32>
        %swap3A_954 = arith.index_cast %add3A_949 : i32 to index
        %swap3A_955 = arith.constant 0 : index
        %swap3A_956 = tpu.vector_load %arg11[%swap3A_954, %swap3A_955] {strides = array<i32>} : memref<128x80xf32, #tpu.memory_space<vmem>>, vector<16xf32>,
        tpu.vector_store %arg11[%swap3A_954, %swap3A_955], %mul3A_953 {strides = array<i32>} : memref<128x80xf32, #tpu.memory_space<vmem>>, vector<16xf32>,
        %get3A_957 = arith.index_cast %add3A_949 : i32 to index
        %get3A_958 = arith.constant 16 : index
        %get3A_959 = tpu.vector_load %arg11[%get3A_957, %get3A_958] {strides = array<i32>} : memref<128x80xf32, #tpu.memory_space<vmem>>, vector<16xf32>,
        %mul3A_960 = arith.mulf %get3A_959, %broadcast_in_dim3A_945 : vector<16xf32>
        %swap3A_961 = arith.index_cast %add3A_949 : i32 to index
        %swap3A_962 = arith.constant 16 : index
        %swap3A_963 = tpu.vector_load %arg11[%swap3A_961, %swap3A_962] {strides = array<i32>} : memref<128x80xf32, #tpu.memory_space<vmem>>, vector<16xf32>,
        tpu.vector_store %arg11[%swap3A_961, %swap3A_962], %mul3A_960 {strides = array<i32>} : memref<128x80xf32, #tpu.memory_space<vmem>>, vector<16xf32>,
        %get3A_964 = arith.index_cast %add3A_949 : i32 to index
        %get3A_965 = arith.constant 32 : index
        %get3A_966 = tpu.vector_load %arg11[%get3A_964, %get3A_965] {strides = array<i32>} : memref<128x80xf32, #tpu.memory_space<vmem>>, vector<16xf32>,
        %mul3A_967 = arith.mulf %get3A_966, %broadcast_in_dim3A_945 : vector<16xf32>
        %swap3A_968 = arith.index_cast %add3A_949 : i32 to index
        %swap3A_969 = arith.constant 32 : index
        %swap3A_970 = tpu.vector_load %arg11[%swap3A_968, %swap3A_969] {strides = array<i32>} : memref<128x80xf32, #tpu.memory_space<vmem>>, vector<16xf32>,
        tpu.vector_store %arg11[%swap3A_968, %swap3A_969], %mul3A_967 {strides = array<i32>} : memref<128x80xf32, #tpu.memory_space<vmem>>, vector<16xf32>,
        %get3A_971 = arith.index_cast %add3A_949 : i32 to index
        %get3A_972 = arith.constant 48 : index
        %get3A_973 = tpu.vector_load %arg11[%get3A_971, %get3A_972] {strides = array<i32>} : memref<128x80xf32, #tpu.memory_space<vmem>>, vector<16xf32>,
        %mul3A_974 = arith.mulf %get3A_973, %broadcast_in_dim3A_945 : vector<16xf32>
        %swap3A_975 = arith.index_cast %add3A_949 : i32 to index
        %swap3A_976 = arith.constant 48 : index
        %swap3A_977 = tpu.vector_load %arg11[%swap3A_975, %swap3A_976] {strides = array<i32>} : memref<128x80xf32, #tpu.memory_space<vmem>>, vector<16xf32>,
        tpu.vector_store %arg11[%swap3A_975, %swap3A_976], %mul3A_974 {strides = array<i32>} : memref<128x80xf32, #tpu.memory_space<vmem>>, vector<16xf32>,
        %get3A_978 = arith.index_cast %add3A_949 : i32 to index
        %get3A_979 = arith.constant 64 : index
        %get3A_980 = tpu.vector_load %arg11[%get3A_978, %get3A_979] {strides = array<i32>} : memref<128x80xf32, #tpu.memory_space<vmem>>, vector<16xf32>,
        %mul3A_981 = arith.mulf %get3A_980, %broadcast_in_dim3A_945 : vector<16xf32>
        %swap3A_982 = arith.index_cast %add3A_949 : i32 to index
        %swap3A_983 = arith.constant 64 : index
        %swap3A_984 = tpu.vector_load %arg11[%swap3A_982, %swap3A_983] {strides = array<i32>} : memref<128x80xf32, #tpu.memory_space<vmem>>, vector<16xf32>,
        tpu.vector_store %arg11[%swap3A_982, %swap3A_983], %mul3A_981 {strides = array<i32>} : memref<128x80xf32, #tpu.memory_space<vmem>>, vector<16xf32>,
        %slice3A_985 = vector.extract_strided_slice %get3A_567 {offsets = [10], sizes = [1], strides = [1]} : vector<16xf32> to vector<1xf32>
        %squeeze3A_986 = vector.extract %slice3A_985[0] : f32 from vector<1xf32>
        %broadcast_in_dim3A_987 = vector.broadcast %squeeze3A_986 : f32 to vector<16xf32>
        %mul3A_988 = arith.constant 16 : i32
        %mul3A_989 = arith.muli %add3A_563, %mul3A_988 : i32
        %add3A_990 = arith.constant 10 : i32
        %add3A_991 = arith.addi %mul3A_989, %add3A_990 : i32
        %get3A_992 = arith.index_cast %add3A_991 : i32 to index
        %get3A_993 = arith.constant 0 : index
        %get3A_994 = tpu.vector_load %arg11[%get3A_992, %get3A_993] {strides = array<i32>} : memref<128x80xf32, #tpu.memory_space<vmem>>, vector<16xf32>,
        %mul3A_995 = arith.mulf %get3A_994, %broadcast_in_dim3A_987 : vector<16xf32>
        %swap3A_996 = arith.index_cast %add3A_991 : i32 to index
        %swap3A_997 = arith.constant 0 : index
        %swap3A_998 = tpu.vector_load %arg11[%swap3A_996, %swap3A_997] {strides = array<i32>} : memref<128x80xf32, #tpu.memory_space<vmem>>, vector<16xf32>,
        tpu.vector_store %arg11[%swap3A_996, %swap3A_997], %mul3A_995 {strides = array<i32>} : memref<128x80xf32, #tpu.memory_space<vmem>>, vector<16xf32>,
        %get3A_999 = arith.index_cast %add3A_991 : i32 to index
        %get3A_1000 = arith.constant 16 : index
        %get3A_1001 = tpu.vector_load %arg11[%get3A_999, %get3A_1000] {strides = array<i32>} : memref<128x80xf32, #tpu.memory_space<vmem>>, vector<16xf32>,
        %mul3A_1002 = arith.mulf %get3A_1001, %broadcast_in_dim3A_987 : vector<16xf32>
        %swap3A_1003 = arith.index_cast %add3A_991 : i32 to index
        %swap3A_1004 = arith.constant 16 : index
        %swap3A_1005 = tpu.vector_load %arg11[%swap3A_1003, %swap3A_1004] {strides = array<i32>} : memref<128x80xf32, #tpu.memory_space<vmem>>, vector<16xf32>,
        tpu.vector_store %arg11[%swap3A_1003, %swap3A_1004], %mul3A_1002 {strides = array<i32>} : memref<128x80xf32, #tpu.memory_space<vmem>>, vector<16xf32>,
        %get3A_1006 = arith.index_cast %add3A_991 : i32 to index
        %get3A_1007 = arith.constant 32 : index
        %get3A_1008 = tpu.vector_load %arg11[%get3A_1006, %get3A_1007] {strides = array<i32>} : memref<128x80xf32, #tpu.memory_space<vmem>>, vector<16xf32>,
        %mul3A_1009 = arith.mulf %get3A_1008, %broadcast_in_dim3A_987 : vector<16xf32>
        %swap3A_1010 = arith.index_cast %add3A_991 : i32 to index
        %swap3A_1011 = arith.constant 32 : index
        %swap3A_1012 = tpu.vector_load %arg11[%swap3A_1010, %swap3A_1011] {strides = array<i32>} : memref<128x80xf32, #tpu.memory_space<vmem>>, vector<16xf32>,
        tpu.vector_store %arg11[%swap3A_1010, %swap3A_1011], %mul3A_1009 {strides = array<i32>} : memref<128x80xf32, #tpu.memory_space<vmem>>, vector<16xf32>,
        %get3A_1013 = arith.index_cast %add3A_991 : i32 to index
        %get3A_1014 = arith.constant 48 : index
        %get3A_1015 = tpu.vector_load %arg11[%get3A_1013, %get3A_1014] {strides = array<i32>} : memref<128x80xf32, #tpu.memory_space<vmem>>, vector<16xf32>,
        %mul3A_1016 = arith.mulf %get3A_1015, %broadcast_in_dim3A_987 : vector<16xf32>
        %swap3A_1017 = arith.index_cast %add3A_991 : i32 to index
        %swap3A_1018 = arith.constant 48 : index
        %swap3A_1019 = tpu.vector_load %arg11[%swap3A_1017, %swap3A_1018] {strides = array<i32>} : memref<128x80xf32, #tpu.memory_space<vmem>>, vector<16xf32>,
        tpu.vector_store %arg11[%swap3A_1017, %swap3A_1018], %mul3A_1016 {strides = array<i32>} : memref<128x80xf32, #tpu.memory_space<vmem>>, vector<16xf32>,
        %get3A_1020 = arith.index_cast %add3A_991 : i32 to index
        %get3A_1021 = arith.constant 64 : index
        %get3A_1022 = tpu.vector_load %arg11[%get3A_1020, %get3A_1021] {strides = array<i32>} : memref<128x80xf32, #tpu.memory_space<vmem>>, vector<16xf32>,
        %mul3A_1023 = arith.mulf %get3A_1022, %broadcast_in_dim3A_987 : vector<16xf32>
        %swap3A_1024 = arith.index_cast %add3A_991 : i32 to index
        %swap3A_1025 = arith.constant 64 : index
        %swap3A_1026 = tpu.vector_load %arg11[%swap3A_1024, %swap3A_1025] {strides = array<i32>} : memref<128x80xf32, #tpu.memory_space<vmem>>, vector<16xf32>,
        tpu.vector_store %arg11[%swap3A_1024, %swap3A_1025], %mul3A_1023 {strides = array<i32>} : memref<128x80xf32, #tpu.memory_space<vmem>>, vector<16xf32>,
        %slice3A_1027 = vector.extract_strided_slice %get3A_567 {offsets = [11], sizes = [1], strides = [1]} : vector<16xf32> to vector<1xf32>
        %squeeze3A_1028 = vector.extract %slice3A_1027[0] : f32 from vector<1xf32>
        %broadcast_in_dim3A_1029 = vector.broadcast %squeeze3A_1028 : f32 to vector<16xf32>
        %mul3A_1030 = arith.constant 16 : i32
        %mul3A_1031 = arith.muli %add3A_563, %mul3A_1030 : i32
        %add3A_1032 = arith.constant 11 : i32
        %add3A_1033 = arith.addi %mul3A_1031, %add3A_1032 : i32
        %get3A_1034 = arith.index_cast %add3A_1033 : i32 to index
        %get3A_1035 = arith.constant 0 : index
        %get3A_1036 = tpu.vector_load %arg11[%get3A_1034, %get3A_1035] {strides = array<i32>} : memref<128x80xf32, #tpu.memory_space<vmem>>, vector<16xf32>,
        %mul3A_1037 = arith.mulf %get3A_1036, %broadcast_in_dim3A_1029 : vector<16xf32>
        %swap3A_1038 = arith.index_cast %add3A_1033 : i32 to index
        %swap3A_1039 = arith.constant 0 : index
        %swap3A_1040 = tpu.vector_load %arg11[%swap3A_1038, %swap3A_1039] {strides = array<i32>} : memref<128x80xf32, #tpu.memory_space<vmem>>, vector<16xf32>,
        tpu.vector_store %arg11[%swap3A_1038, %swap3A_1039], %mul3A_1037 {strides = array<i32>} : memref<128x80xf32, #tpu.memory_space<vmem>>, vector<16xf32>,
        %get3A_1041 = arith.index_cast %add3A_1033 : i32 to index
        %get3A_1042 = arith.constant 16 : index
        %get3A_1043 = tpu.vector_load %arg11[%get3A_1041, %get3A_1042] {strides = array<i32>} : memref<128x80xf32, #tpu.memory_space<vmem>>, vector<16xf32>,
        %mul3A_1044 = arith.mulf %get3A_1043, %broadcast_in_dim3A_1029 : vector<16xf32>
        %swap3A_1045 = arith.index_cast %add3A_1033 : i32 to index
        %swap3A_1046 = arith.constant 16 : index
        %swap3A_1047 = tpu.vector_load %arg11[%swap3A_1045, %swap3A_1046] {strides = array<i32>} : memref<128x80xf32, #tpu.memory_space<vmem>>, vector<16xf32>,
        tpu.vector_store %arg11[%swap3A_1045, %swap3A_1046], %mul3A_1044 {strides = array<i32>} : memref<128x80xf32, #tpu.memory_space<vmem>>, vector<16xf32>,
        %get3A_1048 = arith.index_cast %add3A_1033 : i32 to index
        %get3A_1049 = arith.constant 32 : index
        %get3A_1050 = tpu.vector_load %arg11[%get3A_1048, %get3A_1049] {strides = array<i32>} : memref<128x80xf32, #tpu.memory_space<vmem>>, vector<16xf32>,
        %mul3A_1051 = arith.mulf %get3A_1050, %broadcast_in_dim3A_1029 : vector<16xf32>
        %swap3A_1052 = arith.index_cast %add3A_1033 : i32 to index
        %swap3A_1053 = arith.constant 32 : index
        %swap3A_1054 = tpu.vector_load %arg11[%swap3A_1052, %swap3A_1053] {strides = array<i32>} : memref<128x80xf32, #tpu.memory_space<vmem>>, vector<16xf32>,
        tpu.vector_store %arg11[%swap3A_1052, %swap3A_1053], %mul3A_1051 {strides = array<i32>} : memref<128x80xf32, #tpu.memory_space<vmem>>, vector<16xf32>,
        %get3A_1055 = arith.index_cast %add3A_1033 : i32 to index
        %get3A_1056 = arith.constant 48 : index
        %get3A_1057 = tpu.vector_load %arg11[%get3A_1055, %get3A_1056] {strides = array<i32>} : memref<128x80xf32, #tpu.memory_space<vmem>>, vector<16xf32>,
        %mul3A_1058 = arith.mulf %get3A_1057, %broadcast_in_dim3A_1029 : vector<16xf32>
        %swap3A_1059 = arith.index_cast %add3A_1033 : i32 to index
        %swap3A_1060 = arith.constant 48 : index
        %swap3A_1061 = tpu.vector_load %arg11[%swap3A_1059, %swap3A_1060] {strides = array<i32>} : memref<128x80xf32, #tpu.memory_space<vmem>>, vector<16xf32>,
        tpu.vector_store %arg11[%swap3A_1059, %swap3A_1060], %mul3A_1058 {strides = array<i32>} : memref<128x80xf32, #tpu.memory_space<vmem>>, vector<16xf32>,
        %get3A_1062 = arith.index_cast %add3A_1033 : i32 to index
        %get3A_1063 = arith.constant 64 : index
        %get3A_1064 = tpu.vector_load %arg11[%get3A_1062, %get3A_1063] {strides = array<i32>} : memref<128x80xf32, #tpu.memory_space<vmem>>, vector<16xf32>,
        %mul3A_1065 = arith.mulf %get3A_1064, %broadcast_in_dim3A_1029 : vector<16xf32>
        %swap3A_1066 = arith.index_cast %add3A_1033 : i32 to index
        %swap3A_1067 = arith.constant 64 : index
        %swap3A_1068 = tpu.vector_load %arg11[%swap3A_1066, %swap3A_1067] {strides = array<i32>} : memref<128x80xf32, #tpu.memory_space<vmem>>, vector<16xf32>,
        tpu.vector_store %arg11[%swap3A_1066, %swap3A_1067], %mul3A_1065 {strides = array<i32>} : memref<128x80xf32, #tpu.memory_space<vmem>>, vector<16xf32>,
        %slice3A_1069 = vector.extract_strided_slice %get3A_567 {offsets = [12], sizes = [1], strides = [1]} : vector<16xf32> to vector<1xf32>
        %squeeze3A_1070 = vector.extract %slice3A_1069[0] : f32 from vector<1xf32>
        %broadcast_in_dim3A_1071 = vector.broadcast %squeeze3A_1070 : f32 to vector<16xf32>
        %mul3A_1072 = arith.constant 16 : i32
        %mul3A_1073 = arith.muli %add3A_563, %mul3A_1072 : i32
        %add3A_1074 = arith.constant 12 : i32
        %add3A_1075 = arith.addi %mul3A_1073, %add3A_1074 : i32
        %get3A_1076 = arith.index_cast %add3A_1075 : i32 to index
        %get3A_1077 = arith.constant 0 : index
        %get3A_1078 = tpu.vector_load %arg11[%get3A_1076, %get3A_1077] {strides = array<i32>} : memref<128x80xf32, #tpu.memory_space<vmem>>, vector<16xf32>,
        %mul3A_1079 = arith.mulf %get3A_1078, %broadcast_in_dim3A_1071 : vector<16xf32>
        %swap3A_1080 = arith.index_cast %add3A_1075 : i32 to index
        %swap3A_1081 = arith.constant 0 : index
        %swap3A_1082 = tpu.vector_load %arg11[%swap3A_1080, %swap3A_1081] {strides = array<i32>} : memref<128x80xf32, #tpu.memory_space<vmem>>, vector<16xf32>,
        tpu.vector_store %arg11[%swap3A_1080, %swap3A_1081], %mul3A_1079 {strides = array<i32>} : memref<128x80xf32, #tpu.memory_space<vmem>>, vector<16xf32>,
        %get3A_1083 = arith.index_cast %add3A_1075 : i32 to index
        %get3A_1084 = arith.constant 16 : index
        %get3A_1085 = tpu.vector_load %arg11[%get3A_1083, %get3A_1084] {strides = array<i32>} : memref<128x80xf32, #tpu.memory_space<vmem>>, vector<16xf32>,
        %mul3A_1086 = arith.mulf %get3A_1085, %broadcast_in_dim3A_1071 : vector<16xf32>
        %swap3A_1087 = arith.index_cast %add3A_1075 : i32 to index
        %swap3A_1088 = arith.constant 16 : index
        %swap3A_1089 = tpu.vector_load %arg11[%swap3A_1087, %swap3A_1088] {strides = array<i32>} : memref<128x80xf32, #tpu.memory_space<vmem>>, vector<16xf32>,
        tpu.vector_store %arg11[%swap3A_1087, %swap3A_1088], %mul3A_1086 {strides = array<i32>} : memref<128x80xf32, #tpu.memory_space<vmem>>, vector<16xf32>,
        %get3A_1090 = arith.index_cast %add3A_1075 : i32 to index
        %get3A_1091 = arith.constant 32 : index
        %get3A_1092 = tpu.vector_load %arg11[%get3A_1090, %get3A_1091] {strides = array<i32>} : memref<128x80xf32, #tpu.memory_space<vmem>>, vector<16xf32>,
        %mul3A_1093 = arith.mulf %get3A_1092, %broadcast_in_dim3A_1071 : vector<16xf32>
        %swap3A_1094 = arith.index_cast %add3A_1075 : i32 to index
        %swap3A_1095 = arith.constant 32 : index
        %swap3A_1096 = tpu.vector_load %arg11[%swap3A_1094, %swap3A_1095] {strides = array<i32>} : memref<128x80xf32, #tpu.memory_space<vmem>>, vector<16xf32>,
        tpu.vector_store %arg11[%swap3A_1094, %swap3A_1095], %mul3A_1093 {strides = array<i32>} : memref<128x80xf32, #tpu.memory_space<vmem>>, vector<16xf32>,
        %get3A_1097 = arith.index_cast %add3A_1075 : i32 to index
        %get3A_1098 = arith.constant 48 : index
        %get3A_1099 = tpu.vector_load %arg11[%get3A_1097, %get3A_1098] {strides = array<i32>} : memref<128x80xf32, #tpu.memory_space<vmem>>, vector<16xf32>,
        %mul3A_1100 = arith.mulf %get3A_1099, %broadcast_in_dim3A_1071 : vector<16xf32>
        %swap3A_1101 = arith.index_cast %add3A_1075 : i32 to index
        %swap3A_1102 = arith.constant 48 : index
        %swap3A_1103 = tpu.vector_load %arg11[%swap3A_1101, %swap3A_1102] {strides = array<i32>} : memref<128x80xf32, #tpu.memory_space<vmem>>, vector<16xf32>,
        tpu.vector_store %arg11[%swap3A_1101, %swap3A_1102], %mul3A_1100 {strides = array<i32>} : memref<128x80xf32, #tpu.memory_space<vmem>>, vector<16xf32>,
        %get3A_1104 = arith.index_cast %add3A_1075 : i32 to index
        %get3A_1105 = arith.constant 64 : index
        %get3A_1106 = tpu.vector_load %arg11[%get3A_1104, %get3A_1105] {strides = array<i32>} : memref<128x80xf32, #tpu.memory_space<vmem>>, vector<16xf32>,
        %mul3A_1107 = arith.mulf %get3A_1106, %broadcast_in_dim3A_1071 : vector<16xf32>
        %swap3A_1108 = arith.index_cast %add3A_1075 : i32 to index
        %swap3A_1109 = arith.constant 64 : index
        %swap3A_1110 = tpu.vector_load %arg11[%swap3A_1108, %swap3A_1109] {strides = array<i32>} : memref<128x80xf32, #tpu.memory_space<vmem>>, vector<16xf32>,
        tpu.vector_store %arg11[%swap3A_1108, %swap3A_1109], %mul3A_1107 {strides = array<i32>} : memref<128x80xf32, #tpu.memory_space<vmem>>, vector<16xf32>,
        %slice3A_1111 = vector.extract_strided_slice %get3A_567 {offsets = [13], sizes = [1], strides = [1]} : vector<16xf32> to vector<1xf32>
        %squeeze3A_1112 = vector.extract %slice3A_1111[0] : f32 from vector<1xf32>
        %broadcast_in_dim3A_1113 = vector.broadcast %squeeze3A_1112 : f32 to vector<16xf32>
        %mul3A_1114 = arith.constant 16 : i32
        %mul3A_1115 = arith.muli %add3A_563, %mul3A_1114 : i32
        %add3A_1116 = arith.constant 13 : i32
        %add3A_1117 = arith.addi %mul3A_1115, %add3A_1116 : i32
        %get3A_1118 = arith.index_cast %add3A_1117 : i32 to index
        %get3A_1119 = arith.constant 0 : index
        %get3A_1120 = tpu.vector_load %arg11[%get3A_1118, %get3A_1119] {strides = array<i32>} : memref<128x80xf32, #tpu.memory_space<vmem>>, vector<16xf32>,
        %mul3A_1121 = arith.mulf %get3A_1120, %broadcast_in_dim3A_1113 : vector<16xf32>
        %swap3A_1122 = arith.index_cast %add3A_1117 : i32 to index
        %swap3A_1123 = arith.constant 0 : index
        %swap3A_1124 = tpu.vector_load %arg11[%swap3A_1122, %swap3A_1123] {strides = array<i32>} : memref<128x80xf32, #tpu.memory_space<vmem>>, vector<16xf32>,
        tpu.vector_store %arg11[%swap3A_1122, %swap3A_1123], %mul3A_1121 {strides = array<i32>} : memref<128x80xf32, #tpu.memory_space<vmem>>, vector<16xf32>,
        %get3A_1125 = arith.index_cast %add3A_1117 : i32 to index
        %get3A_1126 = arith.constant 16 : index
        %get3A_1127 = tpu.vector_load %arg11[%get3A_1125, %get3A_1126] {strides = array<i32>} : memref<128x80xf32, #tpu.memory_space<vmem>>, vector<16xf32>,
        %mul3A_1128 = arith.mulf %get3A_1127, %broadcast_in_dim3A_1113 : vector<16xf32>
        %swap3A_1129 = arith.index_cast %add3A_1117 : i32 to index
        %swap3A_1130 = arith.constant 16 : index
        %swap3A_1131 = tpu.vector_load %arg11[%swap3A_1129, %swap3A_1130] {strides = array<i32>} : memref<128x80xf32, #tpu.memory_space<vmem>>, vector<16xf32>,
        tpu.vector_store %arg11[%swap3A_1129, %swap3A_1130], %mul3A_1128 {strides = array<i32>} : memref<128x80xf32, #tpu.memory_space<vmem>>, vector<16xf32>,
        %get3A_1132 = arith.index_cast %add3A_1117 : i32 to index
        %get3A_1133 = arith.constant 32 : index
        %get3A_1134 = tpu.vector_load %arg11[%get3A_1132, %get3A_1133] {strides = array<i32>} : memref<128x80xf32, #tpu.memory_space<vmem>>, vector<16xf32>,
        %mul3A_1135 = arith.mulf %get3A_1134, %broadcast_in_dim3A_1113 : vector<16xf32>
        %swap3A_1136 = arith.index_cast %add3A_1117 : i32 to index
        %swap3A_1137 = arith.constant 32 : index
        %swap3A_1138 = tpu.vector_load %arg11[%swap3A_1136, %swap3A_1137] {strides = array<i32>} : memref<128x80xf32, #tpu.memory_space<vmem>>, vector<16xf32>,
        tpu.vector_store %arg11[%swap3A_1136, %swap3A_1137], %mul3A_1135 {strides = array<i32>} : memref<128x80xf32, #tpu.memory_space<vmem>>, vector<16xf32>,
        %get3A_1139 = arith.index_cast %add3A_1117 : i32 to index
        %get3A_1140 = arith.constant 48 : index
        %get3A_1141 = tpu.vector_load %arg11[%get3A_1139, %get3A_1140] {strides = array<i32>} : memref<128x80xf32, #tpu.memory_space<vmem>>, vector<16xf32>,
        %mul3A_1142 = arith.mulf %get3A_1141, %broadcast_in_dim3A_1113 : vector<16xf32>
        %swap3A_1143 = arith.index_cast %add3A_1117 : i32 to index
        %swap3A_1144 = arith.constant 48 : index
        %swap3A_1145 = tpu.vector_load %arg11[%swap3A_1143, %swap3A_1144] {strides = array<i32>} : memref<128x80xf32, #tpu.memory_space<vmem>>, vector<16xf32>,
        tpu.vector_store %arg11[%swap3A_1143, %swap3A_1144], %mul3A_1142 {strides = array<i32>} : memref<128x80xf32, #tpu.memory_space<vmem>>, vector<16xf32>,
        %get3A_1146 = arith.index_cast %add3A_1117 : i32 to index
        %get3A_1147 = arith.constant 64 : index
        %get3A_1148 = tpu.vector_load %arg11[%get3A_1146, %get3A_1147] {strides = array<i32>} : memref<128x80xf32, #tpu.memory_space<vmem>>, vector<16xf32>,
        %mul3A_1149 = arith.mulf %get3A_1148, %broadcast_in_dim3A_1113 : vector<16xf32>
        %swap3A_1150 = arith.index_cast %add3A_1117 : i32 to index
        %swap3A_1151 = arith.constant 64 : index
        %swap3A_1152 = tpu.vector_load %arg11[%swap3A_1150, %swap3A_1151] {strides = array<i32>} : memref<128x80xf32, #tpu.memory_space<vmem>>, vector<16xf32>,
        tpu.vector_store %arg11[%swap3A_1150, %swap3A_1151], %mul3A_1149 {strides = array<i32>} : memref<128x80xf32, #tpu.memory_space<vmem>>, vector<16xf32>,
        %slice3A_1153 = vector.extract_strided_slice %get3A_567 {offsets = [14], sizes = [1], strides = [1]} : vector<16xf32> to vector<1xf32>
        %squeeze3A_1154 = vector.extract %slice3A_1153[0] : f32 from vector<1xf32>
        %broadcast_in_dim3A_1155 = vector.broadcast %squeeze3A_1154 : f32 to vector<16xf32>
        %mul3A_1156 = arith.constant 16 : i32
        %mul3A_1157 = arith.muli %add3A_563, %mul3A_1156 : i32
        %add3A_1158 = arith.constant 14 : i32
        %add3A_1159 = arith.addi %mul3A_1157, %add3A_1158 : i32
        %get3A_1160 = arith.index_cast %add3A_1159 : i32 to index
        %get3A_1161 = arith.constant 0 : index
        %get3A_1162 = tpu.vector_load %arg11[%get3A_1160, %get3A_1161] {strides = array<i32>} : memref<128x80xf32, #tpu.memory_space<vmem>>, vector<16xf32>,
        %mul3A_1163 = arith.mulf %get3A_1162, %broadcast_in_dim3A_1155 : vector<16xf32>
        %swap3A_1164 = arith.index_cast %add3A_1159 : i32 to index
        %swap3A_1165 = arith.constant 0 : index
        %swap3A_1166 = tpu.vector_load %arg11[%swap3A_1164, %swap3A_1165] {strides = array<i32>} : memref<128x80xf32, #tpu.memory_space<vmem>>, vector<16xf32>,
        tpu.vector_store %arg11[%swap3A_1164, %swap3A_1165], %mul3A_1163 {strides = array<i32>} : memref<128x80xf32, #tpu.memory_space<vmem>>, vector<16xf32>,
        %get3A_1167 = arith.index_cast %add3A_1159 : i32 to index
        %get3A_1168 = arith.constant 16 : index
        %get3A_1169 = tpu.vector_load %arg11[%get3A_1167, %get3A_1168] {strides = array<i32>} : memref<128x80xf32, #tpu.memory_space<vmem>>, vector<16xf32>,
        %mul3A_1170 = arith.mulf %get3A_1169, %broadcast_in_dim3A_1155 : vector<16xf32>
        %swap3A_1171 = arith.index_cast %add3A_1159 : i32 to index
        %swap3A_1172 = arith.constant 16 : index
        %swap3A_1173 = tpu.vector_load %arg11[%swap3A_1171, %swap3A_1172] {strides = array<i32>} : memref<128x80xf32, #tpu.memory_space<vmem>>, vector<16xf32>,
        tpu.vector_store %arg11[%swap3A_1171, %swap3A_1172], %mul3A_1170 {strides = array<i32>} : memref<128x80xf32, #tpu.memory_space<vmem>>, vector<16xf32>,
        %get3A_1174 = arith.index_cast %add3A_1159 : i32 to index
        %get3A_1175 = arith.constant 32 : index
        %get3A_1176 = tpu.vector_load %arg11[%get3A_1174, %get3A_1175] {strides = array<i32>} : memref<128x80xf32, #tpu.memory_space<vmem>>, vector<16xf32>,
        %mul3A_1177 = arith.mulf %get3A_1176, %broadcast_in_dim3A_1155 : vector<16xf32>
        %swap3A_1178 = arith.index_cast %add3A_1159 : i32 to index
        %swap3A_1179 = arith.constant 32 : index
        %swap3A_1180 = tpu.vector_load %arg11[%swap3A_1178, %swap3A_1179] {strides = array<i32>} : memref<128x80xf32, #tpu.memory_space<vmem>>, vector<16xf32>,
        tpu.vector_store %arg11[%swap3A_1178, %swap3A_1179], %mul3A_1177 {strides = array<i32>} : memref<128x80xf32, #tpu.memory_space<vmem>>, vector<16xf32>,
        %get3A_1181 = arith.index_cast %add3A_1159 : i32 to index
        %get3A_1182 = arith.constant 48 : index
        %get3A_1183 = tpu.vector_load %arg11[%get3A_1181, %get3A_1182] {strides = array<i32>} : memref<128x80xf32, #tpu.memory_space<vmem>>, vector<16xf32>,
        %mul3A_1184 = arith.mulf %get3A_1183, %broadcast_in_dim3A_1155 : vector<16xf32>
        %swap3A_1185 = arith.index_cast %add3A_1159 : i32 to index
        %swap3A_1186 = arith.constant 48 : index
        %swap3A_1187 = tpu.vector_load %arg11[%swap3A_1185, %swap3A_1186] {strides = array<i32>} : memref<128x80xf32, #tpu.memory_space<vmem>>, vector<16xf32>,
        tpu.vector_store %arg11[%swap3A_1185, %swap3A_1186], %mul3A_1184 {strides = array<i32>} : memref<128x80xf32, #tpu.memory_space<vmem>>, vector<16xf32>,
        %get3A_1188 = arith.index_cast %add3A_1159 : i32 to index
        %get3A_1189 = arith.constant 64 : index
        %get3A_1190 = tpu.vector_load %arg11[%get3A_1188, %get3A_1189] {strides = array<i32>} : memref<128x80xf32, #tpu.memory_space<vmem>>, vector<16xf32>,
        %mul3A_1191 = arith.mulf %get3A_1190, %broadcast_in_dim3A_1155 : vector<16xf32>
        %swap3A_1192 = arith.index_cast %add3A_1159 : i32 to index
        %swap3A_1193 = arith.constant 64 : index
        %swap3A_1194 = tpu.vector_load %arg11[%swap3A_1192, %swap3A_1193] {strides = array<i32>} : memref<128x80xf32, #tpu.memory_space<vmem>>, vector<16xf32>,
        tpu.vector_store %arg11[%swap3A_1192, %swap3A_1193], %mul3A_1191 {strides = array<i32>} : memref<128x80xf32, #tpu.memory_space<vmem>>, vector<16xf32>,
        %slice3A_1195 = vector.extract_strided_slice %get3A_567 {offsets = [15], sizes = [1], strides = [1]} : vector<16xf32> to vector<1xf32>
        %squeeze3A_1196 = vector.extract %slice3A_1195[0] : f32 from vector<1xf32>
        %broadcast_in_dim3A_1197 = vector.broadcast %squeeze3A_1196 : f32 to vector<16xf32>
        %mul3A_1198 = arith.constant 16 : i32
        %mul3A_1199 = arith.muli %add3A_563, %mul3A_1198 : i32
        %add3A_1200 = arith.constant 15 : i32
        %add3A_1201 = arith.addi %mul3A_1199, %add3A_1200 : i32
        %get3A_1202 = arith.index_cast %add3A_1201 : i32 to index
        %get3A_1203 = arith.constant 0 : index
        %get3A_1204 = tpu.vector_load %arg11[%get3A_1202, %get3A_1203] {strides = array<i32>} : memref<128x80xf32, #tpu.memory_space<vmem>>, vector<16xf32>,
        %mul3A_1205 = arith.mulf %get3A_1204, %broadcast_in_dim3A_1197 : vector<16xf32>
        %swap3A_1206 = arith.index_cast %add3A_1201 : i32 to index
        %swap3A_1207 = arith.constant 0 : index
        %swap3A_1208 = tpu.vector_load %arg11[%swap3A_1206, %swap3A_1207] {strides = array<i32>} : memref<128x80xf32, #tpu.memory_space<vmem>>, vector<16xf32>,
        tpu.vector_store %arg11[%swap3A_1206, %swap3A_1207], %mul3A_1205 {strides = array<i32>} : memref<128x80xf32, #tpu.memory_space<vmem>>, vector<16xf32>,
        %get3A_1209 = arith.index_cast %add3A_1201 : i32 to index
        %get3A_1210 = arith.constant 16 : index
        %get3A_1211 = tpu.vector_load %arg11[%get3A_1209, %get3A_1210] {strides = array<i32>} : memref<128x80xf32, #tpu.memory_space<vmem>>, vector<16xf32>,
        %mul3A_1212 = arith.mulf %get3A_1211, %broadcast_in_dim3A_1197 : vector<16xf32>
        %swap3A_1213 = arith.index_cast %add3A_1201 : i32 to index
        %swap3A_1214 = arith.constant 16 : index
        %swap3A_1215 = tpu.vector_load %arg11[%swap3A_1213, %swap3A_1214] {strides = array<i32>} : memref<128x80xf32, #tpu.memory_space<vmem>>, vector<16xf32>,
        tpu.vector_store %arg11[%swap3A_1213, %swap3A_1214], %mul3A_1212 {strides = array<i32>} : memref<128x80xf32, #tpu.memory_space<vmem>>, vector<16xf32>,
        %get3A_1216 = arith.index_cast %add3A_1201 : i32 to index
        %get3A_1217 = arith.constant 32 : index
        %get3A_1218 = tpu.vector_load %arg11[%get3A_1216, %get3A_1217] {strides = array<i32>} : memref<128x80xf32, #tpu.memory_space<vmem>>, vector<16xf32>,
        %mul3A_1219 = arith.mulf %get3A_1218, %broadcast_in_dim3A_1197 : vector<16xf32>
        %swap3A_1220 = arith.index_cast %add3A_1201 : i32 to index
        %swap3A_1221 = arith.constant 32 : index
        %swap3A_1222 = tpu.vector_load %arg11[%swap3A_1220, %swap3A_1221] {strides = array<i32>} : memref<128x80xf32, #tpu.memory_space<vmem>>, vector<16xf32>,
        tpu.vector_store %arg11[%swap3A_1220, %swap3A_1221], %mul3A_1219 {strides = array<i32>} : memref<128x80xf32, #tpu.memory_space<vmem>>, vector<16xf32>,
        %get3A_1223 = arith.index_cast %add3A_1201 : i32 to index
        %get3A_1224 = arith.constant 48 : index
        %get3A_1225 = tpu.vector_load %arg11[%get3A_1223, %get3A_1224] {strides = array<i32>} : memref<128x80xf32, #tpu.memory_space<vmem>>, vector<16xf32>,
        %mul3A_1226 = arith.mulf %get3A_1225, %broadcast_in_dim3A_1197 : vector<16xf32>
        %swap3A_1227 = arith.index_cast %add3A_1201 : i32 to index
        %swap3A_1228 = arith.constant 48 : index
        %swap3A_1229 = tpu.vector_load %arg11[%swap3A_1227, %swap3A_1228] {strides = array<i32>} : memref<128x80xf32, #tpu.memory_space<vmem>>, vector<16xf32>,
        tpu.vector_store %arg11[%swap3A_1227, %swap3A_1228], %mul3A_1226 {strides = array<i32>} : memref<128x80xf32, #tpu.memory_space<vmem>>, vector<16xf32>,
        %get3A_1230 = arith.index_cast %add3A_1201 : i32 to index
        %get3A_1231 = arith.constant 64 : index
        %get3A_1232 = tpu.vector_load %arg11[%get3A_1230, %get3A_1231] {strides = array<i32>} : memref<128x80xf32, #tpu.memory_space<vmem>>, vector<16xf32>,
        %mul3A_1233 = arith.mulf %get3A_1232, %broadcast_in_dim3A_1197 : vector<16xf32>
        %swap3A_1234 = arith.index_cast %add3A_1201 : i32 to index
        %swap3A_1235 = arith.constant 64 : index
        %swap3A_1236 = tpu.vector_load %arg11[%swap3A_1234, %swap3A_1235] {strides = array<i32>} : memref<128x80xf32, #tpu.memory_space<vmem>>, vector<16xf32>,
        tpu.vector_store %arg11[%swap3A_1234, %swap3A_1235], %mul3A_1233 {strides = array<i32>} : memref<128x80xf32, #tpu.memory_space<vmem>>, vector<16xf32>,
      }
      %scan3A_284 = arith.constant 8 : i32
      "tpu.region"() ({
        %run_scoped3A = tpu.sem_alloc : memref<!tpu.dma_semaphore, #tpu.memory_space<semaphore_mem>>
        %dma_start3A_559 = arith.constant 0 : i32
        %dma_start3A_560 = tpu.memref_slice %arg10[%mul3A_33, %dma_start3A_559] : memref<80x128xi32, #tpu.memory_space<vmem>> -> memref<1x128xi32, #tpu.memory_space<vmem>>
        %dma_start3A_561 = tpu.memref_squeeze %dma_start3A_560 : memref<1x128xi32, #tpu.memory_space<vmem>> -> memref<128xi32, #tpu.memory_space<vmem>>
        %dma_start3A_562 = arith.constant 0 : i32
        %dma_start3A_563 = arith.constant 0 : i32
        %dma_start3A_564 = tpu.memref_slice %arg14[%dma_start3A_562, %dma_start3A_563] : memref<10240x80xf32, #tpu.memory_space<vmem_shared>> -> memref<10240x80xf32, #tpu.memory_space<vmem_shared>>
        tpu.enqueue_indirect_dma source(%arg11 : memref<128x80xf32, #tpu.memory_space<vmem>>) target(%dma_start3A_564 : memref<10240x80xf32, #tpu.memory_space<vmem_shared>>) offsets(%dma_start3A_561 : memref<128xi32, #tpu.memory_space<vmem>>) semaphore(%run_scoped3A : memref<!tpu.dma_semaphore, #tpu.memory_space<semaphore_mem>>) {add = true}
        %dma_wait3A_565 = arith.constant 0 : i32
        %dma_wait3A_566 = tpu.memref_slice %arg10[%mul3A_33, %dma_wait3A_565] : memref<80x128xi32, #tpu.memory_space<vmem>> -> memref<1x128xi32, #tpu.memory_space<vmem>>
        %dma_wait3A_567 = tpu.memref_squeeze %dma_wait3A_566 : memref<1x128xi32, #tpu.memory_space<vmem>> -> memref<128xi32, #tpu.memory_space<vmem>>
        %dma_wait3A_568 = arith.constant 0 : i32
        %dma_wait3A_569 = arith.constant 0 : i32
        %dma_wait3A_570 = tpu.memref_slice %arg14[%dma_wait3A_568, %dma_wait3A_569] : memref<10240x80xf32, #tpu.memory_space<vmem_shared>> -> memref<10240x80xf32, #tpu.memory_space<vmem_shared>>
        tpu.wait_indirect_dma semaphore(%run_scoped3A : memref<!tpu.dma_semaphore, #tpu.memory_space<semaphore_mem>>) src(%arg11 : memref<128x80xf32, #tpu.memory_space<vmem>>) dst(%dma_wait3A_570 : memref<10240x80xf32, #tpu.memory_space<vmem_shared>>)
        tpu.yield
      }) : () -> ()
      %add3A_285 = arith.constant 2 : i32
      %add3A_286 = arith.addi %mul3A_33, %add3A_285 : i32
      %lt3A = arith.constant 80 : i32
      %lt3A_287 = arith.cmpi slt, %add3A_286, %lt3A : i32
      %convert_element_type3A = arith.extui %lt3A_287 : i1 to i32
      %cond3A = arith.constant 0 : i32
      %cond3A_288 = arith.cmpi ne, %convert_element_type3A, %cond3A : i32
      scf.if %cond3A_288 {
        %add3A_559 = arith.constant 2 : i32
        %add3A_560 = arith.addi %mul3A_33, %add3A_559 : i32
        %dma_start3A_561 = arith.constant 0 : i32
        %dma_start3A_562 = tpu.memref_slice %arg9[%add3A_560, %dma_start3A_561] : memref<80x128xi32, #tpu.memory_space<vmem>> -> memref<1x128xi32, #tpu.memory_space<vmem>>
        %dma_start3A_563 = tpu.memref_squeeze %dma_start3A_562 : memref<1x128xi32, #tpu.memory_space<vmem>> -> memref<128xi32, #tpu.memory_space<vmem>>
        %dma_start3A_564 = arith.constant 0 : i32
        %dma_start3A_565 = arith.constant 0 : i32
        %dma_start3A_566 = tpu.memref_slice %arg2[%dma_start3A_564, %dma_start3A_565] : memref<10000x80xf32, #tpu.memory_space<hbm>> -> memref<10000x80xf32, #tpu.memory_space<hbm>>
        tpu.enqueue_indirect_dma source(%dma_start3A_566 : memref<10000x80xf32, #tpu.memory_space<hbm>>) target(%arg11 : memref<128x80xf32, #tpu.memory_space<vmem>>) offsets(%dma_start3A_563 : memref<128xi32, #tpu.memory_space<vmem>>) semaphore(%arg15 : memref<!tpu.dma_semaphore, #tpu.memory_space<semaphore_mem>>)
      } else {
      }
      %mul3A_289 = arith.constant 2 : i32
      %mul3A_290 = arith.muli %add3A_31, %mul3A_289 : i32
      %add3A_291 = arith.constant 1 : i32
      %add3A_292 = arith.addi %mul3A_290, %add3A_291 : i32
      %dma_wait3A_293 = arith.constant 0 : i32
      %dma_wait3A_294 = tpu.memref_slice %arg9[%add3A_292, %dma_wait3A_293] : memref<80x128xi32, #tpu.memory_space<vmem>> -> memref<1x128xi32, #tpu.memory_space<vmem>>
      %dma_wait3A_295 = tpu.memref_squeeze %dma_wait3A_294 : memref<1x128xi32, #tpu.memory_space<vmem>> -> memref<128xi32, #tpu.memory_space<vmem>>
      %dma_wait3A_296 = arith.constant 0 : i32
      %dma_wait3A_297 = arith.constant 0 : i32
      %dma_wait3A_298 = tpu.memref_slice %arg2[%dma_wait3A_296, %dma_wait3A_297] : memref<10000x80xf32, #tpu.memory_space<hbm>> -> memref<10000x80xf32, #tpu.memory_space<hbm>>
      tpu.wait_indirect_dma semaphore(%arg16 : memref<!tpu.dma_semaphore, #tpu.memory_space<semaphore_mem>>) src(%dma_wait3A_298 : memref<10000x80xf32, #tpu.memory_space<hbm>>) dst(%arg12 : memref<128x80xf32, #tpu.memory_space<vmem>>)
      %get3A_299 = arith.index_cast %add3A_292 : i32 to index
      %get3A_300 = arith.constant 0 : index
      %get3A_301 = tpu.vector_load %arg9[%get3A_299, %get3A_300] {strides = array<i32>} : memref<80x128xi32, #tpu.memory_space<vmem>>, vector<16xi32>,
      %get3A_302 = arith.index_cast %add3A_292 : i32 to index
      %get3A_303 = arith.constant 0 : index
      %get3A_304 = tpu.vector_load %arg10[%get3A_302, %get3A_303] {strides = array<i32>} : memref<80x128xi32, #tpu.memory_space<vmem>>, vector<16xi32>,
      %min3A_305 = arith.constant 9999 : i32
      %min3A_306 = vector.broadcast %min3A_305 : i32 to vector<16xi32>
      %min3A_307 = arith.minsi %get3A_304, %min3A_306 : vector<16xi32>
      %mul3A_308 = arith.constant 2 : i32
      %mul3A_309 = vector.broadcast %mul3A_308 : i32 to vector<16xi32>
      %mul3A_310 = arith.muli %get3A_301, %mul3A_309 : vector<16xi32>
      %gather3A_311 = tpu.vector_load_idx %arg8[%mul3A_310] : memref<20000xf32, #tpu.memory_space<vmem>>[vector<16xi32>], vector<16xf32>,
      %mul3A_312 = arith.constant 2 : i32
      %mul3A_313 = vector.broadcast %mul3A_312 : i32 to vector<16xi32>
      %mul3A_314 = arith.muli %min3A_307, %mul3A_313 : vector<16xi32>
      %add3A_315 = arith.constant 1 : i32
      %add3A_316 = vector.broadcast %add3A_315 : i32 to vector<16xi32>
      %add3A_317 = arith.addi %mul3A_314, %add3A_316 : vector<16xi32>
      %gather3A_318 = tpu.vector_load_idx %arg8[%add3A_317] : memref<20000xf32, #tpu.memory_space<vmem>>[vector<16xi32>], vector<16xf32>,
      %add3A_319 = arith.addf %gather3A_311, %gather3A_318 : vector<16xf32>
      %ge3A_320 = arith.constant 0.000000e+00 : f32
      %ge3A_321 = vector.broadcast %ge3A_320 : f32 to vector<16xf32>
      %ge3A_322 = arith.cmpf oge, %add3A_319, %ge3A_321 : vector<16xf32>
      %mul3A_323 = arith.constant 2.000000e-01 : f32
      %mul3A_324 = vector.broadcast %mul3A_323 : f32 to vector<16xf32>
      %mul3A_325 = arith.mulf %add3A_319, %mul3A_324 : vector<16xf32>
      %select_n3A_326 = arith.select %ge3A_322, %add3A_319, %mul3A_325 : vector<16xi1>, vector<16xf32>
      %exp3A_327 = math.exp %select_n3A_326 : vector<16xf32>
      %swap3A_328 = arith.constant 0 : index
      %swap3A_329 = tpu.vector_load %arg13[%swap3A_328] {strides = array<i32>} : memref<128xf32, #tpu.memory_space<vmem>>, vector<16xf32>,
      tpu.vector_store %arg13[%swap3A_328], %exp3A_327 {strides = array<i32>} : memref<128xf32, #tpu.memory_space<vmem>>, vector<16xf32>,
      %get3A_330 = arith.index_cast %add3A_292 : i32 to index
      %get3A_331 = arith.constant 16 : index
      %get3A_332 = tpu.vector_load %arg9[%get3A_330, %get3A_331] {strides = array<i32>} : memref<80x128xi32, #tpu.memory_space<vmem>>, vector<16xi32>,
      %get3A_333 = arith.index_cast %add3A_292 : i32 to index
      %get3A_334 = arith.constant 16 : index
      %get3A_335 = tpu.vector_load %arg10[%get3A_333, %get3A_334] {strides = array<i32>} : memref<80x128xi32, #tpu.memory_space<vmem>>, vector<16xi32>,
      %min3A_336 = arith.constant 9999 : i32
      %min3A_337 = vector.broadcast %min3A_336 : i32 to vector<16xi32>
      %min3A_338 = arith.minsi %get3A_335, %min3A_337 : vector<16xi32>
      %mul3A_339 = arith.constant 2 : i32
      %mul3A_340 = vector.broadcast %mul3A_339 : i32 to vector<16xi32>
      %mul3A_341 = arith.muli %get3A_332, %mul3A_340 : vector<16xi32>
      %gather3A_342 = tpu.vector_load_idx %arg8[%mul3A_341] : memref<20000xf32, #tpu.memory_space<vmem>>[vector<16xi32>], vector<16xf32>,
      %mul3A_343 = arith.constant 2 : i32
      %mul3A_344 = vector.broadcast %mul3A_343 : i32 to vector<16xi32>
      %mul3A_345 = arith.muli %min3A_338, %mul3A_344 : vector<16xi32>
      %add3A_346 = arith.constant 1 : i32
      %add3A_347 = vector.broadcast %add3A_346 : i32 to vector<16xi32>
      %add3A_348 = arith.addi %mul3A_345, %add3A_347 : vector<16xi32>
      %gather3A_349 = tpu.vector_load_idx %arg8[%add3A_348] : memref<20000xf32, #tpu.memory_space<vmem>>[vector<16xi32>], vector<16xf32>,
      %add3A_350 = arith.addf %gather3A_342, %gather3A_349 : vector<16xf32>
      %ge3A_351 = arith.constant 0.000000e+00 : f32
      %ge3A_352 = vector.broadcast %ge3A_351 : f32 to vector<16xf32>
      %ge3A_353 = arith.cmpf oge, %add3A_350, %ge3A_352 : vector<16xf32>
      %mul3A_354 = arith.constant 2.000000e-01 : f32
      %mul3A_355 = vector.broadcast %mul3A_354 : f32 to vector<16xf32>
      %mul3A_356 = arith.mulf %add3A_350, %mul3A_355 : vector<16xf32>
      %select_n3A_357 = arith.select %ge3A_353, %add3A_350, %mul3A_356 : vector<16xi1>, vector<16xf32>
      %exp3A_358 = math.exp %select_n3A_357 : vector<16xf32>
      %swap3A_359 = arith.constant 16 : index
      %swap3A_360 = tpu.vector_load %arg13[%swap3A_359] {strides = array<i32>} : memref<128xf32, #tpu.memory_space<vmem>>, vector<16xf32>,
      tpu.vector_store %arg13[%swap3A_359], %exp3A_358 {strides = array<i32>} : memref<128xf32, #tpu.memory_space<vmem>>, vector<16xf32>,
      %get3A_361 = arith.index_cast %add3A_292 : i32 to index
      %get3A_362 = arith.constant 32 : index
      %get3A_363 = tpu.vector_load %arg9[%get3A_361, %get3A_362] {strides = array<i32>} : memref<80x128xi32, #tpu.memory_space<vmem>>, vector<16xi32>,
      %get3A_364 = arith.index_cast %add3A_292 : i32 to index
      %get3A_365 = arith.constant 32 : index
      %get3A_366 = tpu.vector_load %arg10[%get3A_364, %get3A_365] {strides = array<i32>} : memref<80x128xi32, #tpu.memory_space<vmem>>, vector<16xi32>,
      %min3A_367 = arith.constant 9999 : i32
      %min3A_368 = vector.broadcast %min3A_367 : i32 to vector<16xi32>
      %min3A_369 = arith.minsi %get3A_366, %min3A_368 : vector<16xi32>
      %mul3A_370 = arith.constant 2 : i32
      %mul3A_371 = vector.broadcast %mul3A_370 : i32 to vector<16xi32>
      %mul3A_372 = arith.muli %get3A_363, %mul3A_371 : vector<16xi32>
      %gather3A_373 = tpu.vector_load_idx %arg8[%mul3A_372] : memref<20000xf32, #tpu.memory_space<vmem>>[vector<16xi32>], vector<16xf32>,
      %mul3A_374 = arith.constant 2 : i32
      %mul3A_375 = vector.broadcast %mul3A_374 : i32 to vector<16xi32>
      %mul3A_376 = arith.muli %min3A_369, %mul3A_375 : vector<16xi32>
      %add3A_377 = arith.constant 1 : i32
      %add3A_378 = vector.broadcast %add3A_377 : i32 to vector<16xi32>
      %add3A_379 = arith.addi %mul3A_376, %add3A_378 : vector<16xi32>
      %gather3A_380 = tpu.vector_load_idx %arg8[%add3A_379] : memref<20000xf32, #tpu.memory_space<vmem>>[vector<16xi32>], vector<16xf32>,
      %add3A_381 = arith.addf %gather3A_373, %gather3A_380 : vector<16xf32>
      %ge3A_382 = arith.constant 0.000000e+00 : f32
      %ge3A_383 = vector.broadcast %ge3A_382 : f32 to vector<16xf32>
      %ge3A_384 = arith.cmpf oge, %add3A_381, %ge3A_383 : vector<16xf32>
      %mul3A_385 = arith.constant 2.000000e-01 : f32
      %mul3A_386 = vector.broadcast %mul3A_385 : f32 to vector<16xf32>
      %mul3A_387 = arith.mulf %add3A_381, %mul3A_386 : vector<16xf32>
      %select_n3A_388 = arith.select %ge3A_384, %add3A_381, %mul3A_387 : vector<16xi1>, vector<16xf32>
      %exp3A_389 = math.exp %select_n3A_388 : vector<16xf32>
      %swap3A_390 = arith.constant 32 : index
      %swap3A_391 = tpu.vector_load %arg13[%swap3A_390] {strides = array<i32>} : memref<128xf32, #tpu.memory_space<vmem>>, vector<16xf32>,
      tpu.vector_store %arg13[%swap3A_390], %exp3A_389 {strides = array<i32>} : memref<128xf32, #tpu.memory_space<vmem>>, vector<16xf32>,
      %get3A_392 = arith.index_cast %add3A_292 : i32 to index
      %get3A_393 = arith.constant 48 : index
      %get3A_394 = tpu.vector_load %arg9[%get3A_392, %get3A_393] {strides = array<i32>} : memref<80x128xi32, #tpu.memory_space<vmem>>, vector<16xi32>,
      %get3A_395 = arith.index_cast %add3A_292 : i32 to index
      %get3A_396 = arith.constant 48 : index
      %get3A_397 = tpu.vector_load %arg10[%get3A_395, %get3A_396] {strides = array<i32>} : memref<80x128xi32, #tpu.memory_space<vmem>>, vector<16xi32>,
      %min3A_398 = arith.constant 9999 : i32
      %min3A_399 = vector.broadcast %min3A_398 : i32 to vector<16xi32>
      %min3A_400 = arith.minsi %get3A_397, %min3A_399 : vector<16xi32>
      %mul3A_401 = arith.constant 2 : i32
      %mul3A_402 = vector.broadcast %mul3A_401 : i32 to vector<16xi32>
      %mul3A_403 = arith.muli %get3A_394, %mul3A_402 : vector<16xi32>
      %gather3A_404 = tpu.vector_load_idx %arg8[%mul3A_403] : memref<20000xf32, #tpu.memory_space<vmem>>[vector<16xi32>], vector<16xf32>,
      %mul3A_405 = arith.constant 2 : i32
      %mul3A_406 = vector.broadcast %mul3A_405 : i32 to vector<16xi32>
      %mul3A_407 = arith.muli %min3A_400, %mul3A_406 : vector<16xi32>
      %add3A_408 = arith.constant 1 : i32
      %add3A_409 = vector.broadcast %add3A_408 : i32 to vector<16xi32>
      %add3A_410 = arith.addi %mul3A_407, %add3A_409 : vector<16xi32>
      %gather3A_411 = tpu.vector_load_idx %arg8[%add3A_410] : memref<20000xf32, #tpu.memory_space<vmem>>[vector<16xi32>], vector<16xf32>,
      %add3A_412 = arith.addf %gather3A_404, %gather3A_411 : vector<16xf32>
      %ge3A_413 = arith.constant 0.000000e+00 : f32
      %ge3A_414 = vector.broadcast %ge3A_413 : f32 to vector<16xf32>
      %ge3A_415 = arith.cmpf oge, %add3A_412, %ge3A_414 : vector<16xf32>
      %mul3A_416 = arith.constant 2.000000e-01 : f32
      %mul3A_417 = vector.broadcast %mul3A_416 : f32 to vector<16xf32>
      %mul3A_418 = arith.mulf %add3A_412, %mul3A_417 : vector<16xf32>
      %select_n3A_419 = arith.select %ge3A_415, %add3A_412, %mul3A_418 : vector<16xi1>, vector<16xf32>
      %exp3A_420 = math.exp %select_n3A_419 : vector<16xf32>
      %swap3A_421 = arith.constant 48 : index
      %swap3A_422 = tpu.vector_load %arg13[%swap3A_421] {strides = array<i32>} : memref<128xf32, #tpu.memory_space<vmem>>, vector<16xf32>,
      tpu.vector_store %arg13[%swap3A_421], %exp3A_420 {strides = array<i32>} : memref<128xf32, #tpu.memory_space<vmem>>, vector<16xf32>,
      %get3A_423 = arith.index_cast %add3A_292 : i32 to index
      %get3A_424 = arith.constant 64 : index
      %get3A_425 = tpu.vector_load %arg9[%get3A_423, %get3A_424] {strides = array<i32>} : memref<80x128xi32, #tpu.memory_space<vmem>>, vector<16xi32>,
      %get3A_426 = arith.index_cast %add3A_292 : i32 to index
      %get3A_427 = arith.constant 64 : index
      %get3A_428 = tpu.vector_load %arg10[%get3A_426, %get3A_427] {strides = array<i32>} : memref<80x128xi32, #tpu.memory_space<vmem>>, vector<16xi32>,
      %min3A_429 = arith.constant 9999 : i32
      %min3A_430 = vector.broadcast %min3A_429 : i32 to vector<16xi32>
      %min3A_431 = arith.minsi %get3A_428, %min3A_430 : vector<16xi32>
      %mul3A_432 = arith.constant 2 : i32
      %mul3A_433 = vector.broadcast %mul3A_432 : i32 to vector<16xi32>
      %mul3A_434 = arith.muli %get3A_425, %mul3A_433 : vector<16xi32>
      %gather3A_435 = tpu.vector_load_idx %arg8[%mul3A_434] : memref<20000xf32, #tpu.memory_space<vmem>>[vector<16xi32>], vector<16xf32>,
      %mul3A_436 = arith.constant 2 : i32
      %mul3A_437 = vector.broadcast %mul3A_436 : i32 to vector<16xi32>
      %mul3A_438 = arith.muli %min3A_431, %mul3A_437 : vector<16xi32>
      %add3A_439 = arith.constant 1 : i32
      %add3A_440 = vector.broadcast %add3A_439 : i32 to vector<16xi32>
      %add3A_441 = arith.addi %mul3A_438, %add3A_440 : vector<16xi32>
      %gather3A_442 = tpu.vector_load_idx %arg8[%add3A_441] : memref<20000xf32, #tpu.memory_space<vmem>>[vector<16xi32>], vector<16xf32>,
      %add3A_443 = arith.addf %gather3A_435, %gather3A_442 : vector<16xf32>
      %ge3A_444 = arith.constant 0.000000e+00 : f32
      %ge3A_445 = vector.broadcast %ge3A_444 : f32 to vector<16xf32>
      %ge3A_446 = arith.cmpf oge, %add3A_443, %ge3A_445 : vector<16xf32>
      %mul3A_447 = arith.constant 2.000000e-01 : f32
      %mul3A_448 = vector.broadcast %mul3A_447 : f32 to vector<16xf32>
      %mul3A_449 = arith.mulf %add3A_443, %mul3A_448 : vector<16xf32>
      %select_n3A_450 = arith.select %ge3A_446, %add3A_443, %mul3A_449 : vector<16xi1>, vector<16xf32>
      %exp3A_451 = math.exp %select_n3A_450 : vector<16xf32>
      %swap3A_452 = arith.constant 64 : index
      %swap3A_453 = tpu.vector_load %arg13[%swap3A_452] {strides = array<i32>} : memref<128xf32, #tpu.memory_space<vmem>>, vector<16xf32>,
      tpu.vector_store %arg13[%swap3A_452], %exp3A_451 {strides = array<i32>} : memref<128xf32, #tpu.memory_space<vmem>>, vector<16xf32>,
      %get3A_454 = arith.index_cast %add3A_292 : i32 to index
      %get3A_455 = arith.constant 80 : index
      %get3A_456 = tpu.vector_load %arg9[%get3A_454, %get3A_455] {strides = array<i32>} : memref<80x128xi32, #tpu.memory_space<vmem>>, vector<16xi32>,
      %get3A_457 = arith.index_cast %add3A_292 : i32 to index
      %get3A_458 = arith.constant 80 : index
      %get3A_459 = tpu.vector_load %arg10[%get3A_457, %get3A_458] {strides = array<i32>} : memref<80x128xi32, #tpu.memory_space<vmem>>, vector<16xi32>,
      %min3A_460 = arith.constant 9999 : i32
      %min3A_461 = vector.broadcast %min3A_460 : i32 to vector<16xi32>
      %min3A_462 = arith.minsi %get3A_459, %min3A_461 : vector<16xi32>
      %mul3A_463 = arith.constant 2 : i32
      %mul3A_464 = vector.broadcast %mul3A_463 : i32 to vector<16xi32>
      %mul3A_465 = arith.muli %get3A_456, %mul3A_464 : vector<16xi32>
      %gather3A_466 = tpu.vector_load_idx %arg8[%mul3A_465] : memref<20000xf32, #tpu.memory_space<vmem>>[vector<16xi32>], vector<16xf32>,
      %mul3A_467 = arith.constant 2 : i32
      %mul3A_468 = vector.broadcast %mul3A_467 : i32 to vector<16xi32>
      %mul3A_469 = arith.muli %min3A_462, %mul3A_468 : vector<16xi32>
      %add3A_470 = arith.constant 1 : i32
      %add3A_471 = vector.broadcast %add3A_470 : i32 to vector<16xi32>
      %add3A_472 = arith.addi %mul3A_469, %add3A_471 : vector<16xi32>
      %gather3A_473 = tpu.vector_load_idx %arg8[%add3A_472] : memref<20000xf32, #tpu.memory_space<vmem>>[vector<16xi32>], vector<16xf32>,
      %add3A_474 = arith.addf %gather3A_466, %gather3A_473 : vector<16xf32>
      %ge3A_475 = arith.constant 0.000000e+00 : f32
      %ge3A_476 = vector.broadcast %ge3A_475 : f32 to vector<16xf32>
      %ge3A_477 = arith.cmpf oge, %add3A_474, %ge3A_476 : vector<16xf32>
      %mul3A_478 = arith.constant 2.000000e-01 : f32
      %mul3A_479 = vector.broadcast %mul3A_478 : f32 to vector<16xf32>
      %mul3A_480 = arith.mulf %add3A_474, %mul3A_479 : vector<16xf32>
      %select_n3A_481 = arith.select %ge3A_477, %add3A_474, %mul3A_480 : vector<16xi1>, vector<16xf32>
      %exp3A_482 = math.exp %select_n3A_481 : vector<16xf32>
      %swap3A_483 = arith.constant 80 : index
      %swap3A_484 = tpu.vector_load %arg13[%swap3A_483] {strides = array<i32>} : memref<128xf32, #tpu.memory_space<vmem>>, vector<16xf32>,
      tpu.vector_store %arg13[%swap3A_483], %exp3A_482 {strides = array<i32>} : memref<128xf32, #tpu.memory_space<vmem>>, vector<16xf32>,
      %get3A_485 = arith.index_cast %add3A_292 : i32 to index
      %get3A_486 = arith.constant 96 : index
      %get3A_487 = tpu.vector_load %arg9[%get3A_485, %get3A_486] {strides = array<i32>} : memref<80x128xi32, #tpu.memory_space<vmem>>, vector<16xi32>,
      %get3A_488 = arith.index_cast %add3A_292 : i32 to index
      %get3A_489 = arith.constant 96 : index
      %get3A_490 = tpu.vector_load %arg10[%get3A_488, %get3A_489] {strides = array<i32>} : memref<80x128xi32, #tpu.memory_space<vmem>>, vector<16xi32>,
      %min3A_491 = arith.constant 9999 : i32
      %min3A_492 = vector.broadcast %min3A_491 : i32 to vector<16xi32>
      %min3A_493 = arith.minsi %get3A_490, %min3A_492 : vector<16xi32>
      %mul3A_494 = arith.constant 2 : i32
      %mul3A_495 = vector.broadcast %mul3A_494 : i32 to vector<16xi32>
      %mul3A_496 = arith.muli %get3A_487, %mul3A_495 : vector<16xi32>
      %gather3A_497 = tpu.vector_load_idx %arg8[%mul3A_496] : memref<20000xf32, #tpu.memory_space<vmem>>[vector<16xi32>], vector<16xf32>,
      %mul3A_498 = arith.constant 2 : i32
      %mul3A_499 = vector.broadcast %mul3A_498 : i32 to vector<16xi32>
      %mul3A_500 = arith.muli %min3A_493, %mul3A_499 : vector<16xi32>
      %add3A_501 = arith.constant 1 : i32
      %add3A_502 = vector.broadcast %add3A_501 : i32 to vector<16xi32>
      %add3A_503 = arith.addi %mul3A_500, %add3A_502 : vector<16xi32>
      %gather3A_504 = tpu.vector_load_idx %arg8[%add3A_503] : memref<20000xf32, #tpu.memory_space<vmem>>[vector<16xi32>], vector<16xf32>,
      %add3A_505 = arith.addf %gather3A_497, %gather3A_504 : vector<16xf32>
      %ge3A_506 = arith.constant 0.000000e+00 : f32
      %ge3A_507 = vector.broadcast %ge3A_506 : f32 to vector<16xf32>
      %ge3A_508 = arith.cmpf oge, %add3A_505, %ge3A_507 : vector<16xf32>
      %mul3A_509 = arith.constant 2.000000e-01 : f32
      %mul3A_510 = vector.broadcast %mul3A_509 : f32 to vector<16xf32>
      %mul3A_511 = arith.mulf %add3A_505, %mul3A_510 : vector<16xf32>
      %select_n3A_512 = arith.select %ge3A_508, %add3A_505, %mul3A_511 : vector<16xi1>, vector<16xf32>
      %exp3A_513 = math.exp %select_n3A_512 : vector<16xf32>
      %swap3A_514 = arith.constant 96 : index
      %swap3A_515 = tpu.vector_load %arg13[%swap3A_514] {strides = array<i32>} : memref<128xf32, #tpu.memory_space<vmem>>, vector<16xf32>,
      tpu.vector_store %arg13[%swap3A_514], %exp3A_513 {strides = array<i32>} : memref<128xf32, #tpu.memory_space<vmem>>, vector<16xf32>,
      %get3A_516 = arith.index_cast %add3A_292 : i32 to index
      %get3A_517 = arith.constant 112 : index
      %get3A_518 = tpu.vector_load %arg9[%get3A_516, %get3A_517] {strides = array<i32>} : memref<80x128xi32, #tpu.memory_space<vmem>>, vector<16xi32>,
      %get3A_519 = arith.index_cast %add3A_292 : i32 to index
      %get3A_520 = arith.constant 112 : index
      %get3A_521 = tpu.vector_load %arg10[%get3A_519, %get3A_520] {strides = array<i32>} : memref<80x128xi32, #tpu.memory_space<vmem>>, vector<16xi32>,
      %min3A_522 = arith.constant 9999 : i32
      %min3A_523 = vector.broadcast %min3A_522 : i32 to vector<16xi32>
      %min3A_524 = arith.minsi %get3A_521, %min3A_523 : vector<16xi32>
      %mul3A_525 = arith.constant 2 : i32
      %mul3A_526 = vector.broadcast %mul3A_525 : i32 to vector<16xi32>
      %mul3A_527 = arith.muli %get3A_518, %mul3A_526 : vector<16xi32>
      %gather3A_528 = tpu.vector_load_idx %arg8[%mul3A_527] : memref<20000xf32, #tpu.memory_space<vmem>>[vector<16xi32>], vector<16xf32>,
      %mul3A_529 = arith.constant 2 : i32
      %mul3A_530 = vector.broadcast %mul3A_529 : i32 to vector<16xi32>
      %mul3A_531 = arith.muli %min3A_524, %mul3A_530 : vector<16xi32>
      %add3A_532 = arith.constant 1 : i32
      %add3A_533 = vector.broadcast %add3A_532 : i32 to vector<16xi32>
      %add3A_534 = arith.addi %mul3A_531, %add3A_533 : vector<16xi32>
      %gather3A_535 = tpu.vector_load_idx %arg8[%add3A_534] : memref<20000xf32, #tpu.memory_space<vmem>>[vector<16xi32>], vector<16xf32>,
      %add3A_536 = arith.addf %gather3A_528, %gather3A_535 : vector<16xf32>
      %ge3A_537 = arith.constant 0.000000e+00 : f32
      %ge3A_538 = vector.broadcast %ge3A_537 : f32 to vector<16xf32>
      %ge3A_539 = arith.cmpf oge, %add3A_536, %ge3A_538 : vector<16xf32>
      %mul3A_540 = arith.constant 2.000000e-01 : f32
      %mul3A_541 = vector.broadcast %mul3A_540 : f32 to vector<16xf32>
      %mul3A_542 = arith.mulf %add3A_536, %mul3A_541 : vector<16xf32>
      %select_n3A_543 = arith.select %ge3A_539, %add3A_536, %mul3A_542 : vector<16xi1>, vector<16xf32>
      %exp3A_544 = math.exp %select_n3A_543 : vector<16xf32>
      %swap3A_545 = arith.constant 112 : index
      %swap3A_546 = tpu.vector_load %arg13[%swap3A_545] {strides = array<i32>} : memref<128xf32, #tpu.memory_space<vmem>>, vector<16xf32>,
      tpu.vector_store %arg13[%swap3A_545], %exp3A_544 {strides = array<i32>} : memref<128xf32, #tpu.memory_space<vmem>>, vector<16xf32>,
      %scan3A_547 = arith.constant 0 : i32
      %scan3A_548 = arith.constant 8 : i32
      %scan3A_549 = arith.addi %scan3A_547, %scan3A_548 : i32
      %scan3A_550 = arith.constant 1 : i32
      scf.for %scan3A_559 = %scan3A_547 to %scan3A_549 step %scan3A_550  : i32 {
        %mul3A_560 = arith.constant 1 : i32
        %mul3A_561 = arith.muli %scan3A_559, %mul3A_560 : i32
        %add3A_562 = arith.constant 0 : i32
        %add3A_563 = arith.addi %add3A_562, %mul3A_561 : i32
        %mul3A_564 = arith.constant 16 : i32
        %mul3A_565 = arith.muli %add3A_563, %mul3A_564 : i32
        %get3A_566 = arith.index_cast %mul3A_565 : i32 to index
        %get3A_567 = tpu.vector_load %arg13[%get3A_566] {strides = array<i32>} : memref<128xf32, #tpu.memory_space<vmem>>, vector<16xf32>,
        %slice3A = vector.extract_strided_slice %get3A_567 {offsets = [0], sizes = [1], strides = [1]} : vector<16xf32> to vector<1xf32>
        %squeeze3A = vector.extract %slice3A[0] : f32 from vector<1xf32>
        %broadcast_in_dim3A = vector.broadcast %squeeze3A : f32 to vector<16xf32>
        %mul3A_568 = arith.constant 16 : i32
        %mul3A_569 = arith.muli %add3A_563, %mul3A_568 : i32
        %add3A_570 = arith.constant 0 : i32
        %add3A_571 = arith.addi %mul3A_569, %add3A_570 : i32
        %get3A_572 = arith.index_cast %add3A_571 : i32 to index
        %get3A_573 = arith.constant 0 : index
        %get3A_574 = tpu.vector_load %arg12[%get3A_572, %get3A_573] {strides = array<i32>} : memref<128x80xf32, #tpu.memory_space<vmem>>, vector<16xf32>,
        %mul3A_575 = arith.mulf %get3A_574, %broadcast_in_dim3A : vector<16xf32>
        %swap3A_576 = arith.index_cast %add3A_571 : i32 to index
        %swap3A_577 = arith.constant 0 : index
        %swap3A_578 = tpu.vector_load %arg12[%swap3A_576, %swap3A_577] {strides = array<i32>} : memref<128x80xf32, #tpu.memory_space<vmem>>, vector<16xf32>,
        tpu.vector_store %arg12[%swap3A_576, %swap3A_577], %mul3A_575 {strides = array<i32>} : memref<128x80xf32, #tpu.memory_space<vmem>>, vector<16xf32>,
        %get3A_579 = arith.index_cast %add3A_571 : i32 to index
        %get3A_580 = arith.constant 16 : index
        %get3A_581 = tpu.vector_load %arg12[%get3A_579, %get3A_580] {strides = array<i32>} : memref<128x80xf32, #tpu.memory_space<vmem>>, vector<16xf32>,
        %mul3A_582 = arith.mulf %get3A_581, %broadcast_in_dim3A : vector<16xf32>
        %swap3A_583 = arith.index_cast %add3A_571 : i32 to index
        %swap3A_584 = arith.constant 16 : index
        %swap3A_585 = tpu.vector_load %arg12[%swap3A_583, %swap3A_584] {strides = array<i32>} : memref<128x80xf32, #tpu.memory_space<vmem>>, vector<16xf32>,
        tpu.vector_store %arg12[%swap3A_583, %swap3A_584], %mul3A_582 {strides = array<i32>} : memref<128x80xf32, #tpu.memory_space<vmem>>, vector<16xf32>,
        %get3A_586 = arith.index_cast %add3A_571 : i32 to index
        %get3A_587 = arith.constant 32 : index
        %get3A_588 = tpu.vector_load %arg12[%get3A_586, %get3A_587] {strides = array<i32>} : memref<128x80xf32, #tpu.memory_space<vmem>>, vector<16xf32>,
        %mul3A_589 = arith.mulf %get3A_588, %broadcast_in_dim3A : vector<16xf32>
        %swap3A_590 = arith.index_cast %add3A_571 : i32 to index
        %swap3A_591 = arith.constant 32 : index
        %swap3A_592 = tpu.vector_load %arg12[%swap3A_590, %swap3A_591] {strides = array<i32>} : memref<128x80xf32, #tpu.memory_space<vmem>>, vector<16xf32>,
        tpu.vector_store %arg12[%swap3A_590, %swap3A_591], %mul3A_589 {strides = array<i32>} : memref<128x80xf32, #tpu.memory_space<vmem>>, vector<16xf32>,
        %get3A_593 = arith.index_cast %add3A_571 : i32 to index
        %get3A_594 = arith.constant 48 : index
        %get3A_595 = tpu.vector_load %arg12[%get3A_593, %get3A_594] {strides = array<i32>} : memref<128x80xf32, #tpu.memory_space<vmem>>, vector<16xf32>,
        %mul3A_596 = arith.mulf %get3A_595, %broadcast_in_dim3A : vector<16xf32>
        %swap3A_597 = arith.index_cast %add3A_571 : i32 to index
        %swap3A_598 = arith.constant 48 : index
        %swap3A_599 = tpu.vector_load %arg12[%swap3A_597, %swap3A_598] {strides = array<i32>} : memref<128x80xf32, #tpu.memory_space<vmem>>, vector<16xf32>,
        tpu.vector_store %arg12[%swap3A_597, %swap3A_598], %mul3A_596 {strides = array<i32>} : memref<128x80xf32, #tpu.memory_space<vmem>>, vector<16xf32>,
        %get3A_600 = arith.index_cast %add3A_571 : i32 to index
        %get3A_601 = arith.constant 64 : index
        %get3A_602 = tpu.vector_load %arg12[%get3A_600, %get3A_601] {strides = array<i32>} : memref<128x80xf32, #tpu.memory_space<vmem>>, vector<16xf32>,
        %mul3A_603 = arith.mulf %get3A_602, %broadcast_in_dim3A : vector<16xf32>
        %swap3A_604 = arith.index_cast %add3A_571 : i32 to index
        %swap3A_605 = arith.constant 64 : index
        %swap3A_606 = tpu.vector_load %arg12[%swap3A_604, %swap3A_605] {strides = array<i32>} : memref<128x80xf32, #tpu.memory_space<vmem>>, vector<16xf32>,
        tpu.vector_store %arg12[%swap3A_604, %swap3A_605], %mul3A_603 {strides = array<i32>} : memref<128x80xf32, #tpu.memory_space<vmem>>, vector<16xf32>,
        %slice3A_607 = vector.extract_strided_slice %get3A_567 {offsets = [1], sizes = [1], strides = [1]} : vector<16xf32> to vector<1xf32>
        %squeeze3A_608 = vector.extract %slice3A_607[0] : f32 from vector<1xf32>
        %broadcast_in_dim3A_609 = vector.broadcast %squeeze3A_608 : f32 to vector<16xf32>
        %mul3A_610 = arith.constant 16 : i32
        %mul3A_611 = arith.muli %add3A_563, %mul3A_610 : i32
        %add3A_612 = arith.constant 1 : i32
        %add3A_613 = arith.addi %mul3A_611, %add3A_612 : i32
        %get3A_614 = arith.index_cast %add3A_613 : i32 to index
        %get3A_615 = arith.constant 0 : index
        %get3A_616 = tpu.vector_load %arg12[%get3A_614, %get3A_615] {strides = array<i32>} : memref<128x80xf32, #tpu.memory_space<vmem>>, vector<16xf32>,
        %mul3A_617 = arith.mulf %get3A_616, %broadcast_in_dim3A_609 : vector<16xf32>
        %swap3A_618 = arith.index_cast %add3A_613 : i32 to index
        %swap3A_619 = arith.constant 0 : index
        %swap3A_620 = tpu.vector_load %arg12[%swap3A_618, %swap3A_619] {strides = array<i32>} : memref<128x80xf32, #tpu.memory_space<vmem>>, vector<16xf32>,
        tpu.vector_store %arg12[%swap3A_618, %swap3A_619], %mul3A_617 {strides = array<i32>} : memref<128x80xf32, #tpu.memory_space<vmem>>, vector<16xf32>,
        %get3A_621 = arith.index_cast %add3A_613 : i32 to index
        %get3A_622 = arith.constant 16 : index
        %get3A_623 = tpu.vector_load %arg12[%get3A_621, %get3A_622] {strides = array<i32>} : memref<128x80xf32, #tpu.memory_space<vmem>>, vector<16xf32>,
        %mul3A_624 = arith.mulf %get3A_623, %broadcast_in_dim3A_609 : vector<16xf32>
        %swap3A_625 = arith.index_cast %add3A_613 : i32 to index
        %swap3A_626 = arith.constant 16 : index
        %swap3A_627 = tpu.vector_load %arg12[%swap3A_625, %swap3A_626] {strides = array<i32>} : memref<128x80xf32, #tpu.memory_space<vmem>>, vector<16xf32>,
        tpu.vector_store %arg12[%swap3A_625, %swap3A_626], %mul3A_624 {strides = array<i32>} : memref<128x80xf32, #tpu.memory_space<vmem>>, vector<16xf32>,
        %get3A_628 = arith.index_cast %add3A_613 : i32 to index
        %get3A_629 = arith.constant 32 : index
        %get3A_630 = tpu.vector_load %arg12[%get3A_628, %get3A_629] {strides = array<i32>} : memref<128x80xf32, #tpu.memory_space<vmem>>, vector<16xf32>,
        %mul3A_631 = arith.mulf %get3A_630, %broadcast_in_dim3A_609 : vector<16xf32>
        %swap3A_632 = arith.index_cast %add3A_613 : i32 to index
        %swap3A_633 = arith.constant 32 : index
        %swap3A_634 = tpu.vector_load %arg12[%swap3A_632, %swap3A_633] {strides = array<i32>} : memref<128x80xf32, #tpu.memory_space<vmem>>, vector<16xf32>,
        tpu.vector_store %arg12[%swap3A_632, %swap3A_633], %mul3A_631 {strides = array<i32>} : memref<128x80xf32, #tpu.memory_space<vmem>>, vector<16xf32>,
        %get3A_635 = arith.index_cast %add3A_613 : i32 to index
        %get3A_636 = arith.constant 48 : index
        %get3A_637 = tpu.vector_load %arg12[%get3A_635, %get3A_636] {strides = array<i32>} : memref<128x80xf32, #tpu.memory_space<vmem>>, vector<16xf32>,
        %mul3A_638 = arith.mulf %get3A_637, %broadcast_in_dim3A_609 : vector<16xf32>
        %swap3A_639 = arith.index_cast %add3A_613 : i32 to index
        %swap3A_640 = arith.constant 48 : index
        %swap3A_641 = tpu.vector_load %arg12[%swap3A_639, %swap3A_640] {strides = array<i32>} : memref<128x80xf32, #tpu.memory_space<vmem>>, vector<16xf32>,
        tpu.vector_store %arg12[%swap3A_639, %swap3A_640], %mul3A_638 {strides = array<i32>} : memref<128x80xf32, #tpu.memory_space<vmem>>, vector<16xf32>,
        %get3A_642 = arith.index_cast %add3A_613 : i32 to index
        %get3A_643 = arith.constant 64 : index
        %get3A_644 = tpu.vector_load %arg12[%get3A_642, %get3A_643] {strides = array<i32>} : memref<128x80xf32, #tpu.memory_space<vmem>>, vector<16xf32>,
        %mul3A_645 = arith.mulf %get3A_644, %broadcast_in_dim3A_609 : vector<16xf32>
        %swap3A_646 = arith.index_cast %add3A_613 : i32 to index
        %swap3A_647 = arith.constant 64 : index
        %swap3A_648 = tpu.vector_load %arg12[%swap3A_646, %swap3A_647] {strides = array<i32>} : memref<128x80xf32, #tpu.memory_space<vmem>>, vector<16xf32>,
        tpu.vector_store %arg12[%swap3A_646, %swap3A_647], %mul3A_645 {strides = array<i32>} : memref<128x80xf32, #tpu.memory_space<vmem>>, vector<16xf32>,
        %slice3A_649 = vector.extract_strided_slice %get3A_567 {offsets = [2], sizes = [1], strides = [1]} : vector<16xf32> to vector<1xf32>
        %squeeze3A_650 = vector.extract %slice3A_649[0] : f32 from vector<1xf32>
        %broadcast_in_dim3A_651 = vector.broadcast %squeeze3A_650 : f32 to vector<16xf32>
        %mul3A_652 = arith.constant 16 : i32
        %mul3A_653 = arith.muli %add3A_563, %mul3A_652 : i32
        %add3A_654 = arith.constant 2 : i32
        %add3A_655 = arith.addi %mul3A_653, %add3A_654 : i32
        %get3A_656 = arith.index_cast %add3A_655 : i32 to index
        %get3A_657 = arith.constant 0 : index
        %get3A_658 = tpu.vector_load %arg12[%get3A_656, %get3A_657] {strides = array<i32>} : memref<128x80xf32, #tpu.memory_space<vmem>>, vector<16xf32>,
        %mul3A_659 = arith.mulf %get3A_658, %broadcast_in_dim3A_651 : vector<16xf32>
        %swap3A_660 = arith.index_cast %add3A_655 : i32 to index
        %swap3A_661 = arith.constant 0 : index
        %swap3A_662 = tpu.vector_load %arg12[%swap3A_660, %swap3A_661] {strides = array<i32>} : memref<128x80xf32, #tpu.memory_space<vmem>>, vector<16xf32>,
        tpu.vector_store %arg12[%swap3A_660, %swap3A_661], %mul3A_659 {strides = array<i32>} : memref<128x80xf32, #tpu.memory_space<vmem>>, vector<16xf32>,
        %get3A_663 = arith.index_cast %add3A_655 : i32 to index
        %get3A_664 = arith.constant 16 : index
        %get3A_665 = tpu.vector_load %arg12[%get3A_663, %get3A_664] {strides = array<i32>} : memref<128x80xf32, #tpu.memory_space<vmem>>, vector<16xf32>,
        %mul3A_666 = arith.mulf %get3A_665, %broadcast_in_dim3A_651 : vector<16xf32>
        %swap3A_667 = arith.index_cast %add3A_655 : i32 to index
        %swap3A_668 = arith.constant 16 : index
        %swap3A_669 = tpu.vector_load %arg12[%swap3A_667, %swap3A_668] {strides = array<i32>} : memref<128x80xf32, #tpu.memory_space<vmem>>, vector<16xf32>,
        tpu.vector_store %arg12[%swap3A_667, %swap3A_668], %mul3A_666 {strides = array<i32>} : memref<128x80xf32, #tpu.memory_space<vmem>>, vector<16xf32>,
        %get3A_670 = arith.index_cast %add3A_655 : i32 to index
        %get3A_671 = arith.constant 32 : index
        %get3A_672 = tpu.vector_load %arg12[%get3A_670, %get3A_671] {strides = array<i32>} : memref<128x80xf32, #tpu.memory_space<vmem>>, vector<16xf32>,
        %mul3A_673 = arith.mulf %get3A_672, %broadcast_in_dim3A_651 : vector<16xf32>
        %swap3A_674 = arith.index_cast %add3A_655 : i32 to index
        %swap3A_675 = arith.constant 32 : index
        %swap3A_676 = tpu.vector_load %arg12[%swap3A_674, %swap3A_675] {strides = array<i32>} : memref<128x80xf32, #tpu.memory_space<vmem>>, vector<16xf32>,
        tpu.vector_store %arg12[%swap3A_674, %swap3A_675], %mul3A_673 {strides = array<i32>} : memref<128x80xf32, #tpu.memory_space<vmem>>, vector<16xf32>,
        %get3A_677 = arith.index_cast %add3A_655 : i32 to index
        %get3A_678 = arith.constant 48 : index
        %get3A_679 = tpu.vector_load %arg12[%get3A_677, %get3A_678] {strides = array<i32>} : memref<128x80xf32, #tpu.memory_space<vmem>>, vector<16xf32>,
        %mul3A_680 = arith.mulf %get3A_679, %broadcast_in_dim3A_651 : vector<16xf32>
        %swap3A_681 = arith.index_cast %add3A_655 : i32 to index
        %swap3A_682 = arith.constant 48 : index
        %swap3A_683 = tpu.vector_load %arg12[%swap3A_681, %swap3A_682] {strides = array<i32>} : memref<128x80xf32, #tpu.memory_space<vmem>>, vector<16xf32>,
        tpu.vector_store %arg12[%swap3A_681, %swap3A_682], %mul3A_680 {strides = array<i32>} : memref<128x80xf32, #tpu.memory_space<vmem>>, vector<16xf32>,
        %get3A_684 = arith.index_cast %add3A_655 : i32 to index
        %get3A_685 = arith.constant 64 : index
        %get3A_686 = tpu.vector_load %arg12[%get3A_684, %get3A_685] {strides = array<i32>} : memref<128x80xf32, #tpu.memory_space<vmem>>, vector<16xf32>,
        %mul3A_687 = arith.mulf %get3A_686, %broadcast_in_dim3A_651 : vector<16xf32>
        %swap3A_688 = arith.index_cast %add3A_655 : i32 to index
        %swap3A_689 = arith.constant 64 : index
        %swap3A_690 = tpu.vector_load %arg12[%swap3A_688, %swap3A_689] {strides = array<i32>} : memref<128x80xf32, #tpu.memory_space<vmem>>, vector<16xf32>,
        tpu.vector_store %arg12[%swap3A_688, %swap3A_689], %mul3A_687 {strides = array<i32>} : memref<128x80xf32, #tpu.memory_space<vmem>>, vector<16xf32>,
        %slice3A_691 = vector.extract_strided_slice %get3A_567 {offsets = [3], sizes = [1], strides = [1]} : vector<16xf32> to vector<1xf32>
        %squeeze3A_692 = vector.extract %slice3A_691[0] : f32 from vector<1xf32>
        %broadcast_in_dim3A_693 = vector.broadcast %squeeze3A_692 : f32 to vector<16xf32>
        %mul3A_694 = arith.constant 16 : i32
        %mul3A_695 = arith.muli %add3A_563, %mul3A_694 : i32
        %add3A_696 = arith.constant 3 : i32
        %add3A_697 = arith.addi %mul3A_695, %add3A_696 : i32
        %get3A_698 = arith.index_cast %add3A_697 : i32 to index
        %get3A_699 = arith.constant 0 : index
        %get3A_700 = tpu.vector_load %arg12[%get3A_698, %get3A_699] {strides = array<i32>} : memref<128x80xf32, #tpu.memory_space<vmem>>, vector<16xf32>,
        %mul3A_701 = arith.mulf %get3A_700, %broadcast_in_dim3A_693 : vector<16xf32>
        %swap3A_702 = arith.index_cast %add3A_697 : i32 to index
        %swap3A_703 = arith.constant 0 : index
        %swap3A_704 = tpu.vector_load %arg12[%swap3A_702, %swap3A_703] {strides = array<i32>} : memref<128x80xf32, #tpu.memory_space<vmem>>, vector<16xf32>,
        tpu.vector_store %arg12[%swap3A_702, %swap3A_703], %mul3A_701 {strides = array<i32>} : memref<128x80xf32, #tpu.memory_space<vmem>>, vector<16xf32>,
        %get3A_705 = arith.index_cast %add3A_697 : i32 to index
        %get3A_706 = arith.constant 16 : index
        %get3A_707 = tpu.vector_load %arg12[%get3A_705, %get3A_706] {strides = array<i32>} : memref<128x80xf32, #tpu.memory_space<vmem>>, vector<16xf32>,
        %mul3A_708 = arith.mulf %get3A_707, %broadcast_in_dim3A_693 : vector<16xf32>
        %swap3A_709 = arith.index_cast %add3A_697 : i32 to index
        %swap3A_710 = arith.constant 16 : index
        %swap3A_711 = tpu.vector_load %arg12[%swap3A_709, %swap3A_710] {strides = array<i32>} : memref<128x80xf32, #tpu.memory_space<vmem>>, vector<16xf32>,
        tpu.vector_store %arg12[%swap3A_709, %swap3A_710], %mul3A_708 {strides = array<i32>} : memref<128x80xf32, #tpu.memory_space<vmem>>, vector<16xf32>,
        %get3A_712 = arith.index_cast %add3A_697 : i32 to index
        %get3A_713 = arith.constant 32 : index
        %get3A_714 = tpu.vector_load %arg12[%get3A_712, %get3A_713] {strides = array<i32>} : memref<128x80xf32, #tpu.memory_space<vmem>>, vector<16xf32>,
        %mul3A_715 = arith.mulf %get3A_714, %broadcast_in_dim3A_693 : vector<16xf32>
        %swap3A_716 = arith.index_cast %add3A_697 : i32 to index
        %swap3A_717 = arith.constant 32 : index
        %swap3A_718 = tpu.vector_load %arg12[%swap3A_716, %swap3A_717] {strides = array<i32>} : memref<128x80xf32, #tpu.memory_space<vmem>>, vector<16xf32>,
        tpu.vector_store %arg12[%swap3A_716, %swap3A_717], %mul3A_715 {strides = array<i32>} : memref<128x80xf32, #tpu.memory_space<vmem>>, vector<16xf32>,
        %get3A_719 = arith.index_cast %add3A_697 : i32 to index
        %get3A_720 = arith.constant 48 : index
        %get3A_721 = tpu.vector_load %arg12[%get3A_719, %get3A_720] {strides = array<i32>} : memref<128x80xf32, #tpu.memory_space<vmem>>, vector<16xf32>,
        %mul3A_722 = arith.mulf %get3A_721, %broadcast_in_dim3A_693 : vector<16xf32>
        %swap3A_723 = arith.index_cast %add3A_697 : i32 to index
        %swap3A_724 = arith.constant 48 : index
        %swap3A_725 = tpu.vector_load %arg12[%swap3A_723, %swap3A_724] {strides = array<i32>} : memref<128x80xf32, #tpu.memory_space<vmem>>, vector<16xf32>,
        tpu.vector_store %arg12[%swap3A_723, %swap3A_724], %mul3A_722 {strides = array<i32>} : memref<128x80xf32, #tpu.memory_space<vmem>>, vector<16xf32>,
        %get3A_726 = arith.index_cast %add3A_697 : i32 to index
        %get3A_727 = arith.constant 64 : index
        %get3A_728 = tpu.vector_load %arg12[%get3A_726, %get3A_727] {strides = array<i32>} : memref<128x80xf32, #tpu.memory_space<vmem>>, vector<16xf32>,
        %mul3A_729 = arith.mulf %get3A_728, %broadcast_in_dim3A_693 : vector<16xf32>
        %swap3A_730 = arith.index_cast %add3A_697 : i32 to index
        %swap3A_731 = arith.constant 64 : index
        %swap3A_732 = tpu.vector_load %arg12[%swap3A_730, %swap3A_731] {strides = array<i32>} : memref<128x80xf32, #tpu.memory_space<vmem>>, vector<16xf32>,
        tpu.vector_store %arg12[%swap3A_730, %swap3A_731], %mul3A_729 {strides = array<i32>} : memref<128x80xf32, #tpu.memory_space<vmem>>, vector<16xf32>,
        %slice3A_733 = vector.extract_strided_slice %get3A_567 {offsets = [4], sizes = [1], strides = [1]} : vector<16xf32> to vector<1xf32>
        %squeeze3A_734 = vector.extract %slice3A_733[0] : f32 from vector<1xf32>
        %broadcast_in_dim3A_735 = vector.broadcast %squeeze3A_734 : f32 to vector<16xf32>
        %mul3A_736 = arith.constant 16 : i32
        %mul3A_737 = arith.muli %add3A_563, %mul3A_736 : i32
        %add3A_738 = arith.constant 4 : i32
        %add3A_739 = arith.addi %mul3A_737, %add3A_738 : i32
        %get3A_740 = arith.index_cast %add3A_739 : i32 to index
        %get3A_741 = arith.constant 0 : index
        %get3A_742 = tpu.vector_load %arg12[%get3A_740, %get3A_741] {strides = array<i32>} : memref<128x80xf32, #tpu.memory_space<vmem>>, vector<16xf32>,
        %mul3A_743 = arith.mulf %get3A_742, %broadcast_in_dim3A_735 : vector<16xf32>
        %swap3A_744 = arith.index_cast %add3A_739 : i32 to index
        %swap3A_745 = arith.constant 0 : index
        %swap3A_746 = tpu.vector_load %arg12[%swap3A_744, %swap3A_745] {strides = array<i32>} : memref<128x80xf32, #tpu.memory_space<vmem>>, vector<16xf32>,
        tpu.vector_store %arg12[%swap3A_744, %swap3A_745], %mul3A_743 {strides = array<i32>} : memref<128x80xf32, #tpu.memory_space<vmem>>, vector<16xf32>,
        %get3A_747 = arith.index_cast %add3A_739 : i32 to index
        %get3A_748 = arith.constant 16 : index
        %get3A_749 = tpu.vector_load %arg12[%get3A_747, %get3A_748] {strides = array<i32>} : memref<128x80xf32, #tpu.memory_space<vmem>>, vector<16xf32>,
        %mul3A_750 = arith.mulf %get3A_749, %broadcast_in_dim3A_735 : vector<16xf32>
        %swap3A_751 = arith.index_cast %add3A_739 : i32 to index
        %swap3A_752 = arith.constant 16 : index
        %swap3A_753 = tpu.vector_load %arg12[%swap3A_751, %swap3A_752] {strides = array<i32>} : memref<128x80xf32, #tpu.memory_space<vmem>>, vector<16xf32>,
        tpu.vector_store %arg12[%swap3A_751, %swap3A_752], %mul3A_750 {strides = array<i32>} : memref<128x80xf32, #tpu.memory_space<vmem>>, vector<16xf32>,
        %get3A_754 = arith.index_cast %add3A_739 : i32 to index
        %get3A_755 = arith.constant 32 : index
        %get3A_756 = tpu.vector_load %arg12[%get3A_754, %get3A_755] {strides = array<i32>} : memref<128x80xf32, #tpu.memory_space<vmem>>, vector<16xf32>,
        %mul3A_757 = arith.mulf %get3A_756, %broadcast_in_dim3A_735 : vector<16xf32>
        %swap3A_758 = arith.index_cast %add3A_739 : i32 to index
        %swap3A_759 = arith.constant 32 : index
        %swap3A_760 = tpu.vector_load %arg12[%swap3A_758, %swap3A_759] {strides = array<i32>} : memref<128x80xf32, #tpu.memory_space<vmem>>, vector<16xf32>,
        tpu.vector_store %arg12[%swap3A_758, %swap3A_759], %mul3A_757 {strides = array<i32>} : memref<128x80xf32, #tpu.memory_space<vmem>>, vector<16xf32>,
        %get3A_761 = arith.index_cast %add3A_739 : i32 to index
        %get3A_762 = arith.constant 48 : index
        %get3A_763 = tpu.vector_load %arg12[%get3A_761, %get3A_762] {strides = array<i32>} : memref<128x80xf32, #tpu.memory_space<vmem>>, vector<16xf32>,
        %mul3A_764 = arith.mulf %get3A_763, %broadcast_in_dim3A_735 : vector<16xf32>
        %swap3A_765 = arith.index_cast %add3A_739 : i32 to index
        %swap3A_766 = arith.constant 48 : index
        %swap3A_767 = tpu.vector_load %arg12[%swap3A_765, %swap3A_766] {strides = array<i32>} : memref<128x80xf32, #tpu.memory_space<vmem>>, vector<16xf32>,
        tpu.vector_store %arg12[%swap3A_765, %swap3A_766], %mul3A_764 {strides = array<i32>} : memref<128x80xf32, #tpu.memory_space<vmem>>, vector<16xf32>,
        %get3A_768 = arith.index_cast %add3A_739 : i32 to index
        %get3A_769 = arith.constant 64 : index
        %get3A_770 = tpu.vector_load %arg12[%get3A_768, %get3A_769] {strides = array<i32>} : memref<128x80xf32, #tpu.memory_space<vmem>>, vector<16xf32>,
        %mul3A_771 = arith.mulf %get3A_770, %broadcast_in_dim3A_735 : vector<16xf32>
        %swap3A_772 = arith.index_cast %add3A_739 : i32 to index
        %swap3A_773 = arith.constant 64 : index
        %swap3A_774 = tpu.vector_load %arg12[%swap3A_772, %swap3A_773] {strides = array<i32>} : memref<128x80xf32, #tpu.memory_space<vmem>>, vector<16xf32>,
        tpu.vector_store %arg12[%swap3A_772, %swap3A_773], %mul3A_771 {strides = array<i32>} : memref<128x80xf32, #tpu.memory_space<vmem>>, vector<16xf32>,
        %slice3A_775 = vector.extract_strided_slice %get3A_567 {offsets = [5], sizes = [1], strides = [1]} : vector<16xf32> to vector<1xf32>
        %squeeze3A_776 = vector.extract %slice3A_775[0] : f32 from vector<1xf32>
        %broadcast_in_dim3A_777 = vector.broadcast %squeeze3A_776 : f32 to vector<16xf32>
        %mul3A_778 = arith.constant 16 : i32
        %mul3A_779 = arith.muli %add3A_563, %mul3A_778 : i32
        %add3A_780 = arith.constant 5 : i32
        %add3A_781 = arith.addi %mul3A_779, %add3A_780 : i32
        %get3A_782 = arith.index_cast %add3A_781 : i32 to index
        %get3A_783 = arith.constant 0 : index
        %get3A_784 = tpu.vector_load %arg12[%get3A_782, %get3A_783] {strides = array<i32>} : memref<128x80xf32, #tpu.memory_space<vmem>>, vector<16xf32>,
        %mul3A_785 = arith.mulf %get3A_784, %broadcast_in_dim3A_777 : vector<16xf32>
        %swap3A_786 = arith.index_cast %add3A_781 : i32 to index
        %swap3A_787 = arith.constant 0 : index
        %swap3A_788 = tpu.vector_load %arg12[%swap3A_786, %swap3A_787] {strides = array<i32>} : memref<128x80xf32, #tpu.memory_space<vmem>>, vector<16xf32>,
        tpu.vector_store %arg12[%swap3A_786, %swap3A_787], %mul3A_785 {strides = array<i32>} : memref<128x80xf32, #tpu.memory_space<vmem>>, vector<16xf32>,
        %get3A_789 = arith.index_cast %add3A_781 : i32 to index
        %get3A_790 = arith.constant 16 : index
        %get3A_791 = tpu.vector_load %arg12[%get3A_789, %get3A_790] {strides = array<i32>} : memref<128x80xf32, #tpu.memory_space<vmem>>, vector<16xf32>,
        %mul3A_792 = arith.mulf %get3A_791, %broadcast_in_dim3A_777 : vector<16xf32>
        %swap3A_793 = arith.index_cast %add3A_781 : i32 to index
        %swap3A_794 = arith.constant 16 : index
        %swap3A_795 = tpu.vector_load %arg12[%swap3A_793, %swap3A_794] {strides = array<i32>} : memref<128x80xf32, #tpu.memory_space<vmem>>, vector<16xf32>,
        tpu.vector_store %arg12[%swap3A_793, %swap3A_794], %mul3A_792 {strides = array<i32>} : memref<128x80xf32, #tpu.memory_space<vmem>>, vector<16xf32>,
        %get3A_796 = arith.index_cast %add3A_781 : i32 to index
        %get3A_797 = arith.constant 32 : index
        %get3A_798 = tpu.vector_load %arg12[%get3A_796, %get3A_797] {strides = array<i32>} : memref<128x80xf32, #tpu.memory_space<vmem>>, vector<16xf32>,
        %mul3A_799 = arith.mulf %get3A_798, %broadcast_in_dim3A_777 : vector<16xf32>
        %swap3A_800 = arith.index_cast %add3A_781 : i32 to index
        %swap3A_801 = arith.constant 32 : index
        %swap3A_802 = tpu.vector_load %arg12[%swap3A_800, %swap3A_801] {strides = array<i32>} : memref<128x80xf32, #tpu.memory_space<vmem>>, vector<16xf32>,
        tpu.vector_store %arg12[%swap3A_800, %swap3A_801], %mul3A_799 {strides = array<i32>} : memref<128x80xf32, #tpu.memory_space<vmem>>, vector<16xf32>,
        %get3A_803 = arith.index_cast %add3A_781 : i32 to index
        %get3A_804 = arith.constant 48 : index
        %get3A_805 = tpu.vector_load %arg12[%get3A_803, %get3A_804] {strides = array<i32>} : memref<128x80xf32, #tpu.memory_space<vmem>>, vector<16xf32>,
        %mul3A_806 = arith.mulf %get3A_805, %broadcast_in_dim3A_777 : vector<16xf32>
        %swap3A_807 = arith.index_cast %add3A_781 : i32 to index
        %swap3A_808 = arith.constant 48 : index
        %swap3A_809 = tpu.vector_load %arg12[%swap3A_807, %swap3A_808] {strides = array<i32>} : memref<128x80xf32, #tpu.memory_space<vmem>>, vector<16xf32>,
        tpu.vector_store %arg12[%swap3A_807, %swap3A_808], %mul3A_806 {strides = array<i32>} : memref<128x80xf32, #tpu.memory_space<vmem>>, vector<16xf32>,
        %get3A_810 = arith.index_cast %add3A_781 : i32 to index
        %get3A_811 = arith.constant 64 : index
        %get3A_812 = tpu.vector_load %arg12[%get3A_810, %get3A_811] {strides = array<i32>} : memref<128x80xf32, #tpu.memory_space<vmem>>, vector<16xf32>,
        %mul3A_813 = arith.mulf %get3A_812, %broadcast_in_dim3A_777 : vector<16xf32>
        %swap3A_814 = arith.index_cast %add3A_781 : i32 to index
        %swap3A_815 = arith.constant 64 : index
        %swap3A_816 = tpu.vector_load %arg12[%swap3A_814, %swap3A_815] {strides = array<i32>} : memref<128x80xf32, #tpu.memory_space<vmem>>, vector<16xf32>,
        tpu.vector_store %arg12[%swap3A_814, %swap3A_815], %mul3A_813 {strides = array<i32>} : memref<128x80xf32, #tpu.memory_space<vmem>>, vector<16xf32>,
        %slice3A_817 = vector.extract_strided_slice %get3A_567 {offsets = [6], sizes = [1], strides = [1]} : vector<16xf32> to vector<1xf32>
        %squeeze3A_818 = vector.extract %slice3A_817[0] : f32 from vector<1xf32>
        %broadcast_in_dim3A_819 = vector.broadcast %squeeze3A_818 : f32 to vector<16xf32>
        %mul3A_820 = arith.constant 16 : i32
        %mul3A_821 = arith.muli %add3A_563, %mul3A_820 : i32
        %add3A_822 = arith.constant 6 : i32
        %add3A_823 = arith.addi %mul3A_821, %add3A_822 : i32
        %get3A_824 = arith.index_cast %add3A_823 : i32 to index
        %get3A_825 = arith.constant 0 : index
        %get3A_826 = tpu.vector_load %arg12[%get3A_824, %get3A_825] {strides = array<i32>} : memref<128x80xf32, #tpu.memory_space<vmem>>, vector<16xf32>,
        %mul3A_827 = arith.mulf %get3A_826, %broadcast_in_dim3A_819 : vector<16xf32>
        %swap3A_828 = arith.index_cast %add3A_823 : i32 to index
        %swap3A_829 = arith.constant 0 : index
        %swap3A_830 = tpu.vector_load %arg12[%swap3A_828, %swap3A_829] {strides = array<i32>} : memref<128x80xf32, #tpu.memory_space<vmem>>, vector<16xf32>,
        tpu.vector_store %arg12[%swap3A_828, %swap3A_829], %mul3A_827 {strides = array<i32>} : memref<128x80xf32, #tpu.memory_space<vmem>>, vector<16xf32>,
        %get3A_831 = arith.index_cast %add3A_823 : i32 to index
        %get3A_832 = arith.constant 16 : index
        %get3A_833 = tpu.vector_load %arg12[%get3A_831, %get3A_832] {strides = array<i32>} : memref<128x80xf32, #tpu.memory_space<vmem>>, vector<16xf32>,
        %mul3A_834 = arith.mulf %get3A_833, %broadcast_in_dim3A_819 : vector<16xf32>
        %swap3A_835 = arith.index_cast %add3A_823 : i32 to index
        %swap3A_836 = arith.constant 16 : index
        %swap3A_837 = tpu.vector_load %arg12[%swap3A_835, %swap3A_836] {strides = array<i32>} : memref<128x80xf32, #tpu.memory_space<vmem>>, vector<16xf32>,
        tpu.vector_store %arg12[%swap3A_835, %swap3A_836], %mul3A_834 {strides = array<i32>} : memref<128x80xf32, #tpu.memory_space<vmem>>, vector<16xf32>,
        %get3A_838 = arith.index_cast %add3A_823 : i32 to index
        %get3A_839 = arith.constant 32 : index
        %get3A_840 = tpu.vector_load %arg12[%get3A_838, %get3A_839] {strides = array<i32>} : memref<128x80xf32, #tpu.memory_space<vmem>>, vector<16xf32>,
        %mul3A_841 = arith.mulf %get3A_840, %broadcast_in_dim3A_819 : vector<16xf32>
        %swap3A_842 = arith.index_cast %add3A_823 : i32 to index
        %swap3A_843 = arith.constant 32 : index
        %swap3A_844 = tpu.vector_load %arg12[%swap3A_842, %swap3A_843] {strides = array<i32>} : memref<128x80xf32, #tpu.memory_space<vmem>>, vector<16xf32>,
        tpu.vector_store %arg12[%swap3A_842, %swap3A_843], %mul3A_841 {strides = array<i32>} : memref<128x80xf32, #tpu.memory_space<vmem>>, vector<16xf32>,
        %get3A_845 = arith.index_cast %add3A_823 : i32 to index
        %get3A_846 = arith.constant 48 : index
        %get3A_847 = tpu.vector_load %arg12[%get3A_845, %get3A_846] {strides = array<i32>} : memref<128x80xf32, #tpu.memory_space<vmem>>, vector<16xf32>,
        %mul3A_848 = arith.mulf %get3A_847, %broadcast_in_dim3A_819 : vector<16xf32>
        %swap3A_849 = arith.index_cast %add3A_823 : i32 to index
        %swap3A_850 = arith.constant 48 : index
        %swap3A_851 = tpu.vector_load %arg12[%swap3A_849, %swap3A_850] {strides = array<i32>} : memref<128x80xf32, #tpu.memory_space<vmem>>, vector<16xf32>,
        tpu.vector_store %arg12[%swap3A_849, %swap3A_850], %mul3A_848 {strides = array<i32>} : memref<128x80xf32, #tpu.memory_space<vmem>>, vector<16xf32>,
        %get3A_852 = arith.index_cast %add3A_823 : i32 to index
        %get3A_853 = arith.constant 64 : index
        %get3A_854 = tpu.vector_load %arg12[%get3A_852, %get3A_853] {strides = array<i32>} : memref<128x80xf32, #tpu.memory_space<vmem>>, vector<16xf32>,
        %mul3A_855 = arith.mulf %get3A_854, %broadcast_in_dim3A_819 : vector<16xf32>
        %swap3A_856 = arith.index_cast %add3A_823 : i32 to index
        %swap3A_857 = arith.constant 64 : index
        %swap3A_858 = tpu.vector_load %arg12[%swap3A_856, %swap3A_857] {strides = array<i32>} : memref<128x80xf32, #tpu.memory_space<vmem>>, vector<16xf32>,
        tpu.vector_store %arg12[%swap3A_856, %swap3A_857], %mul3A_855 {strides = array<i32>} : memref<128x80xf32, #tpu.memory_space<vmem>>, vector<16xf32>,
        %slice3A_859 = vector.extract_strided_slice %get3A_567 {offsets = [7], sizes = [1], strides = [1]} : vector<16xf32> to vector<1xf32>
        %squeeze3A_860 = vector.extract %slice3A_859[0] : f32 from vector<1xf32>
        %broadcast_in_dim3A_861 = vector.broadcast %squeeze3A_860 : f32 to vector<16xf32>
        %mul3A_862 = arith.constant 16 : i32
        %mul3A_863 = arith.muli %add3A_563, %mul3A_862 : i32
        %add3A_864 = arith.constant 7 : i32
        %add3A_865 = arith.addi %mul3A_863, %add3A_864 : i32
        %get3A_866 = arith.index_cast %add3A_865 : i32 to index
        %get3A_867 = arith.constant 0 : index
        %get3A_868 = tpu.vector_load %arg12[%get3A_866, %get3A_867] {strides = array<i32>} : memref<128x80xf32, #tpu.memory_space<vmem>>, vector<16xf32>,
        %mul3A_869 = arith.mulf %get3A_868, %broadcast_in_dim3A_861 : vector<16xf32>
        %swap3A_870 = arith.index_cast %add3A_865 : i32 to index
        %swap3A_871 = arith.constant 0 : index
        %swap3A_872 = tpu.vector_load %arg12[%swap3A_870, %swap3A_871] {strides = array<i32>} : memref<128x80xf32, #tpu.memory_space<vmem>>, vector<16xf32>,
        tpu.vector_store %arg12[%swap3A_870, %swap3A_871], %mul3A_869 {strides = array<i32>} : memref<128x80xf32, #tpu.memory_space<vmem>>, vector<16xf32>,
        %get3A_873 = arith.index_cast %add3A_865 : i32 to index
        %get3A_874 = arith.constant 16 : index
        %get3A_875 = tpu.vector_load %arg12[%get3A_873, %get3A_874] {strides = array<i32>} : memref<128x80xf32, #tpu.memory_space<vmem>>, vector<16xf32>,
        %mul3A_876 = arith.mulf %get3A_875, %broadcast_in_dim3A_861 : vector<16xf32>
        %swap3A_877 = arith.index_cast %add3A_865 : i32 to index
        %swap3A_878 = arith.constant 16 : index
        %swap3A_879 = tpu.vector_load %arg12[%swap3A_877, %swap3A_878] {strides = array<i32>} : memref<128x80xf32, #tpu.memory_space<vmem>>, vector<16xf32>,
        tpu.vector_store %arg12[%swap3A_877, %swap3A_878], %mul3A_876 {strides = array<i32>} : memref<128x80xf32, #tpu.memory_space<vmem>>, vector<16xf32>,
        %get3A_880 = arith.index_cast %add3A_865 : i32 to index
        %get3A_881 = arith.constant 32 : index
        %get3A_882 = tpu.vector_load %arg12[%get3A_880, %get3A_881] {strides = array<i32>} : memref<128x80xf32, #tpu.memory_space<vmem>>, vector<16xf32>,
        %mul3A_883 = arith.mulf %get3A_882, %broadcast_in_dim3A_861 : vector<16xf32>
        %swap3A_884 = arith.index_cast %add3A_865 : i32 to index
        %swap3A_885 = arith.constant 32 : index
        %swap3A_886 = tpu.vector_load %arg12[%swap3A_884, %swap3A_885] {strides = array<i32>} : memref<128x80xf32, #tpu.memory_space<vmem>>, vector<16xf32>,
        tpu.vector_store %arg12[%swap3A_884, %swap3A_885], %mul3A_883 {strides = array<i32>} : memref<128x80xf32, #tpu.memory_space<vmem>>, vector<16xf32>,
        %get3A_887 = arith.index_cast %add3A_865 : i32 to index
        %get3A_888 = arith.constant 48 : index
        %get3A_889 = tpu.vector_load %arg12[%get3A_887, %get3A_888] {strides = array<i32>} : memref<128x80xf32, #tpu.memory_space<vmem>>, vector<16xf32>,
        %mul3A_890 = arith.mulf %get3A_889, %broadcast_in_dim3A_861 : vector<16xf32>
        %swap3A_891 = arith.index_cast %add3A_865 : i32 to index
        %swap3A_892 = arith.constant 48 : index
        %swap3A_893 = tpu.vector_load %arg12[%swap3A_891, %swap3A_892] {strides = array<i32>} : memref<128x80xf32, #tpu.memory_space<vmem>>, vector<16xf32>,
        tpu.vector_store %arg12[%swap3A_891, %swap3A_892], %mul3A_890 {strides = array<i32>} : memref<128x80xf32, #tpu.memory_space<vmem>>, vector<16xf32>,
        %get3A_894 = arith.index_cast %add3A_865 : i32 to index
        %get3A_895 = arith.constant 64 : index
        %get3A_896 = tpu.vector_load %arg12[%get3A_894, %get3A_895] {strides = array<i32>} : memref<128x80xf32, #tpu.memory_space<vmem>>, vector<16xf32>,
        %mul3A_897 = arith.mulf %get3A_896, %broadcast_in_dim3A_861 : vector<16xf32>
        %swap3A_898 = arith.index_cast %add3A_865 : i32 to index
        %swap3A_899 = arith.constant 64 : index
        %swap3A_900 = tpu.vector_load %arg12[%swap3A_898, %swap3A_899] {strides = array<i32>} : memref<128x80xf32, #tpu.memory_space<vmem>>, vector<16xf32>,
        tpu.vector_store %arg12[%swap3A_898, %swap3A_899], %mul3A_897 {strides = array<i32>} : memref<128x80xf32, #tpu.memory_space<vmem>>, vector<16xf32>,
        %slice3A_901 = vector.extract_strided_slice %get3A_567 {offsets = [8], sizes = [1], strides = [1]} : vector<16xf32> to vector<1xf32>
        %squeeze3A_902 = vector.extract %slice3A_901[0] : f32 from vector<1xf32>
        %broadcast_in_dim3A_903 = vector.broadcast %squeeze3A_902 : f32 to vector<16xf32>
        %mul3A_904 = arith.constant 16 : i32
        %mul3A_905 = arith.muli %add3A_563, %mul3A_904 : i32
        %add3A_906 = arith.constant 8 : i32
        %add3A_907 = arith.addi %mul3A_905, %add3A_906 : i32
        %get3A_908 = arith.index_cast %add3A_907 : i32 to index
        %get3A_909 = arith.constant 0 : index
        %get3A_910 = tpu.vector_load %arg12[%get3A_908, %get3A_909] {strides = array<i32>} : memref<128x80xf32, #tpu.memory_space<vmem>>, vector<16xf32>,
        %mul3A_911 = arith.mulf %get3A_910, %broadcast_in_dim3A_903 : vector<16xf32>
        %swap3A_912 = arith.index_cast %add3A_907 : i32 to index
        %swap3A_913 = arith.constant 0 : index
        %swap3A_914 = tpu.vector_load %arg12[%swap3A_912, %swap3A_913] {strides = array<i32>} : memref<128x80xf32, #tpu.memory_space<vmem>>, vector<16xf32>,
        tpu.vector_store %arg12[%swap3A_912, %swap3A_913], %mul3A_911 {strides = array<i32>} : memref<128x80xf32, #tpu.memory_space<vmem>>, vector<16xf32>,
        %get3A_915 = arith.index_cast %add3A_907 : i32 to index
        %get3A_916 = arith.constant 16 : index
        %get3A_917 = tpu.vector_load %arg12[%get3A_915, %get3A_916] {strides = array<i32>} : memref<128x80xf32, #tpu.memory_space<vmem>>, vector<16xf32>,
        %mul3A_918 = arith.mulf %get3A_917, %broadcast_in_dim3A_903 : vector<16xf32>
        %swap3A_919 = arith.index_cast %add3A_907 : i32 to index
        %swap3A_920 = arith.constant 16 : index
        %swap3A_921 = tpu.vector_load %arg12[%swap3A_919, %swap3A_920] {strides = array<i32>} : memref<128x80xf32, #tpu.memory_space<vmem>>, vector<16xf32>,
        tpu.vector_store %arg12[%swap3A_919, %swap3A_920], %mul3A_918 {strides = array<i32>} : memref<128x80xf32, #tpu.memory_space<vmem>>, vector<16xf32>,
        %get3A_922 = arith.index_cast %add3A_907 : i32 to index
        %get3A_923 = arith.constant 32 : index
        %get3A_924 = tpu.vector_load %arg12[%get3A_922, %get3A_923] {strides = array<i32>} : memref<128x80xf32, #tpu.memory_space<vmem>>, vector<16xf32>,
        %mul3A_925 = arith.mulf %get3A_924, %broadcast_in_dim3A_903 : vector<16xf32>
        %swap3A_926 = arith.index_cast %add3A_907 : i32 to index
        %swap3A_927 = arith.constant 32 : index
        %swap3A_928 = tpu.vector_load %arg12[%swap3A_926, %swap3A_927] {strides = array<i32>} : memref<128x80xf32, #tpu.memory_space<vmem>>, vector<16xf32>,
        tpu.vector_store %arg12[%swap3A_926, %swap3A_927], %mul3A_925 {strides = array<i32>} : memref<128x80xf32, #tpu.memory_space<vmem>>, vector<16xf32>,
        %get3A_929 = arith.index_cast %add3A_907 : i32 to index
        %get3A_930 = arith.constant 48 : index
        %get3A_931 = tpu.vector_load %arg12[%get3A_929, %get3A_930] {strides = array<i32>} : memref<128x80xf32, #tpu.memory_space<vmem>>, vector<16xf32>,
        %mul3A_932 = arith.mulf %get3A_931, %broadcast_in_dim3A_903 : vector<16xf32>
        %swap3A_933 = arith.index_cast %add3A_907 : i32 to index
        %swap3A_934 = arith.constant 48 : index
        %swap3A_935 = tpu.vector_load %arg12[%swap3A_933, %swap3A_934] {strides = array<i32>} : memref<128x80xf32, #tpu.memory_space<vmem>>, vector<16xf32>,
        tpu.vector_store %arg12[%swap3A_933, %swap3A_934], %mul3A_932 {strides = array<i32>} : memref<128x80xf32, #tpu.memory_space<vmem>>, vector<16xf32>,
        %get3A_936 = arith.index_cast %add3A_907 : i32 to index
        %get3A_937 = arith.constant 64 : index
        %get3A_938 = tpu.vector_load %arg12[%get3A_936, %get3A_937] {strides = array<i32>} : memref<128x80xf32, #tpu.memory_space<vmem>>, vector<16xf32>,
        %mul3A_939 = arith.mulf %get3A_938, %broadcast_in_dim3A_903 : vector<16xf32>
        %swap3A_940 = arith.index_cast %add3A_907 : i32 to index
        %swap3A_941 = arith.constant 64 : index
        %swap3A_942 = tpu.vector_load %arg12[%swap3A_940, %swap3A_941] {strides = array<i32>} : memref<128x80xf32, #tpu.memory_space<vmem>>, vector<16xf32>,
        tpu.vector_store %arg12[%swap3A_940, %swap3A_941], %mul3A_939 {strides = array<i32>} : memref<128x80xf32, #tpu.memory_space<vmem>>, vector<16xf32>,
        %slice3A_943 = vector.extract_strided_slice %get3A_567 {offsets = [9], sizes = [1], strides = [1]} : vector<16xf32> to vector<1xf32>
        %squeeze3A_944 = vector.extract %slice3A_943[0] : f32 from vector<1xf32>
        %broadcast_in_dim3A_945 = vector.broadcast %squeeze3A_944 : f32 to vector<16xf32>
        %mul3A_946 = arith.constant 16 : i32
        %mul3A_947 = arith.muli %add3A_563, %mul3A_946 : i32
        %add3A_948 = arith.constant 9 : i32
        %add3A_949 = arith.addi %mul3A_947, %add3A_948 : i32
        %get3A_950 = arith.index_cast %add3A_949 : i32 to index
        %get3A_951 = arith.constant 0 : index
        %get3A_952 = tpu.vector_load %arg12[%get3A_950, %get3A_951] {strides = array<i32>} : memref<128x80xf32, #tpu.memory_space<vmem>>, vector<16xf32>,
        %mul3A_953 = arith.mulf %get3A_952, %broadcast_in_dim3A_945 : vector<16xf32>
        %swap3A_954 = arith.index_cast %add3A_949 : i32 to index
        %swap3A_955 = arith.constant 0 : index
        %swap3A_956 = tpu.vector_load %arg12[%swap3A_954, %swap3A_955] {strides = array<i32>} : memref<128x80xf32, #tpu.memory_space<vmem>>, vector<16xf32>,
        tpu.vector_store %arg12[%swap3A_954, %swap3A_955], %mul3A_953 {strides = array<i32>} : memref<128x80xf32, #tpu.memory_space<vmem>>, vector<16xf32>,
        %get3A_957 = arith.index_cast %add3A_949 : i32 to index
        %get3A_958 = arith.constant 16 : index
        %get3A_959 = tpu.vector_load %arg12[%get3A_957, %get3A_958] {strides = array<i32>} : memref<128x80xf32, #tpu.memory_space<vmem>>, vector<16xf32>,
        %mul3A_960 = arith.mulf %get3A_959, %broadcast_in_dim3A_945 : vector<16xf32>
        %swap3A_961 = arith.index_cast %add3A_949 : i32 to index
        %swap3A_962 = arith.constant 16 : index
        %swap3A_963 = tpu.vector_load %arg12[%swap3A_961, %swap3A_962] {strides = array<i32>} : memref<128x80xf32, #tpu.memory_space<vmem>>, vector<16xf32>,
        tpu.vector_store %arg12[%swap3A_961, %swap3A_962], %mul3A_960 {strides = array<i32>} : memref<128x80xf32, #tpu.memory_space<vmem>>, vector<16xf32>,
        %get3A_964 = arith.index_cast %add3A_949 : i32 to index
        %get3A_965 = arith.constant 32 : index
        %get3A_966 = tpu.vector_load %arg12[%get3A_964, %get3A_965] {strides = array<i32>} : memref<128x80xf32, #tpu.memory_space<vmem>>, vector<16xf32>,
        %mul3A_967 = arith.mulf %get3A_966, %broadcast_in_dim3A_945 : vector<16xf32>
        %swap3A_968 = arith.index_cast %add3A_949 : i32 to index
        %swap3A_969 = arith.constant 32 : index
        %swap3A_970 = tpu.vector_load %arg12[%swap3A_968, %swap3A_969] {strides = array<i32>} : memref<128x80xf32, #tpu.memory_space<vmem>>, vector<16xf32>,
        tpu.vector_store %arg12[%swap3A_968, %swap3A_969], %mul3A_967 {strides = array<i32>} : memref<128x80xf32, #tpu.memory_space<vmem>>, vector<16xf32>,
        %get3A_971 = arith.index_cast %add3A_949 : i32 to index
        %get3A_972 = arith.constant 48 : index
        %get3A_973 = tpu.vector_load %arg12[%get3A_971, %get3A_972] {strides = array<i32>} : memref<128x80xf32, #tpu.memory_space<vmem>>, vector<16xf32>,
        %mul3A_974 = arith.mulf %get3A_973, %broadcast_in_dim3A_945 : vector<16xf32>
        %swap3A_975 = arith.index_cast %add3A_949 : i32 to index
        %swap3A_976 = arith.constant 48 : index
        %swap3A_977 = tpu.vector_load %arg12[%swap3A_975, %swap3A_976] {strides = array<i32>} : memref<128x80xf32, #tpu.memory_space<vmem>>, vector<16xf32>,
        tpu.vector_store %arg12[%swap3A_975, %swap3A_976], %mul3A_974 {strides = array<i32>} : memref<128x80xf32, #tpu.memory_space<vmem>>, vector<16xf32>,
        %get3A_978 = arith.index_cast %add3A_949 : i32 to index
        %get3A_979 = arith.constant 64 : index
        %get3A_980 = tpu.vector_load %arg12[%get3A_978, %get3A_979] {strides = array<i32>} : memref<128x80xf32, #tpu.memory_space<vmem>>, vector<16xf32>,
        %mul3A_981 = arith.mulf %get3A_980, %broadcast_in_dim3A_945 : vector<16xf32>
        %swap3A_982 = arith.index_cast %add3A_949 : i32 to index
        %swap3A_983 = arith.constant 64 : index
        %swap3A_984 = tpu.vector_load %arg12[%swap3A_982, %swap3A_983] {strides = array<i32>} : memref<128x80xf32, #tpu.memory_space<vmem>>, vector<16xf32>,
        tpu.vector_store %arg12[%swap3A_982, %swap3A_983], %mul3A_981 {strides = array<i32>} : memref<128x80xf32, #tpu.memory_space<vmem>>, vector<16xf32>,
        %slice3A_985 = vector.extract_strided_slice %get3A_567 {offsets = [10], sizes = [1], strides = [1]} : vector<16xf32> to vector<1xf32>
        %squeeze3A_986 = vector.extract %slice3A_985[0] : f32 from vector<1xf32>
        %broadcast_in_dim3A_987 = vector.broadcast %squeeze3A_986 : f32 to vector<16xf32>
        %mul3A_988 = arith.constant 16 : i32
        %mul3A_989 = arith.muli %add3A_563, %mul3A_988 : i32
        %add3A_990 = arith.constant 10 : i32
        %add3A_991 = arith.addi %mul3A_989, %add3A_990 : i32
        %get3A_992 = arith.index_cast %add3A_991 : i32 to index
        %get3A_993 = arith.constant 0 : index
        %get3A_994 = tpu.vector_load %arg12[%get3A_992, %get3A_993] {strides = array<i32>} : memref<128x80xf32, #tpu.memory_space<vmem>>, vector<16xf32>,
        %mul3A_995 = arith.mulf %get3A_994, %broadcast_in_dim3A_987 : vector<16xf32>
        %swap3A_996 = arith.index_cast %add3A_991 : i32 to index
        %swap3A_997 = arith.constant 0 : index
        %swap3A_998 = tpu.vector_load %arg12[%swap3A_996, %swap3A_997] {strides = array<i32>} : memref<128x80xf32, #tpu.memory_space<vmem>>, vector<16xf32>,
        tpu.vector_store %arg12[%swap3A_996, %swap3A_997], %mul3A_995 {strides = array<i32>} : memref<128x80xf32, #tpu.memory_space<vmem>>, vector<16xf32>,
        %get3A_999 = arith.index_cast %add3A_991 : i32 to index
        %get3A_1000 = arith.constant 16 : index
        %get3A_1001 = tpu.vector_load %arg12[%get3A_999, %get3A_1000] {strides = array<i32>} : memref<128x80xf32, #tpu.memory_space<vmem>>, vector<16xf32>,
        %mul3A_1002 = arith.mulf %get3A_1001, %broadcast_in_dim3A_987 : vector<16xf32>
        %swap3A_1003 = arith.index_cast %add3A_991 : i32 to index
        %swap3A_1004 = arith.constant 16 : index
        %swap3A_1005 = tpu.vector_load %arg12[%swap3A_1003, %swap3A_1004] {strides = array<i32>} : memref<128x80xf32, #tpu.memory_space<vmem>>, vector<16xf32>,
        tpu.vector_store %arg12[%swap3A_1003, %swap3A_1004], %mul3A_1002 {strides = array<i32>} : memref<128x80xf32, #tpu.memory_space<vmem>>, vector<16xf32>,
        %get3A_1006 = arith.index_cast %add3A_991 : i32 to index
        %get3A_1007 = arith.constant 32 : index
        %get3A_1008 = tpu.vector_load %arg12[%get3A_1006, %get3A_1007] {strides = array<i32>} : memref<128x80xf32, #tpu.memory_space<vmem>>, vector<16xf32>,
        %mul3A_1009 = arith.mulf %get3A_1008, %broadcast_in_dim3A_987 : vector<16xf32>
        %swap3A_1010 = arith.index_cast %add3A_991 : i32 to index
        %swap3A_1011 = arith.constant 32 : index
        %swap3A_1012 = tpu.vector_load %arg12[%swap3A_1010, %swap3A_1011] {strides = array<i32>} : memref<128x80xf32, #tpu.memory_space<vmem>>, vector<16xf32>,
        tpu.vector_store %arg12[%swap3A_1010, %swap3A_1011], %mul3A_1009 {strides = array<i32>} : memref<128x80xf32, #tpu.memory_space<vmem>>, vector<16xf32>,
        %get3A_1013 = arith.index_cast %add3A_991 : i32 to index
        %get3A_1014 = arith.constant 48 : index
        %get3A_1015 = tpu.vector_load %arg12[%get3A_1013, %get3A_1014] {strides = array<i32>} : memref<128x80xf32, #tpu.memory_space<vmem>>, vector<16xf32>,
        %mul3A_1016 = arith.mulf %get3A_1015, %broadcast_in_dim3A_987 : vector<16xf32>
        %swap3A_1017 = arith.index_cast %add3A_991 : i32 to index
        %swap3A_1018 = arith.constant 48 : index
        %swap3A_1019 = tpu.vector_load %arg12[%swap3A_1017, %swap3A_1018] {strides = array<i32>} : memref<128x80xf32, #tpu.memory_space<vmem>>, vector<16xf32>,
        tpu.vector_store %arg12[%swap3A_1017, %swap3A_1018], %mul3A_1016 {strides = array<i32>} : memref<128x80xf32, #tpu.memory_space<vmem>>, vector<16xf32>,
        %get3A_1020 = arith.index_cast %add3A_991 : i32 to index
        %get3A_1021 = arith.constant 64 : index
        %get3A_1022 = tpu.vector_load %arg12[%get3A_1020, %get3A_1021] {strides = array<i32>} : memref<128x80xf32, #tpu.memory_space<vmem>>, vector<16xf32>,
        %mul3A_1023 = arith.mulf %get3A_1022, %broadcast_in_dim3A_987 : vector<16xf32>
        %swap3A_1024 = arith.index_cast %add3A_991 : i32 to index
        %swap3A_1025 = arith.constant 64 : index
        %swap3A_1026 = tpu.vector_load %arg12[%swap3A_1024, %swap3A_1025] {strides = array<i32>} : memref<128x80xf32, #tpu.memory_space<vmem>>, vector<16xf32>,
        tpu.vector_store %arg12[%swap3A_1024, %swap3A_1025], %mul3A_1023 {strides = array<i32>} : memref<128x80xf32, #tpu.memory_space<vmem>>, vector<16xf32>,
        %slice3A_1027 = vector.extract_strided_slice %get3A_567 {offsets = [11], sizes = [1], strides = [1]} : vector<16xf32> to vector<1xf32>
        %squeeze3A_1028 = vector.extract %slice3A_1027[0] : f32 from vector<1xf32>
        %broadcast_in_dim3A_1029 = vector.broadcast %squeeze3A_1028 : f32 to vector<16xf32>
        %mul3A_1030 = arith.constant 16 : i32
        %mul3A_1031 = arith.muli %add3A_563, %mul3A_1030 : i32
        %add3A_1032 = arith.constant 11 : i32
        %add3A_1033 = arith.addi %mul3A_1031, %add3A_1032 : i32
        %get3A_1034 = arith.index_cast %add3A_1033 : i32 to index
        %get3A_1035 = arith.constant 0 : index
        %get3A_1036 = tpu.vector_load %arg12[%get3A_1034, %get3A_1035] {strides = array<i32>} : memref<128x80xf32, #tpu.memory_space<vmem>>, vector<16xf32>,
        %mul3A_1037 = arith.mulf %get3A_1036, %broadcast_in_dim3A_1029 : vector<16xf32>
        %swap3A_1038 = arith.index_cast %add3A_1033 : i32 to index
        %swap3A_1039 = arith.constant 0 : index
        %swap3A_1040 = tpu.vector_load %arg12[%swap3A_1038, %swap3A_1039] {strides = array<i32>} : memref<128x80xf32, #tpu.memory_space<vmem>>, vector<16xf32>,
        tpu.vector_store %arg12[%swap3A_1038, %swap3A_1039], %mul3A_1037 {strides = array<i32>} : memref<128x80xf32, #tpu.memory_space<vmem>>, vector<16xf32>,
        %get3A_1041 = arith.index_cast %add3A_1033 : i32 to index
        %get3A_1042 = arith.constant 16 : index
        %get3A_1043 = tpu.vector_load %arg12[%get3A_1041, %get3A_1042] {strides = array<i32>} : memref<128x80xf32, #tpu.memory_space<vmem>>, vector<16xf32>,
        %mul3A_1044 = arith.mulf %get3A_1043, %broadcast_in_dim3A_1029 : vector<16xf32>
        %swap3A_1045 = arith.index_cast %add3A_1033 : i32 to index
        %swap3A_1046 = arith.constant 16 : index
        %swap3A_1047 = tpu.vector_load %arg12[%swap3A_1045, %swap3A_1046] {strides = array<i32>} : memref<128x80xf32, #tpu.memory_space<vmem>>, vector<16xf32>,
        tpu.vector_store %arg12[%swap3A_1045, %swap3A_1046], %mul3A_1044 {strides = array<i32>} : memref<128x80xf32, #tpu.memory_space<vmem>>, vector<16xf32>,
        %get3A_1048 = arith.index_cast %add3A_1033 : i32 to index
        %get3A_1049 = arith.constant 32 : index
        %get3A_1050 = tpu.vector_load %arg12[%get3A_1048, %get3A_1049] {strides = array<i32>} : memref<128x80xf32, #tpu.memory_space<vmem>>, vector<16xf32>,
        %mul3A_1051 = arith.mulf %get3A_1050, %broadcast_in_dim3A_1029 : vector<16xf32>
        %swap3A_1052 = arith.index_cast %add3A_1033 : i32 to index
        %swap3A_1053 = arith.constant 32 : index
        %swap3A_1054 = tpu.vector_load %arg12[%swap3A_1052, %swap3A_1053] {strides = array<i32>} : memref<128x80xf32, #tpu.memory_space<vmem>>, vector<16xf32>,
        tpu.vector_store %arg12[%swap3A_1052, %swap3A_1053], %mul3A_1051 {strides = array<i32>} : memref<128x80xf32, #tpu.memory_space<vmem>>, vector<16xf32>,
        %get3A_1055 = arith.index_cast %add3A_1033 : i32 to index
        %get3A_1056 = arith.constant 48 : index
        %get3A_1057 = tpu.vector_load %arg12[%get3A_1055, %get3A_1056] {strides = array<i32>} : memref<128x80xf32, #tpu.memory_space<vmem>>, vector<16xf32>,
        %mul3A_1058 = arith.mulf %get3A_1057, %broadcast_in_dim3A_1029 : vector<16xf32>
        %swap3A_1059 = arith.index_cast %add3A_1033 : i32 to index
        %swap3A_1060 = arith.constant 48 : index
        %swap3A_1061 = tpu.vector_load %arg12[%swap3A_1059, %swap3A_1060] {strides = array<i32>} : memref<128x80xf32, #tpu.memory_space<vmem>>, vector<16xf32>,
        tpu.vector_store %arg12[%swap3A_1059, %swap3A_1060], %mul3A_1058 {strides = array<i32>} : memref<128x80xf32, #tpu.memory_space<vmem>>, vector<16xf32>,
        %get3A_1062 = arith.index_cast %add3A_1033 : i32 to index
        %get3A_1063 = arith.constant 64 : index
        %get3A_1064 = tpu.vector_load %arg12[%get3A_1062, %get3A_1063] {strides = array<i32>} : memref<128x80xf32, #tpu.memory_space<vmem>>, vector<16xf32>,
        %mul3A_1065 = arith.mulf %get3A_1064, %broadcast_in_dim3A_1029 : vector<16xf32>
        %swap3A_1066 = arith.index_cast %add3A_1033 : i32 to index
        %swap3A_1067 = arith.constant 64 : index
        %swap3A_1068 = tpu.vector_load %arg12[%swap3A_1066, %swap3A_1067] {strides = array<i32>} : memref<128x80xf32, #tpu.memory_space<vmem>>, vector<16xf32>,
        tpu.vector_store %arg12[%swap3A_1066, %swap3A_1067], %mul3A_1065 {strides = array<i32>} : memref<128x80xf32, #tpu.memory_space<vmem>>, vector<16xf32>,
        %slice3A_1069 = vector.extract_strided_slice %get3A_567 {offsets = [12], sizes = [1], strides = [1]} : vector<16xf32> to vector<1xf32>
        %squeeze3A_1070 = vector.extract %slice3A_1069[0] : f32 from vector<1xf32>
        %broadcast_in_dim3A_1071 = vector.broadcast %squeeze3A_1070 : f32 to vector<16xf32>
        %mul3A_1072 = arith.constant 16 : i32
        %mul3A_1073 = arith.muli %add3A_563, %mul3A_1072 : i32
        %add3A_1074 = arith.constant 12 : i32
        %add3A_1075 = arith.addi %mul3A_1073, %add3A_1074 : i32
        %get3A_1076 = arith.index_cast %add3A_1075 : i32 to index
        %get3A_1077 = arith.constant 0 : index
        %get3A_1078 = tpu.vector_load %arg12[%get3A_1076, %get3A_1077] {strides = array<i32>} : memref<128x80xf32, #tpu.memory_space<vmem>>, vector<16xf32>,
        %mul3A_1079 = arith.mulf %get3A_1078, %broadcast_in_dim3A_1071 : vector<16xf32>
        %swap3A_1080 = arith.index_cast %add3A_1075 : i32 to index
        %swap3A_1081 = arith.constant 0 : index
        %swap3A_1082 = tpu.vector_load %arg12[%swap3A_1080, %swap3A_1081] {strides = array<i32>} : memref<128x80xf32, #tpu.memory_space<vmem>>, vector<16xf32>,
        tpu.vector_store %arg12[%swap3A_1080, %swap3A_1081], %mul3A_1079 {strides = array<i32>} : memref<128x80xf32, #tpu.memory_space<vmem>>, vector<16xf32>,
        %get3A_1083 = arith.index_cast %add3A_1075 : i32 to index
        %get3A_1084 = arith.constant 16 : index
        %get3A_1085 = tpu.vector_load %arg12[%get3A_1083, %get3A_1084] {strides = array<i32>} : memref<128x80xf32, #tpu.memory_space<vmem>>, vector<16xf32>,
        %mul3A_1086 = arith.mulf %get3A_1085, %broadcast_in_dim3A_1071 : vector<16xf32>
        %swap3A_1087 = arith.index_cast %add3A_1075 : i32 to index
        %swap3A_1088 = arith.constant 16 : index
        %swap3A_1089 = tpu.vector_load %arg12[%swap3A_1087, %swap3A_1088] {strides = array<i32>} : memref<128x80xf32, #tpu.memory_space<vmem>>, vector<16xf32>,
        tpu.vector_store %arg12[%swap3A_1087, %swap3A_1088], %mul3A_1086 {strides = array<i32>} : memref<128x80xf32, #tpu.memory_space<vmem>>, vector<16xf32>,
        %get3A_1090 = arith.index_cast %add3A_1075 : i32 to index
        %get3A_1091 = arith.constant 32 : index
        %get3A_1092 = tpu.vector_load %arg12[%get3A_1090, %get3A_1091] {strides = array<i32>} : memref<128x80xf32, #tpu.memory_space<vmem>>, vector<16xf32>,
        %mul3A_1093 = arith.mulf %get3A_1092, %broadcast_in_dim3A_1071 : vector<16xf32>
        %swap3A_1094 = arith.index_cast %add3A_1075 : i32 to index
        %swap3A_1095 = arith.constant 32 : index
        %swap3A_1096 = tpu.vector_load %arg12[%swap3A_1094, %swap3A_1095] {strides = array<i32>} : memref<128x80xf32, #tpu.memory_space<vmem>>, vector<16xf32>,
        tpu.vector_store %arg12[%swap3A_1094, %swap3A_1095], %mul3A_1093 {strides = array<i32>} : memref<128x80xf32, #tpu.memory_space<vmem>>, vector<16xf32>,
        %get3A_1097 = arith.index_cast %add3A_1075 : i32 to index
        %get3A_1098 = arith.constant 48 : index
        %get3A_1099 = tpu.vector_load %arg12[%get3A_1097, %get3A_1098] {strides = array<i32>} : memref<128x80xf32, #tpu.memory_space<vmem>>, vector<16xf32>,
        %mul3A_1100 = arith.mulf %get3A_1099, %broadcast_in_dim3A_1071 : vector<16xf32>
        %swap3A_1101 = arith.index_cast %add3A_1075 : i32 to index
        %swap3A_1102 = arith.constant 48 : index
        %swap3A_1103 = tpu.vector_load %arg12[%swap3A_1101, %swap3A_1102] {strides = array<i32>} : memref<128x80xf32, #tpu.memory_space<vmem>>, vector<16xf32>,
        tpu.vector_store %arg12[%swap3A_1101, %swap3A_1102], %mul3A_1100 {strides = array<i32>} : memref<128x80xf32, #tpu.memory_space<vmem>>, vector<16xf32>,
        %get3A_1104 = arith.index_cast %add3A_1075 : i32 to index
        %get3A_1105 = arith.constant 64 : index
        %get3A_1106 = tpu.vector_load %arg12[%get3A_1104, %get3A_1105] {strides = array<i32>} : memref<128x80xf32, #tpu.memory_space<vmem>>, vector<16xf32>,
        %mul3A_1107 = arith.mulf %get3A_1106, %broadcast_in_dim3A_1071 : vector<16xf32>
        %swap3A_1108 = arith.index_cast %add3A_1075 : i32 to index
        %swap3A_1109 = arith.constant 64 : index
        %swap3A_1110 = tpu.vector_load %arg12[%swap3A_1108, %swap3A_1109] {strides = array<i32>} : memref<128x80xf32, #tpu.memory_space<vmem>>, vector<16xf32>,
        tpu.vector_store %arg12[%swap3A_1108, %swap3A_1109], %mul3A_1107 {strides = array<i32>} : memref<128x80xf32, #tpu.memory_space<vmem>>, vector<16xf32>,
        %slice3A_1111 = vector.extract_strided_slice %get3A_567 {offsets = [13], sizes = [1], strides = [1]} : vector<16xf32> to vector<1xf32>
        %squeeze3A_1112 = vector.extract %slice3A_1111[0] : f32 from vector<1xf32>
        %broadcast_in_dim3A_1113 = vector.broadcast %squeeze3A_1112 : f32 to vector<16xf32>
        %mul3A_1114 = arith.constant 16 : i32
        %mul3A_1115 = arith.muli %add3A_563, %mul3A_1114 : i32
        %add3A_1116 = arith.constant 13 : i32
        %add3A_1117 = arith.addi %mul3A_1115, %add3A_1116 : i32
        %get3A_1118 = arith.index_cast %add3A_1117 : i32 to index
        %get3A_1119 = arith.constant 0 : index
        %get3A_1120 = tpu.vector_load %arg12[%get3A_1118, %get3A_1119] {strides = array<i32>} : memref<128x80xf32, #tpu.memory_space<vmem>>, vector<16xf32>,
        %mul3A_1121 = arith.mulf %get3A_1120, %broadcast_in_dim3A_1113 : vector<16xf32>
        %swap3A_1122 = arith.index_cast %add3A_1117 : i32 to index
        %swap3A_1123 = arith.constant 0 : index
        %swap3A_1124 = tpu.vector_load %arg12[%swap3A_1122, %swap3A_1123] {strides = array<i32>} : memref<128x80xf32, #tpu.memory_space<vmem>>, vector<16xf32>,
        tpu.vector_store %arg12[%swap3A_1122, %swap3A_1123], %mul3A_1121 {strides = array<i32>} : memref<128x80xf32, #tpu.memory_space<vmem>>, vector<16xf32>,
        %get3A_1125 = arith.index_cast %add3A_1117 : i32 to index
        %get3A_1126 = arith.constant 16 : index
        %get3A_1127 = tpu.vector_load %arg12[%get3A_1125, %get3A_1126] {strides = array<i32>} : memref<128x80xf32, #tpu.memory_space<vmem>>, vector<16xf32>,
        %mul3A_1128 = arith.mulf %get3A_1127, %broadcast_in_dim3A_1113 : vector<16xf32>
        %swap3A_1129 = arith.index_cast %add3A_1117 : i32 to index
        %swap3A_1130 = arith.constant 16 : index
        %swap3A_1131 = tpu.vector_load %arg12[%swap3A_1129, %swap3A_1130] {strides = array<i32>} : memref<128x80xf32, #tpu.memory_space<vmem>>, vector<16xf32>,
        tpu.vector_store %arg12[%swap3A_1129, %swap3A_1130], %mul3A_1128 {strides = array<i32>} : memref<128x80xf32, #tpu.memory_space<vmem>>, vector<16xf32>,
        %get3A_1132 = arith.index_cast %add3A_1117 : i32 to index
        %get3A_1133 = arith.constant 32 : index
        %get3A_1134 = tpu.vector_load %arg12[%get3A_1132, %get3A_1133] {strides = array<i32>} : memref<128x80xf32, #tpu.memory_space<vmem>>, vector<16xf32>,
        %mul3A_1135 = arith.mulf %get3A_1134, %broadcast_in_dim3A_1113 : vector<16xf32>
        %swap3A_1136 = arith.index_cast %add3A_1117 : i32 to index
        %swap3A_1137 = arith.constant 32 : index
        %swap3A_1138 = tpu.vector_load %arg12[%swap3A_1136, %swap3A_1137] {strides = array<i32>} : memref<128x80xf32, #tpu.memory_space<vmem>>, vector<16xf32>,
        tpu.vector_store %arg12[%swap3A_1136, %swap3A_1137], %mul3A_1135 {strides = array<i32>} : memref<128x80xf32, #tpu.memory_space<vmem>>, vector<16xf32>,
        %get3A_1139 = arith.index_cast %add3A_1117 : i32 to index
        %get3A_1140 = arith.constant 48 : index
        %get3A_1141 = tpu.vector_load %arg12[%get3A_1139, %get3A_1140] {strides = array<i32>} : memref<128x80xf32, #tpu.memory_space<vmem>>, vector<16xf32>,
        %mul3A_1142 = arith.mulf %get3A_1141, %broadcast_in_dim3A_1113 : vector<16xf32>
        %swap3A_1143 = arith.index_cast %add3A_1117 : i32 to index
        %swap3A_1144 = arith.constant 48 : index
        %swap3A_1145 = tpu.vector_load %arg12[%swap3A_1143, %swap3A_1144] {strides = array<i32>} : memref<128x80xf32, #tpu.memory_space<vmem>>, vector<16xf32>,
        tpu.vector_store %arg12[%swap3A_1143, %swap3A_1144], %mul3A_1142 {strides = array<i32>} : memref<128x80xf32, #tpu.memory_space<vmem>>, vector<16xf32>,
        %get3A_1146 = arith.index_cast %add3A_1117 : i32 to index
        %get3A_1147 = arith.constant 64 : index
        %get3A_1148 = tpu.vector_load %arg12[%get3A_1146, %get3A_1147] {strides = array<i32>} : memref<128x80xf32, #tpu.memory_space<vmem>>, vector<16xf32>,
        %mul3A_1149 = arith.mulf %get3A_1148, %broadcast_in_dim3A_1113 : vector<16xf32>
        %swap3A_1150 = arith.index_cast %add3A_1117 : i32 to index
        %swap3A_1151 = arith.constant 64 : index
        %swap3A_1152 = tpu.vector_load %arg12[%swap3A_1150, %swap3A_1151] {strides = array<i32>} : memref<128x80xf32, #tpu.memory_space<vmem>>, vector<16xf32>,
        tpu.vector_store %arg12[%swap3A_1150, %swap3A_1151], %mul3A_1149 {strides = array<i32>} : memref<128x80xf32, #tpu.memory_space<vmem>>, vector<16xf32>,
        %slice3A_1153 = vector.extract_strided_slice %get3A_567 {offsets = [14], sizes = [1], strides = [1]} : vector<16xf32> to vector<1xf32>
        %squeeze3A_1154 = vector.extract %slice3A_1153[0] : f32 from vector<1xf32>
        %broadcast_in_dim3A_1155 = vector.broadcast %squeeze3A_1154 : f32 to vector<16xf32>
        %mul3A_1156 = arith.constant 16 : i32
        %mul3A_1157 = arith.muli %add3A_563, %mul3A_1156 : i32
        %add3A_1158 = arith.constant 14 : i32
        %add3A_1159 = arith.addi %mul3A_1157, %add3A_1158 : i32
        %get3A_1160 = arith.index_cast %add3A_1159 : i32 to index
        %get3A_1161 = arith.constant 0 : index
        %get3A_1162 = tpu.vector_load %arg12[%get3A_1160, %get3A_1161] {strides = array<i32>} : memref<128x80xf32, #tpu.memory_space<vmem>>, vector<16xf32>,
        %mul3A_1163 = arith.mulf %get3A_1162, %broadcast_in_dim3A_1155 : vector<16xf32>
        %swap3A_1164 = arith.index_cast %add3A_1159 : i32 to index
        %swap3A_1165 = arith.constant 0 : index
        %swap3A_1166 = tpu.vector_load %arg12[%swap3A_1164, %swap3A_1165] {strides = array<i32>} : memref<128x80xf32, #tpu.memory_space<vmem>>, vector<16xf32>,
        tpu.vector_store %arg12[%swap3A_1164, %swap3A_1165], %mul3A_1163 {strides = array<i32>} : memref<128x80xf32, #tpu.memory_space<vmem>>, vector<16xf32>,
        %get3A_1167 = arith.index_cast %add3A_1159 : i32 to index
        %get3A_1168 = arith.constant 16 : index
        %get3A_1169 = tpu.vector_load %arg12[%get3A_1167, %get3A_1168] {strides = array<i32>} : memref<128x80xf32, #tpu.memory_space<vmem>>, vector<16xf32>,
        %mul3A_1170 = arith.mulf %get3A_1169, %broadcast_in_dim3A_1155 : vector<16xf32>
        %swap3A_1171 = arith.index_cast %add3A_1159 : i32 to index
        %swap3A_1172 = arith.constant 16 : index
        %swap3A_1173 = tpu.vector_load %arg12[%swap3A_1171, %swap3A_1172] {strides = array<i32>} : memref<128x80xf32, #tpu.memory_space<vmem>>, vector<16xf32>,
        tpu.vector_store %arg12[%swap3A_1171, %swap3A_1172], %mul3A_1170 {strides = array<i32>} : memref<128x80xf32, #tpu.memory_space<vmem>>, vector<16xf32>,
        %get3A_1174 = arith.index_cast %add3A_1159 : i32 to index
        %get3A_1175 = arith.constant 32 : index
        %get3A_1176 = tpu.vector_load %arg12[%get3A_1174, %get3A_1175] {strides = array<i32>} : memref<128x80xf32, #tpu.memory_space<vmem>>, vector<16xf32>,
        %mul3A_1177 = arith.mulf %get3A_1176, %broadcast_in_dim3A_1155 : vector<16xf32>
        %swap3A_1178 = arith.index_cast %add3A_1159 : i32 to index
        %swap3A_1179 = arith.constant 32 : index
        %swap3A_1180 = tpu.vector_load %arg12[%swap3A_1178, %swap3A_1179] {strides = array<i32>} : memref<128x80xf32, #tpu.memory_space<vmem>>, vector<16xf32>,
        tpu.vector_store %arg12[%swap3A_1178, %swap3A_1179], %mul3A_1177 {strides = array<i32>} : memref<128x80xf32, #tpu.memory_space<vmem>>, vector<16xf32>,
        %get3A_1181 = arith.index_cast %add3A_1159 : i32 to index
        %get3A_1182 = arith.constant 48 : index
        %get3A_1183 = tpu.vector_load %arg12[%get3A_1181, %get3A_1182] {strides = array<i32>} : memref<128x80xf32, #tpu.memory_space<vmem>>, vector<16xf32>,
        %mul3A_1184 = arith.mulf %get3A_1183, %broadcast_in_dim3A_1155 : vector<16xf32>
        %swap3A_1185 = arith.index_cast %add3A_1159 : i32 to index
        %swap3A_1186 = arith.constant 48 : index
        %swap3A_1187 = tpu.vector_load %arg12[%swap3A_1185, %swap3A_1186] {strides = array<i32>} : memref<128x80xf32, #tpu.memory_space<vmem>>, vector<16xf32>,
        tpu.vector_store %arg12[%swap3A_1185, %swap3A_1186], %mul3A_1184 {strides = array<i32>} : memref<128x80xf32, #tpu.memory_space<vmem>>, vector<16xf32>,
        %get3A_1188 = arith.index_cast %add3A_1159 : i32 to index
        %get3A_1189 = arith.constant 64 : index
        %get3A_1190 = tpu.vector_load %arg12[%get3A_1188, %get3A_1189] {strides = array<i32>} : memref<128x80xf32, #tpu.memory_space<vmem>>, vector<16xf32>,
        %mul3A_1191 = arith.mulf %get3A_1190, %broadcast_in_dim3A_1155 : vector<16xf32>
        %swap3A_1192 = arith.index_cast %add3A_1159 : i32 to index
        %swap3A_1193 = arith.constant 64 : index
        %swap3A_1194 = tpu.vector_load %arg12[%swap3A_1192, %swap3A_1193] {strides = array<i32>} : memref<128x80xf32, #tpu.memory_space<vmem>>, vector<16xf32>,
        tpu.vector_store %arg12[%swap3A_1192, %swap3A_1193], %mul3A_1191 {strides = array<i32>} : memref<128x80xf32, #tpu.memory_space<vmem>>, vector<16xf32>,
        %slice3A_1195 = vector.extract_strided_slice %get3A_567 {offsets = [15], sizes = [1], strides = [1]} : vector<16xf32> to vector<1xf32>
        %squeeze3A_1196 = vector.extract %slice3A_1195[0] : f32 from vector<1xf32>
        %broadcast_in_dim3A_1197 = vector.broadcast %squeeze3A_1196 : f32 to vector<16xf32>
        %mul3A_1198 = arith.constant 16 : i32
        %mul3A_1199 = arith.muli %add3A_563, %mul3A_1198 : i32
        %add3A_1200 = arith.constant 15 : i32
        %add3A_1201 = arith.addi %mul3A_1199, %add3A_1200 : i32
        %get3A_1202 = arith.index_cast %add3A_1201 : i32 to index
        %get3A_1203 = arith.constant 0 : index
        %get3A_1204 = tpu.vector_load %arg12[%get3A_1202, %get3A_1203] {strides = array<i32>} : memref<128x80xf32, #tpu.memory_space<vmem>>, vector<16xf32>,
        %mul3A_1205 = arith.mulf %get3A_1204, %broadcast_in_dim3A_1197 : vector<16xf32>
        %swap3A_1206 = arith.index_cast %add3A_1201 : i32 to index
        %swap3A_1207 = arith.constant 0 : index
        %swap3A_1208 = tpu.vector_load %arg12[%swap3A_1206, %swap3A_1207] {strides = array<i32>} : memref<128x80xf32, #tpu.memory_space<vmem>>, vector<16xf32>,
        tpu.vector_store %arg12[%swap3A_1206, %swap3A_1207], %mul3A_1205 {strides = array<i32>} : memref<128x80xf32, #tpu.memory_space<vmem>>, vector<16xf32>,
        %get3A_1209 = arith.index_cast %add3A_1201 : i32 to index
        %get3A_1210 = arith.constant 16 : index
        %get3A_1211 = tpu.vector_load %arg12[%get3A_1209, %get3A_1210] {strides = array<i32>} : memref<128x80xf32, #tpu.memory_space<vmem>>, vector<16xf32>,
        %mul3A_1212 = arith.mulf %get3A_1211, %broadcast_in_dim3A_1197 : vector<16xf32>
        %swap3A_1213 = arith.index_cast %add3A_1201 : i32 to index
        %swap3A_1214 = arith.constant 16 : index
        %swap3A_1215 = tpu.vector_load %arg12[%swap3A_1213, %swap3A_1214] {strides = array<i32>} : memref<128x80xf32, #tpu.memory_space<vmem>>, vector<16xf32>,
        tpu.vector_store %arg12[%swap3A_1213, %swap3A_1214], %mul3A_1212 {strides = array<i32>} : memref<128x80xf32, #tpu.memory_space<vmem>>, vector<16xf32>,
        %get3A_1216 = arith.index_cast %add3A_1201 : i32 to index
        %get3A_1217 = arith.constant 32 : index
        %get3A_1218 = tpu.vector_load %arg12[%get3A_1216, %get3A_1217] {strides = array<i32>} : memref<128x80xf32, #tpu.memory_space<vmem>>, vector<16xf32>,
        %mul3A_1219 = arith.mulf %get3A_1218, %broadcast_in_dim3A_1197 : vector<16xf32>
        %swap3A_1220 = arith.index_cast %add3A_1201 : i32 to index
        %swap3A_1221 = arith.constant 32 : index
        %swap3A_1222 = tpu.vector_load %arg12[%swap3A_1220, %swap3A_1221] {strides = array<i32>} : memref<128x80xf32, #tpu.memory_space<vmem>>, vector<16xf32>,
        tpu.vector_store %arg12[%swap3A_1220, %swap3A_1221], %mul3A_1219 {strides = array<i32>} : memref<128x80xf32, #tpu.memory_space<vmem>>, vector<16xf32>,
        %get3A_1223 = arith.index_cast %add3A_1201 : i32 to index
        %get3A_1224 = arith.constant 48 : index
        %get3A_1225 = tpu.vector_load %arg12[%get3A_1223, %get3A_1224] {strides = array<i32>} : memref<128x80xf32, #tpu.memory_space<vmem>>, vector<16xf32>,
        %mul3A_1226 = arith.mulf %get3A_1225, %broadcast_in_dim3A_1197 : vector<16xf32>
        %swap3A_1227 = arith.index_cast %add3A_1201 : i32 to index
        %swap3A_1228 = arith.constant 48 : index
        %swap3A_1229 = tpu.vector_load %arg12[%swap3A_1227, %swap3A_1228] {strides = array<i32>} : memref<128x80xf32, #tpu.memory_space<vmem>>, vector<16xf32>,
        tpu.vector_store %arg12[%swap3A_1227, %swap3A_1228], %mul3A_1226 {strides = array<i32>} : memref<128x80xf32, #tpu.memory_space<vmem>>, vector<16xf32>,
        %get3A_1230 = arith.index_cast %add3A_1201 : i32 to index
        %get3A_1231 = arith.constant 64 : index
        %get3A_1232 = tpu.vector_load %arg12[%get3A_1230, %get3A_1231] {strides = array<i32>} : memref<128x80xf32, #tpu.memory_space<vmem>>, vector<16xf32>,
        %mul3A_1233 = arith.mulf %get3A_1232, %broadcast_in_dim3A_1197 : vector<16xf32>
        %swap3A_1234 = arith.index_cast %add3A_1201 : i32 to index
        %swap3A_1235 = arith.constant 64 : index
        %swap3A_1236 = tpu.vector_load %arg12[%swap3A_1234, %swap3A_1235] {strides = array<i32>} : memref<128x80xf32, #tpu.memory_space<vmem>>, vector<16xf32>,
        tpu.vector_store %arg12[%swap3A_1234, %swap3A_1235], %mul3A_1233 {strides = array<i32>} : memref<128x80xf32, #tpu.memory_space<vmem>>, vector<16xf32>,
      }
      %scan3A_551 = arith.constant 8 : i32
      "tpu.region"() ({
        %run_scoped3A = tpu.sem_alloc : memref<!tpu.dma_semaphore, #tpu.memory_space<semaphore_mem>>
        %dma_start3A_559 = arith.constant 0 : i32
        %dma_start3A_560 = tpu.memref_slice %arg10[%add3A_292, %dma_start3A_559] : memref<80x128xi32, #tpu.memory_space<vmem>> -> memref<1x128xi32, #tpu.memory_space<vmem>>
        %dma_start3A_561 = tpu.memref_squeeze %dma_start3A_560 : memref<1x128xi32, #tpu.memory_space<vmem>> -> memref<128xi32, #tpu.memory_space<vmem>>
        %dma_start3A_562 = arith.constant 0 : i32
        %dma_start3A_563 = arith.constant 0 : i32
        %dma_start3A_564 = tpu.memref_slice %arg14[%dma_start3A_562, %dma_start3A_563] : memref<10240x80xf32, #tpu.memory_space<vmem_shared>> -> memref<10240x80xf32, #tpu.memory_space<vmem_shared>>
        tpu.enqueue_indirect_dma source(%arg12 : memref<128x80xf32, #tpu.memory_space<vmem>>) target(%dma_start3A_564 : memref<10240x80xf32, #tpu.memory_space<vmem_shared>>) offsets(%dma_start3A_561 : memref<128xi32, #tpu.memory_space<vmem>>) semaphore(%run_scoped3A : memref<!tpu.dma_semaphore, #tpu.memory_space<semaphore_mem>>) {add = true}
        %dma_wait3A_565 = arith.constant 0 : i32
        %dma_wait3A_566 = tpu.memref_slice %arg10[%add3A_292, %dma_wait3A_565] : memref<80x128xi32, #tpu.memory_space<vmem>> -> memref<1x128xi32, #tpu.memory_space<vmem>>
        %dma_wait3A_567 = tpu.memref_squeeze %dma_wait3A_566 : memref<1x128xi32, #tpu.memory_space<vmem>> -> memref<128xi32, #tpu.memory_space<vmem>>
        %dma_wait3A_568 = arith.constant 0 : i32
        %dma_wait3A_569 = arith.constant 0 : i32
        %dma_wait3A_570 = tpu.memref_slice %arg14[%dma_wait3A_568, %dma_wait3A_569] : memref<10240x80xf32, #tpu.memory_space<vmem_shared>> -> memref<10240x80xf32, #tpu.memory_space<vmem_shared>>
        tpu.wait_indirect_dma semaphore(%run_scoped3A : memref<!tpu.dma_semaphore, #tpu.memory_space<semaphore_mem>>) src(%arg12 : memref<128x80xf32, #tpu.memory_space<vmem>>) dst(%dma_wait3A_570 : memref<10240x80xf32, #tpu.memory_space<vmem_shared>>)
        tpu.yield
      }) : () -> ()
      %add3A_552 = arith.constant 2 : i32
      %add3A_553 = arith.addi %add3A_292, %add3A_552 : i32
      %lt3A_554 = arith.constant 80 : i32
      %lt3A_555 = arith.cmpi slt, %add3A_553, %lt3A_554 : i32
      %convert_element_type3A_556 = arith.extui %lt3A_555 : i1 to i32
      %cond3A_557 = arith.constant 0 : i32
      %cond3A_558 = arith.cmpi ne, %convert_element_type3A_556, %cond3A_557 : i32
      scf.if %cond3A_558 {
        %add3A_559 = arith.constant 2 : i32
        %add3A_560 = arith.addi %add3A_292, %add3A_559 : i32
        %dma_start3A_561 = arith.constant 0 : i32
        %dma_start3A_562 = tpu.memref_slice %arg9[%add3A_560, %dma_start3A_561] : memref<80x128xi32, #tpu.memory_space<vmem>> -> memref<1x128xi32, #tpu.memory_space<vmem>>
        %dma_start3A_563 = tpu.memref_squeeze %dma_start3A_562 : memref<1x128xi32, #tpu.memory_space<vmem>> -> memref<128xi32, #tpu.memory_space<vmem>>
        %dma_start3A_564 = arith.constant 0 : i32
        %dma_start3A_565 = arith.constant 0 : i32
        %dma_start3A_566 = tpu.memref_slice %arg2[%dma_start3A_564, %dma_start3A_565] : memref<10000x80xf32, #tpu.memory_space<hbm>> -> memref<10000x80xf32, #tpu.memory_space<hbm>>
        tpu.enqueue_indirect_dma source(%dma_start3A_566 : memref<10000x80xf32, #tpu.memory_space<hbm>>) target(%arg12 : memref<128x80xf32, #tpu.memory_space<vmem>>) offsets(%dma_start3A_563 : memref<128xi32, #tpu.memory_space<vmem>>) semaphore(%arg16 : memref<!tpu.dma_semaphore, #tpu.memory_space<semaphore_mem>>)
      } else {
      }
    }
    %scan3A_21 = arith.constant 40 : i32
    %barrier3A_22 = arith.constant 0 : index
    tpu.barrier barrier_id(%barrier3A_22)
    %mul3A_23 = arith.constant 640 : i32
    %mul3A_24 = arith.muli %arg1, %mul3A_23 : i32
    %mul3A_25 = arith.constant 640 : i32
    %mul3A_26 = arith.muli %arg1, %mul3A_25 : i32
    "tpu.region"() ({
      %run_scoped3A = tpu.sem_alloc : memref<!tpu.dma_semaphore, #tpu.memory_space<semaphore_mem>>
      %dma_start3A_27 = arith.constant 0 : i32
      %dma_start3A_28 = tpu.memref_slice %arg7[%arg0, %mul3A_26, %dma_start3A_27] : memref<2x10240x80xf32, #tpu.memory_space<hbm>> -> memref<1x640x80xf32, #tpu.memory_space<hbm>>
      %dma_start3A_29 = tpu.memref_squeeze %dma_start3A_28 : memref<1x640x80xf32, #tpu.memory_space<hbm>> -> memref<640x80xf32, #tpu.memory_space<hbm>>
      %dma_start3A_30 = arith.constant 0 : i32
      %dma_start3A_31 = tpu.memref_slice %arg14[%mul3A_24, %dma_start3A_30] : memref<10240x80xf32, #tpu.memory_space<vmem_shared>> -> memref<640x80xf32, #tpu.memory_space<vmem_shared>>
      tpu.enqueue_dma source(%dma_start3A_31 : memref<640x80xf32, #tpu.memory_space<vmem_shared>>) target(%dma_start3A_29 : memref<640x80xf32, #tpu.memory_space<hbm>>) target_semaphore(%run_scoped3A : memref<!tpu.dma_semaphore, #tpu.memory_space<semaphore_mem>>)
      %dma_wait3A = arith.constant 0 : i32
      %dma_wait3A_32 = tpu.memref_slice %arg7[%arg0, %mul3A_26, %dma_wait3A] : memref<2x10240x80xf32, #tpu.memory_space<hbm>> -> memref<1x640x80xf32, #tpu.memory_space<hbm>>
      %dma_wait3A_33 = tpu.memref_squeeze %dma_wait3A_32 : memref<1x640x80xf32, #tpu.memory_space<hbm>> -> memref<640x80xf32, #tpu.memory_space<hbm>>
      %dma_wait3A_34 = arith.constant 0 : i32
      %dma_wait3A_35 = tpu.memref_slice %arg14[%mul3A_24, %dma_wait3A_34] : memref<10240x80xf32, #tpu.memory_space<vmem_shared>> -> memref<640x80xf32, #tpu.memory_space<vmem_shared>>
      tpu.wait_dma2 semaphore(%run_scoped3A : memref<!tpu.dma_semaphore, #tpu.memory_space<semaphore_mem>>) src(%dma_wait3A_35 : memref<640x80xf32, #tpu.memory_space<vmem_shared>>) dst(%dma_wait3A_33 : memref<640x80xf32, #tpu.memory_space<hbm>>)
      tpu.yield
    }) : () -> ()
    return
  }
}

module attributes {stable_mosaic.version = 14 : i64} {
  func.func @body(%arg0: memref<10000x128xf32, #tpu.memory_space<vmem>>, %arg1: memref<128x64xf32, #tpu.memory_space<vmem>>, %arg2: memref<64x2xf32, #tpu.memory_space<vmem>>, %arg3: memref<10000x80xf32, #tpu.memory_space<vmem>>, %arg4: memref<10000x2xf32, #tpu.memory_space<vmem>>, %arg5: memref<10000x80xf32, #tpu.memory_space<vmem>>) attributes {dimension_semantics = [], scalar_prefetch = 0 : i64, scratch_operands = 0 : i64, tpu.core_type = #tpu.core_type<tc>} {
    %get3A = arith.constant 0 : index
    %get3A_0 = arith.constant 0 : index
    %get3A_1 = vector.load %arg0[%get3A, %get3A_0] : memref<10000x128xf32, #tpu.memory_space<vmem>>, vector<10000x128xf32>
    %get3A_2 = arith.constant 0 : index
    %get3A_3 = arith.constant 0 : index
    %get3A_4 = vector.load %arg1[%get3A_2, %get3A_3] : memref<128x64xf32, #tpu.memory_space<vmem>>, vector<128x64xf32>
    %dot_general3A = arith.constant dense<0.000000e+00> : vector<10000x64xf32>
    %dot_general3A_5 = tpu.matmul %get3A_1, %get3A_4, %dot_general3A {dimension_numbers = #tpu.dot_dimension_numbers<[1], [0], [0], [1], [0, 0, 1, 1], [], []>, transpose_lhs_hint = false} : vector<10000x128xf32>, vector<128x64xf32>, vector<10000x64xf32> -> vector<10000x64xf32>
    %broadcast_in_dim3A = arith.constant 1.000000e+00 : f32
    %broadcast_in_dim3A_6 = vector.broadcast %broadcast_in_dim3A : f32 to vector<10000x1xf32>
    %broadcast_in_dim3A_7 = arith.constant 0.000000e+00 : f32
    %broadcast_in_dim3A_8 = vector.broadcast %broadcast_in_dim3A_7 : f32 to vector<10000x15xf32>
    %concatenate3A = tpu.concatenate %dot_general3A_5, %broadcast_in_dim3A_6, %broadcast_in_dim3A_8 in 1 : vector<10000x64xf32>, vector<10000x1xf32>, vector<10000x15xf32> -> vector<10000x80xf32>
    %swap3A = arith.constant 0 : index
    %swap3A_9 = arith.constant 0 : index
    %swap3A_10 = vector.load %arg3[%swap3A, %swap3A_9] : memref<10000x80xf32, #tpu.memory_space<vmem>>, vector<10000x80xf32>
    tpu.vector_store %arg3[%swap3A, %swap3A_9], %concatenate3A {strides = array<i32>} : memref<10000x80xf32, #tpu.memory_space<vmem>>, vector<10000x80xf32>,
    %get3A_11 = arith.constant 0 : index
    %get3A_12 = arith.constant 0 : index
    %get3A_13 = vector.load %arg2[%get3A_11, %get3A_12] : memref<64x2xf32, #tpu.memory_space<vmem>>, vector<64x2xf32>
    %dot_general3A_14 = arith.constant dense<0.000000e+00> : vector<10000x2xf32>
    %dot_general3A_15 = tpu.matmul %dot_general3A_5, %get3A_13, %dot_general3A_14 {dimension_numbers = #tpu.dot_dimension_numbers<[1], [0], [0], [1], [0, 0, 1, 1], [], []>, transpose_lhs_hint = false} : vector<10000x64xf32>, vector<64x2xf32>, vector<10000x2xf32> -> vector<10000x2xf32>
    %swap3A_16 = arith.constant 0 : index
    %swap3A_17 = arith.constant 0 : index
    %swap3A_18 = vector.load %arg4[%swap3A_16, %swap3A_17] : memref<10000x2xf32, #tpu.memory_space<vmem>>, vector<10000x2xf32>
    tpu.vector_store %arg4[%swap3A_16, %swap3A_17], %dot_general3A_15 {strides = array<i32>} : memref<10000x2xf32, #tpu.memory_space<vmem>>, vector<10000x2xf32>,
    %slice3A = vector.extract_strided_slice %dot_general3A_15 {offsets = [0, 0], sizes = [10000, 1], strides = [1, 1]} : vector<10000x2xf32> to vector<10000x1xf32>
    %slice3A_19 = vector.extract_strided_slice %dot_general3A_15 {offsets = [0, 1], sizes = [10000, 1], strides = [1, 1]} : vector<10000x2xf32> to vector<10000x1xf32>
    %add3A = arith.addf %slice3A, %slice3A_19 : vector<10000x1xf32>
    %ge3A = arith.constant 0.000000e+00 : f32
    %ge3A_20 = vector.broadcast %ge3A : f32 to vector<10000x1xf32>
    %ge3A_21 = arith.cmpf oge, %add3A, %ge3A_20 : vector<10000x1xf32>
    %mul3A = arith.constant 2.000000e-01 : f32
    %mul3A_22 = vector.broadcast %mul3A : f32 to vector<10000x1xf32>
    %mul3A_23 = arith.mulf %add3A, %mul3A_22 : vector<10000x1xf32>
    %select_n3A = arith.select %ge3A_21, %add3A, %mul3A_23 : vector<10000x1xi1>, vector<10000x1xf32>
    %exp3A = math.exp %select_n3A : vector<10000x1xf32>
    %mul3A_24 = vector.broadcast %exp3A : vector<10000x1xf32> to vector<10000x80xf32>
    %mul3A_25 = arith.mulf %mul3A_24, %concatenate3A : vector<10000x80xf32>
    %swap3A_26 = arith.constant 0 : index
    %swap3A_27 = arith.constant 0 : index
    %swap3A_28 = vector.load %arg5[%swap3A_26, %swap3A_27] : memref<10000x80xf32, #tpu.memory_space<vmem>>, vector<10000x80xf32>
    tpu.vector_store %arg5[%swap3A_26, %swap3A_27], %mul3A_25 {strides = array<i32>} : memref<10000x80xf32, #tpu.memory_space<vmem>>, vector<10000x80xf32>,
    return
  }
}

module attributes {stable_mosaic.version = 14 : i64} {
  func.func @body(%arg0: memref<2x10240x80xf32, #tpu.memory_space<vmem>>, %arg1: memref<1x64xf32, #tpu.memory_space<vmem>>, %arg2: memref<64x32xf32, #tpu.memory_space<vmem>>, %arg3: memref<32x2xf32, #tpu.memory_space<vmem>>, %arg4: memref<10000x48xf32, #tpu.memory_space<vmem>>, %arg5: memref<10000x2xf32, #tpu.memory_space<vmem>>, %arg6: memref<10000x48xf32, #tpu.memory_space<vmem>>) attributes {dimension_semantics = [], scalar_prefetch = 0 : i64, scratch_operands = 0 : i64, tpu.core_type = #tpu.core_type<tc>} {
    %get3A = arith.constant 0 : index
    %get3A_0 = arith.constant 0 : index
    %get3A_1 = arith.constant 0 : index
    %get3A_2 = vector.load %arg0[%get3A, %get3A_0, %get3A_1] : memref<2x10240x80xf32, #tpu.memory_space<vmem>>, vector<1x10000x80xf32>
    %get3A_3 = vector.shape_cast %get3A_2 : vector<1x10000x80xf32> to vector<10000x80xf32>
    %get3A_4 = arith.constant 1 : index
    %get3A_5 = arith.constant 0 : index
    %get3A_6 = arith.constant 0 : index
    %get3A_7 = vector.load %arg0[%get3A_4, %get3A_5, %get3A_6] : memref<2x10240x80xf32, #tpu.memory_space<vmem>>, vector<1x10000x80xf32>
    %get3A_8 = vector.shape_cast %get3A_7 : vector<1x10000x80xf32> to vector<10000x80xf32>
    %add3A = arith.addf %get3A_3, %get3A_8 : vector<10000x80xf32>
    %slice3A = vector.extract_strided_slice %add3A {offsets = [0, 0], sizes = [10000, 64], strides = [1, 1]} : vector<10000x80xf32> to vector<10000x64xf32>
    %slice3A_9 = vector.extract_strided_slice %add3A {offsets = [0, 64], sizes = [10000, 1], strides = [1, 1]} : vector<10000x80xf32> to vector<10000x1xf32>
    %add3A_10 = arith.constant 1.000000e-16 : f32
    %add3A_11 = vector.broadcast %add3A_10 : f32 to vector<10000x1xf32>
    %add3A_12 = arith.addf %slice3A_9, %add3A_11 : vector<10000x1xf32>
    %div3A = vector.broadcast %add3A_12 : vector<10000x1xf32> to vector<10000x64xf32>
    %div3A_13 = arith.divf %slice3A, %div3A : vector<10000x64xf32>
    %get3A_14 = arith.constant 0 : index
    %get3A_15 = arith.constant 0 : index
    %get3A_16 = vector.load %arg1[%get3A_14, %get3A_15] : memref<1x64xf32, #tpu.memory_space<vmem>>, vector<1x64xf32>
    %add3A_17 = vector.broadcast %get3A_16 : vector<1x64xf32> to vector<10000x64xf32>
    %add3A_18 = arith.addf %div3A_13, %add3A_17 : vector<10000x64xf32>
    %max3A = arith.constant 0.000000e+00 : f32
    %max3A_19 = vector.broadcast %max3A : f32 to vector<10000x64xf32>
    %max3A_20 = arith.maximumf %add3A_18, %max3A_19 : vector<10000x64xf32>
    %get3A_21 = arith.constant 0 : index
    %get3A_22 = arith.constant 0 : index
    %get3A_23 = vector.load %arg2[%get3A_21, %get3A_22] : memref<64x32xf32, #tpu.memory_space<vmem>>, vector<64x32xf32>
    %dot_general3A = arith.constant dense<0.000000e+00> : vector<10000x32xf32>
    %dot_general3A_24 = tpu.matmul %max3A_20, %get3A_23, %dot_general3A {dimension_numbers = #tpu.dot_dimension_numbers<[1], [0], [0], [1], [0, 0, 1, 1], [], []>, transpose_lhs_hint = false} : vector<10000x64xf32>, vector<64x32xf32>, vector<10000x32xf32> -> vector<10000x32xf32>
    %broadcast_in_dim3A = arith.constant 1.000000e+00 : f32
    %broadcast_in_dim3A_25 = vector.broadcast %broadcast_in_dim3A : f32 to vector<10000x1xf32>
    %broadcast_in_dim3A_26 = arith.constant 0.000000e+00 : f32
    %broadcast_in_dim3A_27 = vector.broadcast %broadcast_in_dim3A_26 : f32 to vector<10000x15xf32>
    %concatenate3A = tpu.concatenate %dot_general3A_24, %broadcast_in_dim3A_25, %broadcast_in_dim3A_27 in 1 : vector<10000x32xf32>, vector<10000x1xf32>, vector<10000x15xf32> -> vector<10000x48xf32>
    %swap3A = arith.constant 0 : index
    %swap3A_28 = arith.constant 0 : index
    %swap3A_29 = vector.load %arg4[%swap3A, %swap3A_28] : memref<10000x48xf32, #tpu.memory_space<vmem>>, vector<10000x48xf32>
    tpu.vector_store %arg4[%swap3A, %swap3A_28], %concatenate3A {strides = array<i32>} : memref<10000x48xf32, #tpu.memory_space<vmem>>, vector<10000x48xf32>,
    %get3A_30 = arith.constant 0 : index
    %get3A_31 = arith.constant 0 : index
    %get3A_32 = vector.load %arg3[%get3A_30, %get3A_31] : memref<32x2xf32, #tpu.memory_space<vmem>>, vector<32x2xf32>
    %dot_general3A_33 = arith.constant dense<0.000000e+00> : vector<10000x2xf32>
    %dot_general3A_34 = tpu.matmul %dot_general3A_24, %get3A_32, %dot_general3A_33 {dimension_numbers = #tpu.dot_dimension_numbers<[1], [0], [0], [1], [0, 0, 1, 1], [], []>, transpose_lhs_hint = false} : vector<10000x32xf32>, vector<32x2xf32>, vector<10000x2xf32> -> vector<10000x2xf32>
    %swap3A_35 = arith.constant 0 : index
    %swap3A_36 = arith.constant 0 : index
    %swap3A_37 = vector.load %arg5[%swap3A_35, %swap3A_36] : memref<10000x2xf32, #tpu.memory_space<vmem>>, vector<10000x2xf32>
    tpu.vector_store %arg5[%swap3A_35, %swap3A_36], %dot_general3A_34 {strides = array<i32>} : memref<10000x2xf32, #tpu.memory_space<vmem>>, vector<10000x2xf32>,
    %slice3A_38 = vector.extract_strided_slice %dot_general3A_34 {offsets = [0, 0], sizes = [10000, 1], strides = [1, 1]} : vector<10000x2xf32> to vector<10000x1xf32>
    %slice3A_39 = vector.extract_strided_slice %dot_general3A_34 {offsets = [0, 1], sizes = [10000, 1], strides = [1, 1]} : vector<10000x2xf32> to vector<10000x1xf32>
    %add3A_40 = arith.addf %slice3A_38, %slice3A_39 : vector<10000x1xf32>
    %ge3A = arith.constant 0.000000e+00 : f32
    %ge3A_41 = vector.broadcast %ge3A : f32 to vector<10000x1xf32>
    %ge3A_42 = arith.cmpf oge, %add3A_40, %ge3A_41 : vector<10000x1xf32>
    %mul3A = arith.constant 2.000000e-01 : f32
    %mul3A_43 = vector.broadcast %mul3A : f32 to vector<10000x1xf32>
    %mul3A_44 = arith.mulf %add3A_40, %mul3A_43 : vector<10000x1xf32>
    %select_n3A = arith.select %ge3A_42, %add3A_40, %mul3A_44 : vector<10000x1xi1>, vector<10000x1xf32>
    %exp3A = math.exp %select_n3A : vector<10000x1xf32>
    %mul3A_45 = vector.broadcast %exp3A : vector<10000x1xf32> to vector<10000x48xf32>
    %mul3A_46 = arith.mulf %mul3A_45, %concatenate3A : vector<10000x48xf32>
    %swap3A_47 = arith.constant 0 : index
    %swap3A_48 = arith.constant 0 : index
    %swap3A_49 = vector.load %arg6[%swap3A_47, %swap3A_48] : memref<10000x48xf32, #tpu.memory_space<vmem>>, vector<10000x48xf32>
    tpu.vector_store %arg6[%swap3A_47, %swap3A_48], %mul3A_46 {strides = array<i32>} : memref<10000x48xf32, #tpu.memory_space<vmem>>, vector<10000x48xf32>,
    return
  }
}

module attributes {stable_mosaic.version = 14 : i64} {
  func.func @body(%arg0: memref<2x10240x48xf32, #tpu.memory_space<vmem>>, %arg1: memref<1x32xf32, #tpu.memory_space<vmem>>, %arg2: memref<32x64xf32, #tpu.memory_space<vmem>>, %arg3: memref<1x64xf32, #tpu.memory_space<vmem>>, %arg4: memref<10000x32xf32, #tpu.memory_space<vmem>>, %arg5: memref<10000x64xf32, #tpu.memory_space<vmem>>) attributes {dimension_semantics = [], scalar_prefetch = 0 : i64, scratch_operands = 0 : i64, tpu.core_type = #tpu.core_type<tc>} {
    %get3A = arith.constant 0 : index
    %get3A_0 = arith.constant 0 : index
    %get3A_1 = arith.constant 0 : index
    %get3A_2 = vector.load %arg0[%get3A, %get3A_0, %get3A_1] : memref<2x10240x48xf32, #tpu.memory_space<vmem>>, vector<1x10000x48xf32>
    %get3A_3 = vector.shape_cast %get3A_2 : vector<1x10000x48xf32> to vector<10000x48xf32>
    %get3A_4 = arith.constant 1 : index
    %get3A_5 = arith.constant 0 : index
    %get3A_6 = arith.constant 0 : index
    %get3A_7 = vector.load %arg0[%get3A_4, %get3A_5, %get3A_6] : memref<2x10240x48xf32, #tpu.memory_space<vmem>>, vector<1x10000x48xf32>
    %get3A_8 = vector.shape_cast %get3A_7 : vector<1x10000x48xf32> to vector<10000x48xf32>
    %add3A = arith.addf %get3A_3, %get3A_8 : vector<10000x48xf32>
    %slice3A = vector.extract_strided_slice %add3A {offsets = [0, 0], sizes = [10000, 32], strides = [1, 1]} : vector<10000x48xf32> to vector<10000x32xf32>
    %slice3A_9 = vector.extract_strided_slice %add3A {offsets = [0, 32], sizes = [10000, 1], strides = [1, 1]} : vector<10000x48xf32> to vector<10000x1xf32>
    %add3A_10 = arith.constant 1.000000e-16 : f32
    %add3A_11 = vector.broadcast %add3A_10 : f32 to vector<10000x1xf32>
    %add3A_12 = arith.addf %slice3A_9, %add3A_11 : vector<10000x1xf32>
    %div3A = vector.broadcast %add3A_12 : vector<10000x1xf32> to vector<10000x32xf32>
    %div3A_13 = arith.divf %slice3A, %div3A : vector<10000x32xf32>
    %get3A_14 = arith.constant 0 : index
    %get3A_15 = arith.constant 0 : index
    %get3A_16 = vector.load %arg1[%get3A_14, %get3A_15] : memref<1x32xf32, #tpu.memory_space<vmem>>, vector<1x32xf32>
    %add3A_17 = vector.broadcast %get3A_16 : vector<1x32xf32> to vector<10000x32xf32>
    %add3A_18 = arith.addf %div3A_13, %add3A_17 : vector<10000x32xf32>
    %max3A = arith.constant 0.000000e+00 : f32
    %max3A_19 = vector.broadcast %max3A : f32 to vector<10000x32xf32>
    %max3A_20 = arith.maximumf %add3A_18, %max3A_19 : vector<10000x32xf32>
    %swap3A = arith.constant 0 : index
    %swap3A_21 = arith.constant 0 : index
    %swap3A_22 = vector.load %arg4[%swap3A, %swap3A_21] : memref<10000x32xf32, #tpu.memory_space<vmem>>, vector<10000x32xf32>
    tpu.vector_store %arg4[%swap3A, %swap3A_21], %max3A_20 {strides = array<i32>} : memref<10000x32xf32, #tpu.memory_space<vmem>>, vector<10000x32xf32>,
    %get3A_23 = arith.constant 0 : index
    %get3A_24 = arith.constant 0 : index
    %get3A_25 = vector.load %arg2[%get3A_23, %get3A_24] : memref<32x64xf32, #tpu.memory_space<vmem>>, vector<32x64xf32>
    %dot_general3A = arith.constant dense<0.000000e+00> : vector<10000x64xf32>
    %dot_general3A_26 = tpu.matmul %max3A_20, %get3A_25, %dot_general3A {dimension_numbers = #tpu.dot_dimension_numbers<[1], [0], [0], [1], [0, 0, 1, 1], [], []>, transpose_lhs_hint = false} : vector<10000x32xf32>, vector<32x64xf32>, vector<10000x64xf32> -> vector<10000x64xf32>
    %get3A_27 = arith.constant 0 : index
    %get3A_28 = arith.constant 0 : index
    %get3A_29 = vector.load %arg3[%get3A_27, %get3A_28] : memref<1x64xf32, #tpu.memory_space<vmem>>, vector<1x64xf32>
    %add3A_30 = vector.broadcast %get3A_29 : vector<1x64xf32> to vector<10000x64xf32>
    %add3A_31 = arith.addf %dot_general3A_26, %add3A_30 : vector<10000x64xf32>
    %swap3A_32 = arith.constant 0 : index
    %swap3A_33 = arith.constant 0 : index
    %swap3A_34 = vector.load %arg5[%swap3A_32, %swap3A_33] : memref<10000x64xf32, #tpu.memory_space<vmem>>, vector<10000x64xf32>
    tpu.vector_store %arg5[%swap3A_32, %swap3A_33], %add3A_31 {strides = array<i32>} : memref<10000x64xf32, #tpu.memory_space<vmem>>, vector<10000x64xf32>,
    return
  }
}

</mosaic_0001>

<sc_bundles>
// kernel: kernel.10.cloned.1.call-start
scs
__scs_entry_jumppad:
0x0: {  	(pc) =	sbr.rel $0x88, $3  }
0x1: {  	(tag) =	ssettag $0x0;
	lr =	simm.s32 $0x1  }
0x2: {  	[smem:$0x3F95] =	sst lr;
	_ =	strace $0xD0000000  }
0x3: {  	_ = 	snop  }
0x4: {  	_ = 	snop  }
0x5: {  	_ = 	snop  }
0x6: {  	_ = 	snop  }
0x7: {  	_ = 	snop  }
__scs_overlays_trampoline_lowered:
0x8: {  	[smem:$0x3FA4] =	sst s0  }
0x9: {  	[smem:$0x3FA5] =	sst s1  }
0xa: {  	[smem:$0x3FA6] =	sst s2  }
0xb: {  	[smem:$0x3FA7] =	sst s3  }
0xc: {  	[smem:$0x3FA8] =	sst s4  }
0xd: {  	[smem:$0x3FA9] =	sst s5  }
0xe: {  	[smem:$0x3FAA] =	sst s6  }
0xf: {  	[smem:$0x3FAB] =	sst s7  }
0x10: {  	[smem:$0x3FAC] =	sst s8  }
0x11: {  	[smem:$0x3FAD] =	sst s9;
	s0 =	simm.s32 @!p0 $0x0  }
0x12: {  	s1 =	sld [smem:$0x3F93];
	s0 =	simm.s32 @p0 $0x1  }
0x13: {  	[smem:$0x3FAE] =	sst s0;
	s0 =	simm.s32 @!p1 $0x0  }
0x14: {  	s2 =	sld [smem:$0x3F92];
	s0 =	simm.s32 @p1 $0x1  }
0x15: {  	[smem:$0x3FAF] =	sst s0;
	s0 =	simm.s32 @!p2 $0x0  }
0x16: {  	s3 =	sld [smem:$0x3FDB];
	s0 =	simm.s32 @p2 $0x1  }
0x17: {  	s4 =	simm.s32 $0x1BF5;
	[smem:$0x3FB1] =	sst s0  }
0x18: {  	s0 =	sld [smem:$0x3F94];
	_ =	swait.ge [sflag:s4], $0x0  }
0x19: {  	s7 =	sld [smem:$0x3F95]  }
0x1a: {  	s8 =	sadd.s32 $0xFFFFE003, lr  }
0x1b: {  	s9 =	sadd.s32 $0xFFFFFEF7, lr;
	s5 =	simm.s32 $0xFFFFFFFF;
	p2 =	slt.u32 s8, $0xFFFFF086  }
0x1c: {  	p1 =	slt.u32 s9, $0xF7A;
	s5 =	simm.s32 @!p2 $0x0  }
0x1d: {  	s5 =	simm.s32 @p1 $0x1;
	p0 =	seq.s32 s7, s2  }
0x1e: {  	s7 =	smul.u32 @!p0 $0xF7A, s2;
	p2 =	seq.s32 @!p0 s5, $0x0  }
0x1f: {  	s9 =	smul.u32 $0xF7A, s1;
	s8 =	simm.s32 @!p0 $0x1BF5;
	p2 =	por !p2, p0  }
0x20: {  	[sflag:s8] =	ssyncset.s32 @!p0 $0xFFFFF086;
	s6 =	sadd.s32 @!p0 s3, s7;
	s7 =	simm.s32 @!p0 $0x108  }
0x21: {  	s3 =	sadd.s32 s3, s9;
	s6 =	sadd.s32 @!p0 $0x88, s6;
	s7 =	simm.s32 @p2 $0x1082  }
0x22: {  	[simem:s7], [sflag:s8] =	dma.local @!p0 [hbm:s6], $0xF7A  }
0x23: {  	s9 =	sor.u32 $0xD0000000, s2;
	s6 =	simm.s32 $0x108;
	_ =	swait.ge @!p0 [sflag:s8], $0x0  }
0x24: {  	s3 =	sadd.s32 $0x88, s3;
	s6 =	simm.s32 @!p1 $0x1082;
	[sflag:s4] =	ssyncset.s32 $0xFFFFF086  }
0x25: {  	[simem:s6], [sflag:s4] =	dma.local [hbm:s3], $0xF7A  }
0x26: {  	[smem:$0x3F95] =	sst s1;
	(tag) =	ssettag s2;
	_ =	strace s9  }
0x27: {  	s1 =	sld [smem:$0x3FA5]  }
0x28: {  	s2 =	sld [smem:$0x3FA6]  }
0x29: {  	s4 =	sld [smem:$0x3FA8]  }
0x2a: {  	p0 =	seq.s32 s5, $0x0;
	s5 =	sld [smem:$0x3FA9]  }
0x2b: {  	s6 =	sld [smem:$0x3FAA]  }
0x2c: {  	s7 =	sld [smem:$0x3FAB]  }
0x2d: {  	s3 =	simm.s32 $0x108;
	s8 =	sld [smem:$0x3FAC]  }
0x2e: {  	s3 =	simm.s32 @!p0 $0x1082;
	s9 =	sld [smem:$0x3FAD]  }
0x2f: {  	lr =	sadd.s32 s0, s3;
	s0 =	sld [smem:$0x3FA4]  }
0x30: {  	s3 =	sld [smem:$0x3FA7]  }
0x31: {  	[smem:$0x3FB0] =	sst s10  }
0x32: {  	s10 =	sld [smem:$0x3FAE];
	_ =	sdelay $0x3  }
0x33: {  	p0 =	seq.s32 s10, $0x1;
	s10 =	sld [smem:$0x3FB0];
	_ =	sdelay $0x3  }
0x34: {  	[smem:$0x3FB0] =	sst s10  }
0x35: {  	s10 =	sld [smem:$0x3FAF];
	_ =	sdelay $0x3  }
0x36: {  	p1 =	seq.s32 s10, $0x1;
	s10 =	sld [smem:$0x3FB0];
	_ =	sdelay $0x3  }
0x37: {  	[smem:$0x3FB0] =	sst s10  }
0x38: {  	s10 =	sld [smem:$0x3FB1]  }
0x39: {  	_ = 	snop;
	(pc) =	sbr.ind lr, $3  }
0x3a: {  	_ = 	snop  }
0x3b: {  	_ = 	snop  }
0x3c: {  	p2 =	seq.s32 s10, $0x1;
	s10 =	sld [smem:$0x3FB0]  }
0x3d: {  	_ =	shalt  }
0x3e: {  	_ =	shalt  }
0x3f: {  	_ =	shalt  }
0x40: {  	_ =	shalt  }
0x41: {  	_ =	shalt  }
0x42: {  	_ =	shalt  }
0x43: {  	_ =	shalt  }
0x44: {  	_ =	shalt  }
0x45: {  	_ =	shalt  }
0x46: {  	_ =	shalt  }
0x47: {  	_ =	shalt  }
0x48: {  	_ =	shalt  }
0x49: {  	_ =	shalt  }
0x4a: {  	_ =	shalt  }
0x4b: {  	_ =	shalt  }
0x4c: {  	_ =	shalt  }
0x4d: {  	_ =	shalt  }
0x4e: {  	_ =	shalt  }
0x4f: {  	_ =	shalt  }
0x50: {  	_ =	shalt  }
0x51: {  	_ =	shalt  }
0x52: {  	_ =	shalt  }
0x53: {  	_ =	shalt  }
0x54: {  	_ =	shalt  }
0x55: {  	_ =	shalt  }
0x56: {  	_ =	shalt  }
0x57: {  	_ =	shalt  }
0x58: {  	_ =	shalt  }
0x59: {  	_ =	shalt  }
0x5a: {  	_ =	shalt  }
0x5b: {  	_ =	shalt  }
0x5c: {  	_ =	shalt  }
0x5d: {  	_ =	shalt  }
0x5e: {  	_ =	shalt  }
0x5f: {  	_ =	shalt  }
0x60: {  	_ =	shalt  }
0x61: {  	_ =	shalt  }
0x62: {  	_ =	shalt  }
0x63: {  	_ =	shalt  }
0x64: {  	_ =	shalt  }
0x65: {  	_ =	shalt  }
0x66: {  	_ =	shalt  }
0x67: {  	_ =	shalt  }
0x68: {  	_ =	shalt  }
0x69: {  	_ =	shalt  }
0x6a: {  	_ =	shalt  }
0x6b: {  	_ =	shalt  }
0x6c: {  	_ =	shalt  }
0x6d: {  	_ =	shalt  }
0x6e: {  	_ =	shalt  }
0x6f: {  	_ =	shalt  }
0x70: {  	_ =	shalt  }
0x71: {  	_ =	shalt  }
0x72: {  	_ =	shalt  }
0x73: {  	_ =	shalt  }
0x74: {  	_ =	shalt  }
0x75: {  	_ =	shalt  }
0x76: {  	_ =	shalt  }
0x77: {  	_ =	shalt  }
0x78: {  	_ =	shalt  }
0x79: {  	_ =	shalt  }
0x7a: {  	_ =	shalt  }
0x7b: {  	_ =	shalt  }
0x7c: {  	_ =	shalt  }
0x7d: {  	_ =	shalt  }
0x7e: {  	_ =	shalt  }
0x7f: {  	_ =	shalt  }
0x80: {  	_ =	shalt  }
0x81: {  	_ =	shalt  }
0x82: {  	_ =	shalt  }
0x83: {  	_ =	shalt  }
0x84: {  	_ =	shalt  }
0x85: {  	_ =	shalt  }
0x86: {  	_ =	shalt  }
0x87: {  	_ =	shalt  }
.Lfunc_end0:
.L_simem_size_0:
called_computation.1_lowered:
.L_overlay_start_0:
0x88: {  	s2 =	sld [smem:$0x3FD9]  }
0x89: {  	s3 =	sld [smem:$0x3FFE];
	_ =	sdelay $0x1  }
0x8a: {  	s1 =	srdreg.scid  }
0x8b: {  	s0 =	sand.u32 $0x1, s1  }
0x8c: {  	s14 =	sshll.u32 s0, $0xA;
	s2 =	sadd.s32 s3, s2  }
0x8d: {  	s2 =	sadd.s32 s2, s14  }
0x8e: {  	[smem:$0x3FBC] =	sst s2  }
0x8f: {  	_ = 	snop  }
0x90: {  	s2 =	sld [smem:$0x3FD0];
	_ =	sdelay $0x2  }
0x91: {  	s15 =	simm.s32 $0xA;
	s4 =	simm.s32 $0x10  }
0x92: {  	[smem:s4], [sflag:s15] =	dma.local [hbm:s2], $0x1  }
0x93: {  	_ =	swait.eq [sflag:s15], $0x1  }
0x94: {  	[sflag:s15] =	ssyncset.done $0x0  }
0x95: {  	s16 =	sld [smem:$0x10];
	[sflag:s15] =	ssyncadd.s32 $0xFFFFFFFF  }
0x96: {  	s17 =	sld [smem:$0x11];
	(tm) =	ssettm $0x1  }
0x97: {  	s18 =	sld [smem:$0x3FFB];
	_ =	sdelay $0x3  }
0x98: {  	_ =	strace s18  }
0x99: {  	s4 =	sld [smem:$0x3FFC];
	_ =	sdelay $0x3  }
0x9a: {  	_ =	strace s4  }
0x9b: {  	s4 =	sld [smem:$0x3FFD];
	_ =	sdelay $0x3  }
0x9c: {  	_ =	strace s4  }
0x9d: {  	_ =	strace $0x8FFFFFFF  }
0x9e: {  	s19 =	sld [smem:$0x3FDB];
	_ =	sdelay $0x1  }
0x9f: {  	s5 =	simm.s32 $_scs_section_size  }
0xa0: {  	s6 =	simm.s32 $_size__tile_overlayer_lowered;
	s7 =	simm.s32 $_tile_overlayer_lowered  }
0xa1: {  	s22 =	simm.s32 $0x1BFF;
	s21 =	sshll.u32 s7, $0x1;
	s4 =	sadd.s32 s5, s19  }
0xa2: {  	s8 =	simm.s32 $0x0;
	s20 =	sshll.u32 s6, $0x1;
	s6 =	sadd.s32 s21, s4  }
0xa3: {  	[timem:s8], [sflag:s22] =	dma.local [hbm:s6], s20  }
0xa4: {  	_ =	swait.ge [sflag:s22], s20  }
0xa5: {  	s5 =	ssub.s32 $0x0, s20;
	[sflag:s22] =	ssyncset.done $0x0  }
0xa6: {  	[sflag:s22] =	ssyncadd.s32 s5;
	_ =	sdelay $0x1  }
0xa7: {  	s23 =	simm.s32 $0x1B8B  }
0xa8: {  	_ =	swait.ge [sflag:s23], $0x1  }
0xa9: {  	[sflag:s23] =	ssyncset.done $0x0  }
0xaa: {  	s25 =	simm.s32 $0x1B8E;
	s24 =	sld [smem:$0x3FFE];
	[sflag:s23] =	ssyncadd.s32 $0xFFFFFFFF  }
0xab: {  	s26 =	simm.s32 $execute0_lowered;
	[smem:$0x3FD2] =	sst s25  }
0xac: {  	s6 =	sshll.u32 s26, $0x1;
	_ =	strace $0x80000049;
	[dreg:$0x1] =	wrdreg $0xFFFFFFFF  }
0xad: {  	s28 =	simm.s32 $_size_execute0_lowered;
	s4 =	sadd.s32 s4, s6;
	[dreg:$0x0] =	wrdreg $0x0  }
0xae: {  	s6 =	sshll.u32 s28, $0x1;
	[dreg:$0x2] =	wrdreg s4  }
0xaf: {  	[dreg:$0x3] =	wrdreg s6  }
0xb0: {  	[dreg:$0x4] =	wrdreg $0xC0  }
0xb1: {  	_ =	task [dreg:s8], $0x5FFFF  }
0xb2: {  	[dreg:$0x1] =	wrdreg $0xFFFFFFFF  }
0xb3: {  	[dreg:$0x0] =	wrdreg $0x60  }
0xb4: {  	[dreg:$0x2] =	wrdreg s17  }
0xb5: {  	[dreg:$0x3] =	wrdreg s16  }
0xb6: {  	[dreg:$0x4] =	wrdreg s24  }
0xb7: {  	[dreg:$0x5] =	wrdreg $0xCEA00  }
0xb8: {  	[dreg:$0x6] =	wrdreg $0x9  }
0xb9: {  	_ =	task.clear_ibuf [dreg:s8], $0x7FFFF;
	_ =	strace $0x90000049  }
0xba: {  	s29 =	simm.s32 $0x9;
	_ =	strace $0x8000004B  }
0xbb: {  	_ =	swait.ge [sflag:s29], $0x1  }
0xbc: {  	[sflag:s29] =	ssyncadd.s32 $0xFFFFFFFF  }
0xbd: {  	_ =	strace $0x9000004B  }
0xbe: {  	_ =	sfence  }
0xbf: {  	s30 =	sld [smem:$0x0];
	_ =	sdelay $0x2  }
0xc0: {  	s31 =	sshll.u32 s1, $0xD;
	s1 =	sshrl.u32 s1, $0x2  }
0xc1: {  	s3 =	sand.u32 $0x4000, s31;
	s1 =	sadd.s32 s1, s30  }
0xc2: {  	s0 =	sor.u32 s3, s0;
	s1 =	sshll.u32 s1, $0x11  }
0xc3: {  	s0 =	sor.u32 s1, s0  }
0xc4: {  	s0 =	sadd.s32 $0x8F2B, s0  }
0xc5: {  	[sflag:s0] =	ssyncadd.remote.s32 $0x1  }
0xc6: {  	_ =	sfence.sel $0xFFFF  }
0xc7: {  	[dreg:$0x0] =	wrdreg $0xFFFFFFFF;
	(pc) =	sbr.abs _section_cstart, $3  }
0xc8: {  	[dreg:$0x1] =	wrdreg $0xFFFFFFFF  }
0xc9: {  	_ =	task.clear_ibuf [dreg:s8], $0x2FFFF;
	_ =	strace $0x9FFFFFFF  }
0xca: {  	(tm) =	ssettm $0x7FFFFFFF  }
0xcb: {  	_ =	shalt  }
tec
execute0_lowered:
.L_overlay_start_1:
0x0: {  	(tag) =	ssettag $0x1  }
0x1: {  	s1 =	rddreg [dreg:$0x0]  }
0x2: {  	s2 =	rddreg [dreg:$0x1]  }
0x3: {  	s6 =	rddreg [dreg:$0x2];
	s0 =	stileid.u32  }
0x4: {  	s3 =	srdreg.scid;
	s4 =	rddreg [dreg:$0x3]  }
0x5: {  	s5 =	simm.s32 $0x0;
	s16 =	simm.s32 $0x80;
	s17 =	simm.s32 $0x9E20  }
0x6: {  	s18 =	simm.s32 $0x4EA0;
	s19 =	simm.s32 $0xB620;
	s20 =	simm.s32 $0x1  }
0x7: {  	s21 =	simm.s32 $0x2;
	s23 =	simm.s32 $0x0;
	s8 =	smul.u32 $0x7530, s0  }
0x8: {  	s7 =	sand.u32 $0x1, s3;
	s3 =	rddreg [dreg:$0x4];
	s11 =	smul.u32 $0x7800, s0  }
0x9: {  	[smem:$0x7FF] =	sst s5;
	s14 =	sshll.u32 s0, $0x6;
	s9 =	smul.u32 $0x78000, s7  }
0xa: {  	s10 =	sshll.u32 s7, $0x4;
	_ =	strace $0x8000004A;
	s7 =	ssub.s32 $0x2, s7  }
0xb: {  	s14 =	sor.u32 $0x1C03, s14;
	s12 =	sshrl.u32 s8, $0x3;
	s10 =	sor.u32 s0, s10  }
0xc: {  	s13 =	sshrl.u32 s7, $0x1;
	s15 =	sadd.s32 s8, s4;
	s22 =	sadd.s32 s11, s4  }
0xd: {  	s10 =	smul.u32 $0x500, s10;
	s9 =	sadd.s32 s11, s9;
	s12 =	sadd.s32 s12, s6  }
.Ltmp0:
0xe: {  	s13 =	ssub.s32 s7, s13;
	s11 =	simm.s32 $0x4E20;
	(pc) =	sbr.rel .LBB2_1-.Ltmp0, $4  }
0xf: {  	s15 =	sshrl.u32 s15, $0x3;
	s22 =	sshrl.u32 s22, $0x3;
	s9 =	sshrl.u32 s9, $0x3  }
0x10: {  	s8 =	sadd.s32 $0x15E00, s12;
	s12 =	simm.s32 $0x3;
	s10 =	sadd.s32 s10, s6  }
0x11: {  	s9 =	sadd.s32 s9, s6;
	s6 =	sadd.s32 $0x1E00, s10;
	s7 =	sadd.s32 $0xBE00, s10  }
0x12: {  	s9 =	sadd.s32 $0x24A00, s9;
	s10 =	smax.u32 s13, $0x1;
	s13 =	simm.s32 $0x7620  }
.LBB2_8:
0x13: {  	s23 =	sadd.s32 $0x1, s23  }
0x14: {  	p0 =	sne.s32 s23, s10  }
.Ltmp1:
0x15: {  	[bflag:$0x0] =	sbarrier.arrive $0xFFFF;
	(pc) =	sbr.rel @!p0 .LBB2_9-.Ltmp1, $4  }
0x16: {  	[hbm:s9], [sflag:s14] =	dma.local [spmem:s22], $0xF00  }
0x17: {  	_ =	swait.ge [sflag:s12], $0xF00  }
0x18: {  	[sflag:s12] =	ssyncset.done $0x0  }
0x19: {  	[sflag:s12] =	ssyncadd.s32 $0xFFFFF100  }
.LBB2_1:
0x1a: {  	[tilespmem:s11], [sflag:$0x3] =	stream.linear.gather [hbm4b:s6+s5], $0x2800, $0x38;
	[tilespmem:$0x146A0] =	vst v63  }
0x1b: {  	_ =	swait.ge [sflag:s12], $0x2800  }
0x1c: {  	[sflag:s12] =	ssyncset.done $0x0  }
0x1d: {  	[sflag:s12] =	ssyncadd.s32 $0xFFFFD800  }
0x1e: {  	[tilespmem:s13], [sflag:$0x3] =	stream.linear.gather [hbm4b:s7+s5], $0x2800, $0x38;
	[tilespmem:$0x146A0] =	vst v63  }
0x1f: {  	_ =	swait.ge [sflag:s12], $0x2800  }
0x20: {  	[sflag:s12] =	ssyncset.done $0x0  }
0x21: {  	[sflag:s12] =	ssyncadd.s32 $0xFFFFD800  }
0x22: {  	[tilespmem:s5], [sflag:$0x3] =	stream.linear.gather [hbm4b:s2+s5], $0x4E20, $0x38;
	[tilespmem:$0x146A0] =	vst v63  }
0x23: {  	_ =	swait.ge [sflag:s12], $0x4E20  }
0x24: {  	[sflag:s12] =	ssyncset.done $0x0  }
0x25: {  	[sflag:s12] =	ssyncadd.s32 $0xFFFFB1E0  }
0x26: {  	[spmem:s15], [sflag:s14] =	dma.local [hbm:s8], $0xEA6  }
0x27: {  	_ =	swait.ge [sflag:s12], $0xEA6  }
0x28: {  	[sflag:s12] =	ssyncset.done $0x0  }
0x29: {  	[sflag:s12] =	ssyncadd.s32 $0xFFFFF15A  }
0x2a: {  	[bflag:$0x0] =	sbarrier.arrive $0xFFFF  }
0x2b: {  	[tilespmem:s17], [sflag:$0x1] =	stream.indirect.gather [hbm4b:s1+s16], $0x30, s11, s16, $0xb8;
	[tilespmem:$0x146A0] =	vst v63  }
0x2c: {  	s24 =	simm.s32 $0x0  }
0x2d: {  	[tilespmem:s19], [sflag:$0x2] =	stream.indirect.gather [hbm4b:s1+s16], $0x30, s18, s16, $0xb8;
	[tilespmem:$0x146A0] =	vst v63  }
.LBB2_2:
0x2e: {  	_ =	swait.ge [sflag:s20], $0x1800  }
0x2f: {  	[sflag:s20] =	ssyncset.done $0x0  }
0x30: {  	s25 =	sshll.u32 s24, $0x8;
	[sflag:s20] =	ssyncadd.s32 $0xFFFFE800  }
0x31: {  	v0 =	vld [tilespmem:s25+$0x7620];
	_ =	sdelay $0x1  }
0x32: {  	v1 =	vld [tilespmem:s25+$0x4E20];
	_ =	sdelay $0x2  }
0x33: {  	vm0 =	vlt.s32 v0, $0x270F  }
0x34: {  	v0 =	vnsel vm0, $0x270F, v0  }
0x35: {  	v1 =	vshll.u32 v1, $0x1;
	v0 =	vshll.u32 v0, $0x1  }
0x36: {  	v0 =	vor.u32 $0x1, v0;
	_ =	sdelay $0x2  }
0x37: {  	s26 =	simm.s32 $0x0  }
0x38: {  	v1 =	vld.idx.msk [tilespmem:v1+s26+$0x0], $0xffff  }
0x39: {  	v0 =	vld.idx.msk [tilespmem:v0+s26+$0x0], $0xffff;
	_ =	sdelay $0x4  }
0x3a: {  	v0 =	vadd.f32 v0, v1;
	_ =	sdelay $0x1  }
0x3b: {  	v1 =	vmul.f32 $2.000000030e-01, v0  }
0x3c: {  	vm13 =	vge.f32 v0, $0.0e+00  }
0x3d: {  	v0 =	vsel vm13, v0, v1  }
0x3e: {  	v0 =	vmul.f32 $1.442695020e+00, v0;
	_ =	sdelay $0x1  }
0x3f: {  	(erf) = vpow2.f32 v0;
	_ =	sdelay $0x8  }
0x40: {  	v0 =	vpop (erf)  }
0x41: {  	[tilespmem:$0xCE20] =	vst v0  }
0x42: {  	v0 =	vld [tilespmem:s25+$0x7630];
	_ =	sdelay $0x1  }
0x43: {  	v1 =	vld [tilespmem:s25+$0x4E30];
	_ =	sdelay $0x2  }
0x44: {  	vm14 =	vlt.s32 v0, $0x270F  }
0x45: {  	v0 =	vnsel vm14, $0x270F, v0  }
0x46: {  	v1 =	vshll.u32 v1, $0x1;
	v0 =	vshll.u32 v0, $0x1  }
0x47: {  	v0 =	vor.u32 $0x1, v0;
	_ =	sdelay $0x3  }
0x48: {  	v1 =	vld.idx.msk [tilespmem:v1+s26+$0x0], $0xffff  }
0x49: {  	v0 =	vld.idx.msk [tilespmem:v0+s26+$0x0], $0xffff;
	_ =	sdelay $0x4  }
0x4a: {  	v0 =	vadd.f32 v0, v1;
	_ =	sdelay $0x1  }
0x4b: {  	v1 =	vmul.f32 $2.000000030e-01, v0  }
0x4c: {  	vm15 =	vge.f32 v0, $0.0e+00  }
0x4d: {  	v0 =	vsel vm15, v0, v1  }
0x4e: {  	v0 =	vmul.f32 $1.442695020e+00, v0;
	_ =	sdelay $0x1  }
0x4f: {  	(erf) = vpow2.f32 v0;
	_ =	sdelay $0x8  }
0x50: {  	v0 =	vpop (erf)  }
0x51: {  	[tilespmem:$0xCE30] =	vst v0  }
0x52: {  	v0 =	vld [tilespmem:s25+$0x7640];
	_ =	sdelay $0x1  }
0x53: {  	v1 =	vld [tilespmem:s25+$0x4E40];
	_ =	sdelay $0x2  }
0x54: {  	vm4 =	vlt.s32 v0, $0x270F  }
0x55: {  	v0 =	vnsel vm4, $0x270F, v0  }
0x56: {  	v1 =	vshll.u32 v1, $0x1;
	v0 =	vshll.u32 v0, $0x1  }
0x57: {  	v0 =	vor.u32 $0x1, v0;
	_ =	sdelay $0x3  }
0x58: {  	v1 =	vld.idx.msk [tilespmem:v1+s26+$0x0], $0xffff  }
0x59: {  	v0 =	vld.idx.msk [tilespmem:v0+s26+$0x0], $0xffff;
	_ =	sdelay $0x4  }
0x5a: {  	v0 =	vadd.f32 v0, v1;
	_ =	sdelay $0x1  }
0x5b: {  	v1 =	vmul.f32 $2.000000030e-01, v0  }
0x5c: {  	vm5 =	vge.f32 v0, $0.0e+00  }
0x5d: {  	v0 =	vsel vm5, v0, v1  }
0x5e: {  	v0 =	vmul.f32 $1.442695020e+00, v0;
	_ =	sdelay $0x1  }
0x5f: {  	(erf) = vpow2.f32 v0;
	_ =	sdelay $0x8  }
0x60: {  	v0 =	vpop (erf)  }
0x61: {  	[tilespmem:$0xCE40] =	vst v0  }
0x62: {  	v0 =	vld [tilespmem:s25+$0x7650];
	_ =	sdelay $0x1  }
0x63: {  	v1 =	vld [tilespmem:s25+$0x4E50];
	_ =	sdelay $0x2  }
0x64: {  	vm6 =	vlt.s32 v0, $0x270F  }
0x65: {  	v0 =	vnsel vm6, $0x270F, v0  }
0x66: {  	v1 =	vshll.u32 v1, $0x1;
	v0 =	vshll.u32 v0, $0x1  }
0x67: {  	v0 =	vor.u32 $0x1, v0;
	_ =	sdelay $0x3  }
0x68: {  	v1 =	vld.idx.msk [tilespmem:v1+s26+$0x0], $0xffff  }
0x69: {  	v0 =	vld.idx.msk [tilespmem:v0+s26+$0x0], $0xffff;
	_ =	sdelay $0x4  }
0x6a: {  	v0 =	vadd.f32 v0, v1;
	_ =	sdelay $0x1  }
0x6b: {  	v1 =	vmul.f32 $2.000000030e-01, v0  }
0x6c: {  	vm7 =	vge.f32 v0, $0.0e+00  }
0x6d: {  	v0 =	vsel vm7, v0, v1  }
0x6e: {  	v0 =	vmul.f32 $1.442695020e+00, v0;
	_ =	sdelay $0x1  }
0x6f: {  	(erf) = vpow2.f32 v0;
	_ =	sdelay $0x8  }
0x70: {  	v0 =	vpop (erf)  }
0x71: {  	[tilespmem:$0xCE50] =	vst v0  }
0x72: {  	v0 =	vld [tilespmem:s25+$0x7660];
	_ =	sdelay $0x1  }
0x73: {  	v1 =	vld [tilespmem:s25+$0x4E60];
	_ =	sdelay $0x2  }
0x74: {  	vm8 =	vlt.s32 v0, $0x270F  }
0x75: {  	v0 =	vnsel vm8, $0x270F, v0  }
0x76: {  	v1 =	vshll.u32 v1, $0x1;
	v0 =	vshll.u32 v0, $0x1  }
0x77: {  	v0 =	vor.u32 $0x1, v0;
	_ =	sdelay $0x3  }
0x78: {  	v1 =	vld.idx.msk [tilespmem:v1+s26+$0x0], $0xffff  }
0x79: {  	v0 =	vld.idx.msk [tilespmem:v0+s26+$0x0], $0xffff;
	_ =	sdelay $0x4  }
0x7a: {  	v0 =	vadd.f32 v0, v1;
	_ =	sdelay $0x1  }
0x7b: {  	v1 =	vmul.f32 $2.000000030e-01, v0  }
0x7c: {  	vm9 =	vge.f32 v0, $0.0e+00  }
0x7d: {  	v0 =	vsel vm9, v0, v1  }
0x7e: {  	v0 =	vmul.f32 $1.442695020e+00, v0;
	_ =	sdelay $0x1  }
0x7f: {  	(erf) = vpow2.f32 v0;
	_ =	sdelay $0x8  }
0x80: {  	v0 =	vpop (erf)  }
0x81: {  	[tilespmem:$0xCE60] =	vst v0  }
0x82: {  	v0 =	vld [tilespmem:s25+$0x7670];
	_ =	sdelay $0x1  }
0x83: {  	v1 =	vld [tilespmem:s25+$0x4E70];
	_ =	sdelay $0x2  }
0x84: {  	vm10 =	vlt.s32 v0, $0x270F  }
0x85: {  	v0 =	vnsel vm10, $0x270F, v0  }
0x86: {  	v1 =	vshll.u32 v1, $0x1;
	v0 =	vshll.u32 v0, $0x1  }
0x87: {  	v0 =	vor.u32 $0x1, v0;
	_ =	sdelay $0x3  }
0x88: {  	v1 =	vld.idx.msk [tilespmem:v1+s26+$0x0], $0xffff  }
0x89: {  	v0 =	vld.idx.msk [tilespmem:v0+s26+$0x0], $0xffff;
	_ =	sdelay $0x4  }
0x8a: {  	v0 =	vadd.f32 v0, v1;
	_ =	sdelay $0x1  }
0x8b: {  	v1 =	vmul.f32 $2.000000030e-01, v0  }
0x8c: {  	vm11 =	vge.f32 v0, $0.0e+00  }
0x8d: {  	v0 =	vsel vm11, v0, v1  }
0x8e: {  	v0 =	vmul.f32 $1.442695020e+00, v0;
	_ =	sdelay $0x1  }
0x8f: {  	(erf) = vpow2.f32 v0;
	_ =	sdelay $0x8  }
0x90: {  	v0 =	vpop (erf)  }
0x91: {  	[tilespmem:$0xCE70] =	vst v0  }
0x92: {  	v0 =	vld [tilespmem:s25+$0x7680];
	_ =	sdelay $0x1  }
0x93: {  	v1 =	vld [tilespmem:s25+$0x4E80];
	_ =	sdelay $0x2  }
0x94: {  	vm12 =	vlt.s32 v0, $0x270F  }
0x95: {  	v0 =	vnsel vm12, $0x270F, v0  }
0x96: {  	v1 =	vshll.u32 v1, $0x1;
	v0 =	vshll.u32 v0, $0x1  }
0x97: {  	v0 =	vor.u32 $0x1, v0;
	_ =	sdelay $0x3  }
0x98: {  	v1 =	vld.idx.msk [tilespmem:v1+s26+$0x0], $0xffff  }
0x99: {  	v0 =	vld.idx.msk [tilespmem:v0+s26+$0x0], $0xffff;
	_ =	sdelay $0x4  }
0x9a: {  	v0 =	vadd.f32 v0, v1;
	_ =	sdelay $0x1  }
0x9b: {  	v1 =	vmul.f32 $2.000000030e-01, v0  }
0x9c: {  	vm13 =	vge.f32 v0, $0.0e+00  }
0x9d: {  	v0 =	vsel vm13, v0, v1  }
0x9e: {  	v0 =	vmul.f32 $1.442695020e+00, v0;
	_ =	sdelay $0x1  }
0x9f: {  	(erf) = vpow2.f32 v0;
	_ =	sdelay $0x8  }
0xa0: {  	v0 =	vpop (erf)  }
0xa1: {  	[tilespmem:$0xCE80] =	vst v0  }
0xa2: {  	v0 =	vld [tilespmem:s25+$0x7690];
	_ =	sdelay $0x1  }
0xa3: {  	v1 =	vld [tilespmem:s25+$0x4E90];
	_ =	sdelay $0x2  }
0xa4: {  	vm14 =	vlt.s32 v0, $0x270F  }
0xa5: {  	v0 =	vnsel vm14, $0x270F, v0  }
0xa6: {  	v1 =	vshll.u32 v1, $0x1;
	v0 =	vshll.u32 v0, $0x1  }
0xa7: {  	v0 =	vor.u32 $0x1, v0;
	_ =	sdelay $0x3  }
0xa8: {  	v1 =	vld.idx.msk [tilespmem:v1+s26+$0x0], $0xffff  }
0xa9: {  	v0 =	vld.idx.msk [tilespmem:v0+s26+$0x0], $0xffff;
	_ =	sdelay $0x4  }
0xaa: {  	v0 =	vadd.f32 v0, v1;
	_ =	sdelay $0x1  }
0xab: {  	v1 =	vmul.f32 $2.000000030e-01, v0  }
0xac: {  	vm15 =	vge.f32 v0, $0.0e+00  }
0xad: {  	v0 =	vsel vm15, v0, v1  }
0xae: {  	v0 =	vmul.f32 $1.442695020e+00, v0;
	_ =	sdelay $0x1  }
0xaf: {  	(erf) = vpow2.f32 v0;
	_ =	sdelay $0x8  }
0xb0: {  	v0 =	vpop (erf)  }
0xb1: {  	s26 =	simm.s32 $0x9FA0;
	[tilespmem:$0xCE90] =	vst v0  }
0xb2: {  	v10 =	vld [tilespmem:s26+$0x160]  }
0xb3: {  	v0 =	vld [tilespmem:s26+$0xFFFFFFF0]  }
0xb4: {  	v1 =	vld [tilespmem:s26+$0xFFFFFEA0]  }
0xb5: {  	v2 =	vld [tilespmem:s26+$0xFFFFFFA0]  }
0xb6: {  	v14 =	vld [tilespmem:s26+$0xFFFFFE90]  }
0xb7: {  	v18 =	vld [tilespmem:s26+$0x90]  }
0xb8: {  	v16 =	vld [tilespmem:s26+$0xFFFFFEE0]  }
0xb9: {  	v26 =	vld [tilespmem:s26+$0x150]  }
0xba: {  	v4 =	vld [tilespmem:s26+$0x0]  }
0xbb: {  	v11 =	vld [tilespmem:s26+$0xB0]  }
0xbc: {  	v15 =	vld [tilespmem:s26+$0xFFFFFFB0]  }
0xbd: {  	v19 =	vld [tilespmem:s26+$0xFFFFFEF0]  }
0xbe: {  	v20 =	vld [tilespmem:s26+$0x120]  }
0xbf: {  	v24 =	vld [tilespmem:s26+$0x170]  }
0xc0: {  	v25 =	vld [tilespmem:s26+$0xFFFFFF00]  }
0xc1: {  	v6 =	vld [tilespmem:s26+$0xFFFFFFC0]  }
0xc2: {  	v17 =	vld [tilespmem:s26+$0x70]  }
0xc3: {  	s28 =	simm.s32 $0x0;
	v22 =	vld [tilespmem:s26+$0x140]  }
0xc4: {  	v13 =	vld [tilespmem:s28+$0xCE20]  }
0xc5: {  	v3 =	vld [tilespmem:s26+$0x60]  }
0xc6: {  	v8 =	vld [tilespmem:s26+$0xFFFFFE80]  }
0xc7: {  	v9 =	vld [tilespmem:s26+$0x10]  }
0xc8: {  	v12 =	vld [tilespmem:s26+$0xFFFFFF90]  }
0xc9: {  	v28 =	vld [tilespmem:s26+$0x100];
	v5 =	vbroadcast v13, $0x0;
	v21 =	vbroadcast v13, $0xF  }
0xca: {  	v27 =	vld [tilespmem:s26+$0x110];
	v23 =	vbroadcast v13, $0x2;
	v7 =	vbroadcast v13, $0xE  }
0xcb: {  	v31 =	vmul.f32 v5, v8;
	v8 =	vld [tilespmem:s26+$0xFFFFFF20];
	v30 =	vmul.f32 v26, v21  }
0xcc: {  	s29 =	simm.s32 $0x40;
	s30 =	simm.s32 $0x9FA0;
	s28 =	sadd.s32 $0x7620, s25;
	v29 =	vmul.f32 v16, v23;
	v16 =	vld [tilespmem:s26+$0xFFFFFF40];
	v26 =	vbroadcast v13, $0xD  }
.LBB2_3:
0xcd: {  	p0 =	sne.s32 s29, $0x1C0  }
0xce: {  	[tilespmem:s26+$0xFFFFFE80] =	vst v31;
	v25 =	vmul.f32 v25, v23;
	v31 =	vld [tilespmem:s26+$0xFFFFFF50];
	v24 =	vmul.f32 v24, v21;
	s30 =	sadd.s32 $0x300, s30;
	s31 =	smov.u32 s29;
	s29 =	sadd.s32 $0x40, s29  }
0xcf: {  	v32 =	vbroadcast v13, $0xB;
	v33 =	vld [tilespmem:s26+$0xF0];
	v28 =	vmul.f32 v28, v26;
	[tilespmem:s26+$0x150] =	vst v30  }
0xd0: {  	v30 =	vld [tilespmem:s26+$0xFFFFFEC0];
	[tilespmem:s26+$0xFFFFFEE0] =	vst v29;
	v29 =	vbroadcast v13, $0x6;
	v27 =	vmul.f32 v27, v26  }
0xd1: {  	v20 =	vmul.f32 v20, v7;
	v22 =	vmul.f32 v22, v7;
	v34 =	vld [tilespmem:s26+$0x80];
	[tilespmem:s26+$0x100] =	vst v28  }
0xd2: {  	v35 =	vbroadcast v13, $0xA;
	v18 =	vmul.f32 v18, v32;
	v28 =	vld [tilespmem:s26+$0xFFFFFED0];
	[tilespmem:s26+$0x170] =	vst v24  }
0xd3: {  	v10 =	vmul.f32 v10, v21;
	v24 =	vbroadcast v13, $0x1;
	[tilespmem:s26+$0xFFFFFF00] =	vst v25;
	v25 =	vld [tilespmem:s26+$0xC0]  }
0xd4: {  	v19 =	vmul.f32 v19, v23;
	[tilespmem:s26+$0x90] =	vst v18;
	v18 =	vmul.f32 v33, v26;
	v21 =	vld [tilespmem:s26+$0x130]  }
0xd5: {  	v26 =	vbroadcast v13, $0x5;
	v23 =	vmul.f32 v30, v24;
	v30 =	vld [tilespmem:s26+$0xD0];
	[tilespmem:s26+$0x120] =	vst v20  }
0xd6: {  	v14 =	vmul.f32 v14, v5;
	v20 =	vld [tilespmem:s26+$0x30];
	v33 =	vmul.f32 v34, v35;
	[tilespmem:s26+$0x110] =	vst v27  }
0xd7: {  	v27 =	vmul.f32 v28, v24;
	v28 =	vbroadcast v13, $0x3;
	v34 =	vld [tilespmem:s26+$0xE0];
	[tilespmem:s26+$0x140] =	vst v22  }
0xd8: {  	v17 =	vmul.f32 v17, v35;
	v22 =	vbroadcast v13, $0xC;
	[tilespmem:s26+$0xFFFFFEF0] =	vst v19;
	v19 =	vld [tilespmem:s26+$0xFFFFFF70]  }
0xd9: {  	v36 =	vbroadcast v13, $0x8;
	v15 =	vmul.f32 v15, v29;
	[tilespmem:s26+$0xFFFFFE90] =	vst v14;
	v14 =	vld [tilespmem:s26+$0xFFFFFF60]  }
0xda: {  	v38 =	vbroadcast v13, $0x7;
	v37 =	vld [tilespmem:s26+$0xFFFFFEB0];
	[tilespmem:s26+$0x70] =	vst v17;
	v17 =	vmul.f32 v25, v22  }
0xdb: {  	v25 =	vbroadcast v13, $0x9;
	v30 =	vmul.f32 v30, v22;
	[tilespmem:s26+$0xFFFFFFB0] =	vst v15;
	v15 =	vld [tilespmem:s26+$0xFFFFFFD0]  }
0xdc: {  	v13 =	vbroadcast v13, $0x4;
	v39 =	vld [tilespmem:s26+$0xFFFFFF80];
	v22 =	vmul.f32 v34, v22;
	[tilespmem:s26+$0xF0] =	vst v18  }
0xdd: {  	v11 =	vmul.f32 v11, v32;
	v18 =	vmul.f32 v20, v25;
	v20 =	vld [tilespmem:s26+$0xA0];
	[tilespmem:s26+$0x160] =	vst v10  }
0xde: {  	v16 =	vmul.f32 v16, v13;
	v10 =	vmul.f32 v31, v13;
	v31 =	vld [tilespmem:s26+$0x50];
	[tilespmem:s26+$0xC0] =	vst v17  }
0xdf: {  	v13 =	vmul.f32 v14, v13;
	v17 =	vmul.f32 v37, v24;
	[tilespmem:s26+$0x30] =	vst v18;
	v14 =	vld [tilespmem:s26+$0x40]  }
0xe0: {  	v19 =	vmul.f32 v19, v26;
	v24 =	vmul.f32 v15, v38;
	v15 =	vld [tilespmem:s26+$0x20];
	[tilespmem:s26+$0x80] =	vst v33  }
0xe1: {  	v12 =	vmul.f32 v12, v26;
	v18 =	vld [tilespmem:s26+$0xFFFFFF10];
	v33 =	vmul.f32 v39, v26;
	[tilespmem:s26+$0xB0] =	vst v11  }
0xe2: {  	v4 =	vmul.f32 v4, v36;
	[tilespmem:s26+$0xFFFFFF50] =	vst v10;
	v11 =	vld [tilespmem:s26+$0xFFFFFFE0];
	v20 =	vmul.f32 v20, v32  }
0xe3: {  	v9 =	vmul.f32 v9, v36;
	v6 =	vmul.f32 v6, v29;
	v10 =	vld [tilespmem:s30+$0x160];
	[tilespmem:s26+$0xFFFFFEC0] =	vst v23  }
0xe4: {  	v26 =	vmul.f32 v31, v25;
	v23 =	vld [tilespmem:s26+$0xFFFFFF30];
	[tilespmem:s26+$0xFFFFFF40] =	vst v16;
	v16 =	vmul.f32 v14, v25  }
0xe5: {  	v7 =	vmul.f32 v21, v7;
	[tilespmem:s26+$0xFFFFFED0] =	vst v27;
	v25 =	vmul.f32 v15, v36  }
0xe6: {  	v8 =	vmul.f32 v8, v28;
	v15 =	vmul.f32 v18, v28;
	[tilespmem:s26+$0x0] =	vst v4  }
0xe7: {  	v4 =	vmul.f32 v0, v38;
	v21 =	vmul.f32 v11, v38;
	[tilespmem:s26+$0xD0] =	vst v30  }
0xe8: {  	v3 =	vmul.f32 v3, v35;
	v0 =	vmul.f32 v2, v29;
	[tilespmem:s26+$0xFFFFFF90] =	vst v12  }
0xe9: {  	v1 =	vmul.f32 v1, v5;
	v2 =	vmul.f32 v23, v28;
	[tilespmem:s26+$0xFFFFFFC0] =	vst v6  }
0xea: {  	[tilespmem:s26+$0x10] =	vst v9  }
0xeb: {  	[tilespmem:s26+$0xFFFFFFA0] =	vst v0  }
0xec: {  	[tilespmem:s26+$0xFFFFFEA0] =	vst v1  }
0xed: {  	v0 =	vld [tilespmem:s30+$0xFFFFFFF0];
	[tilespmem:s26+$0xFFFFFF30] =	vst v2  }
0xee: {  	v1 =	vld [tilespmem:s30+$0xFFFFFEA0];
	[tilespmem:s26+$0xFFFFFF20] =	vst v8  }
0xef: {  	v2 =	vld [tilespmem:s30+$0xFFFFFFA0];
	[tilespmem:s26+$0x60] =	vst v3  }
0xf0: {  	v14 =	vld [tilespmem:s30+$0xFFFFFE90];
	[tilespmem:s26+$0xFFFFFFF0] =	vst v4  }
0xf1: {  	v18 =	vld [tilespmem:s30+$0x90];
	[tilespmem:s26+$0x130] =	vst v7  }
0xf2: {  	v29 =	vld [tilespmem:s30+$0xFFFFFEE0];
	[tilespmem:s26+$0xA0] =	vst v20  }
0xf3: {  	v30 =	vld [tilespmem:s30+$0x150];
	[tilespmem:s26+$0xFFFFFF70] =	vst v19  }
0xf4: {  	v4 =	vld [tilespmem:s30+$0x0];
	[tilespmem:s26+$0xE0] =	vst v22  }
0xf5: {  	v11 =	vld [tilespmem:s30+$0xB0];
	[tilespmem:s26+$0xFFFFFF10] =	vst v15  }
0xf6: {  	v15 =	vld [tilespmem:s30+$0xFFFFFFB0];
	[tilespmem:s26+$0xFFFFFFD0] =	vst v24  }
0xf7: {  	v19 =	vld [tilespmem:s30+$0xFFFFFEF0];
	[tilespmem:s26+$0xFFFFFFE0] =	vst v21  }
0xf8: {  	v20 =	vld [tilespmem:s30+$0x120];
	[tilespmem:s26+$0x20] =	vst v25  }
0xf9: {  	v24 =	vld [tilespmem:s30+$0x170];
	[tilespmem:s26+$0xFFFFFF60] =	vst v13  }
0xfa: {  	v25 =	vld [tilespmem:s30+$0xFFFFFF00];
	[tilespmem:s26+$0x50] =	vst v26  }
0xfb: {  	v6 =	vld [tilespmem:s30+$0xFFFFFFC0];
	[tilespmem:s26+$0xFFFFFEB0] =	vst v17  }
0xfc: {  	v17 =	vld [tilespmem:s30+$0x70];
	[tilespmem:s26+$0xFFFFFF80] =	vst v33  }
0xfd: {  	s31 =	sshra.s32 s31, $0x2;
	v22 =	vld [tilespmem:s30+$0x140];
	[tilespmem:s26+$0x40] =	vst v16;
	s26 =	smov.u32 s30  }
0xfe: {  	v13 =	vld [tilespmem:s31+$0xCE20]  }
0xff: {  	v3 =	vld [tilespmem:s30+$0x60]  }
0x100: {  	v8 =	vld [tilespmem:s30+$0xFFFFFE80]  }
0x101: {  	v9 =	vld [tilespmem:s30+$0x10]  }
.Ltmp2:
0x102: {  	v12 =	vld [tilespmem:s30+$0xFFFFFF90];
	(pc) =	sbr.rel @p0 .LBB2_3-.Ltmp2, $4  }
0x103: {  	v5 =	vbroadcast v13, $0x0;
	v28 =	vld [tilespmem:s30+$0x100];
	v21 =	vbroadcast v13, $0xF  }
0x104: {  	v23 =	vbroadcast v13, $0x2;
	v7 =	vbroadcast v13, $0xE;
	v27 =	vld [tilespmem:s30+$0x110]  }
0x105: {  	v31 =	vmul.f32 v5, v8;
	v8 =	vld [tilespmem:s30+$0xFFFFFF20];
	v30 =	vmul.f32 v30, v21  }
0x106: {  	v26 =	vbroadcast v13, $0xD;
	v29 =	vmul.f32 v29, v23;
	v16 =	vld [tilespmem:s30+$0xFFFFFF40]  }
0x107: {  	[tilespmem:s26+$0xFFFFFE80] =	vst v31  }
0x108: {  	[tilespmem:s26+$0x150] =	vst v30;
	v24 =	vmul.f32 v24, v21  }
0x109: {  	v25 =	vmul.f32 v25, v23;
	[tilespmem:s26+$0xFFFFFEE0] =	vst v29  }
0x10a: {  	v20 =	vmul.f32 v20, v7;
	[tilespmem:s26+$0x170] =	vst v24  }
0x10b: {  	v22 =	vmul.f32 v22, v7;
	[tilespmem:s26+$0xFFFFFF00] =	vst v25  }
0x10c: {  	v19 =	vmul.f32 v19, v23;
	[tilespmem:s26+$0x120] =	vst v20  }
0x10d: {  	v14 =	vmul.f32 v14, v5;
	[tilespmem:s26+$0x140] =	vst v22  }
0x10e: {  	v10 =	vmul.f32 v10, v21;
	[tilespmem:s26+$0xFFFFFEF0] =	vst v19  }
0x10f: {  	v31 =	vbroadcast v13, $0xB;
	v1 =	vmul.f32 v1, v5;
	[tilespmem:s26+$0xFFFFFE90] =	vst v14  }
0x110: {  	v28 =	vmul.f32 v28, v26;
	[tilespmem:s26+$0x160] =	vst v10  }
0x111: {  	v18 =	vmul.f32 v18, v31;
	[tilespmem:s26+$0xFFFFFEA0] =	vst v1  }
0x112: {  	v32 =	vld [tilespmem:s26+$0xF0];
	v25 =	vmul.f32 v27, v26;
	v20 =	vbroadcast v13, $0xA;
	[tilespmem:s26+$0x100] =	vst v28  }
0x113: {  	v29 =	vld [tilespmem:s26+$0x80];
	v11 =	vmul.f32 v11, v31;
	[tilespmem:s26+$0x90] =	vst v18  }
0x114: {  	[tilespmem:s26+$0x110] =	vst v25;
	v25 =	vbroadcast v13, $0x6;
	v17 =	vmul.f32 v17, v20  }
0x115: {  	[tilespmem:s26+$0xB0] =	vst v11;
	v1 =	vmul.f32 v3, v20  }
0x116: {  	v24 =	vld [tilespmem:s26+$0xC0];
	v14 =	vmul.f32 v15, v25;
	[tilespmem:s26+$0x70] =	vst v17  }
0x117: {  	v23 =	vld [tilespmem:s26+$0xFFFFFF50];
	v11 =	vbroadcast v13, $0x8;
	v15 =	vmul.f32 v32, v26;
	[tilespmem:s26+$0x60] =	vst v1  }
0x118: {  	v10 =	vmul.f32 v29, v20;
	[tilespmem:s26+$0xFFFFFFB0] =	vst v14  }
0x119: {  	v27 =	vbroadcast v13, $0xC;
	v4 =	vmul.f32 v4, v11;
	[tilespmem:s26+$0xF0] =	vst v15  }
0x11a: {  	v29 =	vbroadcast v13, $0x4;
	v2 =	vmul.f32 v2, v25;
	[tilespmem:s26+$0x80] =	vst v10  }
0x11b: {  	v18 =	vld [tilespmem:s26+$0x130];
	v24 =	vmul.f32 v24, v27;
	[tilespmem:s26+$0x0] =	vst v4  }
0x11c: {  	v22 =	vld [tilespmem:s26+$0x30];
	v23 =	vmul.f32 v23, v29;
	[tilespmem:s26+$0xFFFFFFA0] =	vst v2  }
0x11d: {  	v19 =	vld [tilespmem:s26+$0xD0];
	v16 =	vmul.f32 v16, v29;
	[tilespmem:s26+$0xC0] =	vst v24  }
0x11e: {  	v4 =	vmul.f32 v6, v25;
	[tilespmem:s26+$0xFFFFFF50] =	vst v23  }
0x11f: {  	v14 =	vbroadcast v13, $0x9;
	v6 =	vmul.f32 v9, v11;
	[tilespmem:s26+$0xFFFFFF40] =	vst v16  }
0x120: {  	v30 =	vld [tilespmem:s26+$0xFFFFFEC0];
	v3 =	vmul.f32 v18, v7;
	[tilespmem:s26+$0xFFFFFFC0] =	vst v4  }
0x121: {  	v28 =	vld [tilespmem:s26+$0xFFFFFED0];
	v9 =	vbroadcast v13, $0x3;
	v15 =	vmul.f32 v22, v14;
	[tilespmem:s26+$0x10] =	vst v6  }
0x122: {  	v26 =	vld [tilespmem:s26+$0xE0];
	v2 =	vbroadcast v13, $0x7;
	v16 =	vmul.f32 v19, v27;
	[tilespmem:s26+$0x130] =	vst v3  }
0x123: {  	v24 =	vbroadcast v13, $0x1;
	v5 =	vmul.f32 v8, v9;
	[tilespmem:s26+$0x30] =	vst v15  }
0x124: {  	v22 =	vld [tilespmem:s26+$0xA0];
	v0 =	vmul.f32 v0, v2;
	[tilespmem:s26+$0xD0] =	vst v16  }
0x125: {  	v17 =	vld [tilespmem:s26+$0xFFFFFF70];
	v10 =	vmul.f32 v30, v24;
	[tilespmem:s26+$0xFFFFFF20] =	vst v5  }
0x126: {  	v34 =	vld [tilespmem:s26+$0xFFFFFF10];
	v23 =	vmul.f32 v28, v24;
	v28 =	vbroadcast v13, $0x5;
	[tilespmem:s26+$0xFFFFFFF0] =	vst v0  }
0x127: {  	v3 =	vmul.f32 v26, v27;
	v15 =	vld [tilespmem:s26+$0xFFFFFFD0];
	[tilespmem:s26+$0xFFFFFEC0] =	vst v10  }
0x128: {  	v19 =	vld [tilespmem:s26+$0xFFFFFFE0];
	[tilespmem:s26+$0xFFFFFED0] =	vst v23;
	v12 =	vmul.f32 v12, v28  }
0x129: {  	v10 =	vld [tilespmem:s26+$0xFFFFFF30];
	[tilespmem:s26+$0xE0] =	vst v3;
	v1 =	vmul.f32 v22, v31  }
0x12a: {  	v35 =	vld [tilespmem:s26+$0x20];
	v0 =	vmul.f32 v17, v28;
	[tilespmem:s26+$0xFFFFFF90] =	vst v12  }
0x12b: {  	v21 =	vld [tilespmem:s26+$0xFFFFFF60];
	[tilespmem:s26+$0xA0] =	vst v1;
	v1 =	vmul.f32 v34, v9  }
0x12c: {  	v63 =	vld [tilespmem:s26+$0x50];
	[tilespmem:s26+$0xFFFFFF70] =	vst v0;
	v0 =	vmul.f32 v15, v2  }
0x12d: {  	v33 =	vld [tilespmem:s26+$0xFFFFFEB0];
	v2 =	vmul.f32 v19, v2;
	[tilespmem:s26+$0xFFFFFF10] =	vst v1  }
0x12e: {  	v30 =	vld [tilespmem:s26+$0xFFFFFF80];
	v4 =	vmul.f32 v10, v9;
	[tilespmem:s26+$0xFFFFFFD0] =	vst v0  }
0x12f: {  	v12 =	vld [tilespmem:s26+$0x40];
	v1 =	vmul.f32 v35, v11;
	[tilespmem:s26+$0xFFFFFFE0] =	vst v2  }
0x130: {  	v0 =	vmul.f32 v21, v29;
	[tilespmem:s26+$0xFFFFFF30] =	vst v4  }
0x131: {  	v2 =	vmul.f32 v63, v14;
	[tilespmem:s26+$0x20] =	vst v1  }
0x132: {  	v1 =	vmul.f32 v33, v24;
	[tilespmem:s26+$0xFFFFFF60] =	vst v0  }
0x133: {  	v0 =	vmul.f32 v30, v28;
	[tilespmem:s26+$0x50] =	vst v2  }
0x134: {  	v2 =	vmul.f32 v12, v14;
	[tilespmem:s26+$0xFFFFFEB0] =	vst v1  }
0x135: {  	[tilespmem:s26+$0xFFFFFF80] =	vst v0  }
0x136: {  	[tilespmem:s26+$0x40] =	vst v2  }
0x137: {  	[spmem:s4] =	stream.indirect.scatter.add.f32 [tilespmem:s17], [sflag:$0x3], $0x30, s28, s16, $0xb8;
	[tilespmem:$0x146A0] =	vst v63  }
0x138: {  	p0 =	seq.s32 s24, $0x27;
	s26 =	sshll.u32 s24, $0xA;
	_ =	swait.ge [sflag:s12], $0x1800  }
0x139: {  	s29 =	simm.s32 @!p0 $0x80;
	s28 =	sshrl.u32 @!p0 s26, $0x2;
	[sflag:s12] =	ssyncset.done $0x0  }
0x13a: {  	s30 =	simm.s32 @!p0 $0x9E20;
	s28 =	sadd.s32 @!p0 $0x4F20, s28;
	[sflag:s12] =	ssyncadd.s32 $0xFFFFE800  }
0x13b: {  	[tilespmem:s30], [sflag:$0x1] =	stream.indirect.gather @!p0 [hbm4b:s1+s29], $0x30, s28, s29, $0xb8;
	[tilespmem:$0x146A0] =	vst v63  }
0x13c: {  	_ =	swait.ge [sflag:s21], $0x1800  }
0x13d: {  	[sflag:s21] =	ssyncset.done $0x0  }
0x13e: {  	[sflag:s21] =	ssyncadd.s32 $0xFFFFE800  }
0x13f: {  	v0 =	vld [tilespmem:s25+$0x76A0];
	_ =	sdelay $0x1  }
0x140: {  	v1 =	vld [tilespmem:s25+$0x4EA0];
	_ =	sdelay $0x2  }
0x141: {  	vm0 =	vlt.s32 v0, $0x270F  }
0x142: {  	v0 =	vnsel vm0, $0x270F, v0  }
0x143: {  	v1 =	vshll.u32 v1, $0x1;
	v0 =	vshll.u32 v0, $0x1  }
0x144: {  	v0 =	vor.u32 $0x1, v0;
	_ =	sdelay $0x2  }
0x145: {  	s28 =	simm.s32 $0x0  }
0x146: {  	v1 =	vld.idx.msk [tilespmem:v1+s28+$0x0], $0xffff  }
0x147: {  	v0 =	vld.idx.msk [tilespmem:v0+s28+$0x0], $0xffff;
	_ =	sdelay $0x4  }
0x148: {  	v0 =	vadd.f32 v0, v1;
	_ =	sdelay $0x1  }
0x149: {  	v1 =	vmul.f32 $2.000000030e-01, v0  }
0x14a: {  	vm13 =	vge.f32 v0, $0.0e+00  }
0x14b: {  	v0 =	vsel vm13, v0, v1  }
0x14c: {  	v0 =	vmul.f32 $1.442695020e+00, v0;
	_ =	sdelay $0x1  }
0x14d: {  	(erf) = vpow2.f32 v0;
	_ =	sdelay $0x8  }
0x14e: {  	v0 =	vpop (erf)  }
0x14f: {  	[tilespmem:$0xCE20] =	vst v0  }
0x150: {  	v0 =	vld [tilespmem:s25+$0x76B0];
	_ =	sdelay $0x1  }
0x151: {  	v1 =	vld [tilespmem:s25+$0x4EB0];
	_ =	sdelay $0x2  }
0x152: {  	vm14 =	vlt.s32 v0, $0x270F  }
0x153: {  	v0 =	vnsel vm14, $0x270F, v0  }
0x154: {  	v1 =	vshll.u32 v1, $0x1;
	v0 =	vshll.u32 v0, $0x1  }
0x155: {  	v0 =	vor.u32 $0x1, v0;
	_ =	sdelay $0x3  }
0x156: {  	v1 =	vld.idx.msk [tilespmem:v1+s28+$0x0], $0xffff  }
0x157: {  	v0 =	vld.idx.msk [tilespmem:v0+s28+$0x0], $0xffff;
	_ =	sdelay $0x4  }
0x158: {  	v0 =	vadd.f32 v0, v1;
	_ =	sdelay $0x1  }
0x159: {  	v1 =	vmul.f32 $2.000000030e-01, v0  }
0x15a: {  	vm15 =	vge.f32 v0, $0.0e+00  }
0x15b: {  	v0 =	vsel vm15, v0, v1  }
0x15c: {  	v0 =	vmul.f32 $1.442695020e+00, v0;
	_ =	sdelay $0x1  }
0x15d: {  	(erf) = vpow2.f32 v0;
	_ =	sdelay $0x8  }
0x15e: {  	v0 =	vpop (erf)  }
0x15f: {  	[tilespmem:$0xCE30] =	vst v0  }
0x160: {  	v0 =	vld [tilespmem:s25+$0x76C0];
	_ =	sdelay $0x1  }
0x161: {  	v1 =	vld [tilespmem:s25+$0x4EC0];
	_ =	sdelay $0x2  }
0x162: {  	vm4 =	vlt.s32 v0, $0x270F  }
0x163: {  	v0 =	vnsel vm4, $0x270F, v0  }
0x164: {  	v1 =	vshll.u32 v1, $0x1;
	v0 =	vshll.u32 v0, $0x1  }
0x165: {  	v0 =	vor.u32 $0x1, v0;
	_ =	sdelay $0x3  }
0x166: {  	v1 =	vld.idx.msk [tilespmem:v1+s28+$0x0], $0xffff  }
0x167: {  	v0 =	vld.idx.msk [tilespmem:v0+s28+$0x0], $0xffff;
	_ =	sdelay $0x4  }
0x168: {  	v0 =	vadd.f32 v0, v1;
	_ =	sdelay $0x1  }
0x169: {  	v1 =	vmul.f32 $2.000000030e-01, v0  }
0x16a: {  	vm5 =	vge.f32 v0, $0.0e+00  }
0x16b: {  	v0 =	vsel vm5, v0, v1  }
0x16c: {  	v0 =	vmul.f32 $1.442695020e+00, v0;
	_ =	sdelay $0x1  }
0x16d: {  	(erf) = vpow2.f32 v0;
	_ =	sdelay $0x8  }
0x16e: {  	v0 =	vpop (erf)  }
0x16f: {  	[tilespmem:$0xCE40] =	vst v0  }
0x170: {  	v0 =	vld [tilespmem:s25+$0x76D0];
	_ =	sdelay $0x1  }
0x171: {  	v1 =	vld [tilespmem:s25+$0x4ED0];
	_ =	sdelay $0x2  }
0x172: {  	vm6 =	vlt.s32 v0, $0x270F  }
0x173: {  	v0 =	vnsel vm6, $0x270F, v0  }
0x174: {  	v1 =	vshll.u32 v1, $0x1;
	v0 =	vshll.u32 v0, $0x1  }
0x175: {  	v0 =	vor.u32 $0x1, v0;
	_ =	sdelay $0x3  }
0x176: {  	v1 =	vld.idx.msk [tilespmem:v1+s28+$0x0], $0xffff  }
0x177: {  	v0 =	vld.idx.msk [tilespmem:v0+s28+$0x0], $0xffff;
	_ =	sdelay $0x4  }
0x178: {  	v0 =	vadd.f32 v0, v1;
	_ =	sdelay $0x1  }
0x179: {  	v1 =	vmul.f32 $2.000000030e-01, v0  }
0x17a: {  	vm7 =	vge.f32 v0, $0.0e+00  }
0x17b: {  	v0 =	vsel vm7, v0, v1  }
0x17c: {  	v0 =	vmul.f32 $1.442695020e+00, v0;
	_ =	sdelay $0x1  }
0x17d: {  	(erf) = vpow2.f32 v0;
	_ =	sdelay $0x8  }
0x17e: {  	v0 =	vpop (erf)  }
0x17f: {  	[tilespmem:$0xCE50] =	vst v0  }
0x180: {  	v0 =	vld [tilespmem:s25+$0x76E0];
	_ =	sdelay $0x1  }
0x181: {  	v1 =	vld [tilespmem:s25+$0x4EE0];
	_ =	sdelay $0x2  }
0x182: {  	vm8 =	vlt.s32 v0, $0x270F  }
0x183: {  	v0 =	vnsel vm8, $0x270F, v0  }
0x184: {  	v1 =	vshll.u32 v1, $0x1;
	v0 =	vshll.u32 v0, $0x1  }
0x185: {  	v0 =	vor.u32 $0x1, v0;
	_ =	sdelay $0x3  }
0x186: {  	v1 =	vld.idx.msk [tilespmem:v1+s28+$0x0], $0xffff  }
0x187: {  	v0 =	vld.idx.msk [tilespmem:v0+s28+$0x0], $0xffff;
	_ =	sdelay $0x4  }
0x188: {  	v0 =	vadd.f32 v0, v1;
	_ =	sdelay $0x1  }
0x189: {  	v1 =	vmul.f32 $2.000000030e-01, v0  }
0x18a: {  	vm9 =	vge.f32 v0, $0.0e+00  }
0x18b: {  	v0 =	vsel vm9, v0, v1  }
0x18c: {  	v0 =	vmul.f32 $1.442695020e+00, v0;
	_ =	sdelay $0x1  }
0x18d: {  	(erf) = vpow2.f32 v0;
	_ =	sdelay $0x8  }
0x18e: {  	v0 =	vpop (erf)  }
0x18f: {  	[tilespmem:$0xCE60] =	vst v0  }
0x190: {  	v0 =	vld [tilespmem:s25+$0x76F0];
	_ =	sdelay $0x1  }
0x191: {  	v1 =	vld [tilespmem:s25+$0x4EF0];
	_ =	sdelay $0x2  }
0x192: {  	vm10 =	vlt.s32 v0, $0x270F  }
0x193: {  	v0 =	vnsel vm10, $0x270F, v0  }
0x194: {  	v1 =	vshll.u32 v1, $0x1;
	v0 =	vshll.u32 v0, $0x1  }
0x195: {  	v0 =	vor.u32 $0x1, v0;
	_ =	sdelay $0x3  }
0x196: {  	v1 =	vld.idx.msk [tilespmem:v1+s28+$0x0], $0xffff  }
0x197: {  	v0 =	vld.idx.msk [tilespmem:v0+s28+$0x0], $0xffff;
	_ =	sdelay $0x4  }
0x198: {  	v0 =	vadd.f32 v0, v1;
	_ =	sdelay $0x1  }
0x199: {  	v1 =	vmul.f32 $2.000000030e-01, v0  }
0x19a: {  	vm11 =	vge.f32 v0, $0.0e+00  }
0x19b: {  	v0 =	vsel vm11, v0, v1  }
0x19c: {  	v0 =	vmul.f32 $1.442695020e+00, v0;
	_ =	sdelay $0x1  }
0x19d: {  	(erf) = vpow2.f32 v0;
	_ =	sdelay $0x8  }
0x19e: {  	v0 =	vpop (erf)  }
0x19f: {  	[tilespmem:$0xCE70] =	vst v0  }
0x1a0: {  	v0 =	vld [tilespmem:s25+$0x7700];
	_ =	sdelay $0x1  }
0x1a1: {  	v1 =	vld [tilespmem:s25+$0x4F00];
	_ =	sdelay $0x2  }
0x1a2: {  	vm12 =	vlt.s32 v0, $0x270F  }
0x1a3: {  	v0 =	vnsel vm12, $0x270F, v0  }
0x1a4: {  	v1 =	vshll.u32 v1, $0x1;
	v0 =	vshll.u32 v0, $0x1  }
0x1a5: {  	v0 =	vor.u32 $0x1, v0;
	_ =	sdelay $0x3  }
0x1a6: {  	v1 =	vld.idx.msk [tilespmem:v1+s28+$0x0], $0xffff  }
0x1a7: {  	v0 =	vld.idx.msk [tilespmem:v0+s28+$0x0], $0xffff;
	_ =	sdelay $0x4  }
0x1a8: {  	v0 =	vadd.f32 v0, v1;
	_ =	sdelay $0x1  }
0x1a9: {  	v1 =	vmul.f32 $2.000000030e-01, v0  }
0x1aa: {  	vm13 =	vge.f32 v0, $0.0e+00  }
0x1ab: {  	v0 =	vsel vm13, v0, v1  }
0x1ac: {  	v0 =	vmul.f32 $1.442695020e+00, v0;
	_ =	sdelay $0x1  }
0x1ad: {  	(erf) = vpow2.f32 v0;
	_ =	sdelay $0x8  }
0x1ae: {  	v0 =	vpop (erf)  }
0x1af: {  	[tilespmem:$0xCE80] =	vst v0  }
0x1b0: {  	v0 =	vld [tilespmem:s25+$0x7710];
	_ =	sdelay $0x1  }
0x1b1: {  	v1 =	vld [tilespmem:s25+$0x4F10];
	_ =	sdelay $0x2  }
0x1b2: {  	vm14 =	vlt.s32 v0, $0x270F  }
0x1b3: {  	v0 =	vnsel vm14, $0x270F, v0  }
0x1b4: {  	v1 =	vshll.u32 v1, $0x1;
	v0 =	vshll.u32 v0, $0x1  }
0x1b5: {  	v0 =	vor.u32 $0x1, v0;
	_ =	sdelay $0x3  }
0x1b6: {  	v1 =	vld.idx.msk [tilespmem:v1+s28+$0x0], $0xffff  }
0x1b7: {  	v0 =	vld.idx.msk [tilespmem:v0+s28+$0x0], $0xffff;
	_ =	sdelay $0x4  }
0x1b8: {  	v0 =	vadd.f32 v0, v1;
	_ =	sdelay $0x1  }
0x1b9: {  	v1 =	vmul.f32 $2.000000030e-01, v0  }
0x1ba: {  	vm15 =	vge.f32 v0, $0.0e+00  }
0x1bb: {  	v0 =	vsel vm15, v0, v1  }
0x1bc: {  	v0 =	vmul.f32 $1.442695020e+00, v0;
	_ =	sdelay $0x1  }
0x1bd: {  	(erf) = vpow2.f32 v0;
	_ =	sdelay $0x8  }
0x1be: {  	v0 =	vpop (erf)  }
0x1bf: {  	s28 =	simm.s32 $0xB7A0;
	[tilespmem:$0xCE90] =	vst v0  }
0x1c0: {  	v10 =	vld [tilespmem:s28+$0x160]  }
0x1c1: {  	v0 =	vld [tilespmem:s28+$0xFFFFFFF0]  }
0x1c2: {  	v1 =	vld [tilespmem:s28+$0xFFFFFEA0]  }
0x1c3: {  	v2 =	vld [tilespmem:s28+$0xFFFFFFA0]  }
0x1c4: {  	v14 =	vld [tilespmem:s28+$0xFFFFFE90]  }
0x1c5: {  	v18 =	vld [tilespmem:s28+$0x90]  }
0x1c6: {  	v16 =	vld [tilespmem:s28+$0xFFFFFEE0]  }
0x1c7: {  	v26 =	vld [tilespmem:s28+$0x150]  }
0x1c8: {  	v4 =	vld [tilespmem:s28+$0x0]  }
0x1c9: {  	v11 =	vld [tilespmem:s28+$0xB0]  }
0x1ca: {  	v15 =	vld [tilespmem:s28+$0xFFFFFFB0]  }
0x1cb: {  	v19 =	vld [tilespmem:s28+$0xFFFFFEF0]  }
0x1cc: {  	v20 =	vld [tilespmem:s28+$0x120]  }
0x1cd: {  	v24 =	vld [tilespmem:s28+$0x170]  }
0x1ce: {  	v25 =	vld [tilespmem:s28+$0xFFFFFF00]  }
0x1cf: {  	v6 =	vld [tilespmem:s28+$0xFFFFFFC0]  }
0x1d0: {  	v17 =	vld [tilespmem:s28+$0x70]  }
0x1d1: {  	s29 =	simm.s32 $0x0;
	v22 =	vld [tilespmem:s28+$0x140]  }
0x1d2: {  	v13 =	vld [tilespmem:s29+$0xCE20]  }
0x1d3: {  	v3 =	vld [tilespmem:s28+$0x60]  }
0x1d4: {  	v8 =	vld [tilespmem:s28+$0xFFFFFE80]  }
0x1d5: {  	v9 =	vld [tilespmem:s28+$0x10]  }
0x1d6: {  	v12 =	vld [tilespmem:s28+$0xFFFFFF90]  }
0x1d7: {  	v28 =	vld [tilespmem:s28+$0x100];
	v5 =	vbroadcast v13, $0x0;
	v21 =	vbroadcast v13, $0xF  }
0x1d8: {  	v27 =	vld [tilespmem:s28+$0x110];
	v23 =	vbroadcast v13, $0x2;
	v7 =	vbroadcast v13, $0xE  }
0x1d9: {  	v31 =	vmul.f32 v5, v8;
	v8 =	vld [tilespmem:s28+$0xFFFFFF20];
	v30 =	vmul.f32 v26, v21  }
0x1da: {  	s30 =	simm.s32 $0xB7A0;
	s25 =	sadd.s32 $0x76A0, s25;
	s29 =	simm.s32 $0x40;
	v29 =	vmul.f32 v16, v23;
	v16 =	vld [tilespmem:s28+$0xFFFFFF40];
	v26 =	vbroadcast v13, $0xD  }
.LBB2_5:
0x1db: {  	p1 =	sne.s32 s29, $0x1C0  }
0x1dc: {  	[tilespmem:s28+$0xFFFFFE80] =	vst v31;
	v25 =	vmul.f32 v25, v23;
	v31 =	vld [tilespmem:s28+$0xFFFFFF50];
	v24 =	vmul.f32 v24, v21;
	s30 =	sadd.s32 $0x300, s30;
	s31 =	smov.u32 s29;
	s29 =	sadd.s32 $0x40, s29  }
0x1dd: {  	v32 =	vbroadcast v13, $0xB;
	v33 =	vld [tilespmem:s28+$0xF0];
	v28 =	vmul.f32 v28, v26;
	[tilespmem:s28+$0x150] =	vst v30  }
0x1de: {  	v30 =	vld [tilespmem:s28+$0xFFFFFEC0];
	[tilespmem:s28+$0xFFFFFEE0] =	vst v29;
	v29 =	vbroadcast v13, $0x6;
	v27 =	vmul.f32 v27, v26  }
0x1df: {  	v20 =	vmul.f32 v20, v7;
	v22 =	vmul.f32 v22, v7;
	v34 =	vld [tilespmem:s28+$0x80];
	[tilespmem:s28+$0x100] =	vst v28  }
0x1e0: {  	v35 =	vbroadcast v13, $0xA;
	v18 =	vmul.f32 v18, v32;
	v28 =	vld [tilespmem:s28+$0xFFFFFED0];
	[tilespmem:s28+$0x170] =	vst v24  }
0x1e1: {  	v10 =	vmul.f32 v10, v21;
	v24 =	vbroadcast v13, $0x1;
	[tilespmem:s28+$0xFFFFFF00] =	vst v25;
	v25 =	vld [tilespmem:s28+$0xC0]  }
0x1e2: {  	v19 =	vmul.f32 v19, v23;
	[tilespmem:s28+$0x90] =	vst v18;
	v18 =	vmul.f32 v33, v26;
	v21 =	vld [tilespmem:s28+$0x130]  }
0x1e3: {  	v26 =	vbroadcast v13, $0x5;
	v23 =	vmul.f32 v30, v24;
	v30 =	vld [tilespmem:s28+$0xD0];
	[tilespmem:s28+$0x120] =	vst v20  }
0x1e4: {  	v14 =	vmul.f32 v14, v5;
	v20 =	vld [tilespmem:s28+$0x30];
	v33 =	vmul.f32 v34, v35;
	[tilespmem:s28+$0x110] =	vst v27  }
0x1e5: {  	v27 =	vmul.f32 v28, v24;
	v28 =	vbroadcast v13, $0x3;
	v34 =	vld [tilespmem:s28+$0xE0];
	[tilespmem:s28+$0x140] =	vst v22  }
0x1e6: {  	v17 =	vmul.f32 v17, v35;
	v22 =	vbroadcast v13, $0xC;
	[tilespmem:s28+$0xFFFFFEF0] =	vst v19;
	v19 =	vld [tilespmem:s28+$0xFFFFFF70]  }
0x1e7: {  	v36 =	vbroadcast v13, $0x8;
	v15 =	vmul.f32 v15, v29;
	[tilespmem:s28+$0xFFFFFE90] =	vst v14;
	v14 =	vld [tilespmem:s28+$0xFFFFFF60]  }
0x1e8: {  	v38 =	vbroadcast v13, $0x7;
	v37 =	vld [tilespmem:s28+$0xFFFFFEB0];
	[tilespmem:s28+$0x70] =	vst v17;
	v17 =	vmul.f32 v25, v22  }
0x1e9: {  	v25 =	vbroadcast v13, $0x9;
	v30 =	vmul.f32 v30, v22;
	[tilespmem:s28+$0xFFFFFFB0] =	vst v15;
	v15 =	vld [tilespmem:s28+$0xFFFFFFD0]  }
0x1ea: {  	v13 =	vbroadcast v13, $0x4;
	v39 =	vld [tilespmem:s28+$0xFFFFFF80];
	v22 =	vmul.f32 v34, v22;
	[tilespmem:s28+$0xF0] =	vst v18  }
0x1eb: {  	v11 =	vmul.f32 v11, v32;
	v18 =	vmul.f32 v20, v25;
	v20 =	vld [tilespmem:s28+$0xA0];
	[tilespmem:s28+$0x160] =	vst v10  }
0x1ec: {  	v16 =	vmul.f32 v16, v13;
	v10 =	vmul.f32 v31, v13;
	v31 =	vld [tilespmem:s28+$0x50];
	[tilespmem:s28+$0xC0] =	vst v17  }
0x1ed: {  	v13 =	vmul.f32 v14, v13;
	v17 =	vmul.f32 v37, v24;
	[tilespmem:s28+$0x30] =	vst v18;
	v14 =	vld [tilespmem:s28+$0x40]  }
0x1ee: {  	v19 =	vmul.f32 v19, v26;
	v24 =	vmul.f32 v15, v38;
	v15 =	vld [tilespmem:s28+$0x20];
	[tilespmem:s28+$0x80] =	vst v33  }
0x1ef: {  	v12 =	vmul.f32 v12, v26;
	v18 =	vld [tilespmem:s28+$0xFFFFFF10];
	v33 =	vmul.f32 v39, v26;
	[tilespmem:s28+$0xB0] =	vst v11  }
0x1f0: {  	v4 =	vmul.f32 v4, v36;
	[tilespmem:s28+$0xFFFFFF50] =	vst v10;
	v11 =	vld [tilespmem:s28+$0xFFFFFFE0];
	v20 =	vmul.f32 v20, v32  }
0x1f1: {  	v9 =	vmul.f32 v9, v36;
	v6 =	vmul.f32 v6, v29;
	v10 =	vld [tilespmem:s30+$0x160];
	[tilespmem:s28+$0xFFFFFEC0] =	vst v23  }
0x1f2: {  	v26 =	vmul.f32 v31, v25;
	v23 =	vld [tilespmem:s28+$0xFFFFFF30];
	[tilespmem:s28+$0xFFFFFF40] =	vst v16;
	v16 =	vmul.f32 v14, v25  }
0x1f3: {  	v7 =	vmul.f32 v21, v7;
	[tilespmem:s28+$0xFFFFFED0] =	vst v27;
	v25 =	vmul.f32 v15, v36  }
0x1f4: {  	v8 =	vmul.f32 v8, v28;
	v15 =	vmul.f32 v18, v28;
	[tilespmem:s28+$0x0] =	vst v4  }
0x1f5: {  	v4 =	vmul.f32 v0, v38;
	v21 =	vmul.f32 v11, v38;
	[tilespmem:s28+$0xD0] =	vst v30  }
0x1f6: {  	v3 =	vmul.f32 v3, v35;
	v0 =	vmul.f32 v2, v29;
	[tilespmem:s28+$0xFFFFFF90] =	vst v12  }
0x1f7: {  	v1 =	vmul.f32 v1, v5;
	v2 =	vmul.f32 v23, v28;
	[tilespmem:s28+$0xFFFFFFC0] =	vst v6  }
0x1f8: {  	[tilespmem:s28+$0x10] =	vst v9  }
0x1f9: {  	[tilespmem:s28+$0xFFFFFFA0] =	vst v0  }
0x1fa: {  	[tilespmem:s28+$0xFFFFFEA0] =	vst v1  }
0x1fb: {  	v0 =	vld [tilespmem:s30+$0xFFFFFFF0];
	[tilespmem:s28+$0xFFFFFF30] =	vst v2  }
0x1fc: {  	v1 =	vld [tilespmem:s30+$0xFFFFFEA0];
	[tilespmem:s28+$0xFFFFFF20] =	vst v8  }
0x1fd: {  	v2 =	vld [tilespmem:s30+$0xFFFFFFA0];
	[tilespmem:s28+$0x60] =	vst v3  }
0x1fe: {  	v14 =	vld [tilespmem:s30+$0xFFFFFE90];
	[tilespmem:s28+$0xFFFFFFF0] =	vst v4  }
0x1ff: {  	v18 =	vld [tilespmem:s30+$0x90];
	[tilespmem:s28+$0x130] =	vst v7  }
0x200: {  	v29 =	vld [tilespmem:s30+$0xFFFFFEE0];
	[tilespmem:s28+$0xA0] =	vst v20  }
0x201: {  	v30 =	vld [tilespmem:s30+$0x150];
	[tilespmem:s28+$0xFFFFFF70] =	vst v19  }
0x202: {  	v4 =	vld [tilespmem:s30+$0x0];
	[tilespmem:s28+$0xE0] =	vst v22  }
0x203: {  	v11 =	vld [tilespmem:s30+$0xB0];
	[tilespmem:s28+$0xFFFFFF10] =	vst v15  }
0x204: {  	v15 =	vld [tilespmem:s30+$0xFFFFFFB0];
	[tilespmem:s28+$0xFFFFFFD0] =	vst v24  }
0x205: {  	v19 =	vld [tilespmem:s30+$0xFFFFFEF0];
	[tilespmem:s28+$0xFFFFFFE0] =	vst v21  }
0x206: {  	v20 =	vld [tilespmem:s30+$0x120];
	[tilespmem:s28+$0x20] =	vst v25  }
0x207: {  	v24 =	vld [tilespmem:s30+$0x170];
	[tilespmem:s28+$0xFFFFFF60] =	vst v13  }
0x208: {  	v25 =	vld [tilespmem:s30+$0xFFFFFF00];
	[tilespmem:s28+$0x50] =	vst v26  }
0x209: {  	v6 =	vld [tilespmem:s30+$0xFFFFFFC0];
	[tilespmem:s28+$0xFFFFFEB0] =	vst v17  }
0x20a: {  	v17 =	vld [tilespmem:s30+$0x70];
	[tilespmem:s28+$0xFFFFFF80] =	vst v33  }
0x20b: {  	s31 =	sshra.s32 s31, $0x2;
	v22 =	vld [tilespmem:s30+$0x140];
	[tilespmem:s28+$0x40] =	vst v16;
	s28 =	smov.u32 s30  }
0x20c: {  	v13 =	vld [tilespmem:s31+$0xCE20]  }
0x20d: {  	v3 =	vld [tilespmem:s30+$0x60]  }
0x20e: {  	v8 =	vld [tilespmem:s30+$0xFFFFFE80]  }
0x20f: {  	v9 =	vld [tilespmem:s30+$0x10]  }
.Ltmp3:
0x210: {  	v12 =	vld [tilespmem:s30+$0xFFFFFF90];
	(pc) =	sbr.rel @p1 .LBB2_5-.Ltmp3, $4  }
0x211: {  	v5 =	vbroadcast v13, $0x0;
	v28 =	vld [tilespmem:s30+$0x100];
	v21 =	vbroadcast v13, $0xF  }
0x212: {  	v23 =	vbroadcast v13, $0x2;
	v7 =	vbroadcast v13, $0xE;
	v27 =	vld [tilespmem:s30+$0x110]  }
0x213: {  	v31 =	vmul.f32 v5, v8;
	v8 =	vld [tilespmem:s30+$0xFFFFFF20];
	v30 =	vmul.f32 v30, v21  }
0x214: {  	v26 =	vbroadcast v13, $0xD;
	v29 =	vmul.f32 v29, v23;
	v16 =	vld [tilespmem:s30+$0xFFFFFF40]  }
0x215: {  	[tilespmem:s28+$0xFFFFFE80] =	vst v31  }
0x216: {  	[tilespmem:s28+$0x150] =	vst v30;
	v24 =	vmul.f32 v24, v21  }
0x217: {  	v25 =	vmul.f32 v25, v23;
	[tilespmem:s28+$0xFFFFFEE0] =	vst v29  }
0x218: {  	v20 =	vmul.f32 v20, v7;
	[tilespmem:s28+$0x170] =	vst v24  }
0x219: {  	v22 =	vmul.f32 v22, v7;
	[tilespmem:s28+$0xFFFFFF00] =	vst v25  }
0x21a: {  	v19 =	vmul.f32 v19, v23;
	[tilespmem:s28+$0x120] =	vst v20  }
0x21b: {  	v14 =	vmul.f32 v14, v5;
	[tilespmem:s28+$0x140] =	vst v22  }
0x21c: {  	v10 =	vmul.f32 v10, v21;
	[tilespmem:s28+$0xFFFFFEF0] =	vst v19  }
0x21d: {  	v31 =	vbroadcast v13, $0xB;
	v1 =	vmul.f32 v1, v5;
	[tilespmem:s28+$0xFFFFFE90] =	vst v14  }
0x21e: {  	v28 =	vmul.f32 v28, v26;
	[tilespmem:s28+$0x160] =	vst v10  }
0x21f: {  	v50 =	vbroadcast v13, $0x6;
	v18 =	vmul.f32 v18, v31;
	[tilespmem:s28+$0xFFFFFEA0] =	vst v1  }
0x220: {  	v48 =	vmul.f32 v27, v26;
	[tilespmem:s28+$0x100] =	vst v28  }
0x221: {  	v38 =	vbroadcast v13, $0x8;
	v53 =	vmul.f32 v15, v50;
	[tilespmem:s28+$0x90] =	vst v18  }
0x222: {  	v41 =	vbroadcast v13, $0x5;
	v11 =	vmul.f32 v11, v31;
	[tilespmem:s28+$0x110] =	vst v48  }
0x223: {  	v32 =	vld [tilespmem:s28+$0xF0];
	v4 =	vmul.f32 v4, v38;
	[tilespmem:s28+$0xFFFFFFB0] =	vst v53  }
0x224: {  	v47 =	vld [tilespmem:s28+$0xC0];
	v20 =	vbroadcast v13, $0xA;
	v12 =	vmul.f32 v12, v41;
	[tilespmem:s28+$0xB0] =	vst v11  }
0x225: {  	v51 =	vld [tilespmem:s28+$0x30];
	v60 =	vbroadcast v13, $0x4;
	v2 =	vmul.f32 v2, v50;
	[tilespmem:s28+$0x0] =	vst v4  }
0x226: {  	v45 =	vld [tilespmem:s28+$0x80];
	v17 =	vmul.f32 v17, v20;
	[tilespmem:s28+$0xFFFFFF90] =	vst v12  }
0x227: {  	v49 =	vld [tilespmem:s28+$0xFFFFFF50];
	v55 =	vbroadcast v13, $0xC;
	v16 =	vmul.f32 v16, v60;
	[tilespmem:s28+$0xFFFFFFA0] =	vst v2  }
0x228: {  	v44 =	vld [tilespmem:s28+$0xFFFFFEC0];
	v14 =	vbroadcast v13, $0x9;
	v54 =	vmul.f32 v32, v26;
	[tilespmem:s28+$0x70] =	vst v17  }
0x229: {  	v46 =	vld [tilespmem:s28+$0xFFFFFED0];
	v24 =	vmul.f32 v47, v55;
	[tilespmem:s28+$0xFFFFFF40] =	vst v16  }
0x22a: {  	v52 =	vld [tilespmem:s28+$0xD0];
	v57 =	vmul.f32 v51, v14;
	[tilespmem:s28+$0xF0] =	vst v54  }
0x22b: {  	v62 =	vbroadcast v13, $0x1;
	v59 =	vmul.f32 v45, v20;
	[tilespmem:s28+$0xC0] =	vst v24  }
0x22c: {  	v23 =	vmul.f32 v49, v60;
	[tilespmem:s28+$0x30] =	vst v57  }
0x22d: {  	v36 =	vmul.f32 v44, v62;
	[tilespmem:s28+$0x80] =	vst v59  }
0x22e: {  	v58 =	vld [tilespmem:s28+$0xA0];
	v39 =	vmul.f32 v46, v62;
	[tilespmem:s28+$0xFFFFFF50] =	vst v23  }
0x22f: {  	v35 =	vld [tilespmem:s28+$0x20];
	v42 =	vmul.f32 v52, v55;
	[tilespmem:s28+$0xFFFFFEC0] =	vst v36  }
0x230: {  	v40 =	vld [tilespmem:s28+$0xFFFFFF30];
	v44 =	vmul.f32 v6, v50;
	[tilespmem:s28+$0xFFFFFED0] =	vst v39  }
0x231: {  	v45 =	vmul.f32 v9, v38;
	[tilespmem:s28+$0xD0] =	vst v42  }
0x232: {  	v51 =	vmul.f32 v3, v20;
	[tilespmem:s28+$0xFFFFFFC0] =	vst v44  }
0x233: {  	v56 =	vld [tilespmem:s28+$0xFFFFFF70];
	v46 =	vbroadcast v13, $0x3;
	v53 =	vmul.f32 v58, v31;
	[tilespmem:s28+$0x10] =	vst v45  }
0x234: {  	v34 =	vld [tilespmem:s28+$0xFFFFFF10];
	v58 =	vmul.f32 v35, v38;
	[tilespmem:s28+$0x60] =	vst v51  }
0x235: {  	v63 =	vld [tilespmem:s28+$0xFFFFFFD0];
	v49 =	vbroadcast v13, $0x7;
	v48 =	vmul.f32 v40, v46;
	[tilespmem:s28+$0xA0] =	vst v53  }
0x236: {  	v43 =	vld [tilespmem:s28+$0xFFFFFFE0];
	v50 =	vmul.f32 v8, v46;
	[tilespmem:s28+$0x20] =	vst v58  }
0x237: {  	v21 =	vld [tilespmem:s28+$0xFFFFFF60];
	v0 =	vmul.f32 v0, v49;
	[tilespmem:s28+$0xFFFFFF30] =	vst v48  }
0x238: {  	v61 =	vld [tilespmem:s28+$0x50];
	v54 =	vmul.f32 v56, v41;
	[tilespmem:s28+$0xFFFFFF20] =	vst v50  }
0x239: {  	v33 =	vld [tilespmem:s28+$0xFFFFFEB0];
	v56 =	vmul.f32 v34, v46;
	[tilespmem:s28+$0xFFFFFFF0] =	vst v0  }
0x23a: {  	v37 =	vld [tilespmem:s28+$0xFFFFFF80];
	v57 =	vmul.f32 v63, v49;
	[tilespmem:s28+$0xFFFFFF70] =	vst v54  }
0x23b: {  	v18 =	vld [tilespmem:s28+$0x130];
	v2 =	vmul.f32 v43, v49;
	[tilespmem:s28+$0xFFFFFF10] =	vst v56  }
0x23c: {  	v26 =	vld [tilespmem:s28+$0xE0];
	v59 =	vmul.f32 v21, v60;
	[tilespmem:s28+$0xFFFFFFD0] =	vst v57  }
0x23d: {  	v47 =	vld [tilespmem:s28+$0x40];
	v60 =	vmul.f32 v61, v14;
	[tilespmem:s28+$0xFFFFFFE0] =	vst v2  }
0x23e: {  	v61 =	vmul.f32 v33, v62;
	[tilespmem:s28+$0xFFFFFF60] =	vst v59  }
0x23f: {  	v62 =	vmul.f32 v37, v41;
	[tilespmem:s28+$0x50] =	vst v60  }
0x240: {  	v52 =	vmul.f32 v18, v7;
	[tilespmem:s28+$0xFFFFFEB0] =	vst v61  }
0x241: {  	[tilespmem:s28+$0xFFFFFF80] =	vst v62;
	v55 =	vmul.f32 v26, v55  }
0x242: {  	v63 =	vmul.f32 v47, v14;
	[tilespmem:s28+$0x130] =	vst v52  }
0x243: {  	[tilespmem:s28+$0xE0] =	vst v55  }
.Ltmp4:
0x244: {  	[tilespmem:s28+$0x40] =	vst v63;
	(pc) =	sbr.rel @p0 .LBB2_8-.Ltmp4, $4  }
0x245: {  	[spmem:s4] =	stream.indirect.scatter.add.f32 [tilespmem:s19], [sflag:$0x3], $0x30, s25, s16, $0xb8;
	[tilespmem:$0x146A0] =	vst v63  }
0x246: {  	_ =	swait.ge [sflag:s12], $0x1800  }
0x247: {  	[sflag:s12] =	ssyncset.done $0x0  }
0x248: {  	[sflag:s12] =	ssyncadd.s32 $0xFFFFE800  }
.Ltmp5:
0x249: {  	(pc) =	sbr.rel .LBB2_2-.Ltmp5, $4  }
0x24a: {  	_ = 	snop  }
0x24b: {  	s25 =	sshrl.u32 s26, $0x2  }
0x24c: {  	s24 =	sadd.s32 $0x1, s24;
	s25 =	sadd.s32 $0x4FA0, s25  }
0x24d: {  	[tilespmem:s19], [sflag:$0x2] =	stream.indirect.gather [hbm4b:s1+s16], $0x30, s25, s16, $0xb8;
	[tilespmem:$0x146A0] =	vst v63  }
.LBB2_9:
0x24e: {  	_ =	sfence.sel $0x180000  }
0x24f: {  	[bflag:$0x0] =	sbarrier.arrive $0xFFFF  }
0x250: {  	p0 =	sne.s32 s0, $0x0;
	_ =	strace $0x9000004A  }
0x251: {  	s0 =	sadd.s32 @!p0 $0x100000, s3;
	[bflag:$0x2] =	sbarrier.arrive $0xFFFF  }
0x252: {  	[sflag:s0] =	ssyncadd.tile.s32 @!p0 $0x1;
	_ =	shalt  }
.Lfunc_end2:
_tile_overlayer_lowered:
.L_overlay_start_2:
0x253: {  	(tag) =	ssettag $0x2  }
0x254: {  	s0 =	rddreg [dreg:$0x0];
	s2 =	stileid.u32  }
0x255: {  	s1 =	rddreg [dreg:$0x1];
	p0 =	sne.s32 s2, $0x0  }
0x256: {  	s3 =	rddreg [dreg:$0x2];
	[bflag:$0x3] =	sbarrier.arrive $0xFFFF;
	s2 =	simm.s32 @!p0 $0x1C03  }
0x257: {  	[timem:s3], [sflag:s2] =	dma.local @!p0 [hbm:s0], s1  }
0x258: {  	s0 =	simm.s32 @!p0 $0x3  }
0x259: {  	_ =	swait.ge @!p0 [sflag:s0], s1  }
0x25a: {  	s1 =	ssub.s32 @!p0 $0x0, s1;
	[sflag:s0] =	ssyncset.done @!p0 $0x0  }
0x25b: {  	[sflag:s0] =	ssyncadd.s32 @!p0 s1  }
0x25c: {  	[bflag:$0x3] =	sbarrier.arrive $0xFFFF  }
0x25d: {  	_ =	shalt  }

// kernel: kernel.7.cloned.1.call-start
scs
__scs_entry_jumppad:
0x0: {  	(pc) =	sbr.rel $0x88, $3  }
0x1: {  	(tag) =	ssettag $0x0;
	lr =	simm.s32 $0x1  }
0x2: {  	[smem:$0x3F95] =	sst lr;
	_ =	strace $0xD0000000  }
0x3: {  	_ = 	snop  }
0x4: {  	_ = 	snop  }
0x5: {  	_ = 	snop  }
0x6: {  	_ = 	snop  }
0x7: {  	_ = 	snop  }
__scs_overlays_trampoline_lowered:
0x8: {  	[smem:$0x3FA4] =	sst s0  }
0x9: {  	[smem:$0x3FA5] =	sst s1  }
0xa: {  	[smem:$0x3FA6] =	sst s2  }
0xb: {  	[smem:$0x3FA7] =	sst s3  }
0xc: {  	[smem:$0x3FA8] =	sst s4  }
0xd: {  	[smem:$0x3FA9] =	sst s5  }
0xe: {  	[smem:$0x3FAA] =	sst s6  }
0xf: {  	[smem:$0x3FAB] =	sst s7  }
0x10: {  	[smem:$0x3FAC] =	sst s8  }
0x11: {  	[smem:$0x3FAD] =	sst s9;
	s0 =	simm.s32 @!p0 $0x0  }
0x12: {  	s1 =	sld [smem:$0x3F93];
	s0 =	simm.s32 @p0 $0x1  }
0x13: {  	[smem:$0x3FAE] =	sst s0;
	s0 =	simm.s32 @!p1 $0x0  }
0x14: {  	s2 =	sld [smem:$0x3F92];
	s0 =	simm.s32 @p1 $0x1  }
0x15: {  	[smem:$0x3FAF] =	sst s0;
	s0 =	simm.s32 @!p2 $0x0  }
0x16: {  	s3 =	sld [smem:$0x3FDB];
	s0 =	simm.s32 @p2 $0x1  }
0x17: {  	s4 =	simm.s32 $0x1BF5;
	[smem:$0x3FB1] =	sst s0  }
0x18: {  	s0 =	sld [smem:$0x3F94];
	_ =	swait.ge [sflag:s4], $0x0  }
0x19: {  	s7 =	sld [smem:$0x3F95]  }
0x1a: {  	s8 =	sadd.s32 $0xFFFFE003, lr  }
0x1b: {  	s9 =	sadd.s32 $0xFFFFFEF7, lr;
	s5 =	simm.s32 $0xFFFFFFFF;
	p2 =	slt.u32 s8, $0xFFFFF086  }
0x1c: {  	p1 =	slt.u32 s9, $0xF7A;
	s5 =	simm.s32 @!p2 $0x0  }
0x1d: {  	s5 =	simm.s32 @p1 $0x1;
	p0 =	seq.s32 s7, s2  }
0x1e: {  	s7 =	smul.u32 @!p0 $0xF7A, s2;
	p2 =	seq.s32 @!p0 s5, $0x0  }
0x1f: {  	s9 =	smul.u32 $0xF7A, s1;
	s8 =	simm.s32 @!p0 $0x1BF5;
	p2 =	por !p2, p0  }
0x20: {  	[sflag:s8] =	ssyncset.s32 @!p0 $0xFFFFF086;
	s6 =	sadd.s32 @!p0 s3, s7;
	s7 =	simm.s32 @!p0 $0x108  }
0x21: {  	s3 =	sadd.s32 s3, s9;
	s6 =	sadd.s32 @!p0 $0x88, s6;
	s7 =	simm.s32 @p2 $0x1082  }
0x22: {  	[simem:s7], [sflag:s8] =	dma.local @!p0 [hbm:s6], $0xF7A  }
0x23: {  	s9 =	sor.u32 $0xD0000000, s2;
	s6 =	simm.s32 $0x108;
	_ =	swait.ge @!p0 [sflag:s8], $0x0  }
0x24: {  	s3 =	sadd.s32 $0x88, s3;
	s6 =	simm.s32 @!p1 $0x1082;
	[sflag:s4] =	ssyncset.s32 $0xFFFFF086  }
0x25: {  	[simem:s6], [sflag:s4] =	dma.local [hbm:s3], $0xF7A  }
0x26: {  	[smem:$0x3F95] =	sst s1;
	(tag) =	ssettag s2;
	_ =	strace s9  }
0x27: {  	s1 =	sld [smem:$0x3FA5]  }
0x28: {  	s2 =	sld [smem:$0x3FA6]  }
0x29: {  	s4 =	sld [smem:$0x3FA8]  }
0x2a: {  	p0 =	seq.s32 s5, $0x0;
	s5 =	sld [smem:$0x3FA9]  }
0x2b: {  	s6 =	sld [smem:$0x3FAA]  }
0x2c: {  	s7 =	sld [smem:$0x3FAB]  }
0x2d: {  	s3 =	simm.s32 $0x108;
	s8 =	sld [smem:$0x3FAC]  }
0x2e: {  	s3 =	simm.s32 @!p0 $0x1082;
	s9 =	sld [smem:$0x3FAD]  }
0x2f: {  	lr =	sadd.s32 s0, s3;
	s0 =	sld [smem:$0x3FA4]  }
0x30: {  	s3 =	sld [smem:$0x3FA7]  }
0x31: {  	[smem:$0x3FB0] =	sst s10  }
0x32: {  	s10 =	sld [smem:$0x3FAE];
	_ =	sdelay $0x3  }
0x33: {  	p0 =	seq.s32 s10, $0x1;
	s10 =	sld [smem:$0x3FB0];
	_ =	sdelay $0x3  }
0x34: {  	[smem:$0x3FB0] =	sst s10  }
0x35: {  	s10 =	sld [smem:$0x3FAF];
	_ =	sdelay $0x3  }
0x36: {  	p1 =	seq.s32 s10, $0x1;
	s10 =	sld [smem:$0x3FB0];
	_ =	sdelay $0x3  }
0x37: {  	[smem:$0x3FB0] =	sst s10  }
0x38: {  	s10 =	sld [smem:$0x3FB1]  }
0x39: {  	_ = 	snop;
	(pc) =	sbr.ind lr, $3  }
0x3a: {  	_ = 	snop  }
0x3b: {  	_ = 	snop  }
0x3c: {  	p2 =	seq.s32 s10, $0x1;
	s10 =	sld [smem:$0x3FB0]  }
0x3d: {  	_ =	shalt  }
0x3e: {  	_ =	shalt  }
0x3f: {  	_ =	shalt  }
0x40: {  	_ =	shalt  }
0x41: {  	_ =	shalt  }
0x42: {  	_ =	shalt  }
0x43: {  	_ =	shalt  }
0x44: {  	_ =	shalt  }
0x45: {  	_ =	shalt  }
0x46: {  	_ =	shalt  }
0x47: {  	_ =	shalt  }
0x48: {  	_ =	shalt  }
0x49: {  	_ =	shalt  }
0x4a: {  	_ =	shalt  }
0x4b: {  	_ =	shalt  }
0x4c: {  	_ =	shalt  }
0x4d: {  	_ =	shalt  }
0x4e: {  	_ =	shalt  }
0x4f: {  	_ =	shalt  }
0x50: {  	_ =	shalt  }
0x51: {  	_ =	shalt  }
0x52: {  	_ =	shalt  }
0x53: {  	_ =	shalt  }
0x54: {  	_ =	shalt  }
0x55: {  	_ =	shalt  }
0x56: {  	_ =	shalt  }
0x57: {  	_ =	shalt  }
0x58: {  	_ =	shalt  }
0x59: {  	_ =	shalt  }
0x5a: {  	_ =	shalt  }
0x5b: {  	_ =	shalt  }
0x5c: {  	_ =	shalt  }
0x5d: {  	_ =	shalt  }
0x5e: {  	_ =	shalt  }
0x5f: {  	_ =	shalt  }
0x60: {  	_ =	shalt  }
0x61: {  	_ =	shalt  }
0x62: {  	_ =	shalt  }
0x63: {  	_ =	shalt  }
0x64: {  	_ =	shalt  }
0x65: {  	_ =	shalt  }
0x66: {  	_ =	shalt  }
0x67: {  	_ =	shalt  }
0x68: {  	_ =	shalt  }
0x69: {  	_ =	shalt  }
0x6a: {  	_ =	shalt  }
0x6b: {  	_ =	shalt  }
0x6c: {  	_ =	shalt  }
0x6d: {  	_ =	shalt  }
0x6e: {  	_ =	shalt  }
0x6f: {  	_ =	shalt  }
0x70: {  	_ =	shalt  }
0x71: {  	_ =	shalt  }
0x72: {  	_ =	shalt  }
0x73: {  	_ =	shalt  }
0x74: {  	_ =	shalt  }
0x75: {  	_ =	shalt  }
0x76: {  	_ =	shalt  }
0x77: {  	_ =	shalt  }
0x78: {  	_ =	shalt  }
0x79: {  	_ =	shalt  }
0x7a: {  	_ =	shalt  }
0x7b: {  	_ =	shalt  }
0x7c: {  	_ =	shalt  }
0x7d: {  	_ =	shalt  }
0x7e: {  	_ =	shalt  }
0x7f: {  	_ =	shalt  }
0x80: {  	_ =	shalt  }
0x81: {  	_ =	shalt  }
0x82: {  	_ =	shalt  }
0x83: {  	_ =	shalt  }
0x84: {  	_ =	shalt  }
0x85: {  	_ =	shalt  }
0x86: {  	_ =	shalt  }
0x87: {  	_ =	shalt  }
.Lfunc_end0:
.L_simem_size_0:
called_computation_lowered:
.L_overlay_start_0:
0x88: {  	s2 =	sld [smem:$0x3FD9]  }
0x89: {  	s3 =	sld [smem:$0x3FFE];
	_ =	sdelay $0x1  }
0x8a: {  	s1 =	srdreg.scid  }
0x8b: {  	s0 =	sand.u32 $0x1, s1  }
0x8c: {  	s14 =	sshll.u32 s0, $0xA;
	s2 =	sadd.s32 s3, s2  }
0x8d: {  	s2 =	sadd.s32 s2, s14  }
0x8e: {  	[smem:$0x3FBC] =	sst s2  }
0x8f: {  	_ = 	snop  }
0x90: {  	s2 =	sld [smem:$0x3FD0];
	_ =	sdelay $0x2  }
0x91: {  	s15 =	simm.s32 $0xA;
	s4 =	simm.s32 $0x10  }
0x92: {  	[smem:s4], [sflag:s15] =	dma.local [hbm:s2], $0x1  }
0x93: {  	_ =	swait.eq [sflag:s15], $0x1  }
0x94: {  	[sflag:s15] =	ssyncset.done $0x0  }
0x95: {  	[sflag:s15] =	ssyncadd.s32 $0xFFFFFFFF  }
0x96: {  	s16 =	sld [smem:$0x10];
	(tm) =	ssettm $0x1  }
0x97: {  	s17 =	sld [smem:$0x3FFB];
	_ =	sdelay $0x3  }
0x98: {  	_ =	strace s17  }
0x99: {  	s3 =	sld [smem:$0x3FFC];
	_ =	sdelay $0x3  }
0x9a: {  	_ =	strace s3  }
0x9b: {  	s3 =	sld [smem:$0x3FFD];
	_ =	sdelay $0x3  }
0x9c: {  	_ =	strace s3  }
0x9d: {  	_ =	strace $0x8FFFFFFF  }
0x9e: {  	s18 =	sld [smem:$0x3FDB];
	_ =	sdelay $0x1  }
0x9f: {  	s19 =	simm.s32 $_scs_section_size  }
0xa0: {  	s5 =	simm.s32 $_size__tile_overlayer_lowered;
	s6 =	simm.s32 $_tile_overlayer_lowered  }
0xa1: {  	s22 =	simm.s32 $0x1BFF;
	s21 =	sshll.u32 s6, $0x1;
	s3 =	sadd.s32 s19, s18  }
0xa2: {  	s7 =	simm.s32 $0x0;
	s20 =	sshll.u32 s5, $0x1;
	s5 =	sadd.s32 s21, s3  }
0xa3: {  	[timem:s7], [sflag:s22] =	dma.local [hbm:s5], s20  }
0xa4: {  	_ =	swait.ge [sflag:s22], s20  }
0xa5: {  	s4 =	ssub.s32 $0x0, s20;
	[sflag:s22] =	ssyncset.done $0x0  }
0xa6: {  	[sflag:s22] =	ssyncadd.s32 s4;
	_ =	sdelay $0x1  }
0xa7: {  	s23 =	simm.s32 $0x1B8B  }
0xa8: {  	_ =	swait.ge [sflag:s23], $0x1  }
0xa9: {  	[sflag:s23] =	ssyncset.done $0x0  }
0xaa: {  	s25 =	simm.s32 $0x1B8E;
	s24 =	sld [smem:$0x3FFE];
	[sflag:s23] =	ssyncadd.s32 $0xFFFFFFFF  }
0xab: {  	s26 =	simm.s32 $execute0_lowered;
	[smem:$0x3FD2] =	sst s25  }
0xac: {  	s5 =	sshll.u32 s26, $0x1;
	_ =	strace $0x80000046;
	[dreg:$0x1] =	wrdreg $0xFFFFFFFF  }
0xad: {  	s28 =	simm.s32 $_size_execute0_lowered;
	s3 =	sadd.s32 s3, s5;
	[dreg:$0x0] =	wrdreg $0x0  }
0xae: {  	s5 =	sshll.u32 s28, $0x1;
	[dreg:$0x2] =	wrdreg s3  }
0xaf: {  	[dreg:$0x3] =	wrdreg s5  }
0xb0: {  	[dreg:$0x4] =	wrdreg $0xC0  }
0xb1: {  	_ =	task [dreg:s7], $0x5FFFF  }
0xb2: {  	[dreg:$0x1] =	wrdreg $0xFFFFFFFF  }
0xb3: {  	[dreg:$0x0] =	wrdreg $0x60  }
0xb4: {  	[dreg:$0x2] =	wrdreg s24  }
0xb5: {  	[dreg:$0x3] =	wrdreg s16  }
0xb6: {  	[dreg:$0x4] =	wrdreg $0xEEA00  }
0xb7: {  	[dreg:$0x5] =	wrdreg $0x9  }
0xb8: {  	_ =	task.clear_ibuf [dreg:s7], $0x6FFFF;
	_ =	strace $0x90000046  }
0xb9: {  	s29 =	simm.s32 $0x9;
	_ =	strace $0x80000048  }
0xba: {  	_ =	swait.ge [sflag:s29], $0x1  }
0xbb: {  	[sflag:s29] =	ssyncadd.s32 $0xFFFFFFFF  }
0xbc: {  	_ =	strace $0x90000048  }
0xbd: {  	_ =	sfence  }
0xbe: {  	s30 =	sld [smem:$0x0];
	_ =	sdelay $0x2  }
0xbf: {  	s31 =	sshll.u32 s1, $0xD;
	s1 =	sshrl.u32 s1, $0x2  }
0xc0: {  	s3 =	sand.u32 $0x4000, s31;
	s1 =	sadd.s32 s1, s30  }
0xc1: {  	s0 =	sor.u32 s3, s0;
	s1 =	sshll.u32 s1, $0x11  }
0xc2: {  	s0 =	sor.u32 s1, s0  }
0xc3: {  	s0 =	sadd.s32 $0x8F2B, s0  }
0xc4: {  	[sflag:s0] =	ssyncadd.remote.s32 $0x1  }
0xc5: {  	_ =	sfence.sel $0xFFFF  }
0xc6: {  	[dreg:$0x0] =	wrdreg $0xFFFFFFFF;
	(pc) =	sbr.abs _section_cstart, $3  }
0xc7: {  	[dreg:$0x1] =	wrdreg $0xFFFFFFFF  }
0xc8: {  	_ =	task.clear_ibuf [dreg:s7], $0x2FFFF;
	_ =	strace $0x9FFFFFFF  }
0xc9: {  	(tm) =	ssettm $0x7FFFFFFF  }
tec
execute0_lowered:
.L_overlay_start_1:
0x0: {  	(tag) =	ssettag $0x1  }
0x1: {  	s0 =	rddreg [dreg:$0x0]  }
0x2: {  	s2 =	rddreg [dreg:$0x1]  }
0x3: {  	s3 =	rddreg [dreg:$0x2]  }
0x4: {  	s1 =	stileid.u32;
	s5 =	srdreg.scid  }
0x5: {  	s4 =	simm.s32 $0x0;
	s13 =	simm.s32 $0x7620;
	s16 =	simm.s32 $0x80  }
0x6: {  	s17 =	simm.s32 $0x9E20;
	s18 =	simm.s32 $0x4EA0;
	s19 =	simm.s32 $0xC620  }
0x7: {  	s20 =	simm.s32 $0x1;
	s21 =	simm.s32 $0x2;
	s23 =	simm.s32 $0x0  }
0x8: {  	s8 =	smul.u32 $0xC350, s1;
	s6 =	sand.u32 $0x1, s5;
	[smem:$0x7FF] =	sst s4  }
0x9: {  	s10 =	smul.u32 $0xC800, s1;
	s5 =	sadd.s32 $0x15E00, s0;
	s14 =	sshll.u32 s1, $0x6  }
0xa: {  	s7 =	smul.u32 $0xC8000, s6;
	_ =	strace $0x80000047;
	s9 =	sshll.u32 s6, $0x4  }
0xb: {  	s6 =	ssub.s32 $0x2, s6;
	s14 =	sor.u32 $0x1C03, s14;
	s11 =	sshrl.u32 s8, $0x3  }
0xc: {  	s9 =	sor.u32 s1, s9;
	s12 =	sshrl.u32 s6, $0x1;
	s15 =	sadd.s32 s8, s3  }
0xd: {  	s31 =	sadd.s32 s10, s3;
	s9 =	smul.u32 $0x500, s9;
	s7 =	sadd.s32 s10, s7  }
.Ltmp0:
0xe: {  	s11 =	sadd.s32 s11, s0;
	s12 =	ssub.s32 s6, s12;
	(pc) =	sbr.rel .LBB2_1-.Ltmp0, $4  }
0xf: {  	s15 =	sshrl.u32 s15, $0x3;
	s22 =	sshrl.u32 s31, $0x3;
	s7 =	sshrl.u32 s7, $0x3  }
0x10: {  	s8 =	sadd.s32 $0x2E600, s11;
	s10 =	smax.u32 s12, $0x1;
	s11 =	simm.s32 $0x4E20  }
0x11: {  	s12 =	simm.s32 $0x3;
	s9 =	sadd.s32 s9, s0;
	s0 =	sadd.s32 s7, s0  }
0x12: {  	s6 =	sadd.s32 $0x1E00, s9;
	s7 =	sadd.s32 $0xBE00, s9;
	s9 =	sadd.s32 $0x46E00, s0  }
.LBB2_8:
0x13: {  	s23 =	sadd.s32 $0x1, s23  }
0x14: {  	p0 =	sne.s32 s23, s10  }
.Ltmp1:
0x15: {  	[bflag:$0x0] =	sbarrier.arrive $0xFFFF;
	(pc) =	sbr.rel @!p0 .LBB2_9-.Ltmp1, $4  }
0x16: {  	[hbm:s9], [sflag:s14] =	dma.local [spmem:s22], $0x1900  }
0x17: {  	_ =	swait.ge [sflag:s12], $0x1900  }
0x18: {  	[sflag:s12] =	ssyncset.done $0x0  }
0x19: {  	[sflag:s12] =	ssyncadd.s32 $0xFFFFE700  }
.LBB2_1:
0x1a: {  	[tilespmem:s11], [sflag:$0x3] =	stream.linear.gather [hbm4b:s6+s4], $0x2800, $0x38;
	[tilespmem:$0x1B6A0] =	vst v63  }
0x1b: {  	_ =	swait.ge [sflag:s12], $0x2800  }
0x1c: {  	[sflag:s12] =	ssyncset.done $0x0  }
0x1d: {  	[sflag:s12] =	ssyncadd.s32 $0xFFFFD800  }
0x1e: {  	[tilespmem:s13], [sflag:$0x3] =	stream.linear.gather [hbm4b:s7+s4], $0x2800, $0x38;
	[tilespmem:$0x1B6A0] =	vst v63  }
0x1f: {  	_ =	swait.ge [sflag:s12], $0x2800  }
0x20: {  	[sflag:s12] =	ssyncset.done $0x0  }
0x21: {  	[sflag:s12] =	ssyncadd.s32 $0xFFFFD800  }
0x22: {  	[tilespmem:s4], [sflag:$0x3] =	stream.linear.gather [hbm4b:s2+s4], $0x4E20, $0x38;
	[tilespmem:$0x1B6A0] =	vst v63  }
0x23: {  	_ =	swait.ge [sflag:s12], $0x4E20  }
0x24: {  	[sflag:s12] =	ssyncset.done $0x0  }
0x25: {  	[sflag:s12] =	ssyncadd.s32 $0xFFFFB1E0  }
0x26: {  	[spmem:s15], [sflag:s14] =	dma.local [hbm:s8], $0x186A  }
0x27: {  	_ =	swait.ge [sflag:s12], $0x186A  }
0x28: {  	[sflag:s12] =	ssyncset.done $0x0  }
0x29: {  	[sflag:s12] =	ssyncadd.s32 $0xFFFFE796  }
0x2a: {  	[bflag:$0x0] =	sbarrier.arrive $0xFFFF  }
0x2b: {  	[tilespmem:s17], [sflag:$0x1] =	stream.indirect.gather [hbm4b:s5+s16], $0x50, s11, s16, $0xb8;
	[tilespmem:$0x1B6A0] =	vst v63  }
0x2c: {  	s24 =	simm.s32 $0x0  }
0x2d: {  	[tilespmem:s19], [sflag:$0x2] =	stream.indirect.gather [hbm4b:s5+s16], $0x50, s18, s16, $0xb8;
	[tilespmem:$0x1B6A0] =	vst v63  }
.LBB2_2:
0x2e: {  	_ =	swait.ge [sflag:s20], $0x2800  }
0x2f: {  	[sflag:s20] =	ssyncset.done $0x0  }
0x30: {  	s25 =	sshll.u32 s24, $0x8;
	[sflag:s20] =	ssyncadd.s32 $0xFFFFD800  }
0x31: {  	v0 =	vld [tilespmem:s25+$0x7620];
	_ =	sdelay $0x1  }
0x32: {  	v1 =	vld [tilespmem:s25+$0x4E20];
	_ =	sdelay $0x2  }
0x33: {  	vm0 =	vlt.s32 v0, $0x270F  }
0x34: {  	v0 =	vnsel vm0, $0x270F, v0  }
0x35: {  	v1 =	vshll.u32 v1, $0x1;
	v0 =	vshll.u32 v0, $0x1  }
0x36: {  	v0 =	vor.u32 $0x1, v0;
	_ =	sdelay $0x2  }
0x37: {  	s26 =	simm.s32 $0x0  }
0x38: {  	v1 =	vld.idx.msk [tilespmem:v1+s26+$0x0], $0xffff  }
0x39: {  	v0 =	vld.idx.msk [tilespmem:v0+s26+$0x0], $0xffff;
	_ =	sdelay $0x4  }
0x3a: {  	v0 =	vadd.f32 v0, v1;
	_ =	sdelay $0x1  }
0x3b: {  	v1 =	vmul.f32 $2.000000030e-01, v0  }
0x3c: {  	vm13 =	vge.f32 v0, $0.0e+00  }
0x3d: {  	v0 =	vsel vm13, v0, v1  }
0x3e: {  	v0 =	vmul.f32 $1.442695020e+00, v0;
	_ =	sdelay $0x1  }
0x3f: {  	(erf) = vpow2.f32 v0;
	_ =	sdelay $0x8  }
0x40: {  	v0 =	vpop (erf)  }
0x41: {  	[tilespmem:$0xEE20] =	vst v0  }
0x42: {  	v0 =	vld [tilespmem:s25+$0x7630];
	_ =	sdelay $0x1  }
0x43: {  	v1 =	vld [tilespmem:s25+$0x4E30];
	_ =	sdelay $0x2  }
0x44: {  	vm14 =	vlt.s32 v0, $0x270F  }
0x45: {  	v0 =	vnsel vm14, $0x270F, v0  }
0x46: {  	v1 =	vshll.u32 v1, $0x1;
	v0 =	vshll.u32 v0, $0x1  }
0x47: {  	v0 =	vor.u32 $0x1, v0;
	_ =	sdelay $0x3  }
0x48: {  	v1 =	vld.idx.msk [tilespmem:v1+s26+$0x0], $0xffff  }
0x49: {  	v0 =	vld.idx.msk [tilespmem:v0+s26+$0x0], $0xffff;
	_ =	sdelay $0x4  }
0x4a: {  	v0 =	vadd.f32 v0, v1;
	_ =	sdelay $0x1  }
0x4b: {  	v1 =	vmul.f32 $2.000000030e-01, v0  }
0x4c: {  	vm15 =	vge.f32 v0, $0.0e+00  }
0x4d: {  	v0 =	vsel vm15, v0, v1  }
0x4e: {  	v0 =	vmul.f32 $1.442695020e+00, v0;
	_ =	sdelay $0x1  }
0x4f: {  	(erf) = vpow2.f32 v0;
	_ =	sdelay $0x8  }
0x50: {  	v0 =	vpop (erf)  }
0x51: {  	[tilespmem:$0xEE30] =	vst v0  }
0x52: {  	v0 =	vld [tilespmem:s25+$0x7640];
	_ =	sdelay $0x1  }
0x53: {  	v1 =	vld [tilespmem:s25+$0x4E40];
	_ =	sdelay $0x2  }
0x54: {  	vm4 =	vlt.s32 v0, $0x270F  }
0x55: {  	v0 =	vnsel vm4, $0x270F, v0  }
0x56: {  	v1 =	vshll.u32 v1, $0x1;
	v0 =	vshll.u32 v0, $0x1  }
0x57: {  	v0 =	vor.u32 $0x1, v0;
	_ =	sdelay $0x3  }
0x58: {  	v1 =	vld.idx.msk [tilespmem:v1+s26+$0x0], $0xffff  }
0x59: {  	v0 =	vld.idx.msk [tilespmem:v0+s26+$0x0], $0xffff;
	_ =	sdelay $0x4  }
0x5a: {  	v0 =	vadd.f32 v0, v1;
	_ =	sdelay $0x1  }
0x5b: {  	v1 =	vmul.f32 $2.000000030e-01, v0  }
0x5c: {  	vm5 =	vge.f32 v0, $0.0e+00  }
0x5d: {  	v0 =	vsel vm5, v0, v1  }
0x5e: {  	v0 =	vmul.f32 $1.442695020e+00, v0;
	_ =	sdelay $0x1  }
0x5f: {  	(erf) = vpow2.f32 v0;
	_ =	sdelay $0x8  }
0x60: {  	v0 =	vpop (erf)  }
0x61: {  	[tilespmem:$0xEE40] =	vst v0  }
0x62: {  	v0 =	vld [tilespmem:s25+$0x7650];
	_ =	sdelay $0x1  }
0x63: {  	v1 =	vld [tilespmem:s25+$0x4E50];
	_ =	sdelay $0x2  }
0x64: {  	vm6 =	vlt.s32 v0, $0x270F  }
0x65: {  	v0 =	vnsel vm6, $0x270F, v0  }
0x66: {  	v1 =	vshll.u32 v1, $0x1;
	v0 =	vshll.u32 v0, $0x1  }
0x67: {  	v0 =	vor.u32 $0x1, v0;
	_ =	sdelay $0x3  }
0x68: {  	v1 =	vld.idx.msk [tilespmem:v1+s26+$0x0], $0xffff  }
0x69: {  	v0 =	vld.idx.msk [tilespmem:v0+s26+$0x0], $0xffff;
	_ =	sdelay $0x4  }
0x6a: {  	v0 =	vadd.f32 v0, v1;
	_ =	sdelay $0x1  }
0x6b: {  	v1 =	vmul.f32 $2.000000030e-01, v0  }
0x6c: {  	vm7 =	vge.f32 v0, $0.0e+00  }
0x6d: {  	v0 =	vsel vm7, v0, v1  }
0x6e: {  	v0 =	vmul.f32 $1.442695020e+00, v0;
	_ =	sdelay $0x1  }
0x6f: {  	(erf) = vpow2.f32 v0;
	_ =	sdelay $0x8  }
0x70: {  	v0 =	vpop (erf)  }
0x71: {  	[tilespmem:$0xEE50] =	vst v0  }
0x72: {  	v0 =	vld [tilespmem:s25+$0x7660];
	_ =	sdelay $0x1  }
0x73: {  	v1 =	vld [tilespmem:s25+$0x4E60];
	_ =	sdelay $0x2  }
0x74: {  	vm8 =	vlt.s32 v0, $0x270F  }
0x75: {  	v0 =	vnsel vm8, $0x270F, v0  }
0x76: {  	v1 =	vshll.u32 v1, $0x1;
	v0 =	vshll.u32 v0, $0x1  }
0x77: {  	v0 =	vor.u32 $0x1, v0;
	_ =	sdelay $0x3  }
0x78: {  	v1 =	vld.idx.msk [tilespmem:v1+s26+$0x0], $0xffff  }
0x79: {  	v0 =	vld.idx.msk [tilespmem:v0+s26+$0x0], $0xffff;
	_ =	sdelay $0x4  }
0x7a: {  	v0 =	vadd.f32 v0, v1;
	_ =	sdelay $0x1  }
0x7b: {  	v1 =	vmul.f32 $2.000000030e-01, v0  }
0x7c: {  	vm9 =	vge.f32 v0, $0.0e+00  }
0x7d: {  	v0 =	vsel vm9, v0, v1  }
0x7e: {  	v0 =	vmul.f32 $1.442695020e+00, v0;
	_ =	sdelay $0x1  }
0x7f: {  	(erf) = vpow2.f32 v0;
	_ =	sdelay $0x8  }
0x80: {  	v0 =	vpop (erf)  }
0x81: {  	[tilespmem:$0xEE60] =	vst v0  }
0x82: {  	v0 =	vld [tilespmem:s25+$0x7670];
	_ =	sdelay $0x1  }
0x83: {  	v1 =	vld [tilespmem:s25+$0x4E70];
	_ =	sdelay $0x2  }
0x84: {  	vm10 =	vlt.s32 v0, $0x270F  }
0x85: {  	v0 =	vnsel vm10, $0x270F, v0  }
0x86: {  	v1 =	vshll.u32 v1, $0x1;
	v0 =	vshll.u32 v0, $0x1  }
0x87: {  	v0 =	vor.u32 $0x1, v0;
	_ =	sdelay $0x3  }
0x88: {  	v1 =	vld.idx.msk [tilespmem:v1+s26+$0x0], $0xffff  }
0x89: {  	v0 =	vld.idx.msk [tilespmem:v0+s26+$0x0], $0xffff;
	_ =	sdelay $0x4  }
0x8a: {  	v0 =	vadd.f32 v0, v1;
	_ =	sdelay $0x1  }
0x8b: {  	v1 =	vmul.f32 $2.000000030e-01, v0  }
0x8c: {  	vm11 =	vge.f32 v0, $0.0e+00  }
0x8d: {  	v0 =	vsel vm11, v0, v1  }
0x8e: {  	v0 =	vmul.f32 $1.442695020e+00, v0;
	_ =	sdelay $0x1  }
0x8f: {  	(erf) = vpow2.f32 v0;
	_ =	sdelay $0x8  }
0x90: {  	v0 =	vpop (erf)  }
0x91: {  	[tilespmem:$0xEE70] =	vst v0  }
0x92: {  	v0 =	vld [tilespmem:s25+$0x7680];
	_ =	sdelay $0x1  }
0x93: {  	v1 =	vld [tilespmem:s25+$0x4E80];
	_ =	sdelay $0x2  }
0x94: {  	vm12 =	vlt.s32 v0, $0x270F  }
0x95: {  	v0 =	vnsel vm12, $0x270F, v0  }
0x96: {  	v1 =	vshll.u32 v1, $0x1;
	v0 =	vshll.u32 v0, $0x1  }
0x97: {  	v0 =	vor.u32 $0x1, v0;
	_ =	sdelay $0x3  }
0x98: {  	v1 =	vld.idx.msk [tilespmem:v1+s26+$0x0], $0xffff  }
0x99: {  	v0 =	vld.idx.msk [tilespmem:v0+s26+$0x0], $0xffff;
	_ =	sdelay $0x4  }
0x9a: {  	v0 =	vadd.f32 v0, v1;
	_ =	sdelay $0x1  }
0x9b: {  	v1 =	vmul.f32 $2.000000030e-01, v0  }
0x9c: {  	vm13 =	vge.f32 v0, $0.0e+00  }
0x9d: {  	v0 =	vsel vm13, v0, v1  }
0x9e: {  	v0 =	vmul.f32 $1.442695020e+00, v0;
	_ =	sdelay $0x1  }
0x9f: {  	(erf) = vpow2.f32 v0;
	_ =	sdelay $0x8  }
0xa0: {  	v0 =	vpop (erf)  }
0xa1: {  	[tilespmem:$0xEE80] =	vst v0  }
0xa2: {  	v0 =	vld [tilespmem:s25+$0x7690];
	_ =	sdelay $0x1  }
0xa3: {  	v1 =	vld [tilespmem:s25+$0x4E90];
	_ =	sdelay $0x2  }
0xa4: {  	vm14 =	vlt.s32 v0, $0x270F  }
0xa5: {  	v0 =	vnsel vm14, $0x270F, v0  }
0xa6: {  	v1 =	vshll.u32 v1, $0x1;
	v0 =	vshll.u32 v0, $0x1  }
0xa7: {  	v0 =	vor.u32 $0x1, v0;
	_ =	sdelay $0x3  }
0xa8: {  	v1 =	vld.idx.msk [tilespmem:v1+s26+$0x0], $0xffff  }
0xa9: {  	v0 =	vld.idx.msk [tilespmem:v0+s26+$0x0], $0xffff;
	_ =	sdelay $0x4  }
0xaa: {  	v0 =	vadd.f32 v0, v1;
	_ =	sdelay $0x1  }
0xab: {  	v1 =	vmul.f32 $2.000000030e-01, v0  }
0xac: {  	vm15 =	vge.f32 v0, $0.0e+00  }
0xad: {  	v0 =	vsel vm15, v0, v1  }
0xae: {  	v0 =	vmul.f32 $1.442695020e+00, v0;
	_ =	sdelay $0x1  }
0xaf: {  	(erf) = vpow2.f32 v0;
	_ =	sdelay $0x8  }
0xb0: {  	v0 =	vpop (erf)  }
0xb1: {  	s26 =	simm.s32 $0xA0A0;
	[tilespmem:$0xEE90] =	vst v0  }
0xb2: {  	v1 =	vld [tilespmem:s26+$0x210]  }
0xb3: {  	v0 =	vld [tilespmem:s26+$0x140]  }
0xb4: {  	v3 =	vld [tilespmem:s26+$0x120]  }
0xb5: {  	s0 =	simm.s32 $0x0;
	v4 =	vld [tilespmem:s26+$0x110]  }
0xb6: {  	v2 =	vld [tilespmem:s0+$0xEE20]  }
0xb7: {  	v5 =	vld [tilespmem:s26+$0x100]  }
0xb8: {  	v6 =	vld [tilespmem:s26+$0xF0]  }
0xb9: {  	v7 =	vld [tilespmem:s26+$0xE0]  }
0xba: {  	v8 =	vld [tilespmem:s26+$0xD0]  }
0xbb: {  	v9 =	vld [tilespmem:s26+$0xC0];
	v10 =	vbroadcast v2, $0xB  }
0xbc: {  	v12 =	vld [tilespmem:s26+$0xB0];
	v11 =	vbroadcast v2, $0xA  }
0xbd: {  	v13 =	vld [tilespmem:s26+$0xA0];
	v6 =	vmul.f32 v6, v10  }
0xbe: {  	v14 =	vld [tilespmem:s26+$0x90];
	v7 =	vmul.f32 v7, v11  }
0xbf: {  	v15 =	vld [tilespmem:s26+$0x80];
	v8 =	vmul.f32 v8, v11;
	[tilespmem:s26+$0xF0] =	vst v6  }
0xc0: {  	v16 =	vld [tilespmem:s26+$0x60];
	v9 =	vmul.f32 v9, v11;
	[tilespmem:s26+$0xE0] =	vst v7  }
0xc1: {  	v12 =	vmul.f32 v12, v11;
	v6 =	vld [tilespmem:s26+$0x70];
	[tilespmem:s26+$0xD0] =	vst v8  }
0xc2: {  	v11 =	vmul.f32 v13, v11;
	v8 =	vld [tilespmem:s26+$0x50];
	[tilespmem:s26+$0xC0] =	vst v9  }
0xc3: {  	v4 =	vmul.f32 v4, v10;
	v9 =	vld [tilespmem:s26+$0x130];
	[tilespmem:s26+$0xB0] =	vst v12  }
0xc4: {  	v3 =	vmul.f32 v3, v10;
	v7 =	vbroadcast v2, $0x9;
	v12 =	vld [tilespmem:s26+$0x40];
	[tilespmem:s26+$0xA0] =	vst v11  }
0xc5: {  	v11 =	vld [tilespmem:s26+$0x30];
	[tilespmem:s26+$0x110] =	vst v4;
	v4 =	vmul.f32 v5, v10  }
0xc6: {  	v5 =	vld [tilespmem:s26+$0xFFFFFFD0];
	[tilespmem:s26+$0x120] =	vst v3;
	v13 =	vmul.f32 v14, v7;
	v14 =	vmul.f32 v15, v7  }
0xc7: {  	v3 =	vld [tilespmem:s26+$0xFFFFFFB0];
	[tilespmem:s26+$0x100] =	vst v4  }
0xc8: {  	v15 =	vmul.f32 v16, v7;
	[tilespmem:s26+$0x80] =	vst v14;
	v14 =	vld [tilespmem:s26+$0x0]  }
0xc9: {  	[tilespmem:s26+$0x90] =	vst v13;
	v13 =	vld [tilespmem:s26+$0x20];
	v6 =	vmul.f32 v6, v7  }
0xca: {  	v4 =	vld [tilespmem:s26+$0xFFFFFFA0];
	[tilespmem:s26+$0x60] =	vst v15;
	v15 =	vbroadcast v2, $0x8;
	v7 =	vmul.f32 v8, v7  }
0xcb: {  	v16 =	vld [tilespmem:s26+$0xFFFFFDD0];
	v8 =	vmul.f32 v9, v10;
	[tilespmem:s26+$0x70] =	vst v6  }
0xcc: {  	v9 =	vld [tilespmem:s26+$0xFFFFFFF0];
	v12 =	vmul.f32 v12, v15;
	[tilespmem:s26+$0x50] =	vst v7  }
0xcd: {  	v6 =	vld [tilespmem:s26+$0x10];
	[tilespmem:s26+$0x130] =	vst v8;
	v8 =	vbroadcast v2, $0x7;
	v14 =	vmul.f32 v14, v15  }
0xce: {  	v10 =	vld [tilespmem:s26+$0xFFFFFFC0];
	[tilespmem:s26+$0x40] =	vst v12;
	v12 =	vmul.f32 v13, v15  }
0xcf: {  	v7 =	vld [tilespmem:s26+$0xFFFFFFE0];
	v5 =	vmul.f32 v5, v8;
	[tilespmem:s26+$0x0] =	vst v14  }
0xd0: {  	v13 =	vld [tilespmem:s26+$0xFFFFFF80];
	v3 =	vmul.f32 v3, v8;
	[tilespmem:s26+$0x20] =	vst v12  }
0xd1: {  	v9 =	vmul.f32 v9, v8;
	v14 =	vld [tilespmem:s26+$0xFFFFFF90];
	[tilespmem:s26+$0xFFFFFFD0] =	vst v5  }
0xd2: {  	v12 =	vbroadcast v2, $0x6;
	v5 =	vld [tilespmem:s26+$0xFFFFFF30];
	[tilespmem:s26+$0xFFFFFFB0] =	vst v3;
	v6 =	vmul.f32 v6, v15  }
0xd3: {  	[tilespmem:s26+$0xFFFFFFF0] =	vst v9;
	v9 =	vmul.f32 v11, v15;
	v11 =	vld [tilespmem:s26+$0xFFFFFF70]  }
0xd4: {  	v15 =	vld [tilespmem:s26+$0xFFFFFF50];
	v4 =	vmul.f32 v4, v12;
	[tilespmem:s26+$0x10] =	vst v6  }
0xd5: {  	v10 =	vmul.f32 v10, v8;
	v6 =	vld [tilespmem:s26+$0xFFFFFF60];
	[tilespmem:s26+$0x30] =	vst v9  }
0xd6: {  	v9 =	vld [tilespmem:s26+$0xFFFFFF40];
	[tilespmem:s26+$0xFFFFFFA0] =	vst v4;
	v4 =	vmul.f32 v7, v8  }
0xd7: {  	[tilespmem:s26+$0xFFFFFFC0] =	vst v10;
	v7 =	vbroadcast v2, $0x5;
	v8 =	vld [tilespmem:s26+$0xFFFFFF00];
	v10 =	vmul.f32 v14, v12  }
0xd8: {  	v14 =	vld [tilespmem:s26+$0xFFFFFF20];
	v3 =	vmul.f32 v11, v12;
	[tilespmem:s26+$0xFFFFFFE0] =	vst v4  }
0xd9: {  	v11 =	vld [tilespmem:s26+$0xFFFFFF10];
	v5 =	vmul.f32 v5, v7;
	[tilespmem:s26+$0xFFFFFF90] =	vst v10  }
0xda: {  	v10 =	vmul.f32 v13, v12;
	v13 =	vld [tilespmem:s26+$0xFFFFFEF0];
	[tilespmem:s26+$0xFFFFFF70] =	vst v3  }
0xdb: {  	v3 =	vmul.f32 v15, v7;
	v15 =	vld [tilespmem:s26+$0xFFFFFEE0];
	[tilespmem:s26+$0xFFFFFF30] =	vst v5  }
0xdc: {  	v4 =	vmul.f32 v9, v7;
	v9 =	vld [tilespmem:s26+$0xFFFFFED0];
	[tilespmem:s26+$0xFFFFFF80] =	vst v10  }
0xdd: {  	v10 =	vld [tilespmem:s26+$0xFFFFFEC0];
	[tilespmem:s26+$0xFFFFFF50] =	vst v3;
	v3 =	vmul.f32 v6, v12  }
0xde: {  	v6 =	vld [tilespmem:s26+$0xFFFFFEB0];
	[tilespmem:s26+$0xFFFFFF40] =	vst v4;
	v4 =	vbroadcast v2, $0x4;
	v5 =	vmul.f32 v14, v7  }
0xdf: {  	v12 =	vld [tilespmem:s26+$0xFFFFFEA0];
	v11 =	vmul.f32 v11, v7;
	[tilespmem:s26+$0xFFFFFF60] =	vst v3  }
0xe0: {  	v14 =	vld [tilespmem:s26+$0xFFFFFE70];
	v3 =	vmul.f32 v13, v4;
	[tilespmem:s26+$0xFFFFFF20] =	vst v5  }
0xe1: {  	v7 =	vld [tilespmem:s26+$0xFFFFFE90];
	v5 =	vmul.f32 v8, v4;
	[tilespmem:s26+$0xFFFFFF10] =	vst v11  }
0xe2: {  	v13 =	vld [tilespmem:s26+$0xFFFFFE80];
	v11 =	vmul.f32 v15, v4;
	[tilespmem:s26+$0xFFFFFEF0] =	vst v3  }
0xe3: {  	v8 =	vld [tilespmem:s26+$0xFFFFFE60];
	v3 =	vbroadcast v2, $0x3;
	v10 =	vmul.f32 v10, v4;
	[tilespmem:s26+$0xFFFFFF00] =	vst v5  }
0xe4: {  	v15 =	vld [tilespmem:s26+$0xFFFFFE50];
	v4 =	vmul.f32 v9, v4;
	[tilespmem:s26+$0xFFFFFEE0] =	vst v11  }
0xe5: {  	v9 =	vld [tilespmem:s26+$0xFFFFFE40];
	v5 =	vmul.f32 v12, v3;
	[tilespmem:s26+$0xFFFFFEC0] =	vst v10  }
0xe6: {  	v11 =	vld [tilespmem:s26+$0xFFFFFE30];
	v7 =	vmul.f32 v7, v3;
	[tilespmem:s26+$0xFFFFFED0] =	vst v4  }
0xe7: {  	v10 =	vld [tilespmem:s26+$0xFFFFFE20];
	v4 =	vbroadcast v2, $0x2;
	v12 =	vmul.f32 v13, v3;
	[tilespmem:s26+$0xFFFFFEA0] =	vst v5  }
0xe8: {  	v13 =	vld [tilespmem:s26+$0xFFFFFE10];
	v5 =	vmul.f32 v14, v3;
	[tilespmem:s26+$0xFFFFFE90] =	vst v7  }
0xe9: {  	v14 =	vld [tilespmem:s26+$0xFFFFFE00];
	v7 =	vmul.f32 v8, v4;
	[tilespmem:s26+$0xFFFFFE80] =	vst v12  }
0xea: {  	v8 =	vld [tilespmem:s26+$0xFFFFFDF0];
	v12 =	vmul.f32 v15, v4;
	[tilespmem:s26+$0xFFFFFE70] =	vst v5  }
0xeb: {  	v3 =	vmul.f32 v6, v3;
	v15 =	vld [tilespmem:s26+$0xFFFFFDE0];
	v5 =	vmul.f32 v9, v4;
	[tilespmem:s26+$0xFFFFFE60] =	vst v7  }
0xec: {  	v9 =	vbroadcast v2, $0x1;
	v6 =	vmul.f32 v11, v4;
	v7 =	vld [tilespmem:s26+$0xFFFFFDC0];
	[tilespmem:s26+$0xFFFFFE50] =	vst v12  }
0xed: {  	v18 =	vbroadcast v2, $0x0;
	v11 =	vld [tilespmem:s26+$0xFFFFFDB0];
	v4 =	vmul.f32 v10, v4;
	[tilespmem:s26+$0xFFFFFE40] =	vst v5  }
0xee: {  	v19 =	vld [tilespmem:s26+$0xFFFFFD90];
	v10 =	vmul.f32 v13, v9;
	[tilespmem:s26+$0xFFFFFE30] =	vst v6;
	v16 =	vmul.f32 v16, v9  }
0xef: {  	v6 =	vbroadcast v2, $0xF;
	v5 =	vmul.f32 v14, v9;
	v14 =	vld [tilespmem:s26+$0xFFFFFDA0];
	[tilespmem:s26+$0xFFFFFE20] =	vst v4  }
0xf0: {  	v20 =	vld [tilespmem:s26+$0xFFFFFD80];
	v17 =	vmul.f32 v8, v9;
	v4 =	vbroadcast v2, $0xE;
	[tilespmem:s26+$0xFFFFFE10] =	vst v10  }
0xf1: {  	v13 =	vld [tilespmem:s26+$0x270];
	v15 =	vmul.f32 v15, v9;
	[tilespmem:s26+$0xFFFFFDD0] =	vst v16;
	v12 =	vmul.f32 v7, v18  }
0xf2: {  	[tilespmem:s26+$0xFFFFFE00] =	vst v5;
	v8 =	vmul.f32 v11, v18;
	v7 =	vld [tilespmem:s26+$0x260];
	v9 =	vmul.f32 v1, v4  }
0xf3: {  	[tilespmem:s26+$0xFFFFFDF0] =	vst v17;
	v5 =	vbroadcast v2, $0xD;
	v2 =	vbroadcast v2, $0xC;
	v1 =	vld [tilespmem:s26+$0x240]  }
0xf4: {  	v11 =	vmul.f32 v19, v18;
	[tilespmem:s26+$0xFFFFFDE0] =	vst v15;
	v10 =	vmul.f32 v14, v18;
	v14 =	vld [tilespmem:s26+$0x250]  }
0xf5: {  	s30 =	simm.s32 $0x40;
	s29 =	simm.s32 $0xA0A0;
	s28 =	sadd.s32 $0x7620, s25;
	[tilespmem:s26+$0x210] =	vst v9;
	v9 =	vmul.f32 v18, v20;
	v15 =	vmul.f32 v0, v2;
	v0 =	vld [tilespmem:s26+$0x230]  }
.LBB2_3:
0xf6: {  	s0 =	smov.u32 s30  }
0xf7: {  	s31 =	sshra.s32 s30, $0x2;
	[tilespmem:s26+$0xFFFFFDC0] =	vst v12;
	v12 =	vld [tilespmem:s26+$0x220];
	v13 =	vmul.f32 v13, v6;
	s29 =	sadd.s32 $0x500, s29;
	s0 =	sadd.s32 $0x40, s30  }
0xf8: {  	p0 =	sne.s32 s30, $0x1C0;
	v7 =	vmul.f32 v7, v6;
	[tilespmem:s26+$0x140] =	vst v15;
	v15 =	vld [tilespmem:s26+$0x190]  }
0xf9: {  	v14 =	vmul.f32 v14, v6;
	[tilespmem:s26+$0xFFFFFDB0] =	vst v8;
	v8 =	vld [tilespmem:s26+$0x200]  }
0xfa: {  	v1 =	vmul.f32 v1, v6;
	[tilespmem:s26+$0xFFFFFDA0] =	vst v10;
	v10 =	vld [tilespmem:s26+$0x1F0]  }
0xfb: {  	v6 =	vmul.f32 v0, v6;
	[tilespmem:s26+$0xFFFFFD90] =	vst v11;
	v11 =	vld [tilespmem:s26+$0x1E0]  }
0xfc: {  	v12 =	vmul.f32 v12, v4;
	v16 =	vld [tilespmem:s26+$0x1D0];
	[tilespmem:s26+$0x270] =	vst v13  }
0xfd: {  	[tilespmem:s26+$0xFFFFFD80] =	vst v9;
	v9 =	vmul.f32 v15, v5;
	v13 =	vld [tilespmem:s26+$0x1C0]  }
0xfe: {  	v15 =	vld [tilespmem:s26+$0x1B0];
	v8 =	vmul.f32 v8, v4;
	[tilespmem:s26+$0x250] =	vst v14  }
0xff: {  	[tilespmem:s26+$0xFFFFFEB0] =	vst v3;
	v3 =	vld [tilespmem:s26+$0x1A0];
	v10 =	vmul.f32 v10, v4  }
0x100: {  	v0 =	vld [tilespmem:s29+$0x210];
	v4 =	vmul.f32 v11, v4;
	[tilespmem:s26+$0x230] =	vst v6  }
0x101: {  	v6 =	vld [tilespmem:s26+$0x180];
	v11 =	vmul.f32 v16, v5;
	[tilespmem:s26+$0x240] =	vst v1  }
0x102: {  	v1 =	vld [tilespmem:s26+$0x170];
	[tilespmem:s26+$0x190] =	vst v9;
	v9 =	vmul.f32 v13, v5  }
0x103: {  	v13 =	vld [tilespmem:s26+$0x160];
	v14 =	vmul.f32 v15, v5;
	[tilespmem:s26+$0x260] =	vst v7  }
0x104: {  	v7 =	vld [tilespmem:s26+$0x150];
	v3 =	vmul.f32 v3, v5;
	[tilespmem:s26+$0x200] =	vst v8  }
0x105: {  	[tilespmem:s26+$0x1F0] =	vst v10  }
0x106: {  	v5 =	vmul.f32 v6, v2;
	[tilespmem:s26+$0x1E0] =	vst v4  }
0x107: {  	v4 =	vmul.f32 v1, v2;
	[tilespmem:s26+$0x1D0] =	vst v11  }
0x108: {  	v6 =	vmul.f32 v13, v2;
	[tilespmem:s26+$0x1C0] =	vst v9  }
0x109: {  	v2 =	vmul.f32 v7, v2;
	[tilespmem:s26+$0x1B0] =	vst v14  }
0x10a: {  	[tilespmem:s26+$0x180] =	vst v5  }
0x10b: {  	[tilespmem:s26+$0x1A0] =	vst v3  }
0x10c: {  	v1 =	vld [tilespmem:s29+$0x140];
	[tilespmem:s26+$0x160] =	vst v6  }
0x10d: {  	v3 =	vld [tilespmem:s29+$0x130];
	[tilespmem:s26+$0x220] =	vst v12  }
0x10e: {  	v5 =	vld [tilespmem:s29+$0x120];
	[tilespmem:s26+$0x150] =	vst v2  }
0x10f: {  	v6 =	vld [tilespmem:s29+$0x110];
	[tilespmem:s26+$0x170] =	vst v4;
	s26 =	smov.u32 s29  }
0x110: {  	v2 =	vld [tilespmem:s31+$0xEE20]  }
0x111: {  	v4 =	vld [tilespmem:s29+$0x100]  }
0x112: {  	v7 =	vld [tilespmem:s29+$0xF0]  }
0x113: {  	v8 =	vld [tilespmem:s29+$0xE0]  }
0x114: {  	v9 =	vld [tilespmem:s29+$0xD0]  }
0x115: {  	v10 =	vld [tilespmem:s29+$0xC0];
	v11 =	vbroadcast v2, $0xB  }
0x116: {  	v12 =	vbroadcast v2, $0xA;
	v13 =	vld [tilespmem:s29+$0xB0]  }
0x117: {  	v14 =	vld [tilespmem:s29+$0xA0];
	v7 =	vmul.f32 v7, v11;
	v4 =	vmul.f32 v4, v11  }
0x118: {  	v6 =	vmul.f32 v6, v11;
	v15 =	vld [tilespmem:s29+$0x90];
	v8 =	vmul.f32 v8, v12  }
0x119: {  	v5 =	vmul.f32 v5, v11;
	v16 =	vld [tilespmem:s29+$0x80];
	v9 =	vmul.f32 v9, v12;
	[tilespmem:s29+$0xF0] =	vst v7  }
0x11a: {  	v3 =	vmul.f32 v3, v11;
	v7 =	vld [tilespmem:s29+$0x70];
	v10 =	vmul.f32 v10, v12;
	[tilespmem:s29+$0xE0] =	vst v8  }
0x11b: {  	v8 =	vbroadcast v2, $0x9;
	v11 =	vld [tilespmem:s29+$0x60];
	v13 =	vmul.f32 v13, v12;
	[tilespmem:s29+$0xD0] =	vst v9  }
0x11c: {  	v9 =	vld [tilespmem:s29+$0x50];
	v12 =	vmul.f32 v14, v12;
	[tilespmem:s29+$0xC0] =	vst v10  }
0x11d: {  	v10 =	vld [tilespmem:s29+$0x40];
	v14 =	vmul.f32 v15, v8;
	[tilespmem:s29+$0xB0] =	vst v13  }
0x11e: {  	v13 =	vld [tilespmem:s29+$0x30];
	v15 =	vmul.f32 v16, v8;
	[tilespmem:s29+$0xA0] =	vst v12  }
0x11f: {  	v12 =	vld [tilespmem:s29+$0x20];
	v7 =	vmul.f32 v7, v8;
	[tilespmem:s29+$0x90] =	vst v14  }
0x120: {  	v14 =	vld [tilespmem:s29+$0x10];
	v11 =	vmul.f32 v11, v8;
	[tilespmem:s29+$0x80] =	vst v15  }
0x121: {  	v15 =	vld [tilespmem:s29+$0x0];
	v8 =	vmul.f32 v9, v8;
	[tilespmem:s29+$0x70] =	vst v7  }
0x122: {  	v7 =	vld [tilespmem:s29+$0xFFFFFFF0];
	[tilespmem:s29+$0x60] =	vst v11  }
0x123: {  	v9 =	vld [tilespmem:s29+$0xFFFFFFE0];
	[tilespmem:s29+$0x50] =	vst v8  }
0x124: {  	v11 =	vbroadcast v2, $0x8;
	v8 =	vld [tilespmem:s29+$0xFFFFFFD0];
	[tilespmem:s29+$0x110] =	vst v6  }
0x125: {  	v6 =	vbroadcast v2, $0x7;
	v16 =	vld [tilespmem:s29+$0xFFFFFFC0];
	[tilespmem:s29+$0x130] =	vst v3  }
0x126: {  	v10 =	vmul.f32 v10, v11;
	v3 =	vld [tilespmem:s29+$0xFFFFFFB0];
	v15 =	vmul.f32 v15, v11;
	[tilespmem:s29+$0x120] =	vst v5  }
0x127: {  	v14 =	vmul.f32 v14, v11;
	v5 =	vld [tilespmem:s29+$0xFFFFFFA0];
	v7 =	vmul.f32 v7, v6;
	[tilespmem:s29+$0x100] =	vst v4  }
0x128: {  	v12 =	vmul.f32 v12, v11;
	v4 =	vld [tilespmem:s29+$0xFFFFFF90];
	v9 =	vmul.f32 v9, v6;
	[tilespmem:s29+$0x0] =	vst v15  }
0x129: {  	v11 =	vmul.f32 v13, v11;
	v15 =	vld [tilespmem:s29+$0xFFFFFF80];
	v8 =	vmul.f32 v8, v6;
	[tilespmem:s29+$0x40] =	vst v10  }
0x12a: {  	v10 =	vbroadcast v2, $0x6;
	v13 =	vld [tilespmem:s29+$0xFFFFFF70];
	v16 =	vmul.f32 v16, v6;
	[tilespmem:s29+$0xFFFFFFF0] =	vst v7  }
0x12b: {  	v7 =	vld [tilespmem:s29+$0xFFFFFF60];
	v3 =	vmul.f32 v3, v6;
	[tilespmem:s29+$0x10] =	vst v14  }
0x12c: {  	v6 =	vld [tilespmem:s29+$0xFFFFFF50];
	v5 =	vmul.f32 v5, v10;
	[tilespmem:s29+$0x20] =	vst v12  }
0x12d: {  	v12 =	vld [tilespmem:s29+$0xFFFFFF40];
	v4 =	vmul.f32 v4, v10;
	[tilespmem:s29+$0x30] =	vst v11  }
0x12e: {  	v11 =	vld [tilespmem:s29+$0xFFFFFF30];
	v14 =	vmul.f32 v15, v10;
	[tilespmem:s29+$0xFFFFFFD0] =	vst v8  }
0x12f: {  	v8 =	vbroadcast v2, $0x5;
	v15 =	vld [tilespmem:s29+$0xFFFFFF20];
	v13 =	vmul.f32 v13, v10;
	[tilespmem:s29+$0xFFFFFFC0] =	vst v16  }
0x130: {  	v16 =	vld [tilespmem:s29+$0xFFFFFF10];
	v7 =	vmul.f32 v7, v10;
	[tilespmem:s29+$0xFFFFFFB0] =	vst v3  }
0x131: {  	v3 =	vld [tilespmem:s29+$0xFFFFFF00];
	v6 =	vmul.f32 v6, v8;
	[tilespmem:s29+$0xFFFFFFA0] =	vst v5  }
0x132: {  	v5 =	vld [tilespmem:s29+$0xFFFFFEF0];
	v10 =	vmul.f32 v12, v8;
	[tilespmem:s29+$0xFFFFFF90] =	vst v4  }
0x133: {  	v4 =	vld [tilespmem:s29+$0xFFFFFEE0];
	v11 =	vmul.f32 v11, v8;
	[tilespmem:s29+$0xFFFFFF70] =	vst v13  }
0x134: {  	v12 =	vld [tilespmem:s29+$0xFFFFFED0];
	v13 =	vmul.f32 v15, v8;
	[tilespmem:s29+$0xFFFFFFE0] =	vst v9  }
0x135: {  	v9 =	vbroadcast v2, $0x4;
	v15 =	vld [tilespmem:s29+$0xFFFFFEC0];
	v8 =	vmul.f32 v16, v8;
	[tilespmem:s29+$0xFFFFFF80] =	vst v14  }
0x136: {  	v14 =	vld [tilespmem:s29+$0xFFFFFEB0];
	[tilespmem:s29+$0xFFFFFF50] =	vst v6  }
0x137: {  	v16 =	vmul.f32 v3, v9;
	v6 =	vld [tilespmem:s29+$0xFFFFFEA0];
	v5 =	vmul.f32 v5, v9;
	[tilespmem:s29+$0xFFFFFF40] =	vst v10  }
0x138: {  	v10 =	vld [tilespmem:s29+$0xFFFFFE90];
	v4 =	vmul.f32 v4, v9;
	[tilespmem:s29+$0xFFFFFF30] =	vst v11  }
0x139: {  	v11 =	vbroadcast v2, $0x3;
	v17 =	vld [tilespmem:s29+$0xFFFFFE80];
	v12 =	vmul.f32 v12, v9;
	[tilespmem:s29+$0xFFFFFF60] =	vst v7  }
0x13a: {  	v7 =	vld [tilespmem:s29+$0xFFFFFE70];
	v9 =	vmul.f32 v15, v9;
	[tilespmem:s29+$0xFFFFFF10] =	vst v8  }
0x13b: {  	v8 =	vld [tilespmem:s29+$0xFFFFFE60];
	v3 =	vmul.f32 v14, v11;
	[tilespmem:s29+$0xFFFFFF20] =	vst v13  }
0x13c: {  	v13 =	vld [tilespmem:s29+$0xFFFFFE50];
	v6 =	vmul.f32 v6, v11;
	[tilespmem:s29+$0xFFFFFEF0] =	vst v5  }
0x13d: {  	v5 =	vld [tilespmem:s29+$0xFFFFFE40];
	v10 =	vmul.f32 v10, v11;
	[tilespmem:s29+$0xFFFFFEE0] =	vst v4  }
0x13e: {  	v4 =	vbroadcast v2, $0x2;
	v14 =	vld [tilespmem:s29+$0xFFFFFE30];
	v15 =	vmul.f32 v17, v11;
	[tilespmem:s29+$0xFFFFFF00] =	vst v16  }
0x13f: {  	v16 =	vld [tilespmem:s29+$0xFFFFFE20];
	v7 =	vmul.f32 v7, v11;
	[tilespmem:s29+$0xFFFFFEC0] =	vst v9  }
0x140: {  	v9 =	vld [tilespmem:s29+$0xFFFFFE10];
	v8 =	vmul.f32 v8, v4;
	[tilespmem:s29+$0xFFFFFED0] =	vst v12  }
0x141: {  	v11 =	vld [tilespmem:s29+$0xFFFFFE00];
	v12 =	vmul.f32 v13, v4;
	[tilespmem:s29+$0xFFFFFEA0] =	vst v6  }
0x142: {  	v6 =	vld [tilespmem:s29+$0xFFFFFDF0];
	v5 =	vmul.f32 v5, v4;
	[tilespmem:s29+$0xFFFFFE90] =	vst v10  }
0x143: {  	v10 =	vbroadcast v2, $0x1;
	v13 =	vld [tilespmem:s29+$0xFFFFFDE0];
	v14 =	vmul.f32 v14, v4;
	[tilespmem:s29+$0xFFFFFE80] =	vst v15  }
0x144: {  	v15 =	vld [tilespmem:s29+$0xFFFFFDD0];
	v4 =	vmul.f32 v16, v4;
	[tilespmem:s29+$0xFFFFFE70] =	vst v7  }
0x145: {  	v7 =	vld [tilespmem:s29+$0xFFFFFDC0];
	v9 =	vmul.f32 v9, v10;
	[tilespmem:s29+$0xFFFFFE60] =	vst v8  }
0x146: {  	v8 =	vld [tilespmem:s29+$0xFFFFFDB0];
	v11 =	vmul.f32 v11, v10;
	[tilespmem:s29+$0xFFFFFE50] =	vst v12  }
0x147: {  	v16 =	vld [tilespmem:s29+$0xFFFFFDA0];
	v17 =	vmul.f32 v6, v10;
	[tilespmem:s29+$0xFFFFFE40] =	vst v5  }
0x148: {  	v18 =	vbroadcast v2, $0x0;
	v19 =	vld [tilespmem:s29+$0xFFFFFD90];
	v20 =	vmul.f32 v13, v10;
	[tilespmem:s29+$0xFFFFFE30] =	vst v14  }
0x149: {  	v6 =	vbroadcast v2, $0xF;
	v21 =	vld [tilespmem:s29+$0xFFFFFD80];
	v15 =	vmul.f32 v15, v10;
	[tilespmem:s29+$0xFFFFFE20] =	vst v4  }
0x14a: {  	v4 =	vbroadcast v2, $0xE;
	v12 =	vmul.f32 v7, v18;
	[tilespmem:s29+$0xFFFFFE10] =	vst v9  }
.Ltmp2:
0x14b: {  	v5 =	vbroadcast v2, $0xD;
	v8 =	vmul.f32 v8, v18;
	[tilespmem:s29+$0xFFFFFE00] =	vst v11;
	v13 =	vld [tilespmem:s29+$0x270];
	(pc) =	sbr.rel @p0 .LBB2_3-.Ltmp2, $4  }
0x14c: {  	v2 =	vbroadcast v2, $0xC;
	v10 =	vmul.f32 v16, v18;
	[tilespmem:s29+$0xFFFFFDF0] =	vst v17;
	v7 =	vld [tilespmem:s29+$0x260]  }
0x14d: {  	v0 =	vmul.f32 v0, v4;
	v11 =	vmul.f32 v19, v18;
	[tilespmem:s29+$0xFFFFFDE0] =	vst v20;
	v14 =	vld [tilespmem:s29+$0x250]  }
0x14e: {  	v9 =	vmul.f32 v18, v21;
	[tilespmem:s29+$0xFFFFFDD0] =	vst v15;
	v15 =	vmul.f32 v1, v2;
	v1 =	vld [tilespmem:s29+$0x240]  }
0x14f: {  	s30 =	smov.u32 s0;
	[tilespmem:s29+$0x210] =	vst v0;
	v0 =	vld [tilespmem:s29+$0x230]  }
0x150: {  	[tilespmem:s26+$0xFFFFFDC0] =	vst v12  }
0x151: {  	[tilespmem:s26+$0x140] =	vst v15  }
0x152: {  	[tilespmem:s26+$0xFFFFFDB0] =	vst v8  }
0x153: {  	[tilespmem:s26+$0xFFFFFDA0] =	vst v10  }
0x154: {  	[tilespmem:s26+$0xFFFFFD90] =	vst v11  }
0x155: {  	v15 =	vld [tilespmem:s26+$0x190];
	v13 =	vmul.f32 v13, v6;
	[tilespmem:s26+$0xFFFFFD80] =	vst v9  }
0x156: {  	v8 =	vld [tilespmem:s26+$0x200];
	[tilespmem:s26+$0xFFFFFEB0] =	vst v3;
	v14 =	vmul.f32 v14, v6  }
0x157: {  	v10 =	vld [tilespmem:s26+$0x1F0];
	[tilespmem:s26+$0x270] =	vst v13;
	v1 =	vmul.f32 v1, v6  }
0x158: {  	v3 =	vld [tilespmem:s26+$0x1A0];
	v0 =	vmul.f32 v0, v6;
	[tilespmem:s26+$0x250] =	vst v14  }
0x159: {  	v11 =	vld [tilespmem:s26+$0x1E0];
	v6 =	vmul.f32 v7, v6;
	[tilespmem:s26+$0x240] =	vst v1  }
0x15a: {  	v16 =	vld [tilespmem:s26+$0x1D0];
	v14 =	vmul.f32 v15, v5;
	[tilespmem:s26+$0x230] =	vst v0  }
0x15b: {  	v9 =	vld [tilespmem:s26+$0x1C0];
	v7 =	vmul.f32 v8, v4;
	[tilespmem:s26+$0x260] =	vst v6  }
0x15c: {  	v13 =	vld [tilespmem:s26+$0x1B0];
	v8 =	vmul.f32 v10, v4;
	[tilespmem:s26+$0x190] =	vst v14  }
0x15d: {  	v10 =	vld [tilespmem:s26+$0x160];
	v3 =	vmul.f32 v3, v5;
	[tilespmem:s26+$0x200] =	vst v7  }
0x15e: {  	v1 =	vld [tilespmem:s26+$0x170];
	v6 =	vmul.f32 v11, v4;
	[tilespmem:s26+$0x1F0] =	vst v8  }
0x15f: {  	v0 =	vld [tilespmem:s26+$0x180];
	v7 =	vmul.f32 v16, v5;
	[tilespmem:s26+$0x1A0] =	vst v3  }
0x160: {  	v8 =	vmul.f32 v9, v5;
	v9 =	vld [tilespmem:s26+$0x150];
	[tilespmem:s26+$0x1E0] =	vst v6  }
0x161: {  	v12 =	vld [tilespmem:s26+$0x220];
	v6 =	vmul.f32 v13, v5;
	[tilespmem:s26+$0x1D0] =	vst v7  }
0x162: {  	[tilespmem:s26+$0x1C0] =	vst v8;
	v5 =	vmul.f32 v10, v2  }
0x163: {  	[tilespmem:s26+$0x1B0] =	vst v6;
	v1 =	vmul.f32 v1, v2  }
0x164: {  	v0 =	vmul.f32 v0, v2;
	[tilespmem:s26+$0x160] =	vst v5  }
0x165: {  	v3 =	vmul.f32 v9, v2;
	[tilespmem:s26+$0x170] =	vst v1  }
0x166: {  	[tilespmem:s26+$0x180] =	vst v0;
	v0 =	vmul.f32 v12, v4  }
0x167: {  	[tilespmem:s26+$0x150] =	vst v3  }
0x168: {  	[tilespmem:s26+$0x220] =	vst v0  }
0x169: {  	[spmem:s3] =	stream.indirect.scatter.add.f32 [tilespmem:s17], [sflag:$0x3], $0x50, s28, s16, $0xb8;
	[tilespmem:$0x1B6A0] =	vst v63  }
0x16a: {  	p0 =	seq.s32 s24, $0x27;
	s26 =	sshll.u32 s24, $0xA;
	_ =	swait.ge [sflag:s12], $0x2800  }
0x16b: {  	s29 =	simm.s32 @!p0 $0x9E20;
	s0 =	sshrl.u32 @!p0 s26, $0x2;
	[sflag:s12] =	ssyncset.done $0x0  }
0x16c: {  	s28 =	simm.s32 @!p0 $0x80;
	s0 =	sadd.s32 @!p0 $0x4F20, s0;
	[sflag:s12] =	ssyncadd.s32 $0xFFFFD800  }
0x16d: {  	[tilespmem:s29], [sflag:$0x1] =	stream.indirect.gather @!p0 [hbm4b:s5+s28], $0x50, s0, s28, $0xb8;
	[tilespmem:$0x1B6A0] =	vst v63  }
0x16e: {  	_ =	swait.ge [sflag:s21], $0x2800  }
0x16f: {  	[sflag:s21] =	ssyncset.done $0x0  }
0x170: {  	[sflag:s21] =	ssyncadd.s32 $0xFFFFD800  }
0x171: {  	v0 =	vld [tilespmem:s25+$0x76A0];
	_ =	sdelay $0x1  }
0x172: {  	v1 =	vld [tilespmem:s25+$0x4EA0];
	_ =	sdelay $0x2  }
0x173: {  	vm0 =	vlt.s32 v0, $0x270F  }
0x174: {  	v0 =	vnsel vm0, $0x270F, v0  }
0x175: {  	v1 =	vshll.u32 v1, $0x1;
	v0 =	vshll.u32 v0, $0x1  }
0x176: {  	v0 =	vor.u32 $0x1, v0;
	_ =	sdelay $0x2  }
0x177: {  	s28 =	simm.s32 $0x0  }
0x178: {  	v1 =	vld.idx.msk [tilespmem:v1+s28+$0x0], $0xffff  }
0x179: {  	v0 =	vld.idx.msk [tilespmem:v0+s28+$0x0], $0xffff;
	_ =	sdelay $0x4  }
0x17a: {  	v0 =	vadd.f32 v0, v1;
	_ =	sdelay $0x1  }
0x17b: {  	v1 =	vmul.f32 $2.000000030e-01, v0  }
0x17c: {  	vm13 =	vge.f32 v0, $0.0e+00  }
0x17d: {  	v0 =	vsel vm13, v0, v1  }
0x17e: {  	v0 =	vmul.f32 $1.442695020e+00, v0;
	_ =	sdelay $0x1  }
0x17f: {  	(erf) = vpow2.f32 v0;
	_ =	sdelay $0x8  }
0x180: {  	v0 =	vpop (erf)  }
0x181: {  	[tilespmem:$0xEE20] =	vst v0  }
0x182: {  	v0 =	vld [tilespmem:s25+$0x76B0];
	_ =	sdelay $0x1  }
0x183: {  	v1 =	vld [tilespmem:s25+$0x4EB0];
	_ =	sdelay $0x2  }
0x184: {  	vm14 =	vlt.s32 v0, $0x270F  }
0x185: {  	v0 =	vnsel vm14, $0x270F, v0  }
0x186: {  	v1 =	vshll.u32 v1, $0x1;
	v0 =	vshll.u32 v0, $0x1  }
0x187: {  	v0 =	vor.u32 $0x1, v0;
	_ =	sdelay $0x3  }
0x188: {  	v1 =	vld.idx.msk [tilespmem:v1+s28+$0x0], $0xffff  }
0x189: {  	v0 =	vld.idx.msk [tilespmem:v0+s28+$0x0], $0xffff;
	_ =	sdelay $0x4  }
0x18a: {  	v0 =	vadd.f32 v0, v1;
	_ =	sdelay $0x1  }
0x18b: {  	v1 =	vmul.f32 $2.000000030e-01, v0  }
0x18c: {  	vm15 =	vge.f32 v0, $0.0e+00  }
0x18d: {  	v0 =	vsel vm15, v0, v1  }
0x18e: {  	v0 =	vmul.f32 $1.442695020e+00, v0;
	_ =	sdelay $0x1  }
0x18f: {  	(erf) = vpow2.f32 v0;
	_ =	sdelay $0x8  }
0x190: {  	v0 =	vpop (erf)  }
0x191: {  	[tilespmem:$0xEE30] =	vst v0  }
0x192: {  	v0 =	vld [tilespmem:s25+$0x76C0];
	_ =	sdelay $0x1  }
0x193: {  	v1 =	vld [tilespmem:s25+$0x4EC0];
	_ =	sdelay $0x2  }
0x194: {  	vm4 =	vlt.s32 v0, $0x270F  }
0x195: {  	v0 =	vnsel vm4, $0x270F, v0  }
0x196: {  	v1 =	vshll.u32 v1, $0x1;
	v0 =	vshll.u32 v0, $0x1  }
0x197: {  	v0 =	vor.u32 $0x1, v0;
	_ =	sdelay $0x3  }
0x198: {  	v1 =	vld.idx.msk [tilespmem:v1+s28+$0x0], $0xffff  }
0x199: {  	v0 =	vld.idx.msk [tilespmem:v0+s28+$0x0], $0xffff;
	_ =	sdelay $0x4  }
0x19a: {  	v0 =	vadd.f32 v0, v1;
	_ =	sdelay $0x1  }
0x19b: {  	v1 =	vmul.f32 $2.000000030e-01, v0  }
0x19c: {  	vm5 =	vge.f32 v0, $0.0e+00  }
0x19d: {  	v0 =	vsel vm5, v0, v1  }
0x19e: {  	v0 =	vmul.f32 $1.442695020e+00, v0;
	_ =	sdelay $0x1  }
0x19f: {  	(erf) = vpow2.f32 v0;
	_ =	sdelay $0x8  }
0x1a0: {  	v0 =	vpop (erf)  }
0x1a1: {  	[tilespmem:$0xEE40] =	vst v0  }
0x1a2: {  	v0 =	vld [tilespmem:s25+$0x76D0];
	_ =	sdelay $0x1  }
0x1a3: {  	v1 =	vld [tilespmem:s25+$0x4ED0];
	_ =	sdelay $0x2  }
0x1a4: {  	vm6 =	vlt.s32 v0, $0x270F  }
0x1a5: {  	v0 =	vnsel vm6, $0x270F, v0  }
0x1a6: {  	v1 =	vshll.u32 v1, $0x1;
	v0 =	vshll.u32 v0, $0x1  }
0x1a7: {  	v0 =	vor.u32 $0x1, v0;
	_ =	sdelay $0x3  }
0x1a8: {  	v1 =	vld.idx.msk [tilespmem:v1+s28+$0x0], $0xffff  }
0x1a9: {  	v0 =	vld.idx.msk [tilespmem:v0+s28+$0x0], $0xffff;
	_ =	sdelay $0x4  }
0x1aa: {  	v0 =	vadd.f32 v0, v1;
	_ =	sdelay $0x1  }
0x1ab: {  	v1 =	vmul.f32 $2.000000030e-01, v0  }
0x1ac: {  	vm7 =	vge.f32 v0, $0.0e+00  }
0x1ad: {  	v0 =	vsel vm7, v0, v1  }
0x1ae: {  	v0 =	vmul.f32 $1.442695020e+00, v0;
	_ =	sdelay $0x1  }
0x1af: {  	(erf) = vpow2.f32 v0;
	_ =	sdelay $0x8  }
0x1b0: {  	v0 =	vpop (erf)  }
0x1b1: {  	[tilespmem:$0xEE50] =	vst v0  }
0x1b2: {  	v0 =	vld [tilespmem:s25+$0x76E0];
	_ =	sdelay $0x1  }
0x1b3: {  	v1 =	vld [tilespmem:s25+$0x4EE0];
	_ =	sdelay $0x2  }
0x1b4: {  	vm8 =	vlt.s32 v0, $0x270F  }
0x1b5: {  	v0 =	vnsel vm8, $0x270F, v0  }
0x1b6: {  	v1 =	vshll.u32 v1, $0x1;
	v0 =	vshll.u32 v0, $0x1  }
0x1b7: {  	v0 =	vor.u32 $0x1, v0;
	_ =	sdelay $0x3  }
0x1b8: {  	v1 =	vld.idx.msk [tilespmem:v1+s28+$0x0], $0xffff  }
0x1b9: {  	v0 =	vld.idx.msk [tilespmem:v0+s28+$0x0], $0xffff;
	_ =	sdelay $0x4  }
0x1ba: {  	v0 =	vadd.f32 v0, v1;
	_ =	sdelay $0x1  }
0x1bb: {  	v1 =	vmul.f32 $2.000000030e-01, v0  }
0x1bc: {  	vm9 =	vge.f32 v0, $0.0e+00  }
0x1bd: {  	v0 =	vsel vm9, v0, v1  }
0x1be: {  	v0 =	vmul.f32 $1.442695020e+00, v0;
	_ =	sdelay $0x1  }
0x1bf: {  	(erf) = vpow2.f32 v0;
	_ =	sdelay $0x8  }
0x1c0: {  	v0 =	vpop (erf)  }
0x1c1: {  	[tilespmem:$0xEE60] =	vst v0  }
0x1c2: {  	v0 =	vld [tilespmem:s25+$0x76F0];
	_ =	sdelay $0x1  }
0x1c3: {  	v1 =	vld [tilespmem:s25+$0x4EF0];
	_ =	sdelay $0x2  }
0x1c4: {  	vm10 =	vlt.s32 v0, $0x270F  }
0x1c5: {  	v0 =	vnsel vm10, $0x270F, v0  }
0x1c6: {  	v1 =	vshll.u32 v1, $0x1;
	v0 =	vshll.u32 v0, $0x1  }
0x1c7: {  	v0 =	vor.u32 $0x1, v0;
	_ =	sdelay $0x3  }
0x1c8: {  	v1 =	vld.idx.msk [tilespmem:v1+s28+$0x0], $0xffff  }
0x1c9: {  	v0 =	vld.idx.msk [tilespmem:v0+s28+$0x0], $0xffff;
	_ =	sdelay $0x4  }
0x1ca: {  	v0 =	vadd.f32 v0, v1;
	_ =	sdelay $0x1  }
0x1cb: {  	v1 =	vmul.f32 $2.000000030e-01, v0  }
0x1cc: {  	vm11 =	vge.f32 v0, $0.0e+00  }
0x1cd: {  	v0 =	vsel vm11, v0, v1  }
0x1ce: {  	v0 =	vmul.f32 $1.442695020e+00, v0;
	_ =	sdelay $0x1  }
0x1cf: {  	(erf) = vpow2.f32 v0;
	_ =	sdelay $0x8  }
0x1d0: {  	v0 =	vpop (erf)  }
0x1d1: {  	[tilespmem:$0xEE70] =	vst v0  }
0x1d2: {  	v0 =	vld [tilespmem:s25+$0x7700];
	_ =	sdelay $0x1  }
0x1d3: {  	v1 =	vld [tilespmem:s25+$0x4F00];
	_ =	sdelay $0x2  }
0x1d4: {  	vm12 =	vlt.s32 v0, $0x270F  }
0x1d5: {  	v0 =	vnsel vm12, $0x270F, v0  }
0x1d6: {  	v1 =	vshll.u32 v1, $0x1;
	v0 =	vshll.u32 v0, $0x1  }
0x1d7: {  	v0 =	vor.u32 $0x1, v0;
	_ =	sdelay $0x3  }
0x1d8: {  	v1 =	vld.idx.msk [tilespmem:v1+s28+$0x0], $0xffff  }
0x1d9: {  	v0 =	vld.idx.msk [tilespmem:v0+s28+$0x0], $0xffff;
	_ =	sdelay $0x4  }
0x1da: {  	v0 =	vadd.f32 v0, v1;
	_ =	sdelay $0x1  }
0x1db: {  	v1 =	vmul.f32 $2.000000030e-01, v0  }
0x1dc: {  	vm13 =	vge.f32 v0, $0.0e+00  }
0x1dd: {  	v0 =	vsel vm13, v0, v1  }
0x1de: {  	v0 =	vmul.f32 $1.442695020e+00, v0;
	_ =	sdelay $0x1  }
0x1df: {  	(erf) = vpow2.f32 v0;
	_ =	sdelay $0x8  }
0x1e0: {  	v0 =	vpop (erf)  }
0x1e1: {  	[tilespmem:$0xEE80] =	vst v0  }
0x1e2: {  	v0 =	vld [tilespmem:s25+$0x7710];
	_ =	sdelay $0x1  }
0x1e3: {  	v1 =	vld [tilespmem:s25+$0x4F10];
	_ =	sdelay $0x2  }
0x1e4: {  	vm14 =	vlt.s32 v0, $0x270F  }
0x1e5: {  	v0 =	vnsel vm14, $0x270F, v0  }
0x1e6: {  	v1 =	vshll.u32 v1, $0x1;
	v0 =	vshll.u32 v0, $0x1  }
0x1e7: {  	v0 =	vor.u32 $0x1, v0;
	_ =	sdelay $0x3  }
0x1e8: {  	v1 =	vld.idx.msk [tilespmem:v1+s28+$0x0], $0xffff  }
0x1e9: {  	v0 =	vld.idx.msk [tilespmem:v0+s28+$0x0], $0xffff;
	_ =	sdelay $0x4  }
0x1ea: {  	v0 =	vadd.f32 v0, v1;
	_ =	sdelay $0x1  }
0x1eb: {  	v1 =	vmul.f32 $2.000000030e-01, v0  }
0x1ec: {  	vm15 =	vge.f32 v0, $0.0e+00  }
0x1ed: {  	v0 =	vsel vm15, v0, v1  }
0x1ee: {  	v0 =	vmul.f32 $1.442695020e+00, v0;
	_ =	sdelay $0x1  }
0x1ef: {  	(erf) = vpow2.f32 v0;
	_ =	sdelay $0x8  }
0x1f0: {  	v0 =	vpop (erf)  }
0x1f1: {  	s28 =	simm.s32 $0xC8A0;
	[tilespmem:$0xEE90] =	vst v0  }
0x1f2: {  	v1 =	vld [tilespmem:s28+$0x210]  }
0x1f3: {  	v0 =	vld [tilespmem:s28+$0x140]  }
0x1f4: {  	v3 =	vld [tilespmem:s28+$0x120]  }
0x1f5: {  	s31 =	simm.s32 $0x0;
	v4 =	vld [tilespmem:s28+$0x110]  }
0x1f6: {  	v2 =	vld [tilespmem:s31+$0xEE20]  }
0x1f7: {  	v5 =	vld [tilespmem:s28+$0x100]  }
0x1f8: {  	v6 =	vld [tilespmem:s28+$0xF0]  }
0x1f9: {  	v7 =	vld [tilespmem:s28+$0xE0]  }
0x1fa: {  	v8 =	vld [tilespmem:s28+$0xD0]  }
0x1fb: {  	v9 =	vld [tilespmem:s28+$0xC0];
	v10 =	vbroadcast v2, $0xB  }
0x1fc: {  	v12 =	vld [tilespmem:s28+$0xB0];
	v11 =	vbroadcast v2, $0xA  }
0x1fd: {  	v13 =	vld [tilespmem:s28+$0xA0];
	v6 =	vmul.f32 v6, v10  }
0x1fe: {  	v14 =	vld [tilespmem:s28+$0x90];
	v7 =	vmul.f32 v7, v11  }
0x1ff: {  	v15 =	vld [tilespmem:s28+$0x80];
	v8 =	vmul.f32 v8, v11;
	[tilespmem:s28+$0xF0] =	vst v6  }
0x200: {  	v16 =	vld [tilespmem:s28+$0x60];
	v9 =	vmul.f32 v9, v11;
	[tilespmem:s28+$0xE0] =	vst v7  }
0x201: {  	v12 =	vmul.f32 v12, v11;
	v6 =	vld [tilespmem:s28+$0x70];
	[tilespmem:s28+$0xD0] =	vst v8  }
0x202: {  	v11 =	vmul.f32 v13, v11;
	v8 =	vld [tilespmem:s28+$0x50];
	[tilespmem:s28+$0xC0] =	vst v9  }
0x203: {  	v4 =	vmul.f32 v4, v10;
	v9 =	vld [tilespmem:s28+$0x130];
	[tilespmem:s28+$0xB0] =	vst v12  }
0x204: {  	v3 =	vmul.f32 v3, v10;
	v7 =	vbroadcast v2, $0x9;
	v12 =	vld [tilespmem:s28+$0x40];
	[tilespmem:s28+$0xA0] =	vst v11  }
0x205: {  	v11 =	vld [tilespmem:s28+$0x30];
	[tilespmem:s28+$0x110] =	vst v4;
	v4 =	vmul.f32 v5, v10  }
0x206: {  	v5 =	vld [tilespmem:s28+$0xFFFFFFD0];
	[tilespmem:s28+$0x120] =	vst v3;
	v13 =	vmul.f32 v14, v7;
	v14 =	vmul.f32 v15, v7  }
0x207: {  	v3 =	vld [tilespmem:s28+$0xFFFFFFB0];
	[tilespmem:s28+$0x100] =	vst v4  }
0x208: {  	v15 =	vmul.f32 v16, v7;
	[tilespmem:s28+$0x80] =	vst v14;
	v14 =	vld [tilespmem:s28+$0x0]  }
0x209: {  	[tilespmem:s28+$0x90] =	vst v13;
	v13 =	vld [tilespmem:s28+$0x20];
	v6 =	vmul.f32 v6, v7  }
0x20a: {  	v4 =	vld [tilespmem:s28+$0xFFFFFFA0];
	[tilespmem:s28+$0x60] =	vst v15;
	v15 =	vbroadcast v2, $0x8;
	v7 =	vmul.f32 v8, v7  }
0x20b: {  	v16 =	vld [tilespmem:s28+$0xFFFFFDD0];
	v8 =	vmul.f32 v9, v10;
	[tilespmem:s28+$0x70] =	vst v6  }
0x20c: {  	v9 =	vld [tilespmem:s28+$0xFFFFFFF0];
	v12 =	vmul.f32 v12, v15;
	[tilespmem:s28+$0x50] =	vst v7  }
0x20d: {  	v6 =	vld [tilespmem:s28+$0x10];
	[tilespmem:s28+$0x130] =	vst v8;
	v8 =	vbroadcast v2, $0x7;
	v14 =	vmul.f32 v14, v15  }
0x20e: {  	v10 =	vld [tilespmem:s28+$0xFFFFFFC0];
	[tilespmem:s28+$0x40] =	vst v12;
	v12 =	vmul.f32 v13, v15  }
0x20f: {  	v7 =	vld [tilespmem:s28+$0xFFFFFFE0];
	v5 =	vmul.f32 v5, v8;
	[tilespmem:s28+$0x0] =	vst v14  }
0x210: {  	v13 =	vld [tilespmem:s28+$0xFFFFFF80];
	v3 =	vmul.f32 v3, v8;
	[tilespmem:s28+$0x20] =	vst v12  }
0x211: {  	v9 =	vmul.f32 v9, v8;
	v14 =	vld [tilespmem:s28+$0xFFFFFF90];
	[tilespmem:s28+$0xFFFFFFD0] =	vst v5  }
0x212: {  	v12 =	vbroadcast v2, $0x6;
	v5 =	vld [tilespmem:s28+$0xFFFFFF30];
	[tilespmem:s28+$0xFFFFFFB0] =	vst v3;
	v6 =	vmul.f32 v6, v15  }
0x213: {  	[tilespmem:s28+$0xFFFFFFF0] =	vst v9;
	v9 =	vmul.f32 v11, v15;
	v11 =	vld [tilespmem:s28+$0xFFFFFF70]  }
0x214: {  	v15 =	vld [tilespmem:s28+$0xFFFFFF50];
	v4 =	vmul.f32 v4, v12;
	[tilespmem:s28+$0x10] =	vst v6  }
0x215: {  	v10 =	vmul.f32 v10, v8;
	v6 =	vld [tilespmem:s28+$0xFFFFFF60];
	[tilespmem:s28+$0x30] =	vst v9  }
0x216: {  	v9 =	vld [tilespmem:s28+$0xFFFFFF40];
	[tilespmem:s28+$0xFFFFFFA0] =	vst v4;
	v4 =	vmul.f32 v7, v8  }
0x217: {  	[tilespmem:s28+$0xFFFFFFC0] =	vst v10;
	v7 =	vbroadcast v2, $0x5;
	v8 =	vld [tilespmem:s28+$0xFFFFFF00];
	v10 =	vmul.f32 v14, v12  }
0x218: {  	v14 =	vld [tilespmem:s28+$0xFFFFFF20];
	v3 =	vmul.f32 v11, v12;
	[tilespmem:s28+$0xFFFFFFE0] =	vst v4  }
0x219: {  	v11 =	vld [tilespmem:s28+$0xFFFFFF10];
	v5 =	vmul.f32 v5, v7;
	[tilespmem:s28+$0xFFFFFF90] =	vst v10  }
0x21a: {  	v10 =	vmul.f32 v13, v12;
	v13 =	vld [tilespmem:s28+$0xFFFFFEF0];
	[tilespmem:s28+$0xFFFFFF70] =	vst v3  }
0x21b: {  	v3 =	vmul.f32 v15, v7;
	v15 =	vld [tilespmem:s28+$0xFFFFFEE0];
	[tilespmem:s28+$0xFFFFFF30] =	vst v5  }
0x21c: {  	v4 =	vmul.f32 v9, v7;
	v9 =	vld [tilespmem:s28+$0xFFFFFED0];
	[tilespmem:s28+$0xFFFFFF80] =	vst v10  }
0x21d: {  	v10 =	vld [tilespmem:s28+$0xFFFFFEC0];
	[tilespmem:s28+$0xFFFFFF50] =	vst v3;
	v3 =	vmul.f32 v6, v12  }
0x21e: {  	v6 =	vld [tilespmem:s28+$0xFFFFFEB0];
	[tilespmem:s28+$0xFFFFFF40] =	vst v4;
	v4 =	vbroadcast v2, $0x4;
	v5 =	vmul.f32 v14, v7  }
0x21f: {  	v12 =	vld [tilespmem:s28+$0xFFFFFEA0];
	v11 =	vmul.f32 v11, v7;
	[tilespmem:s28+$0xFFFFFF60] =	vst v3  }
0x220: {  	v14 =	vld [tilespmem:s28+$0xFFFFFE70];
	v3 =	vmul.f32 v13, v4;
	[tilespmem:s28+$0xFFFFFF20] =	vst v5  }
0x221: {  	v7 =	vld [tilespmem:s28+$0xFFFFFE90];
	v5 =	vmul.f32 v8, v4;
	[tilespmem:s28+$0xFFFFFF10] =	vst v11  }
0x222: {  	v13 =	vld [tilespmem:s28+$0xFFFFFE80];
	v11 =	vmul.f32 v15, v4;
	[tilespmem:s28+$0xFFFFFEF0] =	vst v3  }
0x223: {  	v8 =	vld [tilespmem:s28+$0xFFFFFE60];
	v3 =	vbroadcast v2, $0x3;
	v10 =	vmul.f32 v10, v4;
	[tilespmem:s28+$0xFFFFFF00] =	vst v5  }
0x224: {  	v15 =	vld [tilespmem:s28+$0xFFFFFE50];
	v4 =	vmul.f32 v9, v4;
	[tilespmem:s28+$0xFFFFFEE0] =	vst v11  }
0x225: {  	v9 =	vld [tilespmem:s28+$0xFFFFFE40];
	v5 =	vmul.f32 v12, v3;
	[tilespmem:s28+$0xFFFFFEC0] =	vst v10  }
0x226: {  	v11 =	vld [tilespmem:s28+$0xFFFFFE30];
	v7 =	vmul.f32 v7, v3;
	[tilespmem:s28+$0xFFFFFED0] =	vst v4  }
0x227: {  	v10 =	vld [tilespmem:s28+$0xFFFFFE20];
	v4 =	vbroadcast v2, $0x2;
	v12 =	vmul.f32 v13, v3;
	[tilespmem:s28+$0xFFFFFEA0] =	vst v5  }
0x228: {  	v13 =	vld [tilespmem:s28+$0xFFFFFE10];
	v5 =	vmul.f32 v14, v3;
	[tilespmem:s28+$0xFFFFFE90] =	vst v7  }
0x229: {  	v14 =	vld [tilespmem:s28+$0xFFFFFE00];
	v7 =	vmul.f32 v8, v4;
	[tilespmem:s28+$0xFFFFFE80] =	vst v12  }
0x22a: {  	v8 =	vld [tilespmem:s28+$0xFFFFFDF0];
	v12 =	vmul.f32 v15, v4;
	[tilespmem:s28+$0xFFFFFE70] =	vst v5  }
0x22b: {  	v3 =	vmul.f32 v6, v3;
	v15 =	vld [tilespmem:s28+$0xFFFFFDE0];
	v5 =	vmul.f32 v9, v4;
	[tilespmem:s28+$0xFFFFFE60] =	vst v7  }
0x22c: {  	v9 =	vbroadcast v2, $0x1;
	v6 =	vmul.f32 v11, v4;
	v7 =	vld [tilespmem:s28+$0xFFFFFDC0];
	[tilespmem:s28+$0xFFFFFE50] =	vst v12  }
0x22d: {  	v18 =	vbroadcast v2, $0x0;
	v11 =	vld [tilespmem:s28+$0xFFFFFDB0];
	v4 =	vmul.f32 v10, v4;
	[tilespmem:s28+$0xFFFFFE40] =	vst v5  }
0x22e: {  	v19 =	vld [tilespmem:s28+$0xFFFFFD90];
	v10 =	vmul.f32 v13, v9;
	[tilespmem:s28+$0xFFFFFE30] =	vst v6;
	v16 =	vmul.f32 v16, v9  }
0x22f: {  	v6 =	vbroadcast v2, $0xF;
	v5 =	vmul.f32 v14, v9;
	v14 =	vld [tilespmem:s28+$0xFFFFFDA0];
	[tilespmem:s28+$0xFFFFFE20] =	vst v4  }
0x230: {  	v20 =	vld [tilespmem:s28+$0xFFFFFD80];
	v17 =	vmul.f32 v8, v9;
	v4 =	vbroadcast v2, $0xE;
	[tilespmem:s28+$0xFFFFFE10] =	vst v10  }
0x231: {  	v13 =	vld [tilespmem:s28+$0x270];
	v15 =	vmul.f32 v15, v9;
	[tilespmem:s28+$0xFFFFFDD0] =	vst v16;
	v12 =	vmul.f32 v7, v18  }
0x232: {  	[tilespmem:s28+$0xFFFFFE00] =	vst v5;
	v8 =	vmul.f32 v11, v18;
	v7 =	vld [tilespmem:s28+$0x260];
	v9 =	vmul.f32 v1, v4  }
0x233: {  	[tilespmem:s28+$0xFFFFFDF0] =	vst v17;
	v5 =	vbroadcast v2, $0xD;
	v2 =	vbroadcast v2, $0xC;
	v1 =	vld [tilespmem:s28+$0x240]  }
0x234: {  	v11 =	vmul.f32 v19, v18;
	[tilespmem:s28+$0xFFFFFDE0] =	vst v15;
	v10 =	vmul.f32 v14, v18;
	v14 =	vld [tilespmem:s28+$0x250]  }
0x235: {  	s0 =	simm.s32 $0x40;
	s29 =	simm.s32 $0xC8A0;
	s25 =	sadd.s32 $0x76A0, s25;
	[tilespmem:s28+$0x210] =	vst v9;
	v9 =	vmul.f32 v18, v20;
	v15 =	vmul.f32 v0, v2;
	v0 =	vld [tilespmem:s28+$0x230]  }
.LBB2_5:
0x236: {  	s30 =	smov.u32 s0  }
0x237: {  	s31 =	sshra.s32 s0, $0x2;
	[tilespmem:s28+$0xFFFFFDC0] =	vst v12;
	v12 =	vld [tilespmem:s28+$0x220];
	v13 =	vmul.f32 v13, v6;
	s29 =	sadd.s32 $0x500, s29;
	s30 =	sadd.s32 $0x40, s0  }
0x238: {  	p1 =	sne.s32 s0, $0x1C0;
	v7 =	vmul.f32 v7, v6;
	[tilespmem:s28+$0x140] =	vst v15;
	v15 =	vld [tilespmem:s28+$0x190]  }
0x239: {  	v14 =	vmul.f32 v14, v6;
	[tilespmem:s28+$0xFFFFFDB0] =	vst v8;
	v8 =	vld [tilespmem:s28+$0x200]  }
0x23a: {  	v1 =	vmul.f32 v1, v6;
	[tilespmem:s28+$0xFFFFFDA0] =	vst v10;
	v10 =	vld [tilespmem:s28+$0x1F0]  }
0x23b: {  	v6 =	vmul.f32 v0, v6;
	[tilespmem:s28+$0xFFFFFD90] =	vst v11;
	v11 =	vld [tilespmem:s28+$0x1E0]  }
0x23c: {  	v12 =	vmul.f32 v12, v4;
	v16 =	vld [tilespmem:s28+$0x1D0];
	[tilespmem:s28+$0x270] =	vst v13  }
0x23d: {  	[tilespmem:s28+$0xFFFFFD80] =	vst v9;
	v9 =	vmul.f32 v15, v5;
	v13 =	vld [tilespmem:s28+$0x1C0]  }
0x23e: {  	v15 =	vld [tilespmem:s28+$0x1B0];
	v8 =	vmul.f32 v8, v4;
	[tilespmem:s28+$0x250] =	vst v14  }
0x23f: {  	[tilespmem:s28+$0xFFFFFEB0] =	vst v3;
	v3 =	vld [tilespmem:s28+$0x1A0];
	v10 =	vmul.f32 v10, v4  }
0x240: {  	v0 =	vld [tilespmem:s29+$0x210];
	v4 =	vmul.f32 v11, v4;
	[tilespmem:s28+$0x230] =	vst v6  }
0x241: {  	v6 =	vld [tilespmem:s28+$0x180];
	v11 =	vmul.f32 v16, v5;
	[tilespmem:s28+$0x240] =	vst v1  }
0x242: {  	v1 =	vld [tilespmem:s28+$0x170];
	[tilespmem:s28+$0x190] =	vst v9;
	v9 =	vmul.f32 v13, v5  }
0x243: {  	v13 =	vld [tilespmem:s28+$0x160];
	v14 =	vmul.f32 v15, v5;
	[tilespmem:s28+$0x260] =	vst v7  }
0x244: {  	v7 =	vld [tilespmem:s28+$0x150];
	v3 =	vmul.f32 v3, v5;
	[tilespmem:s28+$0x200] =	vst v8  }
0x245: {  	[tilespmem:s28+$0x1F0] =	vst v10  }
0x246: {  	v5 =	vmul.f32 v6, v2;
	[tilespmem:s28+$0x1E0] =	vst v4  }
0x247: {  	v4 =	vmul.f32 v1, v2;
	[tilespmem:s28+$0x1D0] =	vst v11  }
0x248: {  	v6 =	vmul.f32 v13, v2;
	[tilespmem:s28+$0x1C0] =	vst v9  }
0x249: {  	v2 =	vmul.f32 v7, v2;
	[tilespmem:s28+$0x1B0] =	vst v14  }
0x24a: {  	[tilespmem:s28+$0x180] =	vst v5  }
0x24b: {  	[tilespmem:s28+$0x1A0] =	vst v3  }
0x24c: {  	v1 =	vld [tilespmem:s29+$0x140];
	[tilespmem:s28+$0x160] =	vst v6  }
0x24d: {  	v3 =	vld [tilespmem:s29+$0x130];
	[tilespmem:s28+$0x220] =	vst v12  }
0x24e: {  	v5 =	vld [tilespmem:s29+$0x120];
	[tilespmem:s28+$0x150] =	vst v2  }
0x24f: {  	v6 =	vld [tilespmem:s29+$0x110];
	[tilespmem:s28+$0x170] =	vst v4;
	s28 =	smov.u32 s29  }
0x250: {  	v2 =	vld [tilespmem:s31+$0xEE20]  }
0x251: {  	v4 =	vld [tilespmem:s29+$0x100]  }
0x252: {  	v7 =	vld [tilespmem:s29+$0xF0]  }
0x253: {  	v8 =	vld [tilespmem:s29+$0xE0]  }
0x254: {  	v9 =	vld [tilespmem:s29+$0xD0]  }
0x255: {  	v10 =	vld [tilespmem:s29+$0xC0];
	v11 =	vbroadcast v2, $0xB  }
0x256: {  	v12 =	vbroadcast v2, $0xA;
	v13 =	vld [tilespmem:s29+$0xB0]  }
0x257: {  	v14 =	vld [tilespmem:s29+$0xA0];
	v7 =	vmul.f32 v7, v11;
	v4 =	vmul.f32 v4, v11  }
0x258: {  	v6 =	vmul.f32 v6, v11;
	v15 =	vld [tilespmem:s29+$0x90];
	v8 =	vmul.f32 v8, v12  }
0x259: {  	v5 =	vmul.f32 v5, v11;
	v16 =	vld [tilespmem:s29+$0x80];
	v9 =	vmul.f32 v9, v12;
	[tilespmem:s29+$0xF0] =	vst v7  }
0x25a: {  	v3 =	vmul.f32 v3, v11;
	v7 =	vld [tilespmem:s29+$0x70];
	v10 =	vmul.f32 v10, v12;
	[tilespmem:s29+$0xE0] =	vst v8  }
0x25b: {  	v8 =	vbroadcast v2, $0x9;
	v11 =	vld [tilespmem:s29+$0x60];
	v13 =	vmul.f32 v13, v12;
	[tilespmem:s29+$0xD0] =	vst v9  }
0x25c: {  	v9 =	vld [tilespmem:s29+$0x50];
	v12 =	vmul.f32 v14, v12;
	[tilespmem:s29+$0xC0] =	vst v10  }
0x25d: {  	v10 =	vld [tilespmem:s29+$0x40];
	v14 =	vmul.f32 v15, v8;
	[tilespmem:s29+$0xB0] =	vst v13  }
0x25e: {  	v13 =	vld [tilespmem:s29+$0x30];
	v15 =	vmul.f32 v16, v8;
	[tilespmem:s29+$0xA0] =	vst v12  }
0x25f: {  	v12 =	vld [tilespmem:s29+$0x20];
	v7 =	vmul.f32 v7, v8;
	[tilespmem:s29+$0x90] =	vst v14  }
0x260: {  	v14 =	vld [tilespmem:s29+$0x10];
	v11 =	vmul.f32 v11, v8;
	[tilespmem:s29+$0x80] =	vst v15  }
0x261: {  	v15 =	vld [tilespmem:s29+$0x0];
	v8 =	vmul.f32 v9, v8;
	[tilespmem:s29+$0x70] =	vst v7  }
0x262: {  	v7 =	vld [tilespmem:s29+$0xFFFFFFF0];
	[tilespmem:s29+$0x60] =	vst v11  }
0x263: {  	v9 =	vld [tilespmem:s29+$0xFFFFFFE0];
	[tilespmem:s29+$0x50] =	vst v8  }
0x264: {  	v11 =	vbroadcast v2, $0x8;
	v8 =	vld [tilespmem:s29+$0xFFFFFFD0];
	[tilespmem:s29+$0x110] =	vst v6  }
0x265: {  	v6 =	vbroadcast v2, $0x7;
	v16 =	vld [tilespmem:s29+$0xFFFFFFC0];
	[tilespmem:s29+$0x130] =	vst v3  }
0x266: {  	v10 =	vmul.f32 v10, v11;
	v3 =	vld [tilespmem:s29+$0xFFFFFFB0];
	v15 =	vmul.f32 v15, v11;
	[tilespmem:s29+$0x120] =	vst v5  }
0x267: {  	v14 =	vmul.f32 v14, v11;
	v5 =	vld [tilespmem:s29+$0xFFFFFFA0];
	v7 =	vmul.f32 v7, v6;
	[tilespmem:s29+$0x100] =	vst v4  }
0x268: {  	v12 =	vmul.f32 v12, v11;
	v4 =	vld [tilespmem:s29+$0xFFFFFF90];
	v9 =	vmul.f32 v9, v6;
	[tilespmem:s29+$0x0] =	vst v15  }
0x269: {  	v11 =	vmul.f32 v13, v11;
	v15 =	vld [tilespmem:s29+$0xFFFFFF80];
	v8 =	vmul.f32 v8, v6;
	[tilespmem:s29+$0x40] =	vst v10  }
0x26a: {  	v10 =	vbroadcast v2, $0x6;
	v13 =	vld [tilespmem:s29+$0xFFFFFF70];
	v16 =	vmul.f32 v16, v6;
	[tilespmem:s29+$0xFFFFFFF0] =	vst v7  }
0x26b: {  	v7 =	vld [tilespmem:s29+$0xFFFFFF60];
	v3 =	vmul.f32 v3, v6;
	[tilespmem:s29+$0x10] =	vst v14  }
0x26c: {  	v6 =	vld [tilespmem:s29+$0xFFFFFF50];
	v5 =	vmul.f32 v5, v10;
	[tilespmem:s29+$0x20] =	vst v12  }
0x26d: {  	v12 =	vld [tilespmem:s29+$0xFFFFFF40];
	v4 =	vmul.f32 v4, v10;
	[tilespmem:s29+$0x30] =	vst v11  }
0x26e: {  	v11 =	vld [tilespmem:s29+$0xFFFFFF30];
	v14 =	vmul.f32 v15, v10;
	[tilespmem:s29+$0xFFFFFFD0] =	vst v8  }
0x26f: {  	v8 =	vbroadcast v2, $0x5;
	v15 =	vld [tilespmem:s29+$0xFFFFFF20];
	v13 =	vmul.f32 v13, v10;
	[tilespmem:s29+$0xFFFFFFC0] =	vst v16  }
0x270: {  	v16 =	vld [tilespmem:s29+$0xFFFFFF10];
	v7 =	vmul.f32 v7, v10;
	[tilespmem:s29+$0xFFFFFFB0] =	vst v3  }
0x271: {  	v3 =	vld [tilespmem:s29+$0xFFFFFF00];
	v6 =	vmul.f32 v6, v8;
	[tilespmem:s29+$0xFFFFFFA0] =	vst v5  }
0x272: {  	v5 =	vld [tilespmem:s29+$0xFFFFFEF0];
	v10 =	vmul.f32 v12, v8;
	[tilespmem:s29+$0xFFFFFF90] =	vst v4  }
0x273: {  	v4 =	vld [tilespmem:s29+$0xFFFFFEE0];
	v11 =	vmul.f32 v11, v8;
	[tilespmem:s29+$0xFFFFFF70] =	vst v13  }
0x274: {  	v12 =	vld [tilespmem:s29+$0xFFFFFED0];
	v13 =	vmul.f32 v15, v8;
	[tilespmem:s29+$0xFFFFFFE0] =	vst v9  }
0x275: {  	v9 =	vbroadcast v2, $0x4;
	v15 =	vld [tilespmem:s29+$0xFFFFFEC0];
	v8 =	vmul.f32 v16, v8;
	[tilespmem:s29+$0xFFFFFF80] =	vst v14  }
0x276: {  	v14 =	vld [tilespmem:s29+$0xFFFFFEB0];
	[tilespmem:s29+$0xFFFFFF50] =	vst v6  }
0x277: {  	v16 =	vmul.f32 v3, v9;
	v6 =	vld [tilespmem:s29+$0xFFFFFEA0];
	v5 =	vmul.f32 v5, v9;
	[tilespmem:s29+$0xFFFFFF40] =	vst v10  }
0x278: {  	v10 =	vld [tilespmem:s29+$0xFFFFFE90];
	v4 =	vmul.f32 v4, v9;
	[tilespmem:s29+$0xFFFFFF30] =	vst v11  }
0x279: {  	v11 =	vbroadcast v2, $0x3;
	v17 =	vld [tilespmem:s29+$0xFFFFFE80];
	v12 =	vmul.f32 v12, v9;
	[tilespmem:s29+$0xFFFFFF60] =	vst v7  }
0x27a: {  	v7 =	vld [tilespmem:s29+$0xFFFFFE70];
	v9 =	vmul.f32 v15, v9;
	[tilespmem:s29+$0xFFFFFF10] =	vst v8  }
0x27b: {  	v8 =	vld [tilespmem:s29+$0xFFFFFE60];
	v3 =	vmul.f32 v14, v11;
	[tilespmem:s29+$0xFFFFFF20] =	vst v13  }
0x27c: {  	v13 =	vld [tilespmem:s29+$0xFFFFFE50];
	v6 =	vmul.f32 v6, v11;
	[tilespmem:s29+$0xFFFFFEF0] =	vst v5  }
0x27d: {  	v5 =	vld [tilespmem:s29+$0xFFFFFE40];
	v10 =	vmul.f32 v10, v11;
	[tilespmem:s29+$0xFFFFFEE0] =	vst v4  }
0x27e: {  	v4 =	vbroadcast v2, $0x2;
	v14 =	vld [tilespmem:s29+$0xFFFFFE30];
	v15 =	vmul.f32 v17, v11;
	[tilespmem:s29+$0xFFFFFF00] =	vst v16  }
0x27f: {  	v16 =	vld [tilespmem:s29+$0xFFFFFE20];
	v7 =	vmul.f32 v7, v11;
	[tilespmem:s29+$0xFFFFFEC0] =	vst v9  }
0x280: {  	v9 =	vld [tilespmem:s29+$0xFFFFFE10];
	v8 =	vmul.f32 v8, v4;
	[tilespmem:s29+$0xFFFFFED0] =	vst v12  }
0x281: {  	v11 =	vld [tilespmem:s29+$0xFFFFFE00];
	v12 =	vmul.f32 v13, v4;
	[tilespmem:s29+$0xFFFFFEA0] =	vst v6  }
0x282: {  	v6 =	vld [tilespmem:s29+$0xFFFFFDF0];
	v5 =	vmul.f32 v5, v4;
	[tilespmem:s29+$0xFFFFFE90] =	vst v10  }
0x283: {  	v10 =	vbroadcast v2, $0x1;
	v13 =	vld [tilespmem:s29+$0xFFFFFDE0];
	v14 =	vmul.f32 v14, v4;
	[tilespmem:s29+$0xFFFFFE80] =	vst v15  }
0x284: {  	v15 =	vld [tilespmem:s29+$0xFFFFFDD0];
	v4 =	vmul.f32 v16, v4;
	[tilespmem:s29+$0xFFFFFE70] =	vst v7  }
0x285: {  	v7 =	vld [tilespmem:s29+$0xFFFFFDC0];
	v9 =	vmul.f32 v9, v10;
	[tilespmem:s29+$0xFFFFFE60] =	vst v8  }
0x286: {  	v8 =	vld [tilespmem:s29+$0xFFFFFDB0];
	v11 =	vmul.f32 v11, v10;
	[tilespmem:s29+$0xFFFFFE50] =	vst v12  }
0x287: {  	v16 =	vld [tilespmem:s29+$0xFFFFFDA0];
	v17 =	vmul.f32 v6, v10;
	[tilespmem:s29+$0xFFFFFE40] =	vst v5  }
0x288: {  	v18 =	vbroadcast v2, $0x0;
	v19 =	vld [tilespmem:s29+$0xFFFFFD90];
	v20 =	vmul.f32 v13, v10;
	[tilespmem:s29+$0xFFFFFE30] =	vst v14  }
0x289: {  	v6 =	vbroadcast v2, $0xF;
	v21 =	vld [tilespmem:s29+$0xFFFFFD80];
	v15 =	vmul.f32 v15, v10;
	[tilespmem:s29+$0xFFFFFE20] =	vst v4  }
0x28a: {  	v4 =	vbroadcast v2, $0xE;
	v12 =	vmul.f32 v7, v18;
	[tilespmem:s29+$0xFFFFFE10] =	vst v9  }
.Ltmp3:
0x28b: {  	v5 =	vbroadcast v2, $0xD;
	v8 =	vmul.f32 v8, v18;
	[tilespmem:s29+$0xFFFFFE00] =	vst v11;
	v13 =	vld [tilespmem:s29+$0x270];
	(pc) =	sbr.rel @p1 .LBB2_5-.Ltmp3, $4  }
0x28c: {  	v2 =	vbroadcast v2, $0xC;
	v10 =	vmul.f32 v16, v18;
	[tilespmem:s29+$0xFFFFFDF0] =	vst v17;
	v7 =	vld [tilespmem:s29+$0x260]  }
0x28d: {  	v0 =	vmul.f32 v0, v4;
	v11 =	vmul.f32 v19, v18;
	[tilespmem:s29+$0xFFFFFDE0] =	vst v20;
	v14 =	vld [tilespmem:s29+$0x250]  }
0x28e: {  	v9 =	vmul.f32 v18, v21;
	[tilespmem:s29+$0xFFFFFDD0] =	vst v15;
	v15 =	vmul.f32 v1, v2;
	v1 =	vld [tilespmem:s29+$0x240]  }
0x28f: {  	s0 =	smov.u32 s30;
	[tilespmem:s29+$0x210] =	vst v0;
	v0 =	vld [tilespmem:s29+$0x230]  }
0x290: {  	[tilespmem:s28+$0xFFFFFDC0] =	vst v12  }
0x291: {  	[tilespmem:s28+$0x140] =	vst v15  }
0x292: {  	[tilespmem:s28+$0xFFFFFDB0] =	vst v8  }
0x293: {  	[tilespmem:s28+$0xFFFFFDA0] =	vst v10  }
0x294: {  	[tilespmem:s28+$0xFFFFFD90] =	vst v11  }
0x295: {  	v42 =	vld [tilespmem:s28+$0x190];
	v13 =	vmul.f32 v13, v6;
	[tilespmem:s28+$0xFFFFFD80] =	vst v9  }
0x296: {  	v43 =	vld [tilespmem:s28+$0x200];
	[tilespmem:s28+$0xFFFFFEB0] =	vst v3;
	v51 =	vmul.f32 v7, v6  }
0x297: {  	v44 =	vld [tilespmem:s28+$0x1F0];
	v14 =	vmul.f32 v14, v6;
	[tilespmem:s28+$0x270] =	vst v13  }
0x298: {  	v45 =	vld [tilespmem:s28+$0x1E0];
	v1 =	vmul.f32 v1, v6;
	[tilespmem:s28+$0x260] =	vst v51  }
0x299: {  	v46 =	vld [tilespmem:s28+$0x1D0];
	v0 =	vmul.f32 v0, v6;
	[tilespmem:s28+$0x250] =	vst v14  }
0x29a: {  	v47 =	vld [tilespmem:s28+$0x1C0];
	v15 =	vmul.f32 v42, v5;
	[tilespmem:s28+$0x240] =	vst v1  }
0x29b: {  	v48 =	vld [tilespmem:s28+$0x1B0];
	v53 =	vmul.f32 v43, v4;
	[tilespmem:s28+$0x230] =	vst v0  }
0x29c: {  	v49 =	vld [tilespmem:s28+$0x1A0];
	v54 =	vmul.f32 v44, v4;
	[tilespmem:s28+$0x190] =	vst v15  }
0x29d: {  	v57 =	vld [tilespmem:s28+$0x160];
	v55 =	vmul.f32 v45, v4;
	[tilespmem:s28+$0x200] =	vst v53  }
0x29e: {  	v41 =	vld [tilespmem:s28+$0x220];
	v56 =	vmul.f32 v46, v5;
	[tilespmem:s28+$0x1F0] =	vst v54  }
0x29f: {  	v60 =	vld [tilespmem:s28+$0x150];
	v58 =	vmul.f32 v47, v5;
	[tilespmem:s28+$0x1E0] =	vst v55  }
0x2a0: {  	v52 =	vld [tilespmem:s28+$0x170];
	v59 =	vmul.f32 v48, v5;
	[tilespmem:s28+$0x1D0] =	vst v56  }
0x2a1: {  	v50 =	vld [tilespmem:s28+$0x180];
	v3 =	vmul.f32 v49, v5;
	[tilespmem:s28+$0x1C0] =	vst v58  }
0x2a2: {  	v61 =	vmul.f32 v57, v2;
	[tilespmem:s28+$0x1B0] =	vst v59  }
0x2a3: {  	v62 =	vmul.f32 v41, v4;
	[tilespmem:s28+$0x1A0] =	vst v3  }
0x2a4: {  	v63 =	vmul.f32 v60, v2;
	[tilespmem:s28+$0x160] =	vst v61  }
0x2a5: {  	v1 =	vmul.f32 v52, v2;
	[tilespmem:s28+$0x220] =	vst v62  }
0x2a6: {  	v0 =	vmul.f32 v50, v2;
	[tilespmem:s28+$0x150] =	vst v63  }
0x2a7: {  	[tilespmem:s28+$0x170] =	vst v1  }
.Ltmp4:
0x2a8: {  	[tilespmem:s28+$0x180] =	vst v0;
	(pc) =	sbr.rel @p0 .LBB2_8-.Ltmp4, $4  }
0x2a9: {  	[spmem:s3] =	stream.indirect.scatter.add.f32 [tilespmem:s19], [sflag:$0x3], $0x50, s25, s16, $0xb8;
	[tilespmem:$0x1B6A0] =	vst v63  }
0x2aa: {  	_ =	swait.ge [sflag:s12], $0x2800  }
0x2ab: {  	[sflag:s12] =	ssyncset.done $0x0  }
0x2ac: {  	[sflag:s12] =	ssyncadd.s32 $0xFFFFD800  }
.Ltmp5:
0x2ad: {  	(pc) =	sbr.rel .LBB2_2-.Ltmp5, $4  }
0x2ae: {  	_ = 	snop  }
0x2af: {  	s0 =	sshrl.u32 s26, $0x2  }
0x2b0: {  	s24 =	sadd.s32 $0x1, s24;
	s0 =	sadd.s32 $0x4FA0, s0  }
0x2b1: {  	[tilespmem:s19], [sflag:$0x2] =	stream.indirect.gather [hbm4b:s5+s16], $0x50, s0, s16, $0xb8;
	[tilespmem:$0x1B6A0] =	vst v63  }
.LBB2_9:
0x2b2: {  	_ =	sfence.sel $0x180000  }
0x2b3: {  	[bflag:$0x0] =	sbarrier.arrive $0xFFFF  }
0x2b4: {  	_ =	strace $0x90000047  }
0x2b5: {  	[bflag:$0x2] =	sbarrier.arrive $0xFFFF  }
0x2b6: {  	p0 =	sne.s32 s1, $0x0;
	s0 =	rddreg [dreg:$0x3]  }
0x2b7: {  	s0 =	sadd.s32 @!p0 $0x100000, s0  }
0x2b8: {  	[sflag:s0] =	ssyncadd.tile.s32 @!p0 $0x1;
	_ =	shalt  }
.Lfunc_end2:
_tile_overlayer_lowered:
.L_overlay_start_2:
0x2b9: {  	(tag) =	ssettag $0x2  }
0x2ba: {  	s0 =	rddreg [dreg:$0x0];
	s2 =	stileid.u32  }
0x2bb: {  	s1 =	rddreg [dreg:$0x1];
	p0 =	sne.s32 s2, $0x0  }
0x2bc: {  	s3 =	rddreg [dreg:$0x2];
	[bflag:$0x3] =	sbarrier.arrive $0xFFFF;
	s2 =	simm.s32 @!p0 $0x1C03  }
0x2bd: {  	[timem:s3], [sflag:s2] =	dma.local @!p0 [hbm:s0], s1  }
0x2be: {  	s0 =	simm.s32 @!p0 $0x3  }
0x2bf: {  	_ =	swait.ge @!p0 [sflag:s0], s1  }
0x2c0: {  	s1 =	ssub.s32 @!p0 $0x0, s1;
	[sflag:s0] =	ssyncset.done @!p0 $0x0  }
0x2c1: {  	[sflag:s0] =	ssyncadd.s32 @!p0 s1  }
0x2c2: {  	[bflag:$0x3] =	sbarrier.arrive $0xFFFF  }
0x2c3: {  	_ =	shalt  }

</sc_bundles>
